<compile_context>
chip_gen: v7x
topology: tpu7x:2x2x1
jax: 0.10.2.dev20260603
libtpu: 0.0.44.dev20260713+nightly
codegen_flags: <defaults>
</compile_context>

<pallas_src>
import functools

import jax
import jax.numpy as jnp
from jax import lax
from jax.experimental import pallas as pl
from jax.experimental.pallas import tpu as pltpu
from jax.experimental.pallas import tpu_sc as plsc

_NC = 2
_NS = 16
_NW = _NC * _NS
_CHUNK = 128



def _enc_body(x_ref, w_ref, b_ref, o_ref):
    o_ref[:] = (
        jnp.dot(x_ref[:], w_ref[:], preferred_element_type=jnp.float32)
        + b_ref[:]
    )


def _tc_encode(x, W, bvec):
    n, d = x.shape
    h = W.shape[1]
    br = 1000
    return pl.pallas_call(
        _enc_body,
        grid=(n // br,),
        in_specs=[
            pl.BlockSpec((br, d), lambda i: (i, 0)),
            pl.BlockSpec((d, h), lambda i: (0, 0)),
            pl.BlockSpec((1, h), lambda i: (0, 0)),
        ],
        out_specs=pl.BlockSpec((br, h), lambda i: (i, 0)),
        out_shape=jax.ShapeDtypeStruct((n, h), jnp.float32),
    )(x, W, bvec.reshape(1, h))


def _layer_body(h_ref, m_ref, ws_ref, wn_ref, b_ref, g_ref, be_ref, o_ref):
    hv = h_ref[:]
    msg = m_ref[0] + m_ref[1]
    z = (
        jnp.dot(hv, ws_ref[:], preferred_element_type=jnp.float32)
        + jnp.dot(msg, wn_ref[:], preferred_element_type=jnp.float32)
        + b_ref[:]
    )
    mu = jnp.mean(z, axis=1, keepdims=True)
    zc = z - mu
    var = jnp.mean(zc * zc, axis=1, keepdims=True)
    zn = zc * lax.rsqrt(var + 1e-5)
    o_ref[:] = jnp.maximum(zn * g_ref[:] + be_ref[:], 0.0)


def _tc_layer(hm, parts, Ws, Wn, bv, gv, bev):
    n, h = hm.shape
    br = 1000
    return pl.pallas_call(
        _layer_body,
        grid=(n // br,),
        in_specs=[
            pl.BlockSpec((br, h), lambda i: (i, 0)),
            pl.BlockSpec((_NC, br, h), lambda i: (0, i, 0)),
            pl.BlockSpec((h, h), lambda i: (0, 0)),
            pl.BlockSpec((h, h), lambda i: (0, 0)),
            pl.BlockSpec((1, h), lambda i: (0, 0)),
            pl.BlockSpec((1, h), lambda i: (0, 0)),
            pl.BlockSpec((1, h), lambda i: (0, 0)),
        ],
        out_specs=pl.BlockSpec((br, h), lambda i: (i, 0)),
        out_shape=jax.ShapeDtypeStruct((n, h), jnp.float32),
    )(hm, parts, Ws, Wn, bv.reshape(1, h), gv.reshape(1, h), bev.reshape(1, h))



@functools.lru_cache(maxsize=None)
def _sc_segsum(n, h, nct0, nct1):
    acc_rows = -(-(n + 1) // (_NS * _CHUNK)) * (_NS * _CHUNK)
    rps = acc_rows // _NS
    mesh = plsc.VectorSubcoreMesh(core_axis_name="c", subcore_axis_name="s")

    @functools.partial(
        pl.kernel,
        mesh=mesh,
        out_type=jax.ShapeDtypeStruct((_NC, acc_rows, h), jnp.float32),
        scratch_types=[
            pltpu.VMEM((4, 2, _CHUNK), jnp.int32),
            pltpu.VMEM((2, _CHUNK, h), jnp.float32),
            pltpu.VMEM_SHARED((acc_rows, h), jnp.float32),
            pltpu.SemaphoreType.DMA,
            pltpu.SemaphoreType.DMA,
            pltpu.SemaphoreType.DMA,
        ],
    )
    def segsum(h_hbm, idx_hbm, zrow_hbm, out_hbm, idx_v, rows_v, acc,
               sem_i, sem_g, sem_s):
        cid = lax.axis_index("c")
        sid = lax.axis_index("s")
        cnt = jnp.where(cid == 0, nct0, nct1)
        base = jnp.where(cid == 0, sid * nct0, _NS * nct0 + sid * nct1)

        for r in range(rps // _CHUNK):
            pltpu.sync_copy(zrow_hbm,
                            acc.at[pl.ds(sid * rps + r * _CHUNK, _CHUNK)])
        plsc.subcore_barrier()

        def idx_copy(ci, slot):
            return pltpu.make_async_copy(idx_hbm.at[base + ci],
                                         idx_v.at[slot], sem_i)

        def gather(slot, buf):
            return pltpu.make_async_copy(h_hbm.at[idx_v.at[slot, 0]],
                                         rows_v.at[buf], sem_g)

        def scatter_start(slot, buf):
            pltpu.async_copy(rows_v.at[buf], acc.at[idx_v.at[slot, 1]],
                             sem_s, add=True)

        def scatter_wait(slot, buf):
            pltpu.make_async_copy(rows_v.at[buf], acc.at[idx_v.at[slot, 1]],
                                  sem_s).wait()

        pltpu.sync_copy(idx_hbm.at[base], idx_v.at[0])
        gather(0, 0).start()
        idx_copy(1, 1).start()

        def step(ci, slot, buf):
            nci = ci + 1
            gather(slot, buf).wait()
            scatter_start(slot, buf)

            @pl.when(ci >= 1)
            def _():
                scatter_wait((slot - 1) % 4, buf ^ 1)

            @pl.when(nci < cnt)
            def _():
                idx_copy(nci, (slot + 1) % 4).wait()
                gather((slot + 1) % 4, buf ^ 1).start()

            @pl.when(ci + 2 < cnt)
            def _():
                idx_copy(ci + 2, (slot + 2) % 4).start()

        def outer(g, carry):
            for k in range(4):
                step(g * 4 + k, k, k % 2)
            return carry

        lax.fori_loop(0, cnt // 4, outer, 0)
        scatter_wait(3, 1)
        plsc.subcore_barrier()
        pltpu.sync_copy(acc.at[pl.ds(sid * rps, rps)],
                        out_hbm.at[cid, pl.ds(sid * rps, rps)])

    return segsum



def kernel(x, edge_index, W_enc, b_enc, W_self, W_nbr, b, gamma, beta):
    n, d = x.shape
    h = W_enc.shape[1]
    num_layers = W_self.shape[0]
    e = edge_index.shape[1]

    quantum = _NS * _CHUNK * 16
    ep = -(-e // quantum) * quantum
    src = edge_index[0]
    dst = edge_index[1]
    if ep > e:
        src = jnp.concatenate([src, jnp.zeros((ep - e,), jnp.int32)])
        dst = jnp.concatenate([dst, jnp.full((ep - e,), n, jnp.int32)])
    tot = ep // _CHUNK
    nct = tot // _NS
    nct0 = (9 * nct // 40) * 4
    nct1 = nct - nct0
    idx = jnp.stack([src.reshape(tot, _CHUNK),
                     dst.reshape(tot, _CHUNK)], axis=1)
    zrow = jnp.zeros((_CHUNK, h), jnp.float32)

    segsum = _sc_segsum(n, h, nct0, nct1)
    hm = _tc_encode(x, W_enc, b_enc)
    for i in range(num_layers):
        parts = segsum(hm, idx, zrow)
        hm = _tc_layer(hm, parts, W_self[i], W_nbr[i], b[i], gamma[i],
                       beta[i])
    return hm

# --- scband reference (transcript-rebuilt; emitter-appended) ---
"""Pipeline reference for scband-gnnnetwork-backbone-36283883716973 (READ-ONLY COPY).

The authoritative reference and input builder live on the scoring server;
editing this copy changes nothing except your own understanding.
"""

import jax, jax.numpy as jnp
import numpy as np

N = 10000
E = 320000
D = 128
H = 128
L = 3


def setup_inputs(seed: int = 0) -> dict:
    key = jax.random.key(seed)
    ks = jax.random.split(key, 10)
    x = jax.random.normal(ks[0], (N, D), dtype=jnp.float32)
    edge_index = jax.random.randint(ks[1], (2, E), 0, N, dtype=jnp.int32)
    # feature encoder: Linear(D -> H)
    W_enc = jax.random.normal(ks[2], (D, H), dtype=jnp.float32) / np.sqrt(D)
    b_enc = jnp.zeros((H,), dtype=jnp.float32)
    # per-layer GraphConv params (stacked over layers; in=out=H for all layers since in_dim==emb_dim)
    W_self = jax.random.normal(ks[3], (L, H, H), dtype=jnp.float32) / np.sqrt(H)
    W_nbr = jax.random.normal(ks[4], (L, H, H), dtype=jnp.float32) / np.sqrt(H)
    b = jnp.zeros((L, H), dtype=jnp.float32)
    # layernorm params per layer
    gamma = jnp.ones((L, H), dtype=jnp.float32)
    beta = jnp.zeros((L, H), dtype=jnp.float32)
    return {"x": x, "edge_index": edge_index, "W_enc": W_enc, "b_enc": b_enc,
            "W_self": W_self, "W_nbr": W_nbr, "b": b, "gamma": gamma, "beta": beta}


def reference(x, edge_index, W_enc, b_enc, W_self, W_nbr, b, gamma, beta):
    # feature_encoder
    h = x @ W_enc + b_enc
    src = edge_index[0]
    dst = edge_index[1]
    for i in range(L):
        # GraphConv: self transform + sum-aggregated neighbor transform
        msg = jax.ops.segment_sum(jnp.take(h, src, axis=0), dst, num_segments=N)
        z = h @ W_self[i] + msg @ W_nbr[i] + b[i]
        # LayerNorm
        mu = jnp.mean(z, axis=-1, keepdims=True)
        var = jnp.var(z, axis=-1, keepdims=True)
        zn = (z - mu) / jnp.sqrt(var + 1e-5) * gamma[i] + beta[i]
        h = jax.nn.relu(zn)
    return h

if __name__ == "__main__":
    import jax
    _d = setup_inputs()
    print(jax.jit(kernel)(*tuple(_d.values())))

</pallas_src>

<mosaic_0001>
#map = affine_map<(d0, d1) -> (0, 0)>
#map1 = affine_map<(d0, d1) -> (0, 0, 0)>
module attributes {stable_mosaic.version = 14 : i64} {
  func.func @segsum(%arg0: i32, %arg1: i32, %arg2: memref<10000x128xf32, #tpu.memory_space<hbm>>, %arg3: memref<2560x2x128xi32, #tpu.memory_space<hbm>>, %arg4: memref<128x128xf32, #tpu.memory_space<hbm>>, %arg5: memref<2x10240x128xf32, #tpu.memory_space<hbm>>, %arg6: memref<4x2x128xi32, #tpu.memory_space<vmem>>, %arg7: memref<2x128x128xf32, #tpu.memory_space<vmem>>, %arg8: memref<10240x128xf32, #tpu.memory_space<vmem_shared>>, %arg9: memref<!tpu.dma_semaphore, #tpu.memory_space<semaphore_mem>>, %arg10: memref<!tpu.dma_semaphore, #tpu.memory_space<semaphore_mem>>, %arg11: memref<!tpu.dma_semaphore, #tpu.memory_space<semaphore_mem>>) attributes {dimension_semantics = [#tpu.dimension_semantics<core_parallel>, #tpu.dimension_semantics<subcore_parallel>], iteration_bounds = array<i64: 2, 16>, scalar_prefetch = 0 : i64, scratch_operands = 6 : i64, tpu.core_type = #tpu.core_type<sc_vector_subcore>, window_params = [{transform_indices = #map}, {transform_indices = #map1}, {transform_indices = #map}, {transform_indices = #map1}]} {
    %eq3A = arith.constant 0 : i32
    %eq3A_0 = arith.cmpi eq, %arg0, %eq3A : i32
    %jit3A = arith.constant 144 : i32
    %jit3A_1 = arith.constant 16 : i32
    %select_n3A = arith.select %eq3A_0, %jit3A, %jit3A_1 : i32
    %eq3A_2 = arith.constant 0 : i32
    %eq3A_3 = arith.cmpi eq, %arg0, %eq3A_2 : i32
    %mul3A = arith.constant 144 : i32
    %mul3A_4 = arith.muli %arg1, %mul3A : i32
    %mul3A_5 = arith.constant 16 : i32
    %mul3A_6 = arith.muli %arg1, %mul3A_5 : i32
    %add3A = arith.constant 2304 : i32
    %add3A_7 = arith.addi %add3A, %mul3A_6 : i32
    %select_n3A_8 = arith.select %eq3A_3, %mul3A_4, %add3A_7 : i32
    %mul3A_9 = arith.constant 640 : i32
    %mul3A_10 = arith.muli %arg1, %mul3A_9 : i32
    %add3A_11 = arith.constant 0 : i32
    %add3A_12 = arith.addi %mul3A_10, %add3A_11 : i32
    "tpu.region"() ({
      %run_scoped3A_104 = tpu.sem_alloc : memref<!tpu.dma_semaphore, #tpu.memory_space<semaphore_mem>>
      %dma_start3A_105 = arith.constant 0 : i32
      %dma_start3A_106 = tpu.memref_slice %arg8[%add3A_12, %dma_start3A_105] : memref<10240x128xf32, #tpu.memory_space<vmem_shared>> -> memref<128x128xf32, #tpu.memory_space<vmem_shared>>
      tpu.enqueue_dma source(%arg4 : memref<128x128xf32, #tpu.memory_space<hbm>>) target(%dma_start3A_106 : memref<128x128xf32, #tpu.memory_space<vmem_shared>>) target_semaphore(%run_scoped3A_104 : memref<!tpu.dma_semaphore, #tpu.memory_space<semaphore_mem>>)
      %dma_wait3A_107 = arith.constant 0 : i32
      %dma_wait3A_108 = tpu.memref_slice %arg8[%add3A_12, %dma_wait3A_107] : memref<10240x128xf32, #tpu.memory_space<vmem_shared>> -> memref<128x128xf32, #tpu.memory_space<vmem_shared>>
      tpu.wait_dma2 semaphore(%run_scoped3A_104 : memref<!tpu.dma_semaphore, #tpu.memory_space<semaphore_mem>>) src(%arg4 : memref<128x128xf32, #tpu.memory_space<hbm>>) dst(%dma_wait3A_108 : memref<128x128xf32, #tpu.memory_space<vmem_shared>>)
      tpu.yield
    }) : () -> ()
    %mul3A_13 = arith.constant 640 : i32
    %mul3A_14 = arith.muli %arg1, %mul3A_13 : i32
    %add3A_15 = arith.constant 128 : i32
    %add3A_16 = arith.addi %mul3A_14, %add3A_15 : i32
    "tpu.region"() ({
      %run_scoped3A_104 = tpu.sem_alloc : memref<!tpu.dma_semaphore, #tpu.memory_space<semaphore_mem>>
      %dma_start3A_105 = arith.constant 0 : i32
      %dma_start3A_106 = tpu.memref_slice %arg8[%add3A_16, %dma_start3A_105] : memref<10240x128xf32, #tpu.memory_space<vmem_shared>> -> memref<128x128xf32, #tpu.memory_space<vmem_shared>>
      tpu.enqueue_dma source(%arg4 : memref<128x128xf32, #tpu.memory_space<hbm>>) target(%dma_start3A_106 : memref<128x128xf32, #tpu.memory_space<vmem_shared>>) target_semaphore(%run_scoped3A_104 : memref<!tpu.dma_semaphore, #tpu.memory_space<semaphore_mem>>)
      %dma_wait3A_107 = arith.constant 0 : i32
      %dma_wait3A_108 = tpu.memref_slice %arg8[%add3A_16, %dma_wait3A_107] : memref<10240x128xf32, #tpu.memory_space<vmem_shared>> -> memref<128x128xf32, #tpu.memory_space<vmem_shared>>
      tpu.wait_dma2 semaphore(%run_scoped3A_104 : memref<!tpu.dma_semaphore, #tpu.memory_space<semaphore_mem>>) src(%arg4 : memref<128x128xf32, #tpu.memory_space<hbm>>) dst(%dma_wait3A_108 : memref<128x128xf32, #tpu.memory_space<vmem_shared>>)
      tpu.yield
    }) : () -> ()
    %mul3A_17 = arith.constant 640 : i32
    %mul3A_18 = arith.muli %arg1, %mul3A_17 : i32
    %add3A_19 = arith.constant 256 : i32
    %add3A_20 = arith.addi %mul3A_18, %add3A_19 : i32
    "tpu.region"() ({
      %run_scoped3A_104 = tpu.sem_alloc : memref<!tpu.dma_semaphore, #tpu.memory_space<semaphore_mem>>
      %dma_start3A_105 = arith.constant 0 : i32
      %dma_start3A_106 = tpu.memref_slice %arg8[%add3A_20, %dma_start3A_105] : memref<10240x128xf32, #tpu.memory_space<vmem_shared>> -> memref<128x128xf32, #tpu.memory_space<vmem_shared>>
      tpu.enqueue_dma source(%arg4 : memref<128x128xf32, #tpu.memory_space<hbm>>) target(%dma_start3A_106 : memref<128x128xf32, #tpu.memory_space<vmem_shared>>) target_semaphore(%run_scoped3A_104 : memref<!tpu.dma_semaphore, #tpu.memory_space<semaphore_mem>>)
      %dma_wait3A_107 = arith.constant 0 : i32
      %dma_wait3A_108 = tpu.memref_slice %arg8[%add3A_20, %dma_wait3A_107] : memref<10240x128xf32, #tpu.memory_space<vmem_shared>> -> memref<128x128xf32, #tpu.memory_space<vmem_shared>>
      tpu.wait_dma2 semaphore(%run_scoped3A_104 : memref<!tpu.dma_semaphore, #tpu.memory_space<semaphore_mem>>) src(%arg4 : memref<128x128xf32, #tpu.memory_space<hbm>>) dst(%dma_wait3A_108 : memref<128x128xf32, #tpu.memory_space<vmem_shared>>)
      tpu.yield
    }) : () -> ()
    %mul3A_21 = arith.constant 640 : i32
    %mul3A_22 = arith.muli %arg1, %mul3A_21 : i32
    %add3A_23 = arith.constant 384 : i32
    %add3A_24 = arith.addi %mul3A_22, %add3A_23 : i32
    "tpu.region"() ({
      %run_scoped3A_104 = tpu.sem_alloc : memref<!tpu.dma_semaphore, #tpu.memory_space<semaphore_mem>>
      %dma_start3A_105 = arith.constant 0 : i32
      %dma_start3A_106 = tpu.memref_slice %arg8[%add3A_24, %dma_start3A_105] : memref<10240x128xf32, #tpu.memory_space<vmem_shared>> -> memref<128x128xf32, #tpu.memory_space<vmem_shared>>
      tpu.enqueue_dma source(%arg4 : memref<128x128xf32, #tpu.memory_space<hbm>>) target(%dma_start3A_106 : memref<128x128xf32, #tpu.memory_space<vmem_shared>>) target_semaphore(%run_scoped3A_104 : memref<!tpu.dma_semaphore, #tpu.memory_space<semaphore_mem>>)
      %dma_wait3A_107 = arith.constant 0 : i32
      %dma_wait3A_108 = tpu.memref_slice %arg8[%add3A_24, %dma_wait3A_107] : memref<10240x128xf32, #tpu.memory_space<vmem_shared>> -> memref<128x128xf32, #tpu.memory_space<vmem_shared>>
      tpu.wait_dma2 semaphore(%run_scoped3A_104 : memref<!tpu.dma_semaphore, #tpu.memory_space<semaphore_mem>>) src(%arg4 : memref<128x128xf32, #tpu.memory_space<hbm>>) dst(%dma_wait3A_108 : memref<128x128xf32, #tpu.memory_space<vmem_shared>>)
      tpu.yield
    }) : () -> ()
    %mul3A_25 = arith.constant 640 : i32
    %mul3A_26 = arith.muli %arg1, %mul3A_25 : i32
    %add3A_27 = arith.constant 512 : i32
    %add3A_28 = arith.addi %mul3A_26, %add3A_27 : i32
    "tpu.region"() ({
      %run_scoped3A_104 = tpu.sem_alloc : memref<!tpu.dma_semaphore, #tpu.memory_space<semaphore_mem>>
      %dma_start3A_105 = arith.constant 0 : i32
      %dma_start3A_106 = tpu.memref_slice %arg8[%add3A_28, %dma_start3A_105] : memref<10240x128xf32, #tpu.memory_space<vmem_shared>> -> memref<128x128xf32, #tpu.memory_space<vmem_shared>>
      tpu.enqueue_dma source(%arg4 : memref<128x128xf32, #tpu.memory_space<hbm>>) target(%dma_start3A_106 : memref<128x128xf32, #tpu.memory_space<vmem_shared>>) target_semaphore(%run_scoped3A_104 : memref<!tpu.dma_semaphore, #tpu.memory_space<semaphore_mem>>)
      %dma_wait3A_107 = arith.constant 0 : i32
      %dma_wait3A_108 = tpu.memref_slice %arg8[%add3A_28, %dma_wait3A_107] : memref<10240x128xf32, #tpu.memory_space<vmem_shared>> -> memref<128x128xf32, #tpu.memory_space<vmem_shared>>
      tpu.wait_dma2 semaphore(%run_scoped3A_104 : memref<!tpu.dma_semaphore, #tpu.memory_space<semaphore_mem>>) src(%arg4 : memref<128x128xf32, #tpu.memory_space<hbm>>) dst(%dma_wait3A_108 : memref<128x128xf32, #tpu.memory_space<vmem_shared>>)
      tpu.yield
    }) : () -> ()
    %barrier3A = arith.constant 0 : index
    tpu.barrier barrier_id(%barrier3A)
    %run_scoped3A = arith.constant 0 : i32
    "tpu.region"() ({
      %run_scoped3A_104 = tpu.sem_alloc : memref<!tpu.dma_semaphore, #tpu.memory_space<semaphore_mem>>
      %dma_start3A_105 = arith.constant 0 : i32
      %dma_start3A_106 = arith.constant 0 : i32
      %dma_start3A_107 = tpu.memref_slice %arg6[%run_scoped3A, %dma_start3A_105, %dma_start3A_106] : memref<4x2x128xi32, #tpu.memory_space<vmem>> -> memref<1x2x128xi32, #tpu.memory_space<vmem>>
      %dma_start3A_108 = tpu.memref_squeeze %dma_start3A_107 : memref<1x2x128xi32, #tpu.memory_space<vmem>> -> memref<2x128xi32, #tpu.memory_space<vmem>>
      %dma_start3A_109 = arith.constant 0 : i32
      %dma_start3A_110 = arith.constant 0 : i32
      %dma_start3A_111 = tpu.memref_slice %arg3[%select_n3A_8, %dma_start3A_109, %dma_start3A_110] : memref<2560x2x128xi32, #tpu.memory_space<hbm>> -> memref<1x2x128xi32, #tpu.memory_space<hbm>>
      %dma_start3A_112 = tpu.memref_squeeze %dma_start3A_111 : memref<1x2x128xi32, #tpu.memory_space<hbm>> -> memref<2x128xi32, #tpu.memory_space<hbm>>
      %dma_start3A_113 = arith.constant 0 : i32
      %dma_start3A_114 = arith.constant 0 : i32
      %dma_start3A_115 = tpu.memref_slice %arg6[%run_scoped3A, %dma_start3A_113, %dma_start3A_114] : memref<4x2x128xi32, #tpu.memory_space<vmem>> -> memref<1x2x128xi32, #tpu.memory_space<vmem>>
      %dma_start3A_116 = tpu.memref_squeeze %dma_start3A_115 : memref<1x2x128xi32, #tpu.memory_space<vmem>> -> memref<2x128xi32, #tpu.memory_space<vmem>>
      %dma_start3A_117 = arith.constant 0 : i32
      %dma_start3A_118 = arith.constant 0 : i32
      %dma_start3A_119 = tpu.memref_slice %arg3[%select_n3A_8, %dma_start3A_117, %dma_start3A_118] : memref<2560x2x128xi32, #tpu.memory_space<hbm>> -> memref<1x2x128xi32, #tpu.memory_space<hbm>>
      %dma_start3A_120 = tpu.memref_squeeze %dma_start3A_119 : memref<1x2x128xi32, #tpu.memory_space<hbm>> -> memref<2x128xi32, #tpu.memory_space<hbm>>
      tpu.enqueue_dma source(%dma_start3A_120 : memref<2x128xi32, #tpu.memory_space<hbm>>) target(%dma_start3A_116 : memref<2x128xi32, #tpu.memory_space<vmem>>) target_semaphore(%run_scoped3A_104 : memref<!tpu.dma_semaphore, #tpu.memory_space<semaphore_mem>>)
      %dma_wait3A_121 = arith.constant 0 : i32
      %dma_wait3A_122 = arith.constant 0 : i32
      %dma_wait3A_123 = tpu.memref_slice %arg6[%run_scoped3A, %dma_wait3A_121, %dma_wait3A_122] : memref<4x2x128xi32, #tpu.memory_space<vmem>> -> memref<1x2x128xi32, #tpu.memory_space<vmem>>
      %dma_wait3A_124 = tpu.memref_squeeze %dma_wait3A_123 : memref<1x2x128xi32, #tpu.memory_space<vmem>> -> memref<2x128xi32, #tpu.memory_space<vmem>>
      %dma_wait3A_125 = arith.constant 0 : i32
      %dma_wait3A_126 = arith.constant 0 : i32
      %dma_wait3A_127 = tpu.memref_slice %arg3[%select_n3A_8, %dma_wait3A_125, %dma_wait3A_126] : memref<2560x2x128xi32, #tpu.memory_space<hbm>> -> memref<1x2x128xi32, #tpu.memory_space<hbm>>
      %dma_wait3A_128 = tpu.memref_squeeze %dma_wait3A_127 : memref<1x2x128xi32, #tpu.memory_space<hbm>> -> memref<2x128xi32, #tpu.memory_space<hbm>>
      %dma_wait3A_129 = arith.constant 0 : i32
      %dma_wait3A_130 = arith.constant 0 : i32
      %dma_wait3A_131 = tpu.memref_slice %arg6[%run_scoped3A, %dma_wait3A_129, %dma_wait3A_130] : memref<4x2x128xi32, #tpu.memory_space<vmem>> -> memref<1x2x128xi32, #tpu.memory_space<vmem>>
      %dma_wait3A_132 = tpu.memref_squeeze %dma_wait3A_131 : memref<1x2x128xi32, #tpu.memory_space<vmem>> -> memref<2x128xi32, #tpu.memory_space<vmem>>
      %dma_wait3A_133 = arith.constant 0 : i32
      %dma_wait3A_134 = arith.constant 0 : i32
      %dma_wait3A_135 = tpu.memref_slice %arg3[%select_n3A_8, %dma_wait3A_133, %dma_wait3A_134] : memref<2560x2x128xi32, #tpu.memory_space<hbm>> -> memref<1x2x128xi32, #tpu.memory_space<hbm>>
      %dma_wait3A_136 = tpu.memref_squeeze %dma_wait3A_135 : memref<1x2x128xi32, #tpu.memory_space<hbm>> -> memref<2x128xi32, #tpu.memory_space<hbm>>
      tpu.wait_dma2 semaphore(%run_scoped3A_104 : memref<!tpu.dma_semaphore, #tpu.memory_space<semaphore_mem>>) src(%dma_wait3A_136 : memref<2x128xi32, #tpu.memory_space<hbm>>) dst(%dma_wait3A_132 : memref<2x128xi32, #tpu.memory_space<vmem>>)
      tpu.yield
    }) : () -> ()
    %dma_start3A = arith.constant 0 : i32
    %dma_start3A_29 = arith.constant 0 : i32
    %dma_start3A_30 = arith.constant 0 : i32
    %dma_start3A_31 = arith.constant 0 : i32
    %dma_start3A_32 = arith.constant 0 : i32
    %dma_start3A_33 = tpu.memref_slice %arg7[%dma_start3A_30, %dma_start3A_31, %dma_start3A_32] : memref<2x128x128xf32, #tpu.memory_space<vmem>> -> memref<1x128x128xf32, #tpu.memory_space<vmem>>
    %dma_start3A_34 = tpu.memref_squeeze %dma_start3A_33 : memref<1x128x128xf32, #tpu.memory_space<vmem>> -> memref<128x128xf32, #tpu.memory_space<vmem>>
    %dma_start3A_35 = arith.constant 0 : i32
    %dma_start3A_36 = tpu.memref_slice %arg6[%dma_start3A, %dma_start3A_29, %dma_start3A_35] : memref<4x2x128xi32, #tpu.memory_space<vmem>> -> memref<1x1x128xi32, #tpu.memory_space<vmem>>
    %dma_start3A_37 = tpu.memref_squeeze %dma_start3A_36 : memref<1x1x128xi32, #tpu.memory_space<vmem>> -> memref<128xi32, #tpu.memory_space<vmem>>
    %dma_start3A_38 = arith.constant 0 : i32
    %dma_start3A_39 = arith.constant 0 : i32
    %dma_start3A_40 = tpu.memref_slice %arg2[%dma_start3A_38, %dma_start3A_39] : memref<10000x128xf32, #tpu.memory_space<hbm>> -> memref<10000x128xf32, #tpu.memory_space<hbm>>
    tpu.enqueue_indirect_dma source(%dma_start3A_40 : memref<10000x128xf32, #tpu.memory_space<hbm>>) target(%dma_start3A_34 : memref<128x128xf32, #tpu.memory_space<vmem>>) offsets(%dma_start3A_37 : memref<128xi32, #tpu.memory_space<vmem>>) semaphore(%arg10 : memref<!tpu.dma_semaphore, #tpu.memory_space<semaphore_mem>>)
    %add3A_41 = arith.constant 1 : i32
    %add3A_42 = arith.addi %select_n3A_8, %add3A_41 : i32
    %dma_start3A_43 = arith.constant 1 : i32
    %dma_start3A_44 = arith.constant 0 : i32
    %dma_start3A_45 = arith.constant 0 : i32
    %dma_start3A_46 = tpu.memref_slice %arg6[%dma_start3A_43, %dma_start3A_44, %dma_start3A_45] : memref<4x2x128xi32, #tpu.memory_space<vmem>> -> memref<1x2x128xi32, #tpu.memory_space<vmem>>
    %dma_start3A_47 = tpu.memref_squeeze %dma_start3A_46 : memref<1x2x128xi32, #tpu.memory_space<vmem>> -> memref<2x128xi32, #tpu.memory_space<vmem>>
    %dma_start3A_48 = arith.constant 0 : i32
    %dma_start3A_49 = arith.constant 0 : i32
    %dma_start3A_50 = tpu.memref_slice %arg3[%add3A_42, %dma_start3A_48, %dma_start3A_49] : memref<2560x2x128xi32, #tpu.memory_space<hbm>> -> memref<1x2x128xi32, #tpu.memory_space<hbm>>
    %dma_start3A_51 = tpu.memref_squeeze %dma_start3A_50 : memref<1x2x128xi32, #tpu.memory_space<hbm>> -> memref<2x128xi32, #tpu.memory_space<hbm>>
    %dma_start3A_52 = arith.constant 0 : i32
    %dma_start3A_53 = arith.constant 0 : i32
    %dma_start3A_54 = tpu.memref_slice %arg6[%dma_start3A_43, %dma_start3A_52, %dma_start3A_53] : memref<4x2x128xi32, #tpu.memory_space<vmem>> -> memref<1x2x128xi32, #tpu.memory_space<vmem>>
    %dma_start3A_55 = tpu.memref_squeeze %dma_start3A_54 : memref<1x2x128xi32, #tpu.memory_space<vmem>> -> memref<2x128xi32, #tpu.memory_space<vmem>>
    %dma_start3A_56 = arith.constant 0 : i32
    %dma_start3A_57 = arith.constant 0 : i32
    %dma_start3A_58 = tpu.memref_slice %arg3[%add3A_42, %dma_start3A_56, %dma_start3A_57] : memref<2560x2x128xi32, #tpu.memory_space<hbm>> -> memref<1x2x128xi32, #tpu.memory_space<hbm>>
    %dma_start3A_59 = tpu.memref_squeeze %dma_start3A_58 : memref<1x2x128xi32, #tpu.memory_space<hbm>> -> memref<2x128xi32, #tpu.memory_space<hbm>>
    tpu.enqueue_dma source(%dma_start3A_59 : memref<2x128xi32, #tpu.memory_space<hbm>>) target(%dma_start3A_55 : memref<2x128xi32, #tpu.memory_space<vmem>>) target_semaphore(%arg9 : memref<!tpu.dma_semaphore, #tpu.memory_space<semaphore_mem>>)
    %jit3A_60 = arith.constant 4 : i32
    %div3A = arith.divsi %select_n3A, %jit3A_60 : i32
    %sign3A = arith.constant 0 : i32
    %sign3A_61 = arith.cmpi sgt, %select_n3A, %sign3A : i32
    %sign3A_62 = arith.extui %sign3A_61 : i1 to i32
    %sign3A_63 = arith.constant 0 : i32
    %sign3A_64 = arith.cmpi slt, %select_n3A, %sign3A_63 : i32
    %sign3A_65 = arith.extui %sign3A_64 : i1 to i32
    %sign3A_66 = arith.subi %sign3A_62, %sign3A_65 : i32
    %sign3A_67 = arith.constant 0 : i32
    %sign3A_68 = arith.cmpi sgt, %jit3A_60, %sign3A_67 : i32
    %sign3A_69 = arith.extui %sign3A_68 : i1 to i32
    %sign3A_70 = arith.constant 0 : i32
    %sign3A_71 = arith.cmpi slt, %jit3A_60, %sign3A_70 : i32
    %sign3A_72 = arith.extui %sign3A_71 : i1 to i32
    %sign3A_73 = arith.subi %sign3A_69, %sign3A_72 : i32
    %ne3A = arith.cmpi ne, %sign3A_66, %sign3A_73 : i32
    %rem3A = arith.remsi %select_n3A, %jit3A_60 : i32
    %ne3A_74 = arith.constant 0 : i32
    %ne3A_75 = arith.cmpi ne, %rem3A, %ne3A_74 : i32
    %and3A = arith.andi %ne3A, %ne3A_75 : i1
    %sub3A = arith.constant 1 : i32
    %sub3A_76 = arith.subi %div3A, %sub3A : i32
    %select_n3A_77 = arith.select %and3A, %sub3A_76, %div3A : i32
    %while3A = arith.constant 0 : i32
    %while3A_78 = arith.constant 0 : i32
    %while3A_79 = arith.subi %select_n3A_77, %while3A_78 : i32
    %while3A_80 = arith.addi %while3A_78, %while3A_79 : i32
    %while3A_81 = arith.constant 1 : i32
    %while3A_82 = arith.divsi %while3A_79, %while3A_81 : i32
    %while3A_83 = arith.muli %while3A_82, %while3A_81 : i32
    %while3A_84 = arith.addi %while3A_78, %while3A_83 : i32
    %while3A_85 = arith.constant 1 : i32
    scf.for %while3A_104 = %while3A_78 to %while3A_84 step %while3A_85  : i32 {
      %mul3A_105 = arith.constant 4 : i32
      %mul3A_106 = arith.muli %while3A_104, %mul3A_105 : i32
      %add3A_107 = arith.constant 0 : i32
      %add3A_108 = arith.addi %mul3A_106, %add3A_107 : i32
      %add3A_109 = arith.constant 1 : i32
      %add3A_110 = arith.addi %add3A_108, %add3A_109 : i32
      %dma_wait3A_111 = arith.constant 0 : i32
      %dma_wait3A_112 = arith.constant 0 : i32
      %dma_wait3A_113 = arith.constant 0 : i32
      %dma_wait3A_114 = arith.constant 0 : i32
      %dma_wait3A_115 = arith.constant 0 : i32
      %dma_wait3A_116 = tpu.memref_slice %arg7[%dma_wait3A_113, %dma_wait3A_114, %dma_wait3A_115] : memref<2x128x128xf32, #tpu.memory_space<vmem>> -> memref<1x128x128xf32, #tpu.memory_space<vmem>>
      %dma_wait3A_117 = tpu.memref_squeeze %dma_wait3A_116 : memref<1x128x128xf32, #tpu.memory_space<vmem>> -> memref<128x128xf32, #tpu.memory_space<vmem>>
      %dma_wait3A_118 = arith.constant 0 : i32
      %dma_wait3A_119 = tpu.memref_slice %arg6[%dma_wait3A_111, %dma_wait3A_112, %dma_wait3A_118] : memref<4x2x128xi32, #tpu.memory_space<vmem>> -> memref<1x1x128xi32, #tpu.memory_space<vmem>>
      %dma_wait3A_120 = tpu.memref_squeeze %dma_wait3A_119 : memref<1x1x128xi32, #tpu.memory_space<vmem>> -> memref<128xi32, #tpu.memory_space<vmem>>
      %dma_wait3A_121 = arith.constant 0 : i32
      %dma_wait3A_122 = arith.constant 0 : i32
      %dma_wait3A_123 = tpu.memref_slice %arg2[%dma_wait3A_121, %dma_wait3A_122] : memref<10000x128xf32, #tpu.memory_space<hbm>> -> memref<10000x128xf32, #tpu.memory_space<hbm>>
      tpu.wait_indirect_dma semaphore(%arg10 : memref<!tpu.dma_semaphore, #tpu.memory_space<semaphore_mem>>) src(%dma_wait3A_123 : memref<10000x128xf32, #tpu.memory_space<hbm>>) dst(%dma_wait3A_117 : memref<128x128xf32, #tpu.memory_space<vmem>>)
      %dma_start3A_124 = arith.constant 0 : i32
      %dma_start3A_125 = arith.constant 0 : i32
      %dma_start3A_126 = arith.constant 1 : i32
      %dma_start3A_127 = arith.constant 0 : i32
      %dma_start3A_128 = arith.constant 0 : i32
      %dma_start3A_129 = tpu.memref_slice %arg7[%dma_start3A_124, %dma_start3A_127, %dma_start3A_128] : memref<2x128x128xf32, #tpu.memory_space<vmem>> -> memref<1x128x128xf32, #tpu.memory_space<vmem>>
      %dma_start3A_130 = tpu.memref_squeeze %dma_start3A_129 : memref<1x128x128xf32, #tpu.memory_space<vmem>> -> memref<128x128xf32, #tpu.memory_space<vmem>>
      %dma_start3A_131 = arith.constant 0 : i32
      %dma_start3A_132 = tpu.memref_slice %arg6[%dma_start3A_125, %dma_start3A_126, %dma_start3A_131] : memref<4x2x128xi32, #tpu.memory_space<vmem>> -> memref<1x1x128xi32, #tpu.memory_space<vmem>>
      %dma_start3A_133 = tpu.memref_squeeze %dma_start3A_132 : memref<1x1x128xi32, #tpu.memory_space<vmem>> -> memref<128xi32, #tpu.memory_space<vmem>>
      %dma_start3A_134 = arith.constant 0 : i32
      %dma_start3A_135 = arith.constant 0 : i32
      %dma_start3A_136 = tpu.memref_slice %arg8[%dma_start3A_134, %dma_start3A_135] : memref<10240x128xf32, #tpu.memory_space<vmem_shared>> -> memref<10240x128xf32, #tpu.memory_space<vmem_shared>>
      tpu.enqueue_indirect_dma source(%dma_start3A_130 : memref<128x128xf32, #tpu.memory_space<vmem>>) target(%dma_start3A_136 : memref<10240x128xf32, #tpu.memory_space<vmem_shared>>) offsets(%dma_start3A_133 : memref<128xi32, #tpu.memory_space<vmem>>) semaphore(%arg11 : memref<!tpu.dma_semaphore, #tpu.memory_space<semaphore_mem>>) {add = true}
      %ge3A = arith.constant 1 : i32
      %ge3A_137 = arith.cmpi sge, %add3A_108, %ge3A : i32
      %convert_element_type3A = arith.extui %ge3A_137 : i1 to i32
      %cond3A = arith.constant 0 : i32
      %cond3A_138 = arith.cmpi ne, %convert_element_type3A, %cond3A : i32
      scf.if %cond3A_138 {
        %dma_wait3A_289 = arith.constant 1 : i32
        %dma_wait3A_290 = arith.constant 3 : i32
        %dma_wait3A_291 = arith.constant 1 : i32
        %dma_wait3A_292 = arith.constant 0 : i32
        %dma_wait3A_293 = arith.constant 0 : i32
        %dma_wait3A_294 = tpu.memref_slice %arg7[%dma_wait3A_289, %dma_wait3A_292, %dma_wait3A_293] : memref<2x128x128xf32, #tpu.memory_space<vmem>> -> memref<1x128x128xf32, #tpu.memory_space<vmem>>
        %dma_wait3A_295 = tpu.memref_squeeze %dma_wait3A_294 : memref<1x128x128xf32, #tpu.memory_space<vmem>> -> memref<128x128xf32, #tpu.memory_space<vmem>>
        %dma_wait3A_296 = arith.constant 0 : i32
        %dma_wait3A_297 = tpu.memref_slice %arg6[%dma_wait3A_290, %dma_wait3A_291, %dma_wait3A_296] : memref<4x2x128xi32, #tpu.memory_space<vmem>> -> memref<1x1x128xi32, #tpu.memory_space<vmem>>
        %dma_wait3A_298 = tpu.memref_squeeze %dma_wait3A_297 : memref<1x1x128xi32, #tpu.memory_space<vmem>> -> memref<128xi32, #tpu.memory_space<vmem>>
        %dma_wait3A_299 = arith.constant 0 : i32
        %dma_wait3A_300 = arith.constant 0 : i32
        %dma_wait3A_301 = tpu.memref_slice %arg8[%dma_wait3A_299, %dma_wait3A_300] : memref<10240x128xf32, #tpu.memory_space<vmem_shared>> -> memref<10240x128xf32, #tpu.memory_space<vmem_shared>>
        tpu.wait_indirect_dma semaphore(%arg11 : memref<!tpu.dma_semaphore, #tpu.memory_space<semaphore_mem>>) src(%dma_wait3A_295 : memref<128x128xf32, #tpu.memory_space<vmem>>) dst(%dma_wait3A_301 : memref<10240x128xf32, #tpu.memory_space<vmem_shared>>)
      } else {
      }
      %lt3A = arith.cmpi slt, %add3A_110, %select_n3A : i32
      %convert_element_type3A_139 = arith.extui %lt3A : i1 to i32
      %cond3A_140 = arith.constant 0 : i32
      %cond3A_141 = arith.cmpi ne, %convert_element_type3A_139, %cond3A_140 : i32
      scf.if %cond3A_141 {
        %add3A_289 = arith.addi %select_n3A_8, %add3A_110 : i32
        %dma_wait3A_290 = arith.constant 1 : i32
        %dma_wait3A_291 = arith.constant 0 : i32
        %dma_wait3A_292 = arith.constant 0 : i32
        %dma_wait3A_293 = tpu.memref_slice %arg6[%dma_wait3A_290, %dma_wait3A_291, %dma_wait3A_292] : memref<4x2x128xi32, #tpu.memory_space<vmem>> -> memref<1x2x128xi32, #tpu.memory_space<vmem>>
        %dma_wait3A_294 = tpu.memref_squeeze %dma_wait3A_293 : memref<1x2x128xi32, #tpu.memory_space<vmem>> -> memref<2x128xi32, #tpu.memory_space<vmem>>
        %dma_wait3A_295 = arith.constant 0 : i32
        %dma_wait3A_296 = arith.constant 0 : i32
        %dma_wait3A_297 = tpu.memref_slice %arg3[%add3A_289, %dma_wait3A_295, %dma_wait3A_296] : memref<2560x2x128xi32, #tpu.memory_space<hbm>> -> memref<1x2x128xi32, #tpu.memory_space<hbm>>
        %dma_wait3A_298 = tpu.memref_squeeze %dma_wait3A_297 : memref<1x2x128xi32, #tpu.memory_space<hbm>> -> memref<2x128xi32, #tpu.memory_space<hbm>>
        %dma_wait3A_299 = arith.constant 0 : i32
        %dma_wait3A_300 = arith.constant 0 : i32
        %dma_wait3A_301 = tpu.memref_slice %arg6[%dma_wait3A_290, %dma_wait3A_299, %dma_wait3A_300] : memref<4x2x128xi32, #tpu.memory_space<vmem>> -> memref<1x2x128xi32, #tpu.memory_space<vmem>>
        %dma_wait3A_302 = tpu.memref_squeeze %dma_wait3A_301 : memref<1x2x128xi32, #tpu.memory_space<vmem>> -> memref<2x128xi32, #tpu.memory_space<vmem>>
        %dma_wait3A_303 = arith.constant 0 : i32
        %dma_wait3A_304 = arith.constant 0 : i32
        %dma_wait3A_305 = tpu.memref_slice %arg3[%add3A_289, %dma_wait3A_303, %dma_wait3A_304] : memref<2560x2x128xi32, #tpu.memory_space<hbm>> -> memref<1x2x128xi32, #tpu.memory_space<hbm>>
        %dma_wait3A_306 = tpu.memref_squeeze %dma_wait3A_305 : memref<1x2x128xi32, #tpu.memory_space<hbm>> -> memref<2x128xi32, #tpu.memory_space<hbm>>
        tpu.wait_dma2 semaphore(%arg9 : memref<!tpu.dma_semaphore, #tpu.memory_space<semaphore_mem>>) src(%dma_wait3A_306 : memref<2x128xi32, #tpu.memory_space<hbm>>) dst(%dma_wait3A_302 : memref<2x128xi32, #tpu.memory_space<vmem>>)
        %dma_start3A_307 = arith.constant 1 : i32
        %dma_start3A_308 = arith.constant 0 : i32
        %dma_start3A_309 = arith.constant 1 : i32
        %dma_start3A_310 = arith.constant 0 : i32
        %dma_start3A_311 = arith.constant 0 : i32
        %dma_start3A_312 = tpu.memref_slice %arg7[%dma_start3A_309, %dma_start3A_310, %dma_start3A_311] : memref<2x128x128xf32, #tpu.memory_space<vmem>> -> memref<1x128x128xf32, #tpu.memory_space<vmem>>
        %dma_start3A_313 = tpu.memref_squeeze %dma_start3A_312 : memref<1x128x128xf32, #tpu.memory_space<vmem>> -> memref<128x128xf32, #tpu.memory_space<vmem>>
        %dma_start3A_314 = arith.constant 0 : i32
        %dma_start3A_315 = tpu.memref_slice %arg6[%dma_start3A_307, %dma_start3A_308, %dma_start3A_314] : memref<4x2x128xi32, #tpu.memory_space<vmem>> -> memref<1x1x128xi32, #tpu.memory_space<vmem>>
        %dma_start3A_316 = tpu.memref_squeeze %dma_start3A_315 : memref<1x1x128xi32, #tpu.memory_space<vmem>> -> memref<128xi32, #tpu.memory_space<vmem>>
        %dma_start3A_317 = arith.constant 0 : i32
        %dma_start3A_318 = arith.constant 0 : i32
        %dma_start3A_319 = tpu.memref_slice %arg2[%dma_start3A_317, %dma_start3A_318] : memref<10000x128xf32, #tpu.memory_space<hbm>> -> memref<10000x128xf32, #tpu.memory_space<hbm>>
        tpu.enqueue_indirect_dma source(%dma_start3A_319 : memref<10000x128xf32, #tpu.memory_space<hbm>>) target(%dma_start3A_313 : memref<128x128xf32, #tpu.memory_space<vmem>>) offsets(%dma_start3A_316 : memref<128xi32, #tpu.memory_space<vmem>>) semaphore(%arg10 : memref<!tpu.dma_semaphore, #tpu.memory_space<semaphore_mem>>)
      } else {
      }
      %add3A_142 = arith.constant 2 : i32
      %add3A_143 = arith.addi %add3A_108, %add3A_142 : i32
      %lt3A_144 = arith.cmpi slt, %add3A_143, %select_n3A : i32
      %convert_element_type3A_145 = arith.extui %lt3A_144 : i1 to i32
      %cond3A_146 = arith.constant 0 : i32
      %cond3A_147 = arith.cmpi ne, %convert_element_type3A_145, %cond3A_146 : i32
      scf.if %cond3A_147 {
        %add3A_289 = arith.constant 2 : i32
        %add3A_290 = arith.addi %add3A_108, %add3A_289 : i32
        %add3A_291 = arith.addi %select_n3A_8, %add3A_290 : i32
        %dma_start3A_292 = arith.constant 2 : i32
        %dma_start3A_293 = arith.constant 0 : i32
        %dma_start3A_294 = arith.constant 0 : i32
        %dma_start3A_295 = tpu.memref_slice %arg6[%dma_start3A_292, %dma_start3A_293, %dma_start3A_294] : memref<4x2x128xi32, #tpu.memory_space<vmem>> -> memref<1x2x128xi32, #tpu.memory_space<vmem>>
        %dma_start3A_296 = tpu.memref_squeeze %dma_start3A_295 : memref<1x2x128xi32, #tpu.memory_space<vmem>> -> memref<2x128xi32, #tpu.memory_space<vmem>>
        %dma_start3A_297 = arith.constant 0 : i32
        %dma_start3A_298 = arith.constant 0 : i32
        %dma_start3A_299 = tpu.memref_slice %arg3[%add3A_291, %dma_start3A_297, %dma_start3A_298] : memref<2560x2x128xi32, #tpu.memory_space<hbm>> -> memref<1x2x128xi32, #tpu.memory_space<hbm>>
        %dma_start3A_300 = tpu.memref_squeeze %dma_start3A_299 : memref<1x2x128xi32, #tpu.memory_space<hbm>> -> memref<2x128xi32, #tpu.memory_space<hbm>>
        %dma_start3A_301 = arith.constant 0 : i32
        %dma_start3A_302 = arith.constant 0 : i32
        %dma_start3A_303 = tpu.memref_slice %arg6[%dma_start3A_292, %dma_start3A_301, %dma_start3A_302] : memref<4x2x128xi32, #tpu.memory_space<vmem>> -> memref<1x2x128xi32, #tpu.memory_space<vmem>>
        %dma_start3A_304 = tpu.memref_squeeze %dma_start3A_303 : memref<1x2x128xi32, #tpu.memory_space<vmem>> -> memref<2x128xi32, #tpu.memory_space<vmem>>
        %dma_start3A_305 = arith.constant 0 : i32
        %dma_start3A_306 = arith.constant 0 : i32
        %dma_start3A_307 = tpu.memref_slice %arg3[%add3A_291, %dma_start3A_305, %dma_start3A_306] : memref<2560x2x128xi32, #tpu.memory_space<hbm>> -> memref<1x2x128xi32, #tpu.memory_space<hbm>>
        %dma_start3A_308 = tpu.memref_squeeze %dma_start3A_307 : memref<1x2x128xi32, #tpu.memory_space<hbm>> -> memref<2x128xi32, #tpu.memory_space<hbm>>
        tpu.enqueue_dma source(%dma_start3A_308 : memref<2x128xi32, #tpu.memory_space<hbm>>) target(%dma_start3A_304 : memref<2x128xi32, #tpu.memory_space<vmem>>) target_semaphore(%arg9 : memref<!tpu.dma_semaphore, #tpu.memory_space<semaphore_mem>>)
      } else {
      }
      %mul3A_148 = arith.constant 4 : i32
      %mul3A_149 = arith.muli %while3A_104, %mul3A_148 : i32
      %add3A_150 = arith.constant 1 : i32
      %add3A_151 = arith.addi %mul3A_149, %add3A_150 : i32
      %add3A_152 = arith.constant 1 : i32
      %add3A_153 = arith.addi %add3A_151, %add3A_152 : i32
      %dma_wait3A_154 = arith.constant 1 : i32
      %dma_wait3A_155 = arith.constant 0 : i32
      %dma_wait3A_156 = arith.constant 1 : i32
      %dma_wait3A_157 = arith.constant 0 : i32
      %dma_wait3A_158 = arith.constant 0 : i32
      %dma_wait3A_159 = tpu.memref_slice %arg7[%dma_wait3A_156, %dma_wait3A_157, %dma_wait3A_158] : memref<2x128x128xf32, #tpu.memory_space<vmem>> -> memref<1x128x128xf32, #tpu.memory_space<vmem>>
      %dma_wait3A_160 = tpu.memref_squeeze %dma_wait3A_159 : memref<1x128x128xf32, #tpu.memory_space<vmem>> -> memref<128x128xf32, #tpu.memory_space<vmem>>
      %dma_wait3A_161 = arith.constant 0 : i32
      %dma_wait3A_162 = tpu.memref_slice %arg6[%dma_wait3A_154, %dma_wait3A_155, %dma_wait3A_161] : memref<4x2x128xi32, #tpu.memory_space<vmem>> -> memref<1x1x128xi32, #tpu.memory_space<vmem>>
      %dma_wait3A_163 = tpu.memref_squeeze %dma_wait3A_162 : memref<1x1x128xi32, #tpu.memory_space<vmem>> -> memref<128xi32, #tpu.memory_space<vmem>>
      %dma_wait3A_164 = arith.constant 0 : i32
      %dma_wait3A_165 = arith.constant 0 : i32
      %dma_wait3A_166 = tpu.memref_slice %arg2[%dma_wait3A_164, %dma_wait3A_165] : memref<10000x128xf32, #tpu.memory_space<hbm>> -> memref<10000x128xf32, #tpu.memory_space<hbm>>
      tpu.wait_indirect_dma semaphore(%arg10 : memref<!tpu.dma_semaphore, #tpu.memory_space<semaphore_mem>>) src(%dma_wait3A_166 : memref<10000x128xf32, #tpu.memory_space<hbm>>) dst(%dma_wait3A_160 : memref<128x128xf32, #tpu.memory_space<vmem>>)
      %dma_start3A_167 = arith.constant 1 : i32
      %dma_start3A_168 = arith.constant 1 : i32
      %dma_start3A_169 = arith.constant 1 : i32
      %dma_start3A_170 = arith.constant 0 : i32
      %dma_start3A_171 = arith.constant 0 : i32
      %dma_start3A_172 = tpu.memref_slice %arg7[%dma_start3A_167, %dma_start3A_170, %dma_start3A_171] : memref<2x128x128xf32, #tpu.memory_space<vmem>> -> memref<1x128x128xf32, #tpu.memory_space<vmem>>
      %dma_start3A_173 = tpu.memref_squeeze %dma_start3A_172 : memref<1x128x128xf32, #tpu.memory_space<vmem>> -> memref<128x128xf32, #tpu.memory_space<vmem>>
      %dma_start3A_174 = arith.constant 0 : i32
      %dma_start3A_175 = tpu.memref_slice %arg6[%dma_start3A_168, %dma_start3A_169, %dma_start3A_174] : memref<4x2x128xi32, #tpu.memory_space<vmem>> -> memref<1x1x128xi32, #tpu.memory_space<vmem>>
      %dma_start3A_176 = tpu.memref_squeeze %dma_start3A_175 : memref<1x1x128xi32, #tpu.memory_space<vmem>> -> memref<128xi32, #tpu.memory_space<vmem>>
      %dma_start3A_177 = arith.constant 0 : i32
      %dma_start3A_178 = arith.constant 0 : i32
      %dma_start3A_179 = tpu.memref_slice %arg8[%dma_start3A_177, %dma_start3A_178] : memref<10240x128xf32, #tpu.memory_space<vmem_shared>> -> memref<10240x128xf32, #tpu.memory_space<vmem_shared>>
      tpu.enqueue_indirect_dma source(%dma_start3A_173 : memref<128x128xf32, #tpu.memory_space<vmem>>) target(%dma_start3A_179 : memref<10240x128xf32, #tpu.memory_space<vmem_shared>>) offsets(%dma_start3A_176 : memref<128xi32, #tpu.memory_space<vmem>>) semaphore(%arg11 : memref<!tpu.dma_semaphore, #tpu.memory_space<semaphore_mem>>) {add = true}
      %ge3A_180 = arith.constant 1 : i32
      %ge3A_181 = arith.cmpi sge, %add3A_151, %ge3A_180 : i32
      %convert_element_type3A_182 = arith.extui %ge3A_181 : i1 to i32
      %cond3A_183 = arith.constant 0 : i32
      %cond3A_184 = arith.cmpi ne, %convert_element_type3A_182, %cond3A_183 : i32
      scf.if %cond3A_184 {
        %dma_wait3A_289 = arith.constant 0 : i32
        %dma_wait3A_290 = arith.constant 0 : i32
        %dma_wait3A_291 = arith.constant 1 : i32
        %dma_wait3A_292 = arith.constant 0 : i32
        %dma_wait3A_293 = arith.constant 0 : i32
        %dma_wait3A_294 = tpu.memref_slice %arg7[%dma_wait3A_289, %dma_wait3A_292, %dma_wait3A_293] : memref<2x128x128xf32, #tpu.memory_space<vmem>> -> memref<1x128x128xf32, #tpu.memory_space<vmem>>
        %dma_wait3A_295 = tpu.memref_squeeze %dma_wait3A_294 : memref<1x128x128xf32, #tpu.memory_space<vmem>> -> memref<128x128xf32, #tpu.memory_space<vmem>>
        %dma_wait3A_296 = arith.constant 0 : i32
        %dma_wait3A_297 = tpu.memref_slice %arg6[%dma_wait3A_290, %dma_wait3A_291, %dma_wait3A_296] : memref<4x2x128xi32, #tpu.memory_space<vmem>> -> memref<1x1x128xi32, #tpu.memory_space<vmem>>
        %dma_wait3A_298 = tpu.memref_squeeze %dma_wait3A_297 : memref<1x1x128xi32, #tpu.memory_space<vmem>> -> memref<128xi32, #tpu.memory_space<vmem>>
        %dma_wait3A_299 = arith.constant 0 : i32
        %dma_wait3A_300 = arith.constant 0 : i32
        %dma_wait3A_301 = tpu.memref_slice %arg8[%dma_wait3A_299, %dma_wait3A_300] : memref<10240x128xf32, #tpu.memory_space<vmem_shared>> -> memref<10240x128xf32, #tpu.memory_space<vmem_shared>>
        tpu.wait_indirect_dma semaphore(%arg11 : memref<!tpu.dma_semaphore, #tpu.memory_space<semaphore_mem>>) src(%dma_wait3A_295 : memref<128x128xf32, #tpu.memory_space<vmem>>) dst(%dma_wait3A_301 : memref<10240x128xf32, #tpu.memory_space<vmem_shared>>)
      } else {
      }
      %lt3A_185 = arith.cmpi slt, %add3A_153, %select_n3A : i32
      %convert_element_type3A_186 = arith.extui %lt3A_185 : i1 to i32
      %cond3A_187 = arith.constant 0 : i32
      %cond3A_188 = arith.cmpi ne, %convert_element_type3A_186, %cond3A_187 : i32
      scf.if %cond3A_188 {
        %add3A_289 = arith.addi %select_n3A_8, %add3A_153 : i32
        %dma_wait3A_290 = arith.constant 2 : i32
        %dma_wait3A_291 = arith.constant 0 : i32
        %dma_wait3A_292 = arith.constant 0 : i32
        %dma_wait3A_293 = tpu.memref_slice %arg6[%dma_wait3A_290, %dma_wait3A_291, %dma_wait3A_292] : memref<4x2x128xi32, #tpu.memory_space<vmem>> -> memref<1x2x128xi32, #tpu.memory_space<vmem>>
        %dma_wait3A_294 = tpu.memref_squeeze %dma_wait3A_293 : memref<1x2x128xi32, #tpu.memory_space<vmem>> -> memref<2x128xi32, #tpu.memory_space<vmem>>
        %dma_wait3A_295 = arith.constant 0 : i32
        %dma_wait3A_296 = arith.constant 0 : i32
        %dma_wait3A_297 = tpu.memref_slice %arg3[%add3A_289, %dma_wait3A_295, %dma_wait3A_296] : memref<2560x2x128xi32, #tpu.memory_space<hbm>> -> memref<1x2x128xi32, #tpu.memory_space<hbm>>
        %dma_wait3A_298 = tpu.memref_squeeze %dma_wait3A_297 : memref<1x2x128xi32, #tpu.memory_space<hbm>> -> memref<2x128xi32, #tpu.memory_space<hbm>>
        %dma_wait3A_299 = arith.constant 0 : i32
        %dma_wait3A_300 = arith.constant 0 : i32
        %dma_wait3A_301 = tpu.memref_slice %arg6[%dma_wait3A_290, %dma_wait3A_299, %dma_wait3A_300] : memref<4x2x128xi32, #tpu.memory_space<vmem>> -> memref<1x2x128xi32, #tpu.memory_space<vmem>>
        %dma_wait3A_302 = tpu.memref_squeeze %dma_wait3A_301 : memref<1x2x128xi32, #tpu.memory_space<vmem>> -> memref<2x128xi32, #tpu.memory_space<vmem>>
        %dma_wait3A_303 = arith.constant 0 : i32
        %dma_wait3A_304 = arith.constant 0 : i32
        %dma_wait3A_305 = tpu.memref_slice %arg3[%add3A_289, %dma_wait3A_303, %dma_wait3A_304] : memref<2560x2x128xi32, #tpu.memory_space<hbm>> -> memref<1x2x128xi32, #tpu.memory_space<hbm>>
        %dma_wait3A_306 = tpu.memref_squeeze %dma_wait3A_305 : memref<1x2x128xi32, #tpu.memory_space<hbm>> -> memref<2x128xi32, #tpu.memory_space<hbm>>
        tpu.wait_dma2 semaphore(%arg9 : memref<!tpu.dma_semaphore, #tpu.memory_space<semaphore_mem>>) src(%dma_wait3A_306 : memref<2x128xi32, #tpu.memory_space<hbm>>) dst(%dma_wait3A_302 : memref<2x128xi32, #tpu.memory_space<vmem>>)
        %dma_start3A_307 = arith.constant 2 : i32
        %dma_start3A_308 = arith.constant 0 : i32
        %dma_start3A_309 = arith.constant 0 : i32
        %dma_start3A_310 = arith.constant 0 : i32
        %dma_start3A_311 = arith.constant 0 : i32
        %dma_start3A_312 = tpu.memref_slice %arg7[%dma_start3A_309, %dma_start3A_310, %dma_start3A_311] : memref<2x128x128xf32, #tpu.memory_space<vmem>> -> memref<1x128x128xf32, #tpu.memory_space<vmem>>
        %dma_start3A_313 = tpu.memref_squeeze %dma_start3A_312 : memref<1x128x128xf32, #tpu.memory_space<vmem>> -> memref<128x128xf32, #tpu.memory_space<vmem>>
        %dma_start3A_314 = arith.constant 0 : i32
        %dma_start3A_315 = tpu.memref_slice %arg6[%dma_start3A_307, %dma_start3A_308, %dma_start3A_314] : memref<4x2x128xi32, #tpu.memory_space<vmem>> -> memref<1x1x128xi32, #tpu.memory_space<vmem>>
        %dma_start3A_316 = tpu.memref_squeeze %dma_start3A_315 : memref<1x1x128xi32, #tpu.memory_space<vmem>> -> memref<128xi32, #tpu.memory_space<vmem>>
        %dma_start3A_317 = arith.constant 0 : i32
        %dma_start3A_318 = arith.constant 0 : i32
        %dma_start3A_319 = tpu.memref_slice %arg2[%dma_start3A_317, %dma_start3A_318] : memref<10000x128xf32, #tpu.memory_space<hbm>> -> memref<10000x128xf32, #tpu.memory_space<hbm>>
        tpu.enqueue_indirect_dma source(%dma_start3A_319 : memref<10000x128xf32, #tpu.memory_space<hbm>>) target(%dma_start3A_313 : memref<128x128xf32, #tpu.memory_space<vmem>>) offsets(%dma_start3A_316 : memref<128xi32, #tpu.memory_space<vmem>>) semaphore(%arg10 : memref<!tpu.dma_semaphore, #tpu.memory_space<semaphore_mem>>)
      } else {
      }
      %add3A_189 = arith.constant 2 : i32
      %add3A_190 = arith.addi %add3A_151, %add3A_189 : i32
      %lt3A_191 = arith.cmpi slt, %add3A_190, %select_n3A : i32
      %convert_element_type3A_192 = arith.extui %lt3A_191 : i1 to i32
      %cond3A_193 = arith.constant 0 : i32
      %cond3A_194 = arith.cmpi ne, %convert_element_type3A_192, %cond3A_193 : i32
      scf.if %cond3A_194 {
        %add3A_289 = arith.constant 2 : i32
        %add3A_290 = arith.addi %add3A_151, %add3A_289 : i32
        %add3A_291 = arith.addi %select_n3A_8, %add3A_290 : i32
        %dma_start3A_292 = arith.constant 3 : i32
        %dma_start3A_293 = arith.constant 0 : i32
        %dma_start3A_294 = arith.constant 0 : i32
        %dma_start3A_295 = tpu.memref_slice %arg6[%dma_start3A_292, %dma_start3A_293, %dma_start3A_294] : memref<4x2x128xi32, #tpu.memory_space<vmem>> -> memref<1x2x128xi32, #tpu.memory_space<vmem>>
        %dma_start3A_296 = tpu.memref_squeeze %dma_start3A_295 : memref<1x2x128xi32, #tpu.memory_space<vmem>> -> memref<2x128xi32, #tpu.memory_space<vmem>>
        %dma_start3A_297 = arith.constant 0 : i32
        %dma_start3A_298 = arith.constant 0 : i32
        %dma_start3A_299 = tpu.memref_slice %arg3[%add3A_291, %dma_start3A_297, %dma_start3A_298] : memref<2560x2x128xi32, #tpu.memory_space<hbm>> -> memref<1x2x128xi32, #tpu.memory_space<hbm>>
        %dma_start3A_300 = tpu.memref_squeeze %dma_start3A_299 : memref<1x2x128xi32, #tpu.memory_space<hbm>> -> memref<2x128xi32, #tpu.memory_space<hbm>>
        %dma_start3A_301 = arith.constant 0 : i32
        %dma_start3A_302 = arith.constant 0 : i32
        %dma_start3A_303 = tpu.memref_slice %arg6[%dma_start3A_292, %dma_start3A_301, %dma_start3A_302] : memref<4x2x128xi32, #tpu.memory_space<vmem>> -> memref<1x2x128xi32, #tpu.memory_space<vmem>>
        %dma_start3A_304 = tpu.memref_squeeze %dma_start3A_303 : memref<1x2x128xi32, #tpu.memory_space<vmem>> -> memref<2x128xi32, #tpu.memory_space<vmem>>
        %dma_start3A_305 = arith.constant 0 : i32
        %dma_start3A_306 = arith.constant 0 : i32
        %dma_start3A_307 = tpu.memref_slice %arg3[%add3A_291, %dma_start3A_305, %dma_start3A_306] : memref<2560x2x128xi32, #tpu.memory_space<hbm>> -> memref<1x2x128xi32, #tpu.memory_space<hbm>>
        %dma_start3A_308 = tpu.memref_squeeze %dma_start3A_307 : memref<1x2x128xi32, #tpu.memory_space<hbm>> -> memref<2x128xi32, #tpu.memory_space<hbm>>
        tpu.enqueue_dma source(%dma_start3A_308 : memref<2x128xi32, #tpu.memory_space<hbm>>) target(%dma_start3A_304 : memref<2x128xi32, #tpu.memory_space<vmem>>) target_semaphore(%arg9 : memref<!tpu.dma_semaphore, #tpu.memory_space<semaphore_mem>>)
      } else {
      }
      %mul3A_195 = arith.constant 4 : i32
      %mul3A_196 = arith.muli %while3A_104, %mul3A_195 : i32
      %add3A_197 = arith.constant 2 : i32
      %add3A_198 = arith.addi %mul3A_196, %add3A_197 : i32
      %add3A_199 = arith.constant 1 : i32
      %add3A_200 = arith.addi %add3A_198, %add3A_199 : i32
      %dma_wait3A_201 = arith.constant 2 : i32
      %dma_wait3A_202 = arith.constant 0 : i32
      %dma_wait3A_203 = arith.constant 0 : i32
      %dma_wait3A_204 = arith.constant 0 : i32
      %dma_wait3A_205 = arith.constant 0 : i32
      %dma_wait3A_206 = tpu.memref_slice %arg7[%dma_wait3A_203, %dma_wait3A_204, %dma_wait3A_205] : memref<2x128x128xf32, #tpu.memory_space<vmem>> -> memref<1x128x128xf32, #tpu.memory_space<vmem>>
      %dma_wait3A_207 = tpu.memref_squeeze %dma_wait3A_206 : memref<1x128x128xf32, #tpu.memory_space<vmem>> -> memref<128x128xf32, #tpu.memory_space<vmem>>
      %dma_wait3A_208 = arith.constant 0 : i32
      %dma_wait3A_209 = tpu.memref_slice %arg6[%dma_wait3A_201, %dma_wait3A_202, %dma_wait3A_208] : memref<4x2x128xi32, #tpu.memory_space<vmem>> -> memref<1x1x128xi32, #tpu.memory_space<vmem>>
      %dma_wait3A_210 = tpu.memref_squeeze %dma_wait3A_209 : memref<1x1x128xi32, #tpu.memory_space<vmem>> -> memref<128xi32, #tpu.memory_space<vmem>>
      %dma_wait3A_211 = arith.constant 0 : i32
      %dma_wait3A_212 = arith.constant 0 : i32
      %dma_wait3A_213 = tpu.memref_slice %arg2[%dma_wait3A_211, %dma_wait3A_212] : memref<10000x128xf32, #tpu.memory_space<hbm>> -> memref<10000x128xf32, #tpu.memory_space<hbm>>
      tpu.wait_indirect_dma semaphore(%arg10 : memref<!tpu.dma_semaphore, #tpu.memory_space<semaphore_mem>>) src(%dma_wait3A_213 : memref<10000x128xf32, #tpu.memory_space<hbm>>) dst(%dma_wait3A_207 : memref<128x128xf32, #tpu.memory_space<vmem>>)
      %dma_start3A_214 = arith.constant 0 : i32
      %dma_start3A_215 = arith.constant 2 : i32
      %dma_start3A_216 = arith.constant 1 : i32
      %dma_start3A_217 = arith.constant 0 : i32
      %dma_start3A_218 = arith.constant 0 : i32
      %dma_start3A_219 = tpu.memref_slice %arg7[%dma_start3A_214, %dma_start3A_217, %dma_start3A_218] : memref<2x128x128xf32, #tpu.memory_space<vmem>> -> memref<1x128x128xf32, #tpu.memory_space<vmem>>
      %dma_start3A_220 = tpu.memref_squeeze %dma_start3A_219 : memref<1x128x128xf32, #tpu.memory_space<vmem>> -> memref<128x128xf32, #tpu.memory_space<vmem>>
      %dma_start3A_221 = arith.constant 0 : i32
      %dma_start3A_222 = tpu.memref_slice %arg6[%dma_start3A_215, %dma_start3A_216, %dma_start3A_221] : memref<4x2x128xi32, #tpu.memory_space<vmem>> -> memref<1x1x128xi32, #tpu.memory_space<vmem>>
      %dma_start3A_223 = tpu.memref_squeeze %dma_start3A_222 : memref<1x1x128xi32, #tpu.memory_space<vmem>> -> memref<128xi32, #tpu.memory_space<vmem>>
      %dma_start3A_224 = arith.constant 0 : i32
      %dma_start3A_225 = arith.constant 0 : i32
      %dma_start3A_226 = tpu.memref_slice %arg8[%dma_start3A_224, %dma_start3A_225] : memref<10240x128xf32, #tpu.memory_space<vmem_shared>> -> memref<10240x128xf32, #tpu.memory_space<vmem_shared>>
      tpu.enqueue_indirect_dma source(%dma_start3A_220 : memref<128x128xf32, #tpu.memory_space<vmem>>) target(%dma_start3A_226 : memref<10240x128xf32, #tpu.memory_space<vmem_shared>>) offsets(%dma_start3A_223 : memref<128xi32, #tpu.memory_space<vmem>>) semaphore(%arg11 : memref<!tpu.dma_semaphore, #tpu.memory_space<semaphore_mem>>) {add = true}
      %ge3A_227 = arith.constant 1 : i32
      %ge3A_228 = arith.cmpi sge, %add3A_198, %ge3A_227 : i32
      %convert_element_type3A_229 = arith.extui %ge3A_228 : i1 to i32
      %cond3A_230 = arith.constant 0 : i32
      %cond3A_231 = arith.cmpi ne, %convert_element_type3A_229, %cond3A_230 : i32
      scf.if %cond3A_231 {
        %dma_wait3A_289 = arith.constant 1 : i32
        %dma_wait3A_290 = arith.constant 1 : i32
        %dma_wait3A_291 = arith.constant 1 : i32
        %dma_wait3A_292 = arith.constant 0 : i32
        %dma_wait3A_293 = arith.constant 0 : i32
        %dma_wait3A_294 = tpu.memref_slice %arg7[%dma_wait3A_289, %dma_wait3A_292, %dma_wait3A_293] : memref<2x128x128xf32, #tpu.memory_space<vmem>> -> memref<1x128x128xf32, #tpu.memory_space<vmem>>
        %dma_wait3A_295 = tpu.memref_squeeze %dma_wait3A_294 : memref<1x128x128xf32, #tpu.memory_space<vmem>> -> memref<128x128xf32, #tpu.memory_space<vmem>>
        %dma_wait3A_296 = arith.constant 0 : i32
        %dma_wait3A_297 = tpu.memref_slice %arg6[%dma_wait3A_290, %dma_wait3A_291, %dma_wait3A_296] : memref<4x2x128xi32, #tpu.memory_space<vmem>> -> memref<1x1x128xi32, #tpu.memory_space<vmem>>
        %dma_wait3A_298 = tpu.memref_squeeze %dma_wait3A_297 : memref<1x1x128xi32, #tpu.memory_space<vmem>> -> memref<128xi32, #tpu.memory_space<vmem>>
        %dma_wait3A_299 = arith.constant 0 : i32
        %dma_wait3A_300 = arith.constant 0 : i32
        %dma_wait3A_301 = tpu.memref_slice %arg8[%dma_wait3A_299, %dma_wait3A_300] : memref<10240x128xf32, #tpu.memory_space<vmem_shared>> -> memref<10240x128xf32, #tpu.memory_space<vmem_shared>>
        tpu.wait_indirect_dma semaphore(%arg11 : memref<!tpu.dma_semaphore, #tpu.memory_space<semaphore_mem>>) src(%dma_wait3A_295 : memref<128x128xf32, #tpu.memory_space<vmem>>) dst(%dma_wait3A_301 : memref<10240x128xf32, #tpu.memory_space<vmem_shared>>)
      } else {
      }
      %lt3A_232 = arith.cmpi slt, %add3A_200, %select_n3A : i32
      %convert_element_type3A_233 = arith.extui %lt3A_232 : i1 to i32
      %cond3A_234 = arith.constant 0 : i32
      %cond3A_235 = arith.cmpi ne, %convert_element_type3A_233, %cond3A_234 : i32
      scf.if %cond3A_235 {
        %add3A_289 = arith.addi %select_n3A_8, %add3A_200 : i32
        %dma_wait3A_290 = arith.constant 3 : i32
        %dma_wait3A_291 = arith.constant 0 : i32
        %dma_wait3A_292 = arith.constant 0 : i32
        %dma_wait3A_293 = tpu.memref_slice %arg6[%dma_wait3A_290, %dma_wait3A_291, %dma_wait3A_292] : memref<4x2x128xi32, #tpu.memory_space<vmem>> -> memref<1x2x128xi32, #tpu.memory_space<vmem>>
        %dma_wait3A_294 = tpu.memref_squeeze %dma_wait3A_293 : memref<1x2x128xi32, #tpu.memory_space<vmem>> -> memref<2x128xi32, #tpu.memory_space<vmem>>
        %dma_wait3A_295 = arith.constant 0 : i32
        %dma_wait3A_296 = arith.constant 0 : i32
        %dma_wait3A_297 = tpu.memref_slice %arg3[%add3A_289, %dma_wait3A_295, %dma_wait3A_296] : memref<2560x2x128xi32, #tpu.memory_space<hbm>> -> memref<1x2x128xi32, #tpu.memory_space<hbm>>
        %dma_wait3A_298 = tpu.memref_squeeze %dma_wait3A_297 : memref<1x2x128xi32, #tpu.memory_space<hbm>> -> memref<2x128xi32, #tpu.memory_space<hbm>>
        %dma_wait3A_299 = arith.constant 0 : i32
        %dma_wait3A_300 = arith.constant 0 : i32
        %dma_wait3A_301 = tpu.memref_slice %arg6[%dma_wait3A_290, %dma_wait3A_299, %dma_wait3A_300] : memref<4x2x128xi32, #tpu.memory_space<vmem>> -> memref<1x2x128xi32, #tpu.memory_space<vmem>>
        %dma_wait3A_302 = tpu.memref_squeeze %dma_wait3A_301 : memref<1x2x128xi32, #tpu.memory_space<vmem>> -> memref<2x128xi32, #tpu.memory_space<vmem>>
        %dma_wait3A_303 = arith.constant 0 : i32
        %dma_wait3A_304 = arith.constant 0 : i32
        %dma_wait3A_305 = tpu.memref_slice %arg3[%add3A_289, %dma_wait3A_303, %dma_wait3A_304] : memref<2560x2x128xi32, #tpu.memory_space<hbm>> -> memref<1x2x128xi32, #tpu.memory_space<hbm>>
        %dma_wait3A_306 = tpu.memref_squeeze %dma_wait3A_305 : memref<1x2x128xi32, #tpu.memory_space<hbm>> -> memref<2x128xi32, #tpu.memory_space<hbm>>
        tpu.wait_dma2 semaphore(%arg9 : memref<!tpu.dma_semaphore, #tpu.memory_space<semaphore_mem>>) src(%dma_wait3A_306 : memref<2x128xi32, #tpu.memory_space<hbm>>) dst(%dma_wait3A_302 : memref<2x128xi32, #tpu.memory_space<vmem>>)
        %dma_start3A_307 = arith.constant 3 : i32
        %dma_start3A_308 = arith.constant 0 : i32
        %dma_start3A_309 = arith.constant 1 : i32
        %dma_start3A_310 = arith.constant 0 : i32
        %dma_start3A_311 = arith.constant 0 : i32
        %dma_start3A_312 = tpu.memref_slice %arg7[%dma_start3A_309, %dma_start3A_310, %dma_start3A_311] : memref<2x128x128xf32, #tpu.memory_space<vmem>> -> memref<1x128x128xf32, #tpu.memory_space<vmem>>
        %dma_start3A_313 = tpu.memref_squeeze %dma_start3A_312 : memref<1x128x128xf32, #tpu.memory_space<vmem>> -> memref<128x128xf32, #tpu.memory_space<vmem>>
        %dma_start3A_314 = arith.constant 0 : i32
        %dma_start3A_315 = tpu.memref_slice %arg6[%dma_start3A_307, %dma_start3A_308, %dma_start3A_314] : memref<4x2x128xi32, #tpu.memory_space<vmem>> -> memref<1x1x128xi32, #tpu.memory_space<vmem>>
        %dma_start3A_316 = tpu.memref_squeeze %dma_start3A_315 : memref<1x1x128xi32, #tpu.memory_space<vmem>> -> memref<128xi32, #tpu.memory_space<vmem>>
        %dma_start3A_317 = arith.constant 0 : i32
        %dma_start3A_318 = arith.constant 0 : i32
        %dma_start3A_319 = tpu.memref_slice %arg2[%dma_start3A_317, %dma_start3A_318] : memref<10000x128xf32, #tpu.memory_space<hbm>> -> memref<10000x128xf32, #tpu.memory_space<hbm>>
        tpu.enqueue_indirect_dma source(%dma_start3A_319 : memref<10000x128xf32, #tpu.memory_space<hbm>>) target(%dma_start3A_313 : memref<128x128xf32, #tpu.memory_space<vmem>>) offsets(%dma_start3A_316 : memref<128xi32, #tpu.memory_space<vmem>>) semaphore(%arg10 : memref<!tpu.dma_semaphore, #tpu.memory_space<semaphore_mem>>)
      } else {
      }
      %add3A_236 = arith.constant 2 : i32
      %add3A_237 = arith.addi %add3A_198, %add3A_236 : i32
      %lt3A_238 = arith.cmpi slt, %add3A_237, %select_n3A : i32
      %convert_element_type3A_239 = arith.extui %lt3A_238 : i1 to i32
      %cond3A_240 = arith.constant 0 : i32
      %cond3A_241 = arith.cmpi ne, %convert_element_type3A_239, %cond3A_240 : i32
      scf.if %cond3A_241 {
        %add3A_289 = arith.constant 2 : i32
        %add3A_290 = arith.addi %add3A_198, %add3A_289 : i32
        %add3A_291 = arith.addi %select_n3A_8, %add3A_290 : i32
        %dma_start3A_292 = arith.constant 0 : i32
        %dma_start3A_293 = arith.constant 0 : i32
        %dma_start3A_294 = arith.constant 0 : i32
        %dma_start3A_295 = tpu.memref_slice %arg6[%dma_start3A_292, %dma_start3A_293, %dma_start3A_294] : memref<4x2x128xi32, #tpu.memory_space<vmem>> -> memref<1x2x128xi32, #tpu.memory_space<vmem>>
        %dma_start3A_296 = tpu.memref_squeeze %dma_start3A_295 : memref<1x2x128xi32, #tpu.memory_space<vmem>> -> memref<2x128xi32, #tpu.memory_space<vmem>>
        %dma_start3A_297 = arith.constant 0 : i32
        %dma_start3A_298 = arith.constant 0 : i32
        %dma_start3A_299 = tpu.memref_slice %arg3[%add3A_291, %dma_start3A_297, %dma_start3A_298] : memref<2560x2x128xi32, #tpu.memory_space<hbm>> -> memref<1x2x128xi32, #tpu.memory_space<hbm>>
        %dma_start3A_300 = tpu.memref_squeeze %dma_start3A_299 : memref<1x2x128xi32, #tpu.memory_space<hbm>> -> memref<2x128xi32, #tpu.memory_space<hbm>>
        %dma_start3A_301 = arith.constant 0 : i32
        %dma_start3A_302 = arith.constant 0 : i32
        %dma_start3A_303 = tpu.memref_slice %arg6[%dma_start3A_292, %dma_start3A_301, %dma_start3A_302] : memref<4x2x128xi32, #tpu.memory_space<vmem>> -> memref<1x2x128xi32, #tpu.memory_space<vmem>>
        %dma_start3A_304 = tpu.memref_squeeze %dma_start3A_303 : memref<1x2x128xi32, #tpu.memory_space<vmem>> -> memref<2x128xi32, #tpu.memory_space<vmem>>
        %dma_start3A_305 = arith.constant 0 : i32
        %dma_start3A_306 = arith.constant 0 : i32
        %dma_start3A_307 = tpu.memref_slice %arg3[%add3A_291, %dma_start3A_305, %dma_start3A_306] : memref<2560x2x128xi32, #tpu.memory_space<hbm>> -> memref<1x2x128xi32, #tpu.memory_space<hbm>>
        %dma_start3A_308 = tpu.memref_squeeze %dma_start3A_307 : memref<1x2x128xi32, #tpu.memory_space<hbm>> -> memref<2x128xi32, #tpu.memory_space<hbm>>
        tpu.enqueue_dma source(%dma_start3A_308 : memref<2x128xi32, #tpu.memory_space<hbm>>) target(%dma_start3A_304 : memref<2x128xi32, #tpu.memory_space<vmem>>) target_semaphore(%arg9 : memref<!tpu.dma_semaphore, #tpu.memory_space<semaphore_mem>>)
      } else {
      }
      %mul3A_242 = arith.constant 4 : i32
      %mul3A_243 = arith.muli %while3A_104, %mul3A_242 : i32
      %add3A_244 = arith.constant 3 : i32
      %add3A_245 = arith.addi %mul3A_243, %add3A_244 : i32
      %add3A_246 = arith.constant 1 : i32
      %add3A_247 = arith.addi %add3A_245, %add3A_246 : i32
      %dma_wait3A_248 = arith.constant 3 : i32
      %dma_wait3A_249 = arith.constant 0 : i32
      %dma_wait3A_250 = arith.constant 1 : i32
      %dma_wait3A_251 = arith.constant 0 : i32
      %dma_wait3A_252 = arith.constant 0 : i32
      %dma_wait3A_253 = tpu.memref_slice %arg7[%dma_wait3A_250, %dma_wait3A_251, %dma_wait3A_252] : memref<2x128x128xf32, #tpu.memory_space<vmem>> -> memref<1x128x128xf32, #tpu.memory_space<vmem>>
      %dma_wait3A_254 = tpu.memref_squeeze %dma_wait3A_253 : memref<1x128x128xf32, #tpu.memory_space<vmem>> -> memref<128x128xf32, #tpu.memory_space<vmem>>
      %dma_wait3A_255 = arith.constant 0 : i32
      %dma_wait3A_256 = tpu.memref_slice %arg6[%dma_wait3A_248, %dma_wait3A_249, %dma_wait3A_255] : memref<4x2x128xi32, #tpu.memory_space<vmem>> -> memref<1x1x128xi32, #tpu.memory_space<vmem>>
      %dma_wait3A_257 = tpu.memref_squeeze %dma_wait3A_256 : memref<1x1x128xi32, #tpu.memory_space<vmem>> -> memref<128xi32, #tpu.memory_space<vmem>>
      %dma_wait3A_258 = arith.constant 0 : i32
      %dma_wait3A_259 = arith.constant 0 : i32
      %dma_wait3A_260 = tpu.memref_slice %arg2[%dma_wait3A_258, %dma_wait3A_259] : memref<10000x128xf32, #tpu.memory_space<hbm>> -> memref<10000x128xf32, #tpu.memory_space<hbm>>
      tpu.wait_indirect_dma semaphore(%arg10 : memref<!tpu.dma_semaphore, #tpu.memory_space<semaphore_mem>>) src(%dma_wait3A_260 : memref<10000x128xf32, #tpu.memory_space<hbm>>) dst(%dma_wait3A_254 : memref<128x128xf32, #tpu.memory_space<vmem>>)
      %dma_start3A_261 = arith.constant 1 : i32
      %dma_start3A_262 = arith.constant 3 : i32
      %dma_start3A_263 = arith.constant 1 : i32
      %dma_start3A_264 = arith.constant 0 : i32
      %dma_start3A_265 = arith.constant 0 : i32
      %dma_start3A_266 = tpu.memref_slice %arg7[%dma_start3A_261, %dma_start3A_264, %dma_start3A_265] : memref<2x128x128xf32, #tpu.memory_space<vmem>> -> memref<1x128x128xf32, #tpu.memory_space<vmem>>
      %dma_start3A_267 = tpu.memref_squeeze %dma_start3A_266 : memref<1x128x128xf32, #tpu.memory_space<vmem>> -> memref<128x128xf32, #tpu.memory_space<vmem>>
      %dma_start3A_268 = arith.constant 0 : i32
      %dma_start3A_269 = tpu.memref_slice %arg6[%dma_start3A_262, %dma_start3A_263, %dma_start3A_268] : memref<4x2x128xi32, #tpu.memory_space<vmem>> -> memref<1x1x128xi32, #tpu.memory_space<vmem>>
      %dma_start3A_270 = tpu.memref_squeeze %dma_start3A_269 : memref<1x1x128xi32, #tpu.memory_space<vmem>> -> memref<128xi32, #tpu.memory_space<vmem>>
      %dma_start3A_271 = arith.constant 0 : i32
      %dma_start3A_272 = arith.constant 0 : i32
      %dma_start3A_273 = tpu.memref_slice %arg8[%dma_start3A_271, %dma_start3A_272] : memref<10240x128xf32, #tpu.memory_space<vmem_shared>> -> memref<10240x128xf32, #tpu.memory_space<vmem_shared>>
      tpu.enqueue_indirect_dma source(%dma_start3A_267 : memref<128x128xf32, #tpu.memory_space<vmem>>) target(%dma_start3A_273 : memref<10240x128xf32, #tpu.memory_space<vmem_shared>>) offsets(%dma_start3A_270 : memref<128xi32, #tpu.memory_space<vmem>>) semaphore(%arg11 : memref<!tpu.dma_semaphore, #tpu.memory_space<semaphore_mem>>) {add = true}
      %ge3A_274 = arith.constant 1 : i32
      %ge3A_275 = arith.cmpi sge, %add3A_245, %ge3A_274 : i32
      %convert_element_type3A_276 = arith.extui %ge3A_275 : i1 to i32
      %cond3A_277 = arith.constant 0 : i32
      %cond3A_278 = arith.cmpi ne, %convert_element_type3A_276, %cond3A_277 : i32
      scf.if %cond3A_278 {
        %dma_wait3A_289 = arith.constant 0 : i32
        %dma_wait3A_290 = arith.constant 2 : i32
        %dma_wait3A_291 = arith.constant 1 : i32
        %dma_wait3A_292 = arith.constant 0 : i32
        %dma_wait3A_293 = arith.constant 0 : i32
        %dma_wait3A_294 = tpu.memref_slice %arg7[%dma_wait3A_289, %dma_wait3A_292, %dma_wait3A_293] : memref<2x128x128xf32, #tpu.memory_space<vmem>> -> memref<1x128x128xf32, #tpu.memory_space<vmem>>
        %dma_wait3A_295 = tpu.memref_squeeze %dma_wait3A_294 : memref<1x128x128xf32, #tpu.memory_space<vmem>> -> memref<128x128xf32, #tpu.memory_space<vmem>>
        %dma_wait3A_296 = arith.constant 0 : i32
        %dma_wait3A_297 = tpu.memref_slice %arg6[%dma_wait3A_290, %dma_wait3A_291, %dma_wait3A_296] : memref<4x2x128xi32, #tpu.memory_space<vmem>> -> memref<1x1x128xi32, #tpu.memory_space<vmem>>
        %dma_wait3A_298 = tpu.memref_squeeze %dma_wait3A_297 : memref<1x1x128xi32, #tpu.memory_space<vmem>> -> memref<128xi32, #tpu.memory_space<vmem>>
        %dma_wait3A_299 = arith.constant 0 : i32
        %dma_wait3A_300 = arith.constant 0 : i32
        %dma_wait3A_301 = tpu.memref_slice %arg8[%dma_wait3A_299, %dma_wait3A_300] : memref<10240x128xf32, #tpu.memory_space<vmem_shared>> -> memref<10240x128xf32, #tpu.memory_space<vmem_shared>>
        tpu.wait_indirect_dma semaphore(%arg11 : memref<!tpu.dma_semaphore, #tpu.memory_space<semaphore_mem>>) src(%dma_wait3A_295 : memref<128x128xf32, #tpu.memory_space<vmem>>) dst(%dma_wait3A_301 : memref<10240x128xf32, #tpu.memory_space<vmem_shared>>)
      } else {
      }
      %lt3A_279 = arith.cmpi slt, %add3A_247, %select_n3A : i32
      %convert_element_type3A_280 = arith.extui %lt3A_279 : i1 to i32
      %cond3A_281 = arith.constant 0 : i32
      %cond3A_282 = arith.cmpi ne, %convert_element_type3A_280, %cond3A_281 : i32
      scf.if %cond3A_282 {
        %add3A_289 = arith.addi %select_n3A_8, %add3A_247 : i32
        %dma_wait3A_290 = arith.constant 0 : i32
        %dma_wait3A_291 = arith.constant 0 : i32
        %dma_wait3A_292 = arith.constant 0 : i32
        %dma_wait3A_293 = tpu.memref_slice %arg6[%dma_wait3A_290, %dma_wait3A_291, %dma_wait3A_292] : memref<4x2x128xi32, #tpu.memory_space<vmem>> -> memref<1x2x128xi32, #tpu.memory_space<vmem>>
        %dma_wait3A_294 = tpu.memref_squeeze %dma_wait3A_293 : memref<1x2x128xi32, #tpu.memory_space<vmem>> -> memref<2x128xi32, #tpu.memory_space<vmem>>
        %dma_wait3A_295 = arith.constant 0 : i32
        %dma_wait3A_296 = arith.constant 0 : i32
        %dma_wait3A_297 = tpu.memref_slice %arg3[%add3A_289, %dma_wait3A_295, %dma_wait3A_296] : memref<2560x2x128xi32, #tpu.memory_space<hbm>> -> memref<1x2x128xi32, #tpu.memory_space<hbm>>
        %dma_wait3A_298 = tpu.memref_squeeze %dma_wait3A_297 : memref<1x2x128xi32, #tpu.memory_space<hbm>> -> memref<2x128xi32, #tpu.memory_space<hbm>>
        %dma_wait3A_299 = arith.constant 0 : i32
        %dma_wait3A_300 = arith.constant 0 : i32
        %dma_wait3A_301 = tpu.memref_slice %arg6[%dma_wait3A_290, %dma_wait3A_299, %dma_wait3A_300] : memref<4x2x128xi32, #tpu.memory_space<vmem>> -> memref<1x2x128xi32, #tpu.memory_space<vmem>>
        %dma_wait3A_302 = tpu.memref_squeeze %dma_wait3A_301 : memref<1x2x128xi32, #tpu.memory_space<vmem>> -> memref<2x128xi32, #tpu.memory_space<vmem>>
        %dma_wait3A_303 = arith.constant 0 : i32
        %dma_wait3A_304 = arith.constant 0 : i32
        %dma_wait3A_305 = tpu.memref_slice %arg3[%add3A_289, %dma_wait3A_303, %dma_wait3A_304] : memref<2560x2x128xi32, #tpu.memory_space<hbm>> -> memref<1x2x128xi32, #tpu.memory_space<hbm>>
        %dma_wait3A_306 = tpu.memref_squeeze %dma_wait3A_305 : memref<1x2x128xi32, #tpu.memory_space<hbm>> -> memref<2x128xi32, #tpu.memory_space<hbm>>
        tpu.wait_dma2 semaphore(%arg9 : memref<!tpu.dma_semaphore, #tpu.memory_space<semaphore_mem>>) src(%dma_wait3A_306 : memref<2x128xi32, #tpu.memory_space<hbm>>) dst(%dma_wait3A_302 : memref<2x128xi32, #tpu.memory_space<vmem>>)
        %dma_start3A_307 = arith.constant 0 : i32
        %dma_start3A_308 = arith.constant 0 : i32
        %dma_start3A_309 = arith.constant 0 : i32
        %dma_start3A_310 = arith.constant 0 : i32
        %dma_start3A_311 = arith.constant 0 : i32
        %dma_start3A_312 = tpu.memref_slice %arg7[%dma_start3A_309, %dma_start3A_310, %dma_start3A_311] : memref<2x128x128xf32, #tpu.memory_space<vmem>> -> memref<1x128x128xf32, #tpu.memory_space<vmem>>
        %dma_start3A_313 = tpu.memref_squeeze %dma_start3A_312 : memref<1x128x128xf32, #tpu.memory_space<vmem>> -> memref<128x128xf32, #tpu.memory_space<vmem>>
        %dma_start3A_314 = arith.constant 0 : i32
        %dma_start3A_315 = tpu.memref_slice %arg6[%dma_start3A_307, %dma_start3A_308, %dma_start3A_314] : memref<4x2x128xi32, #tpu.memory_space<vmem>> -> memref<1x1x128xi32, #tpu.memory_space<vmem>>
        %dma_start3A_316 = tpu.memref_squeeze %dma_start3A_315 : memref<1x1x128xi32, #tpu.memory_space<vmem>> -> memref<128xi32, #tpu.memory_space<vmem>>
        %dma_start3A_317 = arith.constant 0 : i32
        %dma_start3A_318 = arith.constant 0 : i32
        %dma_start3A_319 = tpu.memref_slice %arg2[%dma_start3A_317, %dma_start3A_318] : memref<10000x128xf32, #tpu.memory_space<hbm>> -> memref<10000x128xf32, #tpu.memory_space<hbm>>
        tpu.enqueue_indirect_dma source(%dma_start3A_319 : memref<10000x128xf32, #tpu.memory_space<hbm>>) target(%dma_start3A_313 : memref<128x128xf32, #tpu.memory_space<vmem>>) offsets(%dma_start3A_316 : memref<128xi32, #tpu.memory_space<vmem>>) semaphore(%arg10 : memref<!tpu.dma_semaphore, #tpu.memory_space<semaphore_mem>>)
      } else {
      }
      %add3A_283 = arith.constant 2 : i32
      %add3A_284 = arith.addi %add3A_245, %add3A_283 : i32
      %lt3A_285 = arith.cmpi slt, %add3A_284, %select_n3A : i32
      %convert_element_type3A_286 = arith.extui %lt3A_285 : i1 to i32
      %cond3A_287 = arith.constant 0 : i32
      %cond3A_288 = arith.cmpi ne, %convert_element_type3A_286, %cond3A_287 : i32
      scf.if %cond3A_288 {
        %add3A_289 = arith.constant 2 : i32
        %add3A_290 = arith.addi %add3A_245, %add3A_289 : i32
        %add3A_291 = arith.addi %select_n3A_8, %add3A_290 : i32
        %dma_start3A_292 = arith.constant 1 : i32
        %dma_start3A_293 = arith.constant 0 : i32
        %dma_start3A_294 = arith.constant 0 : i32
        %dma_start3A_295 = tpu.memref_slice %arg6[%dma_start3A_292, %dma_start3A_293, %dma_start3A_294] : memref<4x2x128xi32, #tpu.memory_space<vmem>> -> memref<1x2x128xi32, #tpu.memory_space<vmem>>
        %dma_start3A_296 = tpu.memref_squeeze %dma_start3A_295 : memref<1x2x128xi32, #tpu.memory_space<vmem>> -> memref<2x128xi32, #tpu.memory_space<vmem>>
        %dma_start3A_297 = arith.constant 0 : i32
        %dma_start3A_298 = arith.constant 0 : i32
        %dma_start3A_299 = tpu.memref_slice %arg3[%add3A_291, %dma_start3A_297, %dma_start3A_298] : memref<2560x2x128xi32, #tpu.memory_space<hbm>> -> memref<1x2x128xi32, #tpu.memory_space<hbm>>
        %dma_start3A_300 = tpu.memref_squeeze %dma_start3A_299 : memref<1x2x128xi32, #tpu.memory_space<hbm>> -> memref<2x128xi32, #tpu.memory_space<hbm>>
        %dma_start3A_301 = arith.constant 0 : i32
        %dma_start3A_302 = arith.constant 0 : i32
        %dma_start3A_303 = tpu.memref_slice %arg6[%dma_start3A_292, %dma_start3A_301, %dma_start3A_302] : memref<4x2x128xi32, #tpu.memory_space<vmem>> -> memref<1x2x128xi32, #tpu.memory_space<vmem>>
        %dma_start3A_304 = tpu.memref_squeeze %dma_start3A_303 : memref<1x2x128xi32, #tpu.memory_space<vmem>> -> memref<2x128xi32, #tpu.memory_space<vmem>>
        %dma_start3A_305 = arith.constant 0 : i32
        %dma_start3A_306 = arith.constant 0 : i32
        %dma_start3A_307 = tpu.memref_slice %arg3[%add3A_291, %dma_start3A_305, %dma_start3A_306] : memref<2560x2x128xi32, #tpu.memory_space<hbm>> -> memref<1x2x128xi32, #tpu.memory_space<hbm>>
        %dma_start3A_308 = tpu.memref_squeeze %dma_start3A_307 : memref<1x2x128xi32, #tpu.memory_space<hbm>> -> memref<2x128xi32, #tpu.memory_space<hbm>>
        tpu.enqueue_dma source(%dma_start3A_308 : memref<2x128xi32, #tpu.memory_space<hbm>>) target(%dma_start3A_304 : memref<2x128xi32, #tpu.memory_space<vmem>>) target_semaphore(%arg9 : memref<!tpu.dma_semaphore, #tpu.memory_space<semaphore_mem>>)
      } else {
      }
    }
    %while3A_86 = arith.constant 1 : i32
    scf.for %while3A_104 = %while3A_84 to %while3A_80 step %while3A_86  : i32 {
      %mul3A_105 = arith.constant 4 : i32
      %mul3A_106 = arith.muli %while3A_104, %mul3A_105 : i32
      %add3A_107 = arith.constant 0 : i32
      %add3A_108 = arith.addi %mul3A_106, %add3A_107 : i32
      %add3A_109 = arith.constant 1 : i32
      %add3A_110 = arith.addi %add3A_108, %add3A_109 : i32
      %dma_wait3A_111 = arith.constant 0 : i32
      %dma_wait3A_112 = arith.constant 0 : i32
      %dma_wait3A_113 = arith.constant 0 : i32
      %dma_wait3A_114 = arith.constant 0 : i32
      %dma_wait3A_115 = arith.constant 0 : i32
      %dma_wait3A_116 = tpu.memref_slice %arg7[%dma_wait3A_113, %dma_wait3A_114, %dma_wait3A_115] : memref<2x128x128xf32, #tpu.memory_space<vmem>> -> memref<1x128x128xf32, #tpu.memory_space<vmem>>
      %dma_wait3A_117 = tpu.memref_squeeze %dma_wait3A_116 : memref<1x128x128xf32, #tpu.memory_space<vmem>> -> memref<128x128xf32, #tpu.memory_space<vmem>>
      %dma_wait3A_118 = arith.constant 0 : i32
      %dma_wait3A_119 = tpu.memref_slice %arg6[%dma_wait3A_111, %dma_wait3A_112, %dma_wait3A_118] : memref<4x2x128xi32, #tpu.memory_space<vmem>> -> memref<1x1x128xi32, #tpu.memory_space<vmem>>
      %dma_wait3A_120 = tpu.memref_squeeze %dma_wait3A_119 : memref<1x1x128xi32, #tpu.memory_space<vmem>> -> memref<128xi32, #tpu.memory_space<vmem>>
      %dma_wait3A_121 = arith.constant 0 : i32
      %dma_wait3A_122 = arith.constant 0 : i32
      %dma_wait3A_123 = tpu.memref_slice %arg2[%dma_wait3A_121, %dma_wait3A_122] : memref<10000x128xf32, #tpu.memory_space<hbm>> -> memref<10000x128xf32, #tpu.memory_space<hbm>>
      tpu.wait_indirect_dma semaphore(%arg10 : memref<!tpu.dma_semaphore, #tpu.memory_space<semaphore_mem>>) src(%dma_wait3A_123 : memref<10000x128xf32, #tpu.memory_space<hbm>>) dst(%dma_wait3A_117 : memref<128x128xf32, #tpu.memory_space<vmem>>)
      %dma_start3A_124 = arith.constant 0 : i32
      %dma_start3A_125 = arith.constant 0 : i32
      %dma_start3A_126 = arith.constant 1 : i32
      %dma_start3A_127 = arith.constant 0 : i32
      %dma_start3A_128 = arith.constant 0 : i32
      %dma_start3A_129 = tpu.memref_slice %arg7[%dma_start3A_124, %dma_start3A_127, %dma_start3A_128] : memref<2x128x128xf32, #tpu.memory_space<vmem>> -> memref<1x128x128xf32, #tpu.memory_space<vmem>>
      %dma_start3A_130 = tpu.memref_squeeze %dma_start3A_129 : memref<1x128x128xf32, #tpu.memory_space<vmem>> -> memref<128x128xf32, #tpu.memory_space<vmem>>
      %dma_start3A_131 = arith.constant 0 : i32
      %dma_start3A_132 = tpu.memref_slice %arg6[%dma_start3A_125, %dma_start3A_126, %dma_start3A_131] : memref<4x2x128xi32, #tpu.memory_space<vmem>> -> memref<1x1x128xi32, #tpu.memory_space<vmem>>
      %dma_start3A_133 = tpu.memref_squeeze %dma_start3A_132 : memref<1x1x128xi32, #tpu.memory_space<vmem>> -> memref<128xi32, #tpu.memory_space<vmem>>
      %dma_start3A_134 = arith.constant 0 : i32
      %dma_start3A_135 = arith.constant 0 : i32
      %dma_start3A_136 = tpu.memref_slice %arg8[%dma_start3A_134, %dma_start3A_135] : memref<10240x128xf32, #tpu.memory_space<vmem_shared>> -> memref<10240x128xf32, #tpu.memory_space<vmem_shared>>
      tpu.enqueue_indirect_dma source(%dma_start3A_130 : memref<128x128xf32, #tpu.memory_space<vmem>>) target(%dma_start3A_136 : memref<10240x128xf32, #tpu.memory_space<vmem_shared>>) offsets(%dma_start3A_133 : memref<128xi32, #tpu.memory_space<vmem>>) semaphore(%arg11 : memref<!tpu.dma_semaphore, #tpu.memory_space<semaphore_mem>>) {add = true}
      %ge3A = arith.constant 1 : i32
      %ge3A_137 = arith.cmpi sge, %add3A_108, %ge3A : i32
      %convert_element_type3A = arith.extui %ge3A_137 : i1 to i32
      %cond3A = arith.constant 0 : i32
      %cond3A_138 = arith.cmpi ne, %convert_element_type3A, %cond3A : i32
      scf.if %cond3A_138 {
        %dma_wait3A_289 = arith.constant 1 : i32
        %dma_wait3A_290 = arith.constant 3 : i32
        %dma_wait3A_291 = arith.constant 1 : i32
        %dma_wait3A_292 = arith.constant 0 : i32
        %dma_wait3A_293 = arith.constant 0 : i32
        %dma_wait3A_294 = tpu.memref_slice %arg7[%dma_wait3A_289, %dma_wait3A_292, %dma_wait3A_293] : memref<2x128x128xf32, #tpu.memory_space<vmem>> -> memref<1x128x128xf32, #tpu.memory_space<vmem>>
        %dma_wait3A_295 = tpu.memref_squeeze %dma_wait3A_294 : memref<1x128x128xf32, #tpu.memory_space<vmem>> -> memref<128x128xf32, #tpu.memory_space<vmem>>
        %dma_wait3A_296 = arith.constant 0 : i32
        %dma_wait3A_297 = tpu.memref_slice %arg6[%dma_wait3A_290, %dma_wait3A_291, %dma_wait3A_296] : memref<4x2x128xi32, #tpu.memory_space<vmem>> -> memref<1x1x128xi32, #tpu.memory_space<vmem>>
        %dma_wait3A_298 = tpu.memref_squeeze %dma_wait3A_297 : memref<1x1x128xi32, #tpu.memory_space<vmem>> -> memref<128xi32, #tpu.memory_space<vmem>>
        %dma_wait3A_299 = arith.constant 0 : i32
        %dma_wait3A_300 = arith.constant 0 : i32
        %dma_wait3A_301 = tpu.memref_slice %arg8[%dma_wait3A_299, %dma_wait3A_300] : memref<10240x128xf32, #tpu.memory_space<vmem_shared>> -> memref<10240x128xf32, #tpu.memory_space<vmem_shared>>
        tpu.wait_indirect_dma semaphore(%arg11 : memref<!tpu.dma_semaphore, #tpu.memory_space<semaphore_mem>>) src(%dma_wait3A_295 : memref<128x128xf32, #tpu.memory_space<vmem>>) dst(%dma_wait3A_301 : memref<10240x128xf32, #tpu.memory_space<vmem_shared>>)
      } else {
      }
      %lt3A = arith.cmpi slt, %add3A_110, %select_n3A : i32
      %convert_element_type3A_139 = arith.extui %lt3A : i1 to i32
      %cond3A_140 = arith.constant 0 : i32
      %cond3A_141 = arith.cmpi ne, %convert_element_type3A_139, %cond3A_140 : i32
      scf.if %cond3A_141 {
        %add3A_289 = arith.addi %select_n3A_8, %add3A_110 : i32
        %dma_wait3A_290 = arith.constant 1 : i32
        %dma_wait3A_291 = arith.constant 0 : i32
        %dma_wait3A_292 = arith.constant 0 : i32
        %dma_wait3A_293 = tpu.memref_slice %arg6[%dma_wait3A_290, %dma_wait3A_291, %dma_wait3A_292] : memref<4x2x128xi32, #tpu.memory_space<vmem>> -> memref<1x2x128xi32, #tpu.memory_space<vmem>>
        %dma_wait3A_294 = tpu.memref_squeeze %dma_wait3A_293 : memref<1x2x128xi32, #tpu.memory_space<vmem>> -> memref<2x128xi32, #tpu.memory_space<vmem>>
        %dma_wait3A_295 = arith.constant 0 : i32
        %dma_wait3A_296 = arith.constant 0 : i32
        %dma_wait3A_297 = tpu.memref_slice %arg3[%add3A_289, %dma_wait3A_295, %dma_wait3A_296] : memref<2560x2x128xi32, #tpu.memory_space<hbm>> -> memref<1x2x128xi32, #tpu.memory_space<hbm>>
        %dma_wait3A_298 = tpu.memref_squeeze %dma_wait3A_297 : memref<1x2x128xi32, #tpu.memory_space<hbm>> -> memref<2x128xi32, #tpu.memory_space<hbm>>
        %dma_wait3A_299 = arith.constant 0 : i32
        %dma_wait3A_300 = arith.constant 0 : i32
        %dma_wait3A_301 = tpu.memref_slice %arg6[%dma_wait3A_290, %dma_wait3A_299, %dma_wait3A_300] : memref<4x2x128xi32, #tpu.memory_space<vmem>> -> memref<1x2x128xi32, #tpu.memory_space<vmem>>
        %dma_wait3A_302 = tpu.memref_squeeze %dma_wait3A_301 : memref<1x2x128xi32, #tpu.memory_space<vmem>> -> memref<2x128xi32, #tpu.memory_space<vmem>>
        %dma_wait3A_303 = arith.constant 0 : i32
        %dma_wait3A_304 = arith.constant 0 : i32
        %dma_wait3A_305 = tpu.memref_slice %arg3[%add3A_289, %dma_wait3A_303, %dma_wait3A_304] : memref<2560x2x128xi32, #tpu.memory_space<hbm>> -> memref<1x2x128xi32, #tpu.memory_space<hbm>>
        %dma_wait3A_306 = tpu.memref_squeeze %dma_wait3A_305 : memref<1x2x128xi32, #tpu.memory_space<hbm>> -> memref<2x128xi32, #tpu.memory_space<hbm>>
        tpu.wait_dma2 semaphore(%arg9 : memref<!tpu.dma_semaphore, #tpu.memory_space<semaphore_mem>>) src(%dma_wait3A_306 : memref<2x128xi32, #tpu.memory_space<hbm>>) dst(%dma_wait3A_302 : memref<2x128xi32, #tpu.memory_space<vmem>>)
        %dma_start3A_307 = arith.constant 1 : i32
        %dma_start3A_308 = arith.constant 0 : i32
        %dma_start3A_309 = arith.constant 1 : i32
        %dma_start3A_310 = arith.constant 0 : i32
        %dma_start3A_311 = arith.constant 0 : i32
        %dma_start3A_312 = tpu.memref_slice %arg7[%dma_start3A_309, %dma_start3A_310, %dma_start3A_311] : memref<2x128x128xf32, #tpu.memory_space<vmem>> -> memref<1x128x128xf32, #tpu.memory_space<vmem>>
        %dma_start3A_313 = tpu.memref_squeeze %dma_start3A_312 : memref<1x128x128xf32, #tpu.memory_space<vmem>> -> memref<128x128xf32, #tpu.memory_space<vmem>>
        %dma_start3A_314 = arith.constant 0 : i32
        %dma_start3A_315 = tpu.memref_slice %arg6[%dma_start3A_307, %dma_start3A_308, %dma_start3A_314] : memref<4x2x128xi32, #tpu.memory_space<vmem>> -> memref<1x1x128xi32, #tpu.memory_space<vmem>>
        %dma_start3A_316 = tpu.memref_squeeze %dma_start3A_315 : memref<1x1x128xi32, #tpu.memory_space<vmem>> -> memref<128xi32, #tpu.memory_space<vmem>>
        %dma_start3A_317 = arith.constant 0 : i32
        %dma_start3A_318 = arith.constant 0 : i32
        %dma_start3A_319 = tpu.memref_slice %arg2[%dma_start3A_317, %dma_start3A_318] : memref<10000x128xf32, #tpu.memory_space<hbm>> -> memref<10000x128xf32, #tpu.memory_space<hbm>>
        tpu.enqueue_indirect_dma source(%dma_start3A_319 : memref<10000x128xf32, #tpu.memory_space<hbm>>) target(%dma_start3A_313 : memref<128x128xf32, #tpu.memory_space<vmem>>) offsets(%dma_start3A_316 : memref<128xi32, #tpu.memory_space<vmem>>) semaphore(%arg10 : memref<!tpu.dma_semaphore, #tpu.memory_space<semaphore_mem>>)
      } else {
      }
      %add3A_142 = arith.constant 2 : i32
      %add3A_143 = arith.addi %add3A_108, %add3A_142 : i32
      %lt3A_144 = arith.cmpi slt, %add3A_143, %select_n3A : i32
      %convert_element_type3A_145 = arith.extui %lt3A_144 : i1 to i32
      %cond3A_146 = arith.constant 0 : i32
      %cond3A_147 = arith.cmpi ne, %convert_element_type3A_145, %cond3A_146 : i32
      scf.if %cond3A_147 {
        %add3A_289 = arith.constant 2 : i32
        %add3A_290 = arith.addi %add3A_108, %add3A_289 : i32
        %add3A_291 = arith.addi %select_n3A_8, %add3A_290 : i32
        %dma_start3A_292 = arith.constant 2 : i32
        %dma_start3A_293 = arith.constant 0 : i32
        %dma_start3A_294 = arith.constant 0 : i32
        %dma_start3A_295 = tpu.memref_slice %arg6[%dma_start3A_292, %dma_start3A_293, %dma_start3A_294] : memref<4x2x128xi32, #tpu.memory_space<vmem>> -> memref<1x2x128xi32, #tpu.memory_space<vmem>>
        %dma_start3A_296 = tpu.memref_squeeze %dma_start3A_295 : memref<1x2x128xi32, #tpu.memory_space<vmem>> -> memref<2x128xi32, #tpu.memory_space<vmem>>
        %dma_start3A_297 = arith.constant 0 : i32
        %dma_start3A_298 = arith.constant 0 : i32
        %dma_start3A_299 = tpu.memref_slice %arg3[%add3A_291, %dma_start3A_297, %dma_start3A_298] : memref<2560x2x128xi32, #tpu.memory_space<hbm>> -> memref<1x2x128xi32, #tpu.memory_space<hbm>>
        %dma_start3A_300 = tpu.memref_squeeze %dma_start3A_299 : memref<1x2x128xi32, #tpu.memory_space<hbm>> -> memref<2x128xi32, #tpu.memory_space<hbm>>
        %dma_start3A_301 = arith.constant 0 : i32
        %dma_start3A_302 = arith.constant 0 : i32
        %dma_start3A_303 = tpu.memref_slice %arg6[%dma_start3A_292, %dma_start3A_301, %dma_start3A_302] : memref<4x2x128xi32, #tpu.memory_space<vmem>> -> memref<1x2x128xi32, #tpu.memory_space<vmem>>
        %dma_start3A_304 = tpu.memref_squeeze %dma_start3A_303 : memref<1x2x128xi32, #tpu.memory_space<vmem>> -> memref<2x128xi32, #tpu.memory_space<vmem>>
        %dma_start3A_305 = arith.constant 0 : i32
        %dma_start3A_306 = arith.constant 0 : i32
        %dma_start3A_307 = tpu.memref_slice %arg3[%add3A_291, %dma_start3A_305, %dma_start3A_306] : memref<2560x2x128xi32, #tpu.memory_space<hbm>> -> memref<1x2x128xi32, #tpu.memory_space<hbm>>
        %dma_start3A_308 = tpu.memref_squeeze %dma_start3A_307 : memref<1x2x128xi32, #tpu.memory_space<hbm>> -> memref<2x128xi32, #tpu.memory_space<hbm>>
        tpu.enqueue_dma source(%dma_start3A_308 : memref<2x128xi32, #tpu.memory_space<hbm>>) target(%dma_start3A_304 : memref<2x128xi32, #tpu.memory_space<vmem>>) target_semaphore(%arg9 : memref<!tpu.dma_semaphore, #tpu.memory_space<semaphore_mem>>)
      } else {
      }
      %mul3A_148 = arith.constant 4 : i32
      %mul3A_149 = arith.muli %while3A_104, %mul3A_148 : i32
      %add3A_150 = arith.constant 1 : i32
      %add3A_151 = arith.addi %mul3A_149, %add3A_150 : i32
      %add3A_152 = arith.constant 1 : i32
      %add3A_153 = arith.addi %add3A_151, %add3A_152 : i32
      %dma_wait3A_154 = arith.constant 1 : i32
      %dma_wait3A_155 = arith.constant 0 : i32
      %dma_wait3A_156 = arith.constant 1 : i32
      %dma_wait3A_157 = arith.constant 0 : i32
      %dma_wait3A_158 = arith.constant 0 : i32
      %dma_wait3A_159 = tpu.memref_slice %arg7[%dma_wait3A_156, %dma_wait3A_157, %dma_wait3A_158] : memref<2x128x128xf32, #tpu.memory_space<vmem>> -> memref<1x128x128xf32, #tpu.memory_space<vmem>>
      %dma_wait3A_160 = tpu.memref_squeeze %dma_wait3A_159 : memref<1x128x128xf32, #tpu.memory_space<vmem>> -> memref<128x128xf32, #tpu.memory_space<vmem>>
      %dma_wait3A_161 = arith.constant 0 : i32
      %dma_wait3A_162 = tpu.memref_slice %arg6[%dma_wait3A_154, %dma_wait3A_155, %dma_wait3A_161] : memref<4x2x128xi32, #tpu.memory_space<vmem>> -> memref<1x1x128xi32, #tpu.memory_space<vmem>>
      %dma_wait3A_163 = tpu.memref_squeeze %dma_wait3A_162 : memref<1x1x128xi32, #tpu.memory_space<vmem>> -> memref<128xi32, #tpu.memory_space<vmem>>
      %dma_wait3A_164 = arith.constant 0 : i32
      %dma_wait3A_165 = arith.constant 0 : i32
      %dma_wait3A_166 = tpu.memref_slice %arg2[%dma_wait3A_164, %dma_wait3A_165] : memref<10000x128xf32, #tpu.memory_space<hbm>> -> memref<10000x128xf32, #tpu.memory_space<hbm>>
      tpu.wait_indirect_dma semaphore(%arg10 : memref<!tpu.dma_semaphore, #tpu.memory_space<semaphore_mem>>) src(%dma_wait3A_166 : memref<10000x128xf32, #tpu.memory_space<hbm>>) dst(%dma_wait3A_160 : memref<128x128xf32, #tpu.memory_space<vmem>>)
      %dma_start3A_167 = arith.constant 1 : i32
      %dma_start3A_168 = arith.constant 1 : i32
      %dma_start3A_169 = arith.constant 1 : i32
      %dma_start3A_170 = arith.constant 0 : i32
      %dma_start3A_171 = arith.constant 0 : i32
      %dma_start3A_172 = tpu.memref_slice %arg7[%dma_start3A_167, %dma_start3A_170, %dma_start3A_171] : memref<2x128x128xf32, #tpu.memory_space<vmem>> -> memref<1x128x128xf32, #tpu.memory_space<vmem>>
      %dma_start3A_173 = tpu.memref_squeeze %dma_start3A_172 : memref<1x128x128xf32, #tpu.memory_space<vmem>> -> memref<128x128xf32, #tpu.memory_space<vmem>>
      %dma_start3A_174 = arith.constant 0 : i32
      %dma_start3A_175 = tpu.memref_slice %arg6[%dma_start3A_168, %dma_start3A_169, %dma_start3A_174] : memref<4x2x128xi32, #tpu.memory_space<vmem>> -> memref<1x1x128xi32, #tpu.memory_space<vmem>>
      %dma_start3A_176 = tpu.memref_squeeze %dma_start3A_175 : memref<1x1x128xi32, #tpu.memory_space<vmem>> -> memref<128xi32, #tpu.memory_space<vmem>>
      %dma_start3A_177 = arith.constant 0 : i32
      %dma_start3A_178 = arith.constant 0 : i32
      %dma_start3A_179 = tpu.memref_slice %arg8[%dma_start3A_177, %dma_start3A_178] : memref<10240x128xf32, #tpu.memory_space<vmem_shared>> -> memref<10240x128xf32, #tpu.memory_space<vmem_shared>>
      tpu.enqueue_indirect_dma source(%dma_start3A_173 : memref<128x128xf32, #tpu.memory_space<vmem>>) target(%dma_start3A_179 : memref<10240x128xf32, #tpu.memory_space<vmem_shared>>) offsets(%dma_start3A_176 : memref<128xi32, #tpu.memory_space<vmem>>) semaphore(%arg11 : memref<!tpu.dma_semaphore, #tpu.memory_space<semaphore_mem>>) {add = true}
      %ge3A_180 = arith.constant 1 : i32
      %ge3A_181 = arith.cmpi sge, %add3A_151, %ge3A_180 : i32
      %convert_element_type3A_182 = arith.extui %ge3A_181 : i1 to i32
      %cond3A_183 = arith.constant 0 : i32
      %cond3A_184 = arith.cmpi ne, %convert_element_type3A_182, %cond3A_183 : i32
      scf.if %cond3A_184 {
        %dma_wait3A_289 = arith.constant 0 : i32
        %dma_wait3A_290 = arith.constant 0 : i32
        %dma_wait3A_291 = arith.constant 1 : i32
        %dma_wait3A_292 = arith.constant 0 : i32
        %dma_wait3A_293 = arith.constant 0 : i32
        %dma_wait3A_294 = tpu.memref_slice %arg7[%dma_wait3A_289, %dma_wait3A_292, %dma_wait3A_293] : memref<2x128x128xf32, #tpu.memory_space<vmem>> -> memref<1x128x128xf32, #tpu.memory_space<vmem>>
        %dma_wait3A_295 = tpu.memref_squeeze %dma_wait3A_294 : memref<1x128x128xf32, #tpu.memory_space<vmem>> -> memref<128x128xf32, #tpu.memory_space<vmem>>
        %dma_wait3A_296 = arith.constant 0 : i32
        %dma_wait3A_297 = tpu.memref_slice %arg6[%dma_wait3A_290, %dma_wait3A_291, %dma_wait3A_296] : memref<4x2x128xi32, #tpu.memory_space<vmem>> -> memref<1x1x128xi32, #tpu.memory_space<vmem>>
        %dma_wait3A_298 = tpu.memref_squeeze %dma_wait3A_297 : memref<1x1x128xi32, #tpu.memory_space<vmem>> -> memref<128xi32, #tpu.memory_space<vmem>>
        %dma_wait3A_299 = arith.constant 0 : i32
        %dma_wait3A_300 = arith.constant 0 : i32
        %dma_wait3A_301 = tpu.memref_slice %arg8[%dma_wait3A_299, %dma_wait3A_300] : memref<10240x128xf32, #tpu.memory_space<vmem_shared>> -> memref<10240x128xf32, #tpu.memory_space<vmem_shared>>
        tpu.wait_indirect_dma semaphore(%arg11 : memref<!tpu.dma_semaphore, #tpu.memory_space<semaphore_mem>>) src(%dma_wait3A_295 : memref<128x128xf32, #tpu.memory_space<vmem>>) dst(%dma_wait3A_301 : memref<10240x128xf32, #tpu.memory_space<vmem_shared>>)
      } else {
      }
      %lt3A_185 = arith.cmpi slt, %add3A_153, %select_n3A : i32
      %convert_element_type3A_186 = arith.extui %lt3A_185 : i1 to i32
      %cond3A_187 = arith.constant 0 : i32
      %cond3A_188 = arith.cmpi ne, %convert_element_type3A_186, %cond3A_187 : i32
      scf.if %cond3A_188 {
        %add3A_289 = arith.addi %select_n3A_8, %add3A_153 : i32
        %dma_wait3A_290 = arith.constant 2 : i32
        %dma_wait3A_291 = arith.constant 0 : i32
        %dma_wait3A_292 = arith.constant 0 : i32
        %dma_wait3A_293 = tpu.memref_slice %arg6[%dma_wait3A_290, %dma_wait3A_291, %dma_wait3A_292] : memref<4x2x128xi32, #tpu.memory_space<vmem>> -> memref<1x2x128xi32, #tpu.memory_space<vmem>>
        %dma_wait3A_294 = tpu.memref_squeeze %dma_wait3A_293 : memref<1x2x128xi32, #tpu.memory_space<vmem>> -> memref<2x128xi32, #tpu.memory_space<vmem>>
        %dma_wait3A_295 = arith.constant 0 : i32
        %dma_wait3A_296 = arith.constant 0 : i32
        %dma_wait3A_297 = tpu.memref_slice %arg3[%add3A_289, %dma_wait3A_295, %dma_wait3A_296] : memref<2560x2x128xi32, #tpu.memory_space<hbm>> -> memref<1x2x128xi32, #tpu.memory_space<hbm>>
        %dma_wait3A_298 = tpu.memref_squeeze %dma_wait3A_297 : memref<1x2x128xi32, #tpu.memory_space<hbm>> -> memref<2x128xi32, #tpu.memory_space<hbm>>
        %dma_wait3A_299 = arith.constant 0 : i32
        %dma_wait3A_300 = arith.constant 0 : i32
        %dma_wait3A_301 = tpu.memref_slice %arg6[%dma_wait3A_290, %dma_wait3A_299, %dma_wait3A_300] : memref<4x2x128xi32, #tpu.memory_space<vmem>> -> memref<1x2x128xi32, #tpu.memory_space<vmem>>
        %dma_wait3A_302 = tpu.memref_squeeze %dma_wait3A_301 : memref<1x2x128xi32, #tpu.memory_space<vmem>> -> memref<2x128xi32, #tpu.memory_space<vmem>>
        %dma_wait3A_303 = arith.constant 0 : i32
        %dma_wait3A_304 = arith.constant 0 : i32
        %dma_wait3A_305 = tpu.memref_slice %arg3[%add3A_289, %dma_wait3A_303, %dma_wait3A_304] : memref<2560x2x128xi32, #tpu.memory_space<hbm>> -> memref<1x2x128xi32, #tpu.memory_space<hbm>>
        %dma_wait3A_306 = tpu.memref_squeeze %dma_wait3A_305 : memref<1x2x128xi32, #tpu.memory_space<hbm>> -> memref<2x128xi32, #tpu.memory_space<hbm>>
        tpu.wait_dma2 semaphore(%arg9 : memref<!tpu.dma_semaphore, #tpu.memory_space<semaphore_mem>>) src(%dma_wait3A_306 : memref<2x128xi32, #tpu.memory_space<hbm>>) dst(%dma_wait3A_302 : memref<2x128xi32, #tpu.memory_space<vmem>>)
        %dma_start3A_307 = arith.constant 2 : i32
        %dma_start3A_308 = arith.constant 0 : i32
        %dma_start3A_309 = arith.constant 0 : i32
        %dma_start3A_310 = arith.constant 0 : i32
        %dma_start3A_311 = arith.constant 0 : i32
        %dma_start3A_312 = tpu.memref_slice %arg7[%dma_start3A_309, %dma_start3A_310, %dma_start3A_311] : memref<2x128x128xf32, #tpu.memory_space<vmem>> -> memref<1x128x128xf32, #tpu.memory_space<vmem>>
        %dma_start3A_313 = tpu.memref_squeeze %dma_start3A_312 : memref<1x128x128xf32, #tpu.memory_space<vmem>> -> memref<128x128xf32, #tpu.memory_space<vmem>>
        %dma_start3A_314 = arith.constant 0 : i32
        %dma_start3A_315 = tpu.memref_slice %arg6[%dma_start3A_307, %dma_start3A_308, %dma_start3A_314] : memref<4x2x128xi32, #tpu.memory_space<vmem>> -> memref<1x1x128xi32, #tpu.memory_space<vmem>>
        %dma_start3A_316 = tpu.memref_squeeze %dma_start3A_315 : memref<1x1x128xi32, #tpu.memory_space<vmem>> -> memref<128xi32, #tpu.memory_space<vmem>>
        %dma_start3A_317 = arith.constant 0 : i32
        %dma_start3A_318 = arith.constant 0 : i32
        %dma_start3A_319 = tpu.memref_slice %arg2[%dma_start3A_317, %dma_start3A_318] : memref<10000x128xf32, #tpu.memory_space<hbm>> -> memref<10000x128xf32, #tpu.memory_space<hbm>>
        tpu.enqueue_indirect_dma source(%dma_start3A_319 : memref<10000x128xf32, #tpu.memory_space<hbm>>) target(%dma_start3A_313 : memref<128x128xf32, #tpu.memory_space<vmem>>) offsets(%dma_start3A_316 : memref<128xi32, #tpu.memory_space<vmem>>) semaphore(%arg10 : memref<!tpu.dma_semaphore, #tpu.memory_space<semaphore_mem>>)
      } else {
      }
      %add3A_189 = arith.constant 2 : i32
      %add3A_190 = arith.addi %add3A_151, %add3A_189 : i32
      %lt3A_191 = arith.cmpi slt, %add3A_190, %select_n3A : i32
      %convert_element_type3A_192 = arith.extui %lt3A_191 : i1 to i32
      %cond3A_193 = arith.constant 0 : i32
      %cond3A_194 = arith.cmpi ne, %convert_element_type3A_192, %cond3A_193 : i32
      scf.if %cond3A_194 {
        %add3A_289 = arith.constant 2 : i32
        %add3A_290 = arith.addi %add3A_151, %add3A_289 : i32
        %add3A_291 = arith.addi %select_n3A_8, %add3A_290 : i32
        %dma_start3A_292 = arith.constant 3 : i32
        %dma_start3A_293 = arith.constant 0 : i32
        %dma_start3A_294 = arith.constant 0 : i32
        %dma_start3A_295 = tpu.memref_slice %arg6[%dma_start3A_292, %dma_start3A_293, %dma_start3A_294] : memref<4x2x128xi32, #tpu.memory_space<vmem>> -> memref<1x2x128xi32, #tpu.memory_space<vmem>>
        %dma_start3A_296 = tpu.memref_squeeze %dma_start3A_295 : memref<1x2x128xi32, #tpu.memory_space<vmem>> -> memref<2x128xi32, #tpu.memory_space<vmem>>
        %dma_start3A_297 = arith.constant 0 : i32
        %dma_start3A_298 = arith.constant 0 : i32
        %dma_start3A_299 = tpu.memref_slice %arg3[%add3A_291, %dma_start3A_297, %dma_start3A_298] : memref<2560x2x128xi32, #tpu.memory_space<hbm>> -> memref<1x2x128xi32, #tpu.memory_space<hbm>>
        %dma_start3A_300 = tpu.memref_squeeze %dma_start3A_299 : memref<1x2x128xi32, #tpu.memory_space<hbm>> -> memref<2x128xi32, #tpu.memory_space<hbm>>
        %dma_start3A_301 = arith.constant 0 : i32
        %dma_start3A_302 = arith.constant 0 : i32
        %dma_start3A_303 = tpu.memref_slice %arg6[%dma_start3A_292, %dma_start3A_301, %dma_start3A_302] : memref<4x2x128xi32, #tpu.memory_space<vmem>> -> memref<1x2x128xi32, #tpu.memory_space<vmem>>
        %dma_start3A_304 = tpu.memref_squeeze %dma_start3A_303 : memref<1x2x128xi32, #tpu.memory_space<vmem>> -> memref<2x128xi32, #tpu.memory_space<vmem>>
        %dma_start3A_305 = arith.constant 0 : i32
        %dma_start3A_306 = arith.constant 0 : i32
        %dma_start3A_307 = tpu.memref_slice %arg3[%add3A_291, %dma_start3A_305, %dma_start3A_306] : memref<2560x2x128xi32, #tpu.memory_space<hbm>> -> memref<1x2x128xi32, #tpu.memory_space<hbm>>
        %dma_start3A_308 = tpu.memref_squeeze %dma_start3A_307 : memref<1x2x128xi32, #tpu.memory_space<hbm>> -> memref<2x128xi32, #tpu.memory_space<hbm>>
        tpu.enqueue_dma source(%dma_start3A_308 : memref<2x128xi32, #tpu.memory_space<hbm>>) target(%dma_start3A_304 : memref<2x128xi32, #tpu.memory_space<vmem>>) target_semaphore(%arg9 : memref<!tpu.dma_semaphore, #tpu.memory_space<semaphore_mem>>)
      } else {
      }
      %mul3A_195 = arith.constant 4 : i32
      %mul3A_196 = arith.muli %while3A_104, %mul3A_195 : i32
      %add3A_197 = arith.constant 2 : i32
      %add3A_198 = arith.addi %mul3A_196, %add3A_197 : i32
      %add3A_199 = arith.constant 1 : i32
      %add3A_200 = arith.addi %add3A_198, %add3A_199 : i32
      %dma_wait3A_201 = arith.constant 2 : i32
      %dma_wait3A_202 = arith.constant 0 : i32
      %dma_wait3A_203 = arith.constant 0 : i32
      %dma_wait3A_204 = arith.constant 0 : i32
      %dma_wait3A_205 = arith.constant 0 : i32
      %dma_wait3A_206 = tpu.memref_slice %arg7[%dma_wait3A_203, %dma_wait3A_204, %dma_wait3A_205] : memref<2x128x128xf32, #tpu.memory_space<vmem>> -> memref<1x128x128xf32, #tpu.memory_space<vmem>>
      %dma_wait3A_207 = tpu.memref_squeeze %dma_wait3A_206 : memref<1x128x128xf32, #tpu.memory_space<vmem>> -> memref<128x128xf32, #tpu.memory_space<vmem>>
      %dma_wait3A_208 = arith.constant 0 : i32
      %dma_wait3A_209 = tpu.memref_slice %arg6[%dma_wait3A_201, %dma_wait3A_202, %dma_wait3A_208] : memref<4x2x128xi32, #tpu.memory_space<vmem>> -> memref<1x1x128xi32, #tpu.memory_space<vmem>>
      %dma_wait3A_210 = tpu.memref_squeeze %dma_wait3A_209 : memref<1x1x128xi32, #tpu.memory_space<vmem>> -> memref<128xi32, #tpu.memory_space<vmem>>
      %dma_wait3A_211 = arith.constant 0 : i32
      %dma_wait3A_212 = arith.constant 0 : i32
      %dma_wait3A_213 = tpu.memref_slice %arg2[%dma_wait3A_211, %dma_wait3A_212] : memref<10000x128xf32, #tpu.memory_space<hbm>> -> memref<10000x128xf32, #tpu.memory_space<hbm>>
      tpu.wait_indirect_dma semaphore(%arg10 : memref<!tpu.dma_semaphore, #tpu.memory_space<semaphore_mem>>) src(%dma_wait3A_213 : memref<10000x128xf32, #tpu.memory_space<hbm>>) dst(%dma_wait3A_207 : memref<128x128xf32, #tpu.memory_space<vmem>>)
      %dma_start3A_214 = arith.constant 0 : i32
      %dma_start3A_215 = arith.constant 2 : i32
      %dma_start3A_216 = arith.constant 1 : i32
      %dma_start3A_217 = arith.constant 0 : i32
      %dma_start3A_218 = arith.constant 0 : i32
      %dma_start3A_219 = tpu.memref_slice %arg7[%dma_start3A_214, %dma_start3A_217, %dma_start3A_218] : memref<2x128x128xf32, #tpu.memory_space<vmem>> -> memref<1x128x128xf32, #tpu.memory_space<vmem>>
      %dma_start3A_220 = tpu.memref_squeeze %dma_start3A_219 : memref<1x128x128xf32, #tpu.memory_space<vmem>> -> memref<128x128xf32, #tpu.memory_space<vmem>>
      %dma_start3A_221 = arith.constant 0 : i32
      %dma_start3A_222 = tpu.memref_slice %arg6[%dma_start3A_215, %dma_start3A_216, %dma_start3A_221] : memref<4x2x128xi32, #tpu.memory_space<vmem>> -> memref<1x1x128xi32, #tpu.memory_space<vmem>>
      %dma_start3A_223 = tpu.memref_squeeze %dma_start3A_222 : memref<1x1x128xi32, #tpu.memory_space<vmem>> -> memref<128xi32, #tpu.memory_space<vmem>>
      %dma_start3A_224 = arith.constant 0 : i32
      %dma_start3A_225 = arith.constant 0 : i32
      %dma_start3A_226 = tpu.memref_slice %arg8[%dma_start3A_224, %dma_start3A_225] : memref<10240x128xf32, #tpu.memory_space<vmem_shared>> -> memref<10240x128xf32, #tpu.memory_space<vmem_shared>>
      tpu.enqueue_indirect_dma source(%dma_start3A_220 : memref<128x128xf32, #tpu.memory_space<vmem>>) target(%dma_start3A_226 : memref<10240x128xf32, #tpu.memory_space<vmem_shared>>) offsets(%dma_start3A_223 : memref<128xi32, #tpu.memory_space<vmem>>) semaphore(%arg11 : memref<!tpu.dma_semaphore, #tpu.memory_space<semaphore_mem>>) {add = true}
      %ge3A_227 = arith.constant 1 : i32
      %ge3A_228 = arith.cmpi sge, %add3A_198, %ge3A_227 : i32
      %convert_element_type3A_229 = arith.extui %ge3A_228 : i1 to i32
      %cond3A_230 = arith.constant 0 : i32
      %cond3A_231 = arith.cmpi ne, %convert_element_type3A_229, %cond3A_230 : i32
      scf.if %cond3A_231 {
        %dma_wait3A_289 = arith.constant 1 : i32
        %dma_wait3A_290 = arith.constant 1 : i32
        %dma_wait3A_291 = arith.constant 1 : i32
        %dma_wait3A_292 = arith.constant 0 : i32
        %dma_wait3A_293 = arith.constant 0 : i32
        %dma_wait3A_294 = tpu.memref_slice %arg7[%dma_wait3A_289, %dma_wait3A_292, %dma_wait3A_293] : memref<2x128x128xf32, #tpu.memory_space<vmem>> -> memref<1x128x128xf32, #tpu.memory_space<vmem>>
        %dma_wait3A_295 = tpu.memref_squeeze %dma_wait3A_294 : memref<1x128x128xf32, #tpu.memory_space<vmem>> -> memref<128x128xf32, #tpu.memory_space<vmem>>
        %dma_wait3A_296 = arith.constant 0 : i32
        %dma_wait3A_297 = tpu.memref_slice %arg6[%dma_wait3A_290, %dma_wait3A_291, %dma_wait3A_296] : memref<4x2x128xi32, #tpu.memory_space<vmem>> -> memref<1x1x128xi32, #tpu.memory_space<vmem>>
        %dma_wait3A_298 = tpu.memref_squeeze %dma_wait3A_297 : memref<1x1x128xi32, #tpu.memory_space<vmem>> -> memref<128xi32, #tpu.memory_space<vmem>>
        %dma_wait3A_299 = arith.constant 0 : i32
        %dma_wait3A_300 = arith.constant 0 : i32
        %dma_wait3A_301 = tpu.memref_slice %arg8[%dma_wait3A_299, %dma_wait3A_300] : memref<10240x128xf32, #tpu.memory_space<vmem_shared>> -> memref<10240x128xf32, #tpu.memory_space<vmem_shared>>
        tpu.wait_indirect_dma semaphore(%arg11 : memref<!tpu.dma_semaphore, #tpu.memory_space<semaphore_mem>>) src(%dma_wait3A_295 : memref<128x128xf32, #tpu.memory_space<vmem>>) dst(%dma_wait3A_301 : memref<10240x128xf32, #tpu.memory_space<vmem_shared>>)
      } else {
      }
      %lt3A_232 = arith.cmpi slt, %add3A_200, %select_n3A : i32
      %convert_element_type3A_233 = arith.extui %lt3A_232 : i1 to i32
      %cond3A_234 = arith.constant 0 : i32
      %cond3A_235 = arith.cmpi ne, %convert_element_type3A_233, %cond3A_234 : i32
      scf.if %cond3A_235 {
        %add3A_289 = arith.addi %select_n3A_8, %add3A_200 : i32
        %dma_wait3A_290 = arith.constant 3 : i32
        %dma_wait3A_291 = arith.constant 0 : i32
        %dma_wait3A_292 = arith.constant 0 : i32
        %dma_wait3A_293 = tpu.memref_slice %arg6[%dma_wait3A_290, %dma_wait3A_291, %dma_wait3A_292] : memref<4x2x128xi32, #tpu.memory_space<vmem>> -> memref<1x2x128xi32, #tpu.memory_space<vmem>>
        %dma_wait3A_294 = tpu.memref_squeeze %dma_wait3A_293 : memref<1x2x128xi32, #tpu.memory_space<vmem>> -> memref<2x128xi32, #tpu.memory_space<vmem>>
        %dma_wait3A_295 = arith.constant 0 : i32
        %dma_wait3A_296 = arith.constant 0 : i32
        %dma_wait3A_297 = tpu.memref_slice %arg3[%add3A_289, %dma_wait3A_295, %dma_wait3A_296] : memref<2560x2x128xi32, #tpu.memory_space<hbm>> -> memref<1x2x128xi32, #tpu.memory_space<hbm>>
        %dma_wait3A_298 = tpu.memref_squeeze %dma_wait3A_297 : memref<1x2x128xi32, #tpu.memory_space<hbm>> -> memref<2x128xi32, #tpu.memory_space<hbm>>
        %dma_wait3A_299 = arith.constant 0 : i32
        %dma_wait3A_300 = arith.constant 0 : i32
        %dma_wait3A_301 = tpu.memref_slice %arg6[%dma_wait3A_290, %dma_wait3A_299, %dma_wait3A_300] : memref<4x2x128xi32, #tpu.memory_space<vmem>> -> memref<1x2x128xi32, #tpu.memory_space<vmem>>
        %dma_wait3A_302 = tpu.memref_squeeze %dma_wait3A_301 : memref<1x2x128xi32, #tpu.memory_space<vmem>> -> memref<2x128xi32, #tpu.memory_space<vmem>>
        %dma_wait3A_303 = arith.constant 0 : i32
        %dma_wait3A_304 = arith.constant 0 : i32
        %dma_wait3A_305 = tpu.memref_slice %arg3[%add3A_289, %dma_wait3A_303, %dma_wait3A_304] : memref<2560x2x128xi32, #tpu.memory_space<hbm>> -> memref<1x2x128xi32, #tpu.memory_space<hbm>>
        %dma_wait3A_306 = tpu.memref_squeeze %dma_wait3A_305 : memref<1x2x128xi32, #tpu.memory_space<hbm>> -> memref<2x128xi32, #tpu.memory_space<hbm>>
        tpu.wait_dma2 semaphore(%arg9 : memref<!tpu.dma_semaphore, #tpu.memory_space<semaphore_mem>>) src(%dma_wait3A_306 : memref<2x128xi32, #tpu.memory_space<hbm>>) dst(%dma_wait3A_302 : memref<2x128xi32, #tpu.memory_space<vmem>>)
        %dma_start3A_307 = arith.constant 3 : i32
        %dma_start3A_308 = arith.constant 0 : i32
        %dma_start3A_309 = arith.constant 1 : i32
        %dma_start3A_310 = arith.constant 0 : i32
        %dma_start3A_311 = arith.constant 0 : i32
        %dma_start3A_312 = tpu.memref_slice %arg7[%dma_start3A_309, %dma_start3A_310, %dma_start3A_311] : memref<2x128x128xf32, #tpu.memory_space<vmem>> -> memref<1x128x128xf32, #tpu.memory_space<vmem>>
        %dma_start3A_313 = tpu.memref_squeeze %dma_start3A_312 : memref<1x128x128xf32, #tpu.memory_space<vmem>> -> memref<128x128xf32, #tpu.memory_space<vmem>>
        %dma_start3A_314 = arith.constant 0 : i32
        %dma_start3A_315 = tpu.memref_slice %arg6[%dma_start3A_307, %dma_start3A_308, %dma_start3A_314] : memref<4x2x128xi32, #tpu.memory_space<vmem>> -> memref<1x1x128xi32, #tpu.memory_space<vmem>>
        %dma_start3A_316 = tpu.memref_squeeze %dma_start3A_315 : memref<1x1x128xi32, #tpu.memory_space<vmem>> -> memref<128xi32, #tpu.memory_space<vmem>>
        %dma_start3A_317 = arith.constant 0 : i32
        %dma_start3A_318 = arith.constant 0 : i32
        %dma_start3A_319 = tpu.memref_slice %arg2[%dma_start3A_317, %dma_start3A_318] : memref<10000x128xf32, #tpu.memory_space<hbm>> -> memref<10000x128xf32, #tpu.memory_space<hbm>>
        tpu.enqueue_indirect_dma source(%dma_start3A_319 : memref<10000x128xf32, #tpu.memory_space<hbm>>) target(%dma_start3A_313 : memref<128x128xf32, #tpu.memory_space<vmem>>) offsets(%dma_start3A_316 : memref<128xi32, #tpu.memory_space<vmem>>) semaphore(%arg10 : memref<!tpu.dma_semaphore, #tpu.memory_space<semaphore_mem>>)
      } else {
      }
      %add3A_236 = arith.constant 2 : i32
      %add3A_237 = arith.addi %add3A_198, %add3A_236 : i32
      %lt3A_238 = arith.cmpi slt, %add3A_237, %select_n3A : i32
      %convert_element_type3A_239 = arith.extui %lt3A_238 : i1 to i32
      %cond3A_240 = arith.constant 0 : i32
      %cond3A_241 = arith.cmpi ne, %convert_element_type3A_239, %cond3A_240 : i32
      scf.if %cond3A_241 {
        %add3A_289 = arith.constant 2 : i32
        %add3A_290 = arith.addi %add3A_198, %add3A_289 : i32
        %add3A_291 = arith.addi %select_n3A_8, %add3A_290 : i32
        %dma_start3A_292 = arith.constant 0 : i32
        %dma_start3A_293 = arith.constant 0 : i32
        %dma_start3A_294 = arith.constant 0 : i32
        %dma_start3A_295 = tpu.memref_slice %arg6[%dma_start3A_292, %dma_start3A_293, %dma_start3A_294] : memref<4x2x128xi32, #tpu.memory_space<vmem>> -> memref<1x2x128xi32, #tpu.memory_space<vmem>>
        %dma_start3A_296 = tpu.memref_squeeze %dma_start3A_295 : memref<1x2x128xi32, #tpu.memory_space<vmem>> -> memref<2x128xi32, #tpu.memory_space<vmem>>
        %dma_start3A_297 = arith.constant 0 : i32
        %dma_start3A_298 = arith.constant 0 : i32
        %dma_start3A_299 = tpu.memref_slice %arg3[%add3A_291, %dma_start3A_297, %dma_start3A_298] : memref<2560x2x128xi32, #tpu.memory_space<hbm>> -> memref<1x2x128xi32, #tpu.memory_space<hbm>>
        %dma_start3A_300 = tpu.memref_squeeze %dma_start3A_299 : memref<1x2x128xi32, #tpu.memory_space<hbm>> -> memref<2x128xi32, #tpu.memory_space<hbm>>
        %dma_start3A_301 = arith.constant 0 : i32
        %dma_start3A_302 = arith.constant 0 : i32
        %dma_start3A_303 = tpu.memref_slice %arg6[%dma_start3A_292, %dma_start3A_301, %dma_start3A_302] : memref<4x2x128xi32, #tpu.memory_space<vmem>> -> memref<1x2x128xi32, #tpu.memory_space<vmem>>
        %dma_start3A_304 = tpu.memref_squeeze %dma_start3A_303 : memref<1x2x128xi32, #tpu.memory_space<vmem>> -> memref<2x128xi32, #tpu.memory_space<vmem>>
        %dma_start3A_305 = arith.constant 0 : i32
        %dma_start3A_306 = arith.constant 0 : i32
        %dma_start3A_307 = tpu.memref_slice %arg3[%add3A_291, %dma_start3A_305, %dma_start3A_306] : memref<2560x2x128xi32, #tpu.memory_space<hbm>> -> memref<1x2x128xi32, #tpu.memory_space<hbm>>
        %dma_start3A_308 = tpu.memref_squeeze %dma_start3A_307 : memref<1x2x128xi32, #tpu.memory_space<hbm>> -> memref<2x128xi32, #tpu.memory_space<hbm>>
        tpu.enqueue_dma source(%dma_start3A_308 : memref<2x128xi32, #tpu.memory_space<hbm>>) target(%dma_start3A_304 : memref<2x128xi32, #tpu.memory_space<vmem>>) target_semaphore(%arg9 : memref<!tpu.dma_semaphore, #tpu.memory_space<semaphore_mem>>)
      } else {
      }
      %mul3A_242 = arith.constant 4 : i32
      %mul3A_243 = arith.muli %while3A_104, %mul3A_242 : i32
      %add3A_244 = arith.constant 3 : i32
      %add3A_245 = arith.addi %mul3A_243, %add3A_244 : i32
      %add3A_246 = arith.constant 1 : i32
      %add3A_247 = arith.addi %add3A_245, %add3A_246 : i32
      %dma_wait3A_248 = arith.constant 3 : i32
      %dma_wait3A_249 = arith.constant 0 : i32
      %dma_wait3A_250 = arith.constant 1 : i32
      %dma_wait3A_251 = arith.constant 0 : i32
      %dma_wait3A_252 = arith.constant 0 : i32
      %dma_wait3A_253 = tpu.memref_slice %arg7[%dma_wait3A_250, %dma_wait3A_251, %dma_wait3A_252] : memref<2x128x128xf32, #tpu.memory_space<vmem>> -> memref<1x128x128xf32, #tpu.memory_space<vmem>>
      %dma_wait3A_254 = tpu.memref_squeeze %dma_wait3A_253 : memref<1x128x128xf32, #tpu.memory_space<vmem>> -> memref<128x128xf32, #tpu.memory_space<vmem>>
      %dma_wait3A_255 = arith.constant 0 : i32
      %dma_wait3A_256 = tpu.memref_slice %arg6[%dma_wait3A_248, %dma_wait3A_249, %dma_wait3A_255] : memref<4x2x128xi32, #tpu.memory_space<vmem>> -> memref<1x1x128xi32, #tpu.memory_space<vmem>>
      %dma_wait3A_257 = tpu.memref_squeeze %dma_wait3A_256 : memref<1x1x128xi32, #tpu.memory_space<vmem>> -> memref<128xi32, #tpu.memory_space<vmem>>
      %dma_wait3A_258 = arith.constant 0 : i32
      %dma_wait3A_259 = arith.constant 0 : i32
      %dma_wait3A_260 = tpu.memref_slice %arg2[%dma_wait3A_258, %dma_wait3A_259] : memref<10000x128xf32, #tpu.memory_space<hbm>> -> memref<10000x128xf32, #tpu.memory_space<hbm>>
      tpu.wait_indirect_dma semaphore(%arg10 : memref<!tpu.dma_semaphore, #tpu.memory_space<semaphore_mem>>) src(%dma_wait3A_260 : memref<10000x128xf32, #tpu.memory_space<hbm>>) dst(%dma_wait3A_254 : memref<128x128xf32, #tpu.memory_space<vmem>>)
      %dma_start3A_261 = arith.constant 1 : i32
      %dma_start3A_262 = arith.constant 3 : i32
      %dma_start3A_263 = arith.constant 1 : i32
      %dma_start3A_264 = arith.constant 0 : i32
      %dma_start3A_265 = arith.constant 0 : i32
      %dma_start3A_266 = tpu.memref_slice %arg7[%dma_start3A_261, %dma_start3A_264, %dma_start3A_265] : memref<2x128x128xf32, #tpu.memory_space<vmem>> -> memref<1x128x128xf32, #tpu.memory_space<vmem>>
      %dma_start3A_267 = tpu.memref_squeeze %dma_start3A_266 : memref<1x128x128xf32, #tpu.memory_space<vmem>> -> memref<128x128xf32, #tpu.memory_space<vmem>>
      %dma_start3A_268 = arith.constant 0 : i32
      %dma_start3A_269 = tpu.memref_slice %arg6[%dma_start3A_262, %dma_start3A_263, %dma_start3A_268] : memref<4x2x128xi32, #tpu.memory_space<vmem>> -> memref<1x1x128xi32, #tpu.memory_space<vmem>>
      %dma_start3A_270 = tpu.memref_squeeze %dma_start3A_269 : memref<1x1x128xi32, #tpu.memory_space<vmem>> -> memref<128xi32, #tpu.memory_space<vmem>>
      %dma_start3A_271 = arith.constant 0 : i32
      %dma_start3A_272 = arith.constant 0 : i32
      %dma_start3A_273 = tpu.memref_slice %arg8[%dma_start3A_271, %dma_start3A_272] : memref<10240x128xf32, #tpu.memory_space<vmem_shared>> -> memref<10240x128xf32, #tpu.memory_space<vmem_shared>>
      tpu.enqueue_indirect_dma source(%dma_start3A_267 : memref<128x128xf32, #tpu.memory_space<vmem>>) target(%dma_start3A_273 : memref<10240x128xf32, #tpu.memory_space<vmem_shared>>) offsets(%dma_start3A_270 : memref<128xi32, #tpu.memory_space<vmem>>) semaphore(%arg11 : memref<!tpu.dma_semaphore, #tpu.memory_space<semaphore_mem>>) {add = true}
      %ge3A_274 = arith.constant 1 : i32
      %ge3A_275 = arith.cmpi sge, %add3A_245, %ge3A_274 : i32
      %convert_element_type3A_276 = arith.extui %ge3A_275 : i1 to i32
      %cond3A_277 = arith.constant 0 : i32
      %cond3A_278 = arith.cmpi ne, %convert_element_type3A_276, %cond3A_277 : i32
      scf.if %cond3A_278 {
        %dma_wait3A_289 = arith.constant 0 : i32
        %dma_wait3A_290 = arith.constant 2 : i32
        %dma_wait3A_291 = arith.constant 1 : i32
        %dma_wait3A_292 = arith.constant 0 : i32
        %dma_wait3A_293 = arith.constant 0 : i32
        %dma_wait3A_294 = tpu.memref_slice %arg7[%dma_wait3A_289, %dma_wait3A_292, %dma_wait3A_293] : memref<2x128x128xf32, #tpu.memory_space<vmem>> -> memref<1x128x128xf32, #tpu.memory_space<vmem>>
        %dma_wait3A_295 = tpu.memref_squeeze %dma_wait3A_294 : memref<1x128x128xf32, #tpu.memory_space<vmem>> -> memref<128x128xf32, #tpu.memory_space<vmem>>
        %dma_wait3A_296 = arith.constant 0 : i32
        %dma_wait3A_297 = tpu.memref_slice %arg6[%dma_wait3A_290, %dma_wait3A_291, %dma_wait3A_296] : memref<4x2x128xi32, #tpu.memory_space<vmem>> -> memref<1x1x128xi32, #tpu.memory_space<vmem>>
        %dma_wait3A_298 = tpu.memref_squeeze %dma_wait3A_297 : memref<1x1x128xi32, #tpu.memory_space<vmem>> -> memref<128xi32, #tpu.memory_space<vmem>>
        %dma_wait3A_299 = arith.constant 0 : i32
        %dma_wait3A_300 = arith.constant 0 : i32
        %dma_wait3A_301 = tpu.memref_slice %arg8[%dma_wait3A_299, %dma_wait3A_300] : memref<10240x128xf32, #tpu.memory_space<vmem_shared>> -> memref<10240x128xf32, #tpu.memory_space<vmem_shared>>
        tpu.wait_indirect_dma semaphore(%arg11 : memref<!tpu.dma_semaphore, #tpu.memory_space<semaphore_mem>>) src(%dma_wait3A_295 : memref<128x128xf32, #tpu.memory_space<vmem>>) dst(%dma_wait3A_301 : memref<10240x128xf32, #tpu.memory_space<vmem_shared>>)
      } else {
      }
      %lt3A_279 = arith.cmpi slt, %add3A_247, %select_n3A : i32
      %convert_element_type3A_280 = arith.extui %lt3A_279 : i1 to i32
      %cond3A_281 = arith.constant 0 : i32
      %cond3A_282 = arith.cmpi ne, %convert_element_type3A_280, %cond3A_281 : i32
      scf.if %cond3A_282 {
        %add3A_289 = arith.addi %select_n3A_8, %add3A_247 : i32
        %dma_wait3A_290 = arith.constant 0 : i32
        %dma_wait3A_291 = arith.constant 0 : i32
        %dma_wait3A_292 = arith.constant 0 : i32
        %dma_wait3A_293 = tpu.memref_slice %arg6[%dma_wait3A_290, %dma_wait3A_291, %dma_wait3A_292] : memref<4x2x128xi32, #tpu.memory_space<vmem>> -> memref<1x2x128xi32, #tpu.memory_space<vmem>>
        %dma_wait3A_294 = tpu.memref_squeeze %dma_wait3A_293 : memref<1x2x128xi32, #tpu.memory_space<vmem>> -> memref<2x128xi32, #tpu.memory_space<vmem>>
        %dma_wait3A_295 = arith.constant 0 : i32
        %dma_wait3A_296 = arith.constant 0 : i32
        %dma_wait3A_297 = tpu.memref_slice %arg3[%add3A_289, %dma_wait3A_295, %dma_wait3A_296] : memref<2560x2x128xi32, #tpu.memory_space<hbm>> -> memref<1x2x128xi32, #tpu.memory_space<hbm>>
        %dma_wait3A_298 = tpu.memref_squeeze %dma_wait3A_297 : memref<1x2x128xi32, #tpu.memory_space<hbm>> -> memref<2x128xi32, #tpu.memory_space<hbm>>
        %dma_wait3A_299 = arith.constant 0 : i32
        %dma_wait3A_300 = arith.constant 0 : i32
        %dma_wait3A_301 = tpu.memref_slice %arg6[%dma_wait3A_290, %dma_wait3A_299, %dma_wait3A_300] : memref<4x2x128xi32, #tpu.memory_space<vmem>> -> memref<1x2x128xi32, #tpu.memory_space<vmem>>
        %dma_wait3A_302 = tpu.memref_squeeze %dma_wait3A_301 : memref<1x2x128xi32, #tpu.memory_space<vmem>> -> memref<2x128xi32, #tpu.memory_space<vmem>>
        %dma_wait3A_303 = arith.constant 0 : i32
        %dma_wait3A_304 = arith.constant 0 : i32
        %dma_wait3A_305 = tpu.memref_slice %arg3[%add3A_289, %dma_wait3A_303, %dma_wait3A_304] : memref<2560x2x128xi32, #tpu.memory_space<hbm>> -> memref<1x2x128xi32, #tpu.memory_space<hbm>>
        %dma_wait3A_306 = tpu.memref_squeeze %dma_wait3A_305 : memref<1x2x128xi32, #tpu.memory_space<hbm>> -> memref<2x128xi32, #tpu.memory_space<hbm>>
        tpu.wait_dma2 semaphore(%arg9 : memref<!tpu.dma_semaphore, #tpu.memory_space<semaphore_mem>>) src(%dma_wait3A_306 : memref<2x128xi32, #tpu.memory_space<hbm>>) dst(%dma_wait3A_302 : memref<2x128xi32, #tpu.memory_space<vmem>>)
        %dma_start3A_307 = arith.constant 0 : i32
        %dma_start3A_308 = arith.constant 0 : i32
        %dma_start3A_309 = arith.constant 0 : i32
        %dma_start3A_310 = arith.constant 0 : i32
        %dma_start3A_311 = arith.constant 0 : i32
        %dma_start3A_312 = tpu.memref_slice %arg7[%dma_start3A_309, %dma_start3A_310, %dma_start3A_311] : memref<2x128x128xf32, #tpu.memory_space<vmem>> -> memref<1x128x128xf32, #tpu.memory_space<vmem>>
        %dma_start3A_313 = tpu.memref_squeeze %dma_start3A_312 : memref<1x128x128xf32, #tpu.memory_space<vmem>> -> memref<128x128xf32, #tpu.memory_space<vmem>>
        %dma_start3A_314 = arith.constant 0 : i32
        %dma_start3A_315 = tpu.memref_slice %arg6[%dma_start3A_307, %dma_start3A_308, %dma_start3A_314] : memref<4x2x128xi32, #tpu.memory_space<vmem>> -> memref<1x1x128xi32, #tpu.memory_space<vmem>>
        %dma_start3A_316 = tpu.memref_squeeze %dma_start3A_315 : memref<1x1x128xi32, #tpu.memory_space<vmem>> -> memref<128xi32, #tpu.memory_space<vmem>>
        %dma_start3A_317 = arith.constant 0 : i32
        %dma_start3A_318 = arith.constant 0 : i32
        %dma_start3A_319 = tpu.memref_slice %arg2[%dma_start3A_317, %dma_start3A_318] : memref<10000x128xf32, #tpu.memory_space<hbm>> -> memref<10000x128xf32, #tpu.memory_space<hbm>>
        tpu.enqueue_indirect_dma source(%dma_start3A_319 : memref<10000x128xf32, #tpu.memory_space<hbm>>) target(%dma_start3A_313 : memref<128x128xf32, #tpu.memory_space<vmem>>) offsets(%dma_start3A_316 : memref<128xi32, #tpu.memory_space<vmem>>) semaphore(%arg10 : memref<!tpu.dma_semaphore, #tpu.memory_space<semaphore_mem>>)
      } else {
      }
      %add3A_283 = arith.constant 2 : i32
      %add3A_284 = arith.addi %add3A_245, %add3A_283 : i32
      %lt3A_285 = arith.cmpi slt, %add3A_284, %select_n3A : i32
      %convert_element_type3A_286 = arith.extui %lt3A_285 : i1 to i32
      %cond3A_287 = arith.constant 0 : i32
      %cond3A_288 = arith.cmpi ne, %convert_element_type3A_286, %cond3A_287 : i32
      scf.if %cond3A_288 {
        %add3A_289 = arith.constant 2 : i32
        %add3A_290 = arith.addi %add3A_245, %add3A_289 : i32
        %add3A_291 = arith.addi %select_n3A_8, %add3A_290 : i32
        %dma_start3A_292 = arith.constant 1 : i32
        %dma_start3A_293 = arith.constant 0 : i32
        %dma_start3A_294 = arith.constant 0 : i32
        %dma_start3A_295 = tpu.memref_slice %arg6[%dma_start3A_292, %dma_start3A_293, %dma_start3A_294] : memref<4x2x128xi32, #tpu.memory_space<vmem>> -> memref<1x2x128xi32, #tpu.memory_space<vmem>>
        %dma_start3A_296 = tpu.memref_squeeze %dma_start3A_295 : memref<1x2x128xi32, #tpu.memory_space<vmem>> -> memref<2x128xi32, #tpu.memory_space<vmem>>
        %dma_start3A_297 = arith.constant 0 : i32
        %dma_start3A_298 = arith.constant 0 : i32
        %dma_start3A_299 = tpu.memref_slice %arg3[%add3A_291, %dma_start3A_297, %dma_start3A_298] : memref<2560x2x128xi32, #tpu.memory_space<hbm>> -> memref<1x2x128xi32, #tpu.memory_space<hbm>>
        %dma_start3A_300 = tpu.memref_squeeze %dma_start3A_299 : memref<1x2x128xi32, #tpu.memory_space<hbm>> -> memref<2x128xi32, #tpu.memory_space<hbm>>
        %dma_start3A_301 = arith.constant 0 : i32
        %dma_start3A_302 = arith.constant 0 : i32
        %dma_start3A_303 = tpu.memref_slice %arg6[%dma_start3A_292, %dma_start3A_301, %dma_start3A_302] : memref<4x2x128xi32, #tpu.memory_space<vmem>> -> memref<1x2x128xi32, #tpu.memory_space<vmem>>
        %dma_start3A_304 = tpu.memref_squeeze %dma_start3A_303 : memref<1x2x128xi32, #tpu.memory_space<vmem>> -> memref<2x128xi32, #tpu.memory_space<vmem>>
        %dma_start3A_305 = arith.constant 0 : i32
        %dma_start3A_306 = arith.constant 0 : i32
        %dma_start3A_307 = tpu.memref_slice %arg3[%add3A_291, %dma_start3A_305, %dma_start3A_306] : memref<2560x2x128xi32, #tpu.memory_space<hbm>> -> memref<1x2x128xi32, #tpu.memory_space<hbm>>
        %dma_start3A_308 = tpu.memref_squeeze %dma_start3A_307 : memref<1x2x128xi32, #tpu.memory_space<hbm>> -> memref<2x128xi32, #tpu.memory_space<hbm>>
        tpu.enqueue_dma source(%dma_start3A_308 : memref<2x128xi32, #tpu.memory_space<hbm>>) target(%dma_start3A_304 : memref<2x128xi32, #tpu.memory_space<vmem>>) target_semaphore(%arg9 : memref<!tpu.dma_semaphore, #tpu.memory_space<semaphore_mem>>)
      } else {
      }
    }
    %dma_wait3A = arith.constant 1 : i32
    %dma_wait3A_87 = arith.constant 3 : i32
    %dma_wait3A_88 = arith.constant 1 : i32
    %dma_wait3A_89 = arith.constant 0 : i32
    %dma_wait3A_90 = arith.constant 0 : i32
    %dma_wait3A_91 = tpu.memref_slice %arg7[%dma_wait3A, %dma_wait3A_89, %dma_wait3A_90] : memref<2x128x128xf32, #tpu.memory_space<vmem>> -> memref<1x128x128xf32, #tpu.memory_space<vmem>>
    %dma_wait3A_92 = tpu.memref_squeeze %dma_wait3A_91 : memref<1x128x128xf32, #tpu.memory_space<vmem>> -> memref<128x128xf32, #tpu.memory_space<vmem>>
    %dma_wait3A_93 = arith.constant 0 : i32
    %dma_wait3A_94 = tpu.memref_slice %arg6[%dma_wait3A_87, %dma_wait3A_88, %dma_wait3A_93] : memref<4x2x128xi32, #tpu.memory_space<vmem>> -> memref<1x1x128xi32, #tpu.memory_space<vmem>>
    %dma_wait3A_95 = tpu.memref_squeeze %dma_wait3A_94 : memref<1x1x128xi32, #tpu.memory_space<vmem>> -> memref<128xi32, #tpu.memory_space<vmem>>
    %dma_wait3A_96 = arith.constant 0 : i32
    %dma_wait3A_97 = arith.constant 0 : i32
    %dma_wait3A_98 = tpu.memref_slice %arg8[%dma_wait3A_96, %dma_wait3A_97] : memref<10240x128xf32, #tpu.memory_space<vmem_shared>> -> memref<10240x128xf32, #tpu.memory_space<vmem_shared>>
    tpu.wait_indirect_dma semaphore(%arg11 : memref<!tpu.dma_semaphore, #tpu.memory_space<semaphore_mem>>) src(%dma_wait3A_92 : memref<128x128xf32, #tpu.memory_space<vmem>>) dst(%dma_wait3A_98 : memref<10240x128xf32, #tpu.memory_space<vmem_shared>>)
    %barrier3A_99 = arith.constant 0 : index
    tpu.barrier barrier_id(%barrier3A_99)
    %mul3A_100 = arith.constant 640 : i32
    %mul3A_101 = arith.muli %arg1, %mul3A_100 : i32
    %mul3A_102 = arith.constant 640 : i32
    %mul3A_103 = arith.muli %arg1, %mul3A_102 : i32
    "tpu.region"() ({
      %run_scoped3A_104 = tpu.sem_alloc : memref<!tpu.dma_semaphore, #tpu.memory_space<semaphore_mem>>
      %dma_start3A_105 = arith.constant 0 : i32
      %dma_start3A_106 = tpu.memref_slice %arg5[%arg0, %mul3A_103, %dma_start3A_105] : memref<2x10240x128xf32, #tpu.memory_space<hbm>> -> memref<1x640x128xf32, #tpu.memory_space<hbm>>
      %dma_start3A_107 = tpu.memref_squeeze %dma_start3A_106 : memref<1x640x128xf32, #tpu.memory_space<hbm>> -> memref<640x128xf32, #tpu.memory_space<hbm>>
      %dma_start3A_108 = arith.constant 0 : i32
      %dma_start3A_109 = tpu.memref_slice %arg8[%mul3A_101, %dma_start3A_108] : memref<10240x128xf32, #tpu.memory_space<vmem_shared>> -> memref<640x128xf32, #tpu.memory_space<vmem_shared>>
      tpu.enqueue_dma source(%dma_start3A_109 : memref<640x128xf32, #tpu.memory_space<vmem_shared>>) target(%dma_start3A_107 : memref<640x128xf32, #tpu.memory_space<hbm>>) target_semaphore(%run_scoped3A_104 : memref<!tpu.dma_semaphore, #tpu.memory_space<semaphore_mem>>)
      %dma_wait3A_110 = arith.constant 0 : i32
      %dma_wait3A_111 = tpu.memref_slice %arg5[%arg0, %mul3A_103, %dma_wait3A_110] : memref<2x10240x128xf32, #tpu.memory_space<hbm>> -> memref<1x640x128xf32, #tpu.memory_space<hbm>>
      %dma_wait3A_112 = tpu.memref_squeeze %dma_wait3A_111 : memref<1x640x128xf32, #tpu.memory_space<hbm>> -> memref<640x128xf32, #tpu.memory_space<hbm>>
      %dma_wait3A_113 = arith.constant 0 : i32
      %dma_wait3A_114 = tpu.memref_slice %arg8[%mul3A_101, %dma_wait3A_113] : memref<10240x128xf32, #tpu.memory_space<vmem_shared>> -> memref<640x128xf32, #tpu.memory_space<vmem_shared>>
      tpu.wait_dma2 semaphore(%run_scoped3A_104 : memref<!tpu.dma_semaphore, #tpu.memory_space<semaphore_mem>>) src(%dma_wait3A_114 : memref<640x128xf32, #tpu.memory_space<vmem_shared>>) dst(%dma_wait3A_112 : memref<640x128xf32, #tpu.memory_space<hbm>>)
      tpu.yield
    }) : () -> ()
    return
  }
}

#map = affine_map<(d0, d1) -> (0, 0)>
#map1 = affine_map<(d0, d1) -> (0, 0, 0)>
module attributes {stable_mosaic.version = 14 : i64} {
  func.func @segsum(%arg0: i32, %arg1: i32, %arg2: memref<10000x128xf32, #tpu.memory_space<hbm>>, %arg3: memref<2560x2x128xi32, #tpu.memory_space<hbm>>, %arg4: memref<128x128xf32, #tpu.memory_space<hbm>>, %arg5: memref<2x10240x128xf32, #tpu.memory_space<hbm>>, %arg6: memref<4x2x128xi32, #tpu.memory_space<vmem>>, %arg7: memref<2x128x128xf32, #tpu.memory_space<vmem>>, %arg8: memref<10240x128xf32, #tpu.memory_space<vmem_shared>>, %arg9: memref<!tpu.dma_semaphore, #tpu.memory_space<semaphore_mem>>, %arg10: memref<!tpu.dma_semaphore, #tpu.memory_space<semaphore_mem>>, %arg11: memref<!tpu.dma_semaphore, #tpu.memory_space<semaphore_mem>>) attributes {dimension_semantics = [#tpu.dimension_semantics<core_parallel>, #tpu.dimension_semantics<subcore_parallel>], iteration_bounds = array<i64: 2, 16>, scalar_prefetch = 0 : i64, scratch_operands = 6 : i64, tpu.core_type = #tpu.core_type<sc_vector_subcore>, window_params = [{transform_indices = #map}, {transform_indices = #map1}, {transform_indices = #map}, {transform_indices = #map1}]} {
    %eq3A = arith.constant 0 : i32
    %eq3A_0 = arith.cmpi eq, %arg0, %eq3A : i32
    %jit3A = arith.constant 144 : i32
    %jit3A_1 = arith.constant 16 : i32
    %select_n3A = arith.select %eq3A_0, %jit3A, %jit3A_1 : i32
    %eq3A_2 = arith.constant 0 : i32
    %eq3A_3 = arith.cmpi eq, %arg0, %eq3A_2 : i32
    %mul3A = arith.constant 144 : i32
    %mul3A_4 = arith.muli %arg1, %mul3A : i32
    %mul3A_5 = arith.constant 16 : i32
    %mul3A_6 = arith.muli %arg1, %mul3A_5 : i32
    %add3A = arith.constant 2304 : i32
    %add3A_7 = arith.addi %add3A, %mul3A_6 : i32
    %select_n3A_8 = arith.select %eq3A_3, %mul3A_4, %add3A_7 : i32
    %mul3A_9 = arith.constant 640 : i32
    %mul3A_10 = arith.muli %arg1, %mul3A_9 : i32
    %add3A_11 = arith.constant 0 : i32
    %add3A_12 = arith.addi %mul3A_10, %add3A_11 : i32
    "tpu.region"() ({
      %run_scoped3A_104 = tpu.sem_alloc : memref<!tpu.dma_semaphore, #tpu.memory_space<semaphore_mem>>
      %dma_start3A_105 = arith.constant 0 : i32
      %dma_start3A_106 = tpu.memref_slice %arg8[%add3A_12, %dma_start3A_105] : memref<10240x128xf32, #tpu.memory_space<vmem_shared>> -> memref<128x128xf32, #tpu.memory_space<vmem_shared>>
      tpu.enqueue_dma source(%arg4 : memref<128x128xf32, #tpu.memory_space<hbm>>) target(%dma_start3A_106 : memref<128x128xf32, #tpu.memory_space<vmem_shared>>) target_semaphore(%run_scoped3A_104 : memref<!tpu.dma_semaphore, #tpu.memory_space<semaphore_mem>>)
      %dma_wait3A_107 = arith.constant 0 : i32
      %dma_wait3A_108 = tpu.memref_slice %arg8[%add3A_12, %dma_wait3A_107] : memref<10240x128xf32, #tpu.memory_space<vmem_shared>> -> memref<128x128xf32, #tpu.memory_space<vmem_shared>>
      tpu.wait_dma2 semaphore(%run_scoped3A_104 : memref<!tpu.dma_semaphore, #tpu.memory_space<semaphore_mem>>) src(%arg4 : memref<128x128xf32, #tpu.memory_space<hbm>>) dst(%dma_wait3A_108 : memref<128x128xf32, #tpu.memory_space<vmem_shared>>)
      tpu.yield
    }) : () -> ()
    %mul3A_13 = arith.constant 640 : i32
    %mul3A_14 = arith.muli %arg1, %mul3A_13 : i32
    %add3A_15 = arith.constant 128 : i32
    %add3A_16 = arith.addi %mul3A_14, %add3A_15 : i32
    "tpu.region"() ({
      %run_scoped3A_104 = tpu.sem_alloc : memref<!tpu.dma_semaphore, #tpu.memory_space<semaphore_mem>>
      %dma_start3A_105 = arith.constant 0 : i32
      %dma_start3A_106 = tpu.memref_slice %arg8[%add3A_16, %dma_start3A_105] : memref<10240x128xf32, #tpu.memory_space<vmem_shared>> -> memref<128x128xf32, #tpu.memory_space<vmem_shared>>
      tpu.enqueue_dma source(%arg4 : memref<128x128xf32, #tpu.memory_space<hbm>>) target(%dma_start3A_106 : memref<128x128xf32, #tpu.memory_space<vmem_shared>>) target_semaphore(%run_scoped3A_104 : memref<!tpu.dma_semaphore, #tpu.memory_space<semaphore_mem>>)
      %dma_wait3A_107 = arith.constant 0 : i32
      %dma_wait3A_108 = tpu.memref_slice %arg8[%add3A_16, %dma_wait3A_107] : memref<10240x128xf32, #tpu.memory_space<vmem_shared>> -> memref<128x128xf32, #tpu.memory_space<vmem_shared>>
      tpu.wait_dma2 semaphore(%run_scoped3A_104 : memref<!tpu.dma_semaphore, #tpu.memory_space<semaphore_mem>>) src(%arg4 : memref<128x128xf32, #tpu.memory_space<hbm>>) dst(%dma_wait3A_108 : memref<128x128xf32, #tpu.memory_space<vmem_shared>>)
      tpu.yield
    }) : () -> ()
    %mul3A_17 = arith.constant 640 : i32
    %mul3A_18 = arith.muli %arg1, %mul3A_17 : i32
    %add3A_19 = arith.constant 256 : i32
    %add3A_20 = arith.addi %mul3A_18, %add3A_19 : i32
    "tpu.region"() ({
      %run_scoped3A_104 = tpu.sem_alloc : memref<!tpu.dma_semaphore, #tpu.memory_space<semaphore_mem>>
      %dma_start3A_105 = arith.constant 0 : i32
      %dma_start3A_106 = tpu.memref_slice %arg8[%add3A_20, %dma_start3A_105] : memref<10240x128xf32, #tpu.memory_space<vmem_shared>> -> memref<128x128xf32, #tpu.memory_space<vmem_shared>>
      tpu.enqueue_dma source(%arg4 : memref<128x128xf32, #tpu.memory_space<hbm>>) target(%dma_start3A_106 : memref<128x128xf32, #tpu.memory_space<vmem_shared>>) target_semaphore(%run_scoped3A_104 : memref<!tpu.dma_semaphore, #tpu.memory_space<semaphore_mem>>)
      %dma_wait3A_107 = arith.constant 0 : i32
      %dma_wait3A_108 = tpu.memref_slice %arg8[%add3A_20, %dma_wait3A_107] : memref<10240x128xf32, #tpu.memory_space<vmem_shared>> -> memref<128x128xf32, #tpu.memory_space<vmem_shared>>
      tpu.wait_dma2 semaphore(%run_scoped3A_104 : memref<!tpu.dma_semaphore, #tpu.memory_space<semaphore_mem>>) src(%arg4 : memref<128x128xf32, #tpu.memory_space<hbm>>) dst(%dma_wait3A_108 : memref<128x128xf32, #tpu.memory_space<vmem_shared>>)
      tpu.yield
    }) : () -> ()
    %mul3A_21 = arith.constant 640 : i32
    %mul3A_22 = arith.muli %arg1, %mul3A_21 : i32
    %add3A_23 = arith.constant 384 : i32
    %add3A_24 = arith.addi %mul3A_22, %add3A_23 : i32
    "tpu.region"() ({
      %run_scoped3A_104 = tpu.sem_alloc : memref<!tpu.dma_semaphore, #tpu.memory_space<semaphore_mem>>
      %dma_start3A_105 = arith.constant 0 : i32
      %dma_start3A_106 = tpu.memref_slice %arg8[%add3A_24, %dma_start3A_105] : memref<10240x128xf32, #tpu.memory_space<vmem_shared>> -> memref<128x128xf32, #tpu.memory_space<vmem_shared>>
      tpu.enqueue_dma source(%arg4 : memref<128x128xf32, #tpu.memory_space<hbm>>) target(%dma_start3A_106 : memref<128x128xf32, #tpu.memory_space<vmem_shared>>) target_semaphore(%run_scoped3A_104 : memref<!tpu.dma_semaphore, #tpu.memory_space<semaphore_mem>>)
      %dma_wait3A_107 = arith.constant 0 : i32
      %dma_wait3A_108 = tpu.memref_slice %arg8[%add3A_24, %dma_wait3A_107] : memref<10240x128xf32, #tpu.memory_space<vmem_shared>> -> memref<128x128xf32, #tpu.memory_space<vmem_shared>>
      tpu.wait_dma2 semaphore(%run_scoped3A_104 : memref<!tpu.dma_semaphore, #tpu.memory_space<semaphore_mem>>) src(%arg4 : memref<128x128xf32, #tpu.memory_space<hbm>>) dst(%dma_wait3A_108 : memref<128x128xf32, #tpu.memory_space<vmem_shared>>)
      tpu.yield
    }) : () -> ()
    %mul3A_25 = arith.constant 640 : i32
    %mul3A_26 = arith.muli %arg1, %mul3A_25 : i32
    %add3A_27 = arith.constant 512 : i32
    %add3A_28 = arith.addi %mul3A_26, %add3A_27 : i32
    "tpu.region"() ({
      %run_scoped3A_104 = tpu.sem_alloc : memref<!tpu.dma_semaphore, #tpu.memory_space<semaphore_mem>>
      %dma_start3A_105 = arith.constant 0 : i32
      %dma_start3A_106 = tpu.memref_slice %arg8[%add3A_28, %dma_start3A_105] : memref<10240x128xf32, #tpu.memory_space<vmem_shared>> -> memref<128x128xf32, #tpu.memory_space<vmem_shared>>
      tpu.enqueue_dma source(%arg4 : memref<128x128xf32, #tpu.memory_space<hbm>>) target(%dma_start3A_106 : memref<128x128xf32, #tpu.memory_space<vmem_shared>>) target_semaphore(%run_scoped3A_104 : memref<!tpu.dma_semaphore, #tpu.memory_space<semaphore_mem>>)
      %dma_wait3A_107 = arith.constant 0 : i32
      %dma_wait3A_108 = tpu.memref_slice %arg8[%add3A_28, %dma_wait3A_107] : memref<10240x128xf32, #tpu.memory_space<vmem_shared>> -> memref<128x128xf32, #tpu.memory_space<vmem_shared>>
      tpu.wait_dma2 semaphore(%run_scoped3A_104 : memref<!tpu.dma_semaphore, #tpu.memory_space<semaphore_mem>>) src(%arg4 : memref<128x128xf32, #tpu.memory_space<hbm>>) dst(%dma_wait3A_108 : memref<128x128xf32, #tpu.memory_space<vmem_shared>>)
      tpu.yield
    }) : () -> ()
    %barrier3A = arith.constant 0 : index
    tpu.barrier barrier_id(%barrier3A)
    %run_scoped3A = arith.constant 0 : i32
    "tpu.region"() ({
      %run_scoped3A_104 = tpu.sem_alloc : memref<!tpu.dma_semaphore, #tpu.memory_space<semaphore_mem>>
      %dma_start3A_105 = arith.constant 0 : i32
      %dma_start3A_106 = arith.constant 0 : i32
      %dma_start3A_107 = tpu.memref_slice %arg6[%run_scoped3A, %dma_start3A_105, %dma_start3A_106] : memref<4x2x128xi32, #tpu.memory_space<vmem>> -> memref<1x2x128xi32, #tpu.memory_space<vmem>>
      %dma_start3A_108 = tpu.memref_squeeze %dma_start3A_107 : memref<1x2x128xi32, #tpu.memory_space<vmem>> -> memref<2x128xi32, #tpu.memory_space<vmem>>
      %dma_start3A_109 = arith.constant 0 : i32
      %dma_start3A_110 = arith.constant 0 : i32
      %dma_start3A_111 = tpu.memref_slice %arg3[%select_n3A_8, %dma_start3A_109, %dma_start3A_110] : memref<2560x2x128xi32, #tpu.memory_space<hbm>> -> memref<1x2x128xi32, #tpu.memory_space<hbm>>
      %dma_start3A_112 = tpu.memref_squeeze %dma_start3A_111 : memref<1x2x128xi32, #tpu.memory_space<hbm>> -> memref<2x128xi32, #tpu.memory_space<hbm>>
      %dma_start3A_113 = arith.constant 0 : i32
      %dma_start3A_114 = arith.constant 0 : i32
      %dma_start3A_115 = tpu.memref_slice %arg6[%run_scoped3A, %dma_start3A_113, %dma_start3A_114] : memref<4x2x128xi32, #tpu.memory_space<vmem>> -> memref<1x2x128xi32, #tpu.memory_space<vmem>>
      %dma_start3A_116 = tpu.memref_squeeze %dma_start3A_115 : memref<1x2x128xi32, #tpu.memory_space<vmem>> -> memref<2x128xi32, #tpu.memory_space<vmem>>
      %dma_start3A_117 = arith.constant 0 : i32
      %dma_start3A_118 = arith.constant 0 : i32
      %dma_start3A_119 = tpu.memref_slice %arg3[%select_n3A_8, %dma_start3A_117, %dma_start3A_118] : memref<2560x2x128xi32, #tpu.memory_space<hbm>> -> memref<1x2x128xi32, #tpu.memory_space<hbm>>
      %dma_start3A_120 = tpu.memref_squeeze %dma_start3A_119 : memref<1x2x128xi32, #tpu.memory_space<hbm>> -> memref<2x128xi32, #tpu.memory_space<hbm>>
      tpu.enqueue_dma source(%dma_start3A_120 : memref<2x128xi32, #tpu.memory_space<hbm>>) target(%dma_start3A_116 : memref<2x128xi32, #tpu.memory_space<vmem>>) target_semaphore(%run_scoped3A_104 : memref<!tpu.dma_semaphore, #tpu.memory_space<semaphore_mem>>)
      %dma_wait3A_121 = arith.constant 0 : i32
      %dma_wait3A_122 = arith.constant 0 : i32
      %dma_wait3A_123 = tpu.memref_slice %arg6[%run_scoped3A, %dma_wait3A_121, %dma_wait3A_122] : memref<4x2x128xi32, #tpu.memory_space<vmem>> -> memref<1x2x128xi32, #tpu.memory_space<vmem>>
      %dma_wait3A_124 = tpu.memref_squeeze %dma_wait3A_123 : memref<1x2x128xi32, #tpu.memory_space<vmem>> -> memref<2x128xi32, #tpu.memory_space<vmem>>
      %dma_wait3A_125 = arith.constant 0 : i32
      %dma_wait3A_126 = arith.constant 0 : i32
      %dma_wait3A_127 = tpu.memref_slice %arg3[%select_n3A_8, %dma_wait3A_125, %dma_wait3A_126] : memref<2560x2x128xi32, #tpu.memory_space<hbm>> -> memref<1x2x128xi32, #tpu.memory_space<hbm>>
      %dma_wait3A_128 = tpu.memref_squeeze %dma_wait3A_127 : memref<1x2x128xi32, #tpu.memory_space<hbm>> -> memref<2x128xi32, #tpu.memory_space<hbm>>
      %dma_wait3A_129 = arith.constant 0 : i32
      %dma_wait3A_130 = arith.constant 0 : i32
      %dma_wait3A_131 = tpu.memref_slice %arg6[%run_scoped3A, %dma_wait3A_129, %dma_wait3A_130] : memref<4x2x128xi32, #tpu.memory_space<vmem>> -> memref<1x2x128xi32, #tpu.memory_space<vmem>>
      %dma_wait3A_132 = tpu.memref_squeeze %dma_wait3A_131 : memref<1x2x128xi32, #tpu.memory_space<vmem>> -> memref<2x128xi32, #tpu.memory_space<vmem>>
      %dma_wait3A_133 = arith.constant 0 : i32
      %dma_wait3A_134 = arith.constant 0 : i32
      %dma_wait3A_135 = tpu.memref_slice %arg3[%select_n3A_8, %dma_wait3A_133, %dma_wait3A_134] : memref<2560x2x128xi32, #tpu.memory_space<hbm>> -> memref<1x2x128xi32, #tpu.memory_space<hbm>>
      %dma_wait3A_136 = tpu.memref_squeeze %dma_wait3A_135 : memref<1x2x128xi32, #tpu.memory_space<hbm>> -> memref<2x128xi32, #tpu.memory_space<hbm>>
      tpu.wait_dma2 semaphore(%run_scoped3A_104 : memref<!tpu.dma_semaphore, #tpu.memory_space<semaphore_mem>>) src(%dma_wait3A_136 : memref<2x128xi32, #tpu.memory_space<hbm>>) dst(%dma_wait3A_132 : memref<2x128xi32, #tpu.memory_space<vmem>>)
      tpu.yield
    }) : () -> ()
    %dma_start3A = arith.constant 0 : i32
    %dma_start3A_29 = arith.constant 0 : i32
    %dma_start3A_30 = arith.constant 0 : i32
    %dma_start3A_31 = arith.constant 0 : i32
    %dma_start3A_32 = arith.constant 0 : i32
    %dma_start3A_33 = tpu.memref_slice %arg7[%dma_start3A_30, %dma_start3A_31, %dma_start3A_32] : memref<2x128x128xf32, #tpu.memory_space<vmem>> -> memref<1x128x128xf32, #tpu.memory_space<vmem>>
    %dma_start3A_34 = tpu.memref_squeeze %dma_start3A_33 : memref<1x128x128xf32, #tpu.memory_space<vmem>> -> memref<128x128xf32, #tpu.memory_space<vmem>>
    %dma_start3A_35 = arith.constant 0 : i32
    %dma_start3A_36 = tpu.memref_slice %arg6[%dma_start3A, %dma_start3A_29, %dma_start3A_35] : memref<4x2x128xi32, #tpu.memory_space<vmem>> -> memref<1x1x128xi32, #tpu.memory_space<vmem>>
    %dma_start3A_37 = tpu.memref_squeeze %dma_start3A_36 : memref<1x1x128xi32, #tpu.memory_space<vmem>> -> memref<128xi32, #tpu.memory_space<vmem>>
    %dma_start3A_38 = arith.constant 0 : i32
    %dma_start3A_39 = arith.constant 0 : i32
    %dma_start3A_40 = tpu.memref_slice %arg2[%dma_start3A_38, %dma_start3A_39] : memref<10000x128xf32, #tpu.memory_space<hbm>> -> memref<10000x128xf32, #tpu.memory_space<hbm>>
    tpu.enqueue_indirect_dma source(%dma_start3A_40 : memref<10000x128xf32, #tpu.memory_space<hbm>>) target(%dma_start3A_34 : memref<128x128xf32, #tpu.memory_space<vmem>>) offsets(%dma_start3A_37 : memref<128xi32, #tpu.memory_space<vmem>>) semaphore(%arg10 : memref<!tpu.dma_semaphore, #tpu.memory_space<semaphore_mem>>)
    %add3A_41 = arith.constant 1 : i32
    %add3A_42 = arith.addi %select_n3A_8, %add3A_41 : i32
    %dma_start3A_43 = arith.constant 1 : i32
    %dma_start3A_44 = arith.constant 0 : i32
    %dma_start3A_45 = arith.constant 0 : i32
    %dma_start3A_46 = tpu.memref_slice %arg6[%dma_start3A_43, %dma_start3A_44, %dma_start3A_45] : memref<4x2x128xi32, #tpu.memory_space<vmem>> -> memref<1x2x128xi32, #tpu.memory_space<vmem>>
    %dma_start3A_47 = tpu.memref_squeeze %dma_start3A_46 : memref<1x2x128xi32, #tpu.memory_space<vmem>> -> memref<2x128xi32, #tpu.memory_space<vmem>>
    %dma_start3A_48 = arith.constant 0 : i32
    %dma_start3A_49 = arith.constant 0 : i32
    %dma_start3A_50 = tpu.memref_slice %arg3[%add3A_42, %dma_start3A_48, %dma_start3A_49] : memref<2560x2x128xi32, #tpu.memory_space<hbm>> -> memref<1x2x128xi32, #tpu.memory_space<hbm>>
    %dma_start3A_51 = tpu.memref_squeeze %dma_start3A_50 : memref<1x2x128xi32, #tpu.memory_space<hbm>> -> memref<2x128xi32, #tpu.memory_space<hbm>>
    %dma_start3A_52 = arith.constant 0 : i32
    %dma_start3A_53 = arith.constant 0 : i32
    %dma_start3A_54 = tpu.memref_slice %arg6[%dma_start3A_43, %dma_start3A_52, %dma_start3A_53] : memref<4x2x128xi32, #tpu.memory_space<vmem>> -> memref<1x2x128xi32, #tpu.memory_space<vmem>>
    %dma_start3A_55 = tpu.memref_squeeze %dma_start3A_54 : memref<1x2x128xi32, #tpu.memory_space<vmem>> -> memref<2x128xi32, #tpu.memory_space<vmem>>
    %dma_start3A_56 = arith.constant 0 : i32
    %dma_start3A_57 = arith.constant 0 : i32
    %dma_start3A_58 = tpu.memref_slice %arg3[%add3A_42, %dma_start3A_56, %dma_start3A_57] : memref<2560x2x128xi32, #tpu.memory_space<hbm>> -> memref<1x2x128xi32, #tpu.memory_space<hbm>>
    %dma_start3A_59 = tpu.memref_squeeze %dma_start3A_58 : memref<1x2x128xi32, #tpu.memory_space<hbm>> -> memref<2x128xi32, #tpu.memory_space<hbm>>
    tpu.enqueue_dma source(%dma_start3A_59 : memref<2x128xi32, #tpu.memory_space<hbm>>) target(%dma_start3A_55 : memref<2x128xi32, #tpu.memory_space<vmem>>) target_semaphore(%arg9 : memref<!tpu.dma_semaphore, #tpu.memory_space<semaphore_mem>>)
    %jit3A_60 = arith.constant 4 : i32
    %div3A = arith.divsi %select_n3A, %jit3A_60 : i32
    %sign3A = arith.constant 0 : i32
    %sign3A_61 = arith.cmpi sgt, %select_n3A, %sign3A : i32
    %sign3A_62 = arith.extui %sign3A_61 : i1 to i32
    %sign3A_63 = arith.constant 0 : i32
    %sign3A_64 = arith.cmpi slt, %select_n3A, %sign3A_63 : i32
    %sign3A_65 = arith.extui %sign3A_64 : i1 to i32
    %sign3A_66 = arith.subi %sign3A_62, %sign3A_65 : i32
    %sign3A_67 = arith.constant 0 : i32
    %sign3A_68 = arith.cmpi sgt, %jit3A_60, %sign3A_67 : i32
    %sign3A_69 = arith.extui %sign3A_68 : i1 to i32
    %sign3A_70 = arith.constant 0 : i32
    %sign3A_71 = arith.cmpi slt, %jit3A_60, %sign3A_70 : i32
    %sign3A_72 = arith.extui %sign3A_71 : i1 to i32
    %sign3A_73 = arith.subi %sign3A_69, %sign3A_72 : i32
    %ne3A = arith.cmpi ne, %sign3A_66, %sign3A_73 : i32
    %rem3A = arith.remsi %select_n3A, %jit3A_60 : i32
    %ne3A_74 = arith.constant 0 : i32
    %ne3A_75 = arith.cmpi ne, %rem3A, %ne3A_74 : i32
    %and3A = arith.andi %ne3A, %ne3A_75 : i1
    %sub3A = arith.constant 1 : i32
    %sub3A_76 = arith.subi %div3A, %sub3A : i32
    %select_n3A_77 = arith.select %and3A, %sub3A_76, %div3A : i32
    %while3A = arith.constant 0 : i32
    %while3A_78 = arith.constant 0 : i32
    %while3A_79 = arith.subi %select_n3A_77, %while3A_78 : i32
    %while3A_80 = arith.addi %while3A_78, %while3A_79 : i32
    %while3A_81 = arith.constant 1 : i32
    %while3A_82 = arith.divsi %while3A_79, %while3A_81 : i32
    %while3A_83 = arith.muli %while3A_82, %while3A_81 : i32
    %while3A_84 = arith.addi %while3A_78, %while3A_83 : i32
    %while3A_85 = arith.constant 1 : i32
    scf.for %while3A_104 = %while3A_78 to %while3A_84 step %while3A_85  : i32 {
      %mul3A_105 = arith.constant 4 : i32
      %mul3A_106 = arith.muli %while3A_104, %mul3A_105 : i32
      %add3A_107 = arith.constant 0 : i32
      %add3A_108 = arith.addi %mul3A_106, %add3A_107 : i32
      %add3A_109 = arith.constant 1 : i32
      %add3A_110 = arith.addi %add3A_108, %add3A_109 : i32
      %dma_wait3A_111 = arith.constant 0 : i32
      %dma_wait3A_112 = arith.constant 0 : i32
      %dma_wait3A_113 = arith.constant 0 : i32
      %dma_wait3A_114 = arith.constant 0 : i32
      %dma_wait3A_115 = arith.constant 0 : i32
      %dma_wait3A_116 = tpu.memref_slice %arg7[%dma_wait3A_113, %dma_wait3A_114, %dma_wait3A_115] : memref<2x128x128xf32, #tpu.memory_space<vmem>> -> memref<1x128x128xf32, #tpu.memory_space<vmem>>
      %dma_wait3A_117 = tpu.memref_squeeze %dma_wait3A_116 : memref<1x128x128xf32, #tpu.memory_space<vmem>> -> memref<128x128xf32, #tpu.memory_space<vmem>>
      %dma_wait3A_118 = arith.constant 0 : i32
      %dma_wait3A_119 = tpu.memref_slice %arg6[%dma_wait3A_111, %dma_wait3A_112, %dma_wait3A_118] : memref<4x2x128xi32, #tpu.memory_space<vmem>> -> memref<1x1x128xi32, #tpu.memory_space<vmem>>
      %dma_wait3A_120 = tpu.memref_squeeze %dma_wait3A_119 : memref<1x1x128xi32, #tpu.memory_space<vmem>> -> memref<128xi32, #tpu.memory_space<vmem>>
      %dma_wait3A_121 = arith.constant 0 : i32
      %dma_wait3A_122 = arith.constant 0 : i32
      %dma_wait3A_123 = tpu.memref_slice %arg2[%dma_wait3A_121, %dma_wait3A_122] : memref<10000x128xf32, #tpu.memory_space<hbm>> -> memref<10000x128xf32, #tpu.memory_space<hbm>>
      tpu.wait_indirect_dma semaphore(%arg10 : memref<!tpu.dma_semaphore, #tpu.memory_space<semaphore_mem>>) src(%dma_wait3A_123 : memref<10000x128xf32, #tpu.memory_space<hbm>>) dst(%dma_wait3A_117 : memref<128x128xf32, #tpu.memory_space<vmem>>)
      %dma_start3A_124 = arith.constant 0 : i32
      %dma_start3A_125 = arith.constant 0 : i32
      %dma_start3A_126 = arith.constant 1 : i32
      %dma_start3A_127 = arith.constant 0 : i32
      %dma_start3A_128 = arith.constant 0 : i32
      %dma_start3A_129 = tpu.memref_slice %arg7[%dma_start3A_124, %dma_start3A_127, %dma_start3A_128] : memref<2x128x128xf32, #tpu.memory_space<vmem>> -> memref<1x128x128xf32, #tpu.memory_space<vmem>>
      %dma_start3A_130 = tpu.memref_squeeze %dma_start3A_129 : memref<1x128x128xf32, #tpu.memory_space<vmem>> -> memref<128x128xf32, #tpu.memory_space<vmem>>
      %dma_start3A_131 = arith.constant 0 : i32
      %dma_start3A_132 = tpu.memref_slice %arg6[%dma_start3A_125, %dma_start3A_126, %dma_start3A_131] : memref<4x2x128xi32, #tpu.memory_space<vmem>> -> memref<1x1x128xi32, #tpu.memory_space<vmem>>
      %dma_start3A_133 = tpu.memref_squeeze %dma_start3A_132 : memref<1x1x128xi32, #tpu.memory_space<vmem>> -> memref<128xi32, #tpu.memory_space<vmem>>
      %dma_start3A_134 = arith.constant 0 : i32
      %dma_start3A_135 = arith.constant 0 : i32
      %dma_start3A_136 = tpu.memref_slice %arg8[%dma_start3A_134, %dma_start3A_135] : memref<10240x128xf32, #tpu.memory_space<vmem_shared>> -> memref<10240x128xf32, #tpu.memory_space<vmem_shared>>
      tpu.enqueue_indirect_dma source(%dma_start3A_130 : memref<128x128xf32, #tpu.memory_space<vmem>>) target(%dma_start3A_136 : memref<10240x128xf32, #tpu.memory_space<vmem_shared>>) offsets(%dma_start3A_133 : memref<128xi32, #tpu.memory_space<vmem>>) semaphore(%arg11 : memref<!tpu.dma_semaphore, #tpu.memory_space<semaphore_mem>>) {add = true}
      %ge3A = arith.constant 1 : i32
      %ge3A_137 = arith.cmpi sge, %add3A_108, %ge3A : i32
      %convert_element_type3A = arith.extui %ge3A_137 : i1 to i32
      %cond3A = arith.constant 0 : i32
      %cond3A_138 = arith.cmpi ne, %convert_element_type3A, %cond3A : i32
      scf.if %cond3A_138 {
        %dma_wait3A_289 = arith.constant 1 : i32
        %dma_wait3A_290 = arith.constant 3 : i32
        %dma_wait3A_291 = arith.constant 1 : i32
        %dma_wait3A_292 = arith.constant 0 : i32
        %dma_wait3A_293 = arith.constant 0 : i32
        %dma_wait3A_294 = tpu.memref_slice %arg7[%dma_wait3A_289, %dma_wait3A_292, %dma_wait3A_293] : memref<2x128x128xf32, #tpu.memory_space<vmem>> -> memref<1x128x128xf32, #tpu.memory_space<vmem>>
        %dma_wait3A_295 = tpu.memref_squeeze %dma_wait3A_294 : memref<1x128x128xf32, #tpu.memory_space<vmem>> -> memref<128x128xf32, #tpu.memory_space<vmem>>
        %dma_wait3A_296 = arith.constant 0 : i32
        %dma_wait3A_297 = tpu.memref_slice %arg6[%dma_wait3A_290, %dma_wait3A_291, %dma_wait3A_296] : memref<4x2x128xi32, #tpu.memory_space<vmem>> -> memref<1x1x128xi32, #tpu.memory_space<vmem>>
        %dma_wait3A_298 = tpu.memref_squeeze %dma_wait3A_297 : memref<1x1x128xi32, #tpu.memory_space<vmem>> -> memref<128xi32, #tpu.memory_space<vmem>>
        %dma_wait3A_299 = arith.constant 0 : i32
        %dma_wait3A_300 = arith.constant 0 : i32
        %dma_wait3A_301 = tpu.memref_slice %arg8[%dma_wait3A_299, %dma_wait3A_300] : memref<10240x128xf32, #tpu.memory_space<vmem_shared>> -> memref<10240x128xf32, #tpu.memory_space<vmem_shared>>
        tpu.wait_indirect_dma semaphore(%arg11 : memref<!tpu.dma_semaphore, #tpu.memory_space<semaphore_mem>>) src(%dma_wait3A_295 : memref<128x128xf32, #tpu.memory_space<vmem>>) dst(%dma_wait3A_301 : memref<10240x128xf32, #tpu.memory_space<vmem_shared>>)
      } else {
      }
      %lt3A = arith.cmpi slt, %add3A_110, %select_n3A : i32
      %convert_element_type3A_139 = arith.extui %lt3A : i1 to i32
      %cond3A_140 = arith.constant 0 : i32
      %cond3A_141 = arith.cmpi ne, %convert_element_type3A_139, %cond3A_140 : i32
      scf.if %cond3A_141 {
        %add3A_289 = arith.addi %select_n3A_8, %add3A_110 : i32
        %dma_wait3A_290 = arith.constant 1 : i32
        %dma_wait3A_291 = arith.constant 0 : i32
        %dma_wait3A_292 = arith.constant 0 : i32
        %dma_wait3A_293 = tpu.memref_slice %arg6[%dma_wait3A_290, %dma_wait3A_291, %dma_wait3A_292] : memref<4x2x128xi32, #tpu.memory_space<vmem>> -> memref<1x2x128xi32, #tpu.memory_space<vmem>>
        %dma_wait3A_294 = tpu.memref_squeeze %dma_wait3A_293 : memref<1x2x128xi32, #tpu.memory_space<vmem>> -> memref<2x128xi32, #tpu.memory_space<vmem>>
        %dma_wait3A_295 = arith.constant 0 : i32
        %dma_wait3A_296 = arith.constant 0 : i32
        %dma_wait3A_297 = tpu.memref_slice %arg3[%add3A_289, %dma_wait3A_295, %dma_wait3A_296] : memref<2560x2x128xi32, #tpu.memory_space<hbm>> -> memref<1x2x128xi32, #tpu.memory_space<hbm>>
        %dma_wait3A_298 = tpu.memref_squeeze %dma_wait3A_297 : memref<1x2x128xi32, #tpu.memory_space<hbm>> -> memref<2x128xi32, #tpu.memory_space<hbm>>
        %dma_wait3A_299 = arith.constant 0 : i32
        %dma_wait3A_300 = arith.constant 0 : i32
        %dma_wait3A_301 = tpu.memref_slice %arg6[%dma_wait3A_290, %dma_wait3A_299, %dma_wait3A_300] : memref<4x2x128xi32, #tpu.memory_space<vmem>> -> memref<1x2x128xi32, #tpu.memory_space<vmem>>
        %dma_wait3A_302 = tpu.memref_squeeze %dma_wait3A_301 : memref<1x2x128xi32, #tpu.memory_space<vmem>> -> memref<2x128xi32, #tpu.memory_space<vmem>>
        %dma_wait3A_303 = arith.constant 0 : i32
        %dma_wait3A_304 = arith.constant 0 : i32
        %dma_wait3A_305 = tpu.memref_slice %arg3[%add3A_289, %dma_wait3A_303, %dma_wait3A_304] : memref<2560x2x128xi32, #tpu.memory_space<hbm>> -> memref<1x2x128xi32, #tpu.memory_space<hbm>>
        %dma_wait3A_306 = tpu.memref_squeeze %dma_wait3A_305 : memref<1x2x128xi32, #tpu.memory_space<hbm>> -> memref<2x128xi32, #tpu.memory_space<hbm>>
        tpu.wait_dma2 semaphore(%arg9 : memref<!tpu.dma_semaphore, #tpu.memory_space<semaphore_mem>>) src(%dma_wait3A_306 : memref<2x128xi32, #tpu.memory_space<hbm>>) dst(%dma_wait3A_302 : memref<2x128xi32, #tpu.memory_space<vmem>>)
        %dma_start3A_307 = arith.constant 1 : i32
        %dma_start3A_308 = arith.constant 0 : i32
        %dma_start3A_309 = arith.constant 1 : i32
        %dma_start3A_310 = arith.constant 0 : i32
        %dma_start3A_311 = arith.constant 0 : i32
        %dma_start3A_312 = tpu.memref_slice %arg7[%dma_start3A_309, %dma_start3A_310, %dma_start3A_311] : memref<2x128x128xf32, #tpu.memory_space<vmem>> -> memref<1x128x128xf32, #tpu.memory_space<vmem>>
        %dma_start3A_313 = tpu.memref_squeeze %dma_start3A_312 : memref<1x128x128xf32, #tpu.memory_space<vmem>> -> memref<128x128xf32, #tpu.memory_space<vmem>>
        %dma_start3A_314 = arith.constant 0 : i32
        %dma_start3A_315 = tpu.memref_slice %arg6[%dma_start3A_307, %dma_start3A_308, %dma_start3A_314] : memref<4x2x128xi32, #tpu.memory_space<vmem>> -> memref<1x1x128xi32, #tpu.memory_space<vmem>>
        %dma_start3A_316 = tpu.memref_squeeze %dma_start3A_315 : memref<1x1x128xi32, #tpu.memory_space<vmem>> -> memref<128xi32, #tpu.memory_space<vmem>>
        %dma_start3A_317 = arith.constant 0 : i32
        %dma_start3A_318 = arith.constant 0 : i32
        %dma_start3A_319 = tpu.memref_slice %arg2[%dma_start3A_317, %dma_start3A_318] : memref<10000x128xf32, #tpu.memory_space<hbm>> -> memref<10000x128xf32, #tpu.memory_space<hbm>>
        tpu.enqueue_indirect_dma source(%dma_start3A_319 : memref<10000x128xf32, #tpu.memory_space<hbm>>) target(%dma_start3A_313 : memref<128x128xf32, #tpu.memory_space<vmem>>) offsets(%dma_start3A_316 : memref<128xi32, #tpu.memory_space<vmem>>) semaphore(%arg10 : memref<!tpu.dma_semaphore, #tpu.memory_space<semaphore_mem>>)
      } else {
      }
      %add3A_142 = arith.constant 2 : i32
      %add3A_143 = arith.addi %add3A_108, %add3A_142 : i32
      %lt3A_144 = arith.cmpi slt, %add3A_143, %select_n3A : i32
      %convert_element_type3A_145 = arith.extui %lt3A_144 : i1 to i32
      %cond3A_146 = arith.constant 0 : i32
      %cond3A_147 = arith.cmpi ne, %convert_element_type3A_145, %cond3A_146 : i32
      scf.if %cond3A_147 {
        %add3A_289 = arith.constant 2 : i32
        %add3A_290 = arith.addi %add3A_108, %add3A_289 : i32
        %add3A_291 = arith.addi %select_n3A_8, %add3A_290 : i32
        %dma_start3A_292 = arith.constant 2 : i32
        %dma_start3A_293 = arith.constant 0 : i32
        %dma_start3A_294 = arith.constant 0 : i32
        %dma_start3A_295 = tpu.memref_slice %arg6[%dma_start3A_292, %dma_start3A_293, %dma_start3A_294] : memref<4x2x128xi32, #tpu.memory_space<vmem>> -> memref<1x2x128xi32, #tpu.memory_space<vmem>>
        %dma_start3A_296 = tpu.memref_squeeze %dma_start3A_295 : memref<1x2x128xi32, #tpu.memory_space<vmem>> -> memref<2x128xi32, #tpu.memory_space<vmem>>
        %dma_start3A_297 = arith.constant 0 : i32
        %dma_start3A_298 = arith.constant 0 : i32
        %dma_start3A_299 = tpu.memref_slice %arg3[%add3A_291, %dma_start3A_297, %dma_start3A_298] : memref<2560x2x128xi32, #tpu.memory_space<hbm>> -> memref<1x2x128xi32, #tpu.memory_space<hbm>>
        %dma_start3A_300 = tpu.memref_squeeze %dma_start3A_299 : memref<1x2x128xi32, #tpu.memory_space<hbm>> -> memref<2x128xi32, #tpu.memory_space<hbm>>
        %dma_start3A_301 = arith.constant 0 : i32
        %dma_start3A_302 = arith.constant 0 : i32
        %dma_start3A_303 = tpu.memref_slice %arg6[%dma_start3A_292, %dma_start3A_301, %dma_start3A_302] : memref<4x2x128xi32, #tpu.memory_space<vmem>> -> memref<1x2x128xi32, #tpu.memory_space<vmem>>
        %dma_start3A_304 = tpu.memref_squeeze %dma_start3A_303 : memref<1x2x128xi32, #tpu.memory_space<vmem>> -> memref<2x128xi32, #tpu.memory_space<vmem>>
        %dma_start3A_305 = arith.constant 0 : i32
        %dma_start3A_306 = arith.constant 0 : i32
        %dma_start3A_307 = tpu.memref_slice %arg3[%add3A_291, %dma_start3A_305, %dma_start3A_306] : memref<2560x2x128xi32, #tpu.memory_space<hbm>> -> memref<1x2x128xi32, #tpu.memory_space<hbm>>
        %dma_start3A_308 = tpu.memref_squeeze %dma_start3A_307 : memref<1x2x128xi32, #tpu.memory_space<hbm>> -> memref<2x128xi32, #tpu.memory_space<hbm>>
        tpu.enqueue_dma source(%dma_start3A_308 : memref<2x128xi32, #tpu.memory_space<hbm>>) target(%dma_start3A_304 : memref<2x128xi32, #tpu.memory_space<vmem>>) target_semaphore(%arg9 : memref<!tpu.dma_semaphore, #tpu.memory_space<semaphore_mem>>)
      } else {
      }
      %mul3A_148 = arith.constant 4 : i32
      %mul3A_149 = arith.muli %while3A_104, %mul3A_148 : i32
      %add3A_150 = arith.constant 1 : i32
      %add3A_151 = arith.addi %mul3A_149, %add3A_150 : i32
      %add3A_152 = arith.constant 1 : i32
      %add3A_153 = arith.addi %add3A_151, %add3A_152 : i32
      %dma_wait3A_154 = arith.constant 1 : i32
      %dma_wait3A_155 = arith.constant 0 : i32
      %dma_wait3A_156 = arith.constant 1 : i32
      %dma_wait3A_157 = arith.constant 0 : i32
      %dma_wait3A_158 = arith.constant 0 : i32
      %dma_wait3A_159 = tpu.memref_slice %arg7[%dma_wait3A_156, %dma_wait3A_157, %dma_wait3A_158] : memref<2x128x128xf32, #tpu.memory_space<vmem>> -> memref<1x128x128xf32, #tpu.memory_space<vmem>>
      %dma_wait3A_160 = tpu.memref_squeeze %dma_wait3A_159 : memref<1x128x128xf32, #tpu.memory_space<vmem>> -> memref<128x128xf32, #tpu.memory_space<vmem>>
      %dma_wait3A_161 = arith.constant 0 : i32
      %dma_wait3A_162 = tpu.memref_slice %arg6[%dma_wait3A_154, %dma_wait3A_155, %dma_wait3A_161] : memref<4x2x128xi32, #tpu.memory_space<vmem>> -> memref<1x1x128xi32, #tpu.memory_space<vmem>>
      %dma_wait3A_163 = tpu.memref_squeeze %dma_wait3A_162 : memref<1x1x128xi32, #tpu.memory_space<vmem>> -> memref<128xi32, #tpu.memory_space<vmem>>
      %dma_wait3A_164 = arith.constant 0 : i32
      %dma_wait3A_165 = arith.constant 0 : i32
      %dma_wait3A_166 = tpu.memref_slice %arg2[%dma_wait3A_164, %dma_wait3A_165] : memref<10000x128xf32, #tpu.memory_space<hbm>> -> memref<10000x128xf32, #tpu.memory_space<hbm>>
      tpu.wait_indirect_dma semaphore(%arg10 : memref<!tpu.dma_semaphore, #tpu.memory_space<semaphore_mem>>) src(%dma_wait3A_166 : memref<10000x128xf32, #tpu.memory_space<hbm>>) dst(%dma_wait3A_160 : memref<128x128xf32, #tpu.memory_space<vmem>>)
      %dma_start3A_167 = arith.constant 1 : i32
      %dma_start3A_168 = arith.constant 1 : i32
      %dma_start3A_169 = arith.constant 1 : i32
      %dma_start3A_170 = arith.constant 0 : i32
      %dma_start3A_171 = arith.constant 0 : i32
      %dma_start3A_172 = tpu.memref_slice %arg7[%dma_start3A_167, %dma_start3A_170, %dma_start3A_171] : memref<2x128x128xf32, #tpu.memory_space<vmem>> -> memref<1x128x128xf32, #tpu.memory_space<vmem>>
      %dma_start3A_173 = tpu.memref_squeeze %dma_start3A_172 : memref<1x128x128xf32, #tpu.memory_space<vmem>> -> memref<128x128xf32, #tpu.memory_space<vmem>>
      %dma_start3A_174 = arith.constant 0 : i32
      %dma_start3A_175 = tpu.memref_slice %arg6[%dma_start3A_168, %dma_start3A_169, %dma_start3A_174] : memref<4x2x128xi32, #tpu.memory_space<vmem>> -> memref<1x1x128xi32, #tpu.memory_space<vmem>>
      %dma_start3A_176 = tpu.memref_squeeze %dma_start3A_175 : memref<1x1x128xi32, #tpu.memory_space<vmem>> -> memref<128xi32, #tpu.memory_space<vmem>>
      %dma_start3A_177 = arith.constant 0 : i32
      %dma_start3A_178 = arith.constant 0 : i32
      %dma_start3A_179 = tpu.memref_slice %arg8[%dma_start3A_177, %dma_start3A_178] : memref<10240x128xf32, #tpu.memory_space<vmem_shared>> -> memref<10240x128xf32, #tpu.memory_space<vmem_shared>>
      tpu.enqueue_indirect_dma source(%dma_start3A_173 : memref<128x128xf32, #tpu.memory_space<vmem>>) target(%dma_start3A_179 : memref<10240x128xf32, #tpu.memory_space<vmem_shared>>) offsets(%dma_start3A_176 : memref<128xi32, #tpu.memory_space<vmem>>) semaphore(%arg11 : memref<!tpu.dma_semaphore, #tpu.memory_space<semaphore_mem>>) {add = true}
      %ge3A_180 = arith.constant 1 : i32
      %ge3A_181 = arith.cmpi sge, %add3A_151, %ge3A_180 : i32
      %convert_element_type3A_182 = arith.extui %ge3A_181 : i1 to i32
      %cond3A_183 = arith.constant 0 : i32
      %cond3A_184 = arith.cmpi ne, %convert_element_type3A_182, %cond3A_183 : i32
      scf.if %cond3A_184 {
        %dma_wait3A_289 = arith.constant 0 : i32
        %dma_wait3A_290 = arith.constant 0 : i32
        %dma_wait3A_291 = arith.constant 1 : i32
        %dma_wait3A_292 = arith.constant 0 : i32
        %dma_wait3A_293 = arith.constant 0 : i32
        %dma_wait3A_294 = tpu.memref_slice %arg7[%dma_wait3A_289, %dma_wait3A_292, %dma_wait3A_293] : memref<2x128x128xf32, #tpu.memory_space<vmem>> -> memref<1x128x128xf32, #tpu.memory_space<vmem>>
        %dma_wait3A_295 = tpu.memref_squeeze %dma_wait3A_294 : memref<1x128x128xf32, #tpu.memory_space<vmem>> -> memref<128x128xf32, #tpu.memory_space<vmem>>
        %dma_wait3A_296 = arith.constant 0 : i32
        %dma_wait3A_297 = tpu.memref_slice %arg6[%dma_wait3A_290, %dma_wait3A_291, %dma_wait3A_296] : memref<4x2x128xi32, #tpu.memory_space<vmem>> -> memref<1x1x128xi32, #tpu.memory_space<vmem>>
        %dma_wait3A_298 = tpu.memref_squeeze %dma_wait3A_297 : memref<1x1x128xi32, #tpu.memory_space<vmem>> -> memref<128xi32, #tpu.memory_space<vmem>>
        %dma_wait3A_299 = arith.constant 0 : i32
        %dma_wait3A_300 = arith.constant 0 : i32
        %dma_wait3A_301 = tpu.memref_slice %arg8[%dma_wait3A_299, %dma_wait3A_300] : memref<10240x128xf32, #tpu.memory_space<vmem_shared>> -> memref<10240x128xf32, #tpu.memory_space<vmem_shared>>
        tpu.wait_indirect_dma semaphore(%arg11 : memref<!tpu.dma_semaphore, #tpu.memory_space<semaphore_mem>>) src(%dma_wait3A_295 : memref<128x128xf32, #tpu.memory_space<vmem>>) dst(%dma_wait3A_301 : memref<10240x128xf32, #tpu.memory_space<vmem_shared>>)
      } else {
      }
      %lt3A_185 = arith.cmpi slt, %add3A_153, %select_n3A : i32
      %convert_element_type3A_186 = arith.extui %lt3A_185 : i1 to i32
      %cond3A_187 = arith.constant 0 : i32
      %cond3A_188 = arith.cmpi ne, %convert_element_type3A_186, %cond3A_187 : i32
      scf.if %cond3A_188 {
        %add3A_289 = arith.addi %select_n3A_8, %add3A_153 : i32
        %dma_wait3A_290 = arith.constant 2 : i32
        %dma_wait3A_291 = arith.constant 0 : i32
        %dma_wait3A_292 = arith.constant 0 : i32
        %dma_wait3A_293 = tpu.memref_slice %arg6[%dma_wait3A_290, %dma_wait3A_291, %dma_wait3A_292] : memref<4x2x128xi32, #tpu.memory_space<vmem>> -> memref<1x2x128xi32, #tpu.memory_space<vmem>>
        %dma_wait3A_294 = tpu.memref_squeeze %dma_wait3A_293 : memref<1x2x128xi32, #tpu.memory_space<vmem>> -> memref<2x128xi32, #tpu.memory_space<vmem>>
        %dma_wait3A_295 = arith.constant 0 : i32
        %dma_wait3A_296 = arith.constant 0 : i32
        %dma_wait3A_297 = tpu.memref_slice %arg3[%add3A_289, %dma_wait3A_295, %dma_wait3A_296] : memref<2560x2x128xi32, #tpu.memory_space<hbm>> -> memref<1x2x128xi32, #tpu.memory_space<hbm>>
        %dma_wait3A_298 = tpu.memref_squeeze %dma_wait3A_297 : memref<1x2x128xi32, #tpu.memory_space<hbm>> -> memref<2x128xi32, #tpu.memory_space<hbm>>
        %dma_wait3A_299 = arith.constant 0 : i32
        %dma_wait3A_300 = arith.constant 0 : i32
        %dma_wait3A_301 = tpu.memref_slice %arg6[%dma_wait3A_290, %dma_wait3A_299, %dma_wait3A_300] : memref<4x2x128xi32, #tpu.memory_space<vmem>> -> memref<1x2x128xi32, #tpu.memory_space<vmem>>
        %dma_wait3A_302 = tpu.memref_squeeze %dma_wait3A_301 : memref<1x2x128xi32, #tpu.memory_space<vmem>> -> memref<2x128xi32, #tpu.memory_space<vmem>>
        %dma_wait3A_303 = arith.constant 0 : i32
        %dma_wait3A_304 = arith.constant 0 : i32
        %dma_wait3A_305 = tpu.memref_slice %arg3[%add3A_289, %dma_wait3A_303, %dma_wait3A_304] : memref<2560x2x128xi32, #tpu.memory_space<hbm>> -> memref<1x2x128xi32, #tpu.memory_space<hbm>>
        %dma_wait3A_306 = tpu.memref_squeeze %dma_wait3A_305 : memref<1x2x128xi32, #tpu.memory_space<hbm>> -> memref<2x128xi32, #tpu.memory_space<hbm>>
        tpu.wait_dma2 semaphore(%arg9 : memref<!tpu.dma_semaphore, #tpu.memory_space<semaphore_mem>>) src(%dma_wait3A_306 : memref<2x128xi32, #tpu.memory_space<hbm>>) dst(%dma_wait3A_302 : memref<2x128xi32, #tpu.memory_space<vmem>>)
        %dma_start3A_307 = arith.constant 2 : i32
        %dma_start3A_308 = arith.constant 0 : i32
        %dma_start3A_309 = arith.constant 0 : i32
        %dma_start3A_310 = arith.constant 0 : i32
        %dma_start3A_311 = arith.constant 0 : i32
        %dma_start3A_312 = tpu.memref_slice %arg7[%dma_start3A_309, %dma_start3A_310, %dma_start3A_311] : memref<2x128x128xf32, #tpu.memory_space<vmem>> -> memref<1x128x128xf32, #tpu.memory_space<vmem>>
        %dma_start3A_313 = tpu.memref_squeeze %dma_start3A_312 : memref<1x128x128xf32, #tpu.memory_space<vmem>> -> memref<128x128xf32, #tpu.memory_space<vmem>>
        %dma_start3A_314 = arith.constant 0 : i32
        %dma_start3A_315 = tpu.memref_slice %arg6[%dma_start3A_307, %dma_start3A_308, %dma_start3A_314] : memref<4x2x128xi32, #tpu.memory_space<vmem>> -> memref<1x1x128xi32, #tpu.memory_space<vmem>>
        %dma_start3A_316 = tpu.memref_squeeze %dma_start3A_315 : memref<1x1x128xi32, #tpu.memory_space<vmem>> -> memref<128xi32, #tpu.memory_space<vmem>>
        %dma_start3A_317 = arith.constant 0 : i32
        %dma_start3A_318 = arith.constant 0 : i32
        %dma_start3A_319 = tpu.memref_slice %arg2[%dma_start3A_317, %dma_start3A_318] : memref<10000x128xf32, #tpu.memory_space<hbm>> -> memref<10000x128xf32, #tpu.memory_space<hbm>>
        tpu.enqueue_indirect_dma source(%dma_start3A_319 : memref<10000x128xf32, #tpu.memory_space<hbm>>) target(%dma_start3A_313 : memref<128x128xf32, #tpu.memory_space<vmem>>) offsets(%dma_start3A_316 : memref<128xi32, #tpu.memory_space<vmem>>) semaphore(%arg10 : memref<!tpu.dma_semaphore, #tpu.memory_space<semaphore_mem>>)
      } else {
      }
      %add3A_189 = arith.constant 2 : i32
      %add3A_190 = arith.addi %add3A_151, %add3A_189 : i32
      %lt3A_191 = arith.cmpi slt, %add3A_190, %select_n3A : i32
      %convert_element_type3A_192 = arith.extui %lt3A_191 : i1 to i32
      %cond3A_193 = arith.constant 0 : i32
      %cond3A_194 = arith.cmpi ne, %convert_element_type3A_192, %cond3A_193 : i32
      scf.if %cond3A_194 {
        %add3A_289 = arith.constant 2 : i32
        %add3A_290 = arith.addi %add3A_151, %add3A_289 : i32
        %add3A_291 = arith.addi %select_n3A_8, %add3A_290 : i32
        %dma_start3A_292 = arith.constant 3 : i32
        %dma_start3A_293 = arith.constant 0 : i32
        %dma_start3A_294 = arith.constant 0 : i32
        %dma_start3A_295 = tpu.memref_slice %arg6[%dma_start3A_292, %dma_start3A_293, %dma_start3A_294] : memref<4x2x128xi32, #tpu.memory_space<vmem>> -> memref<1x2x128xi32, #tpu.memory_space<vmem>>
        %dma_start3A_296 = tpu.memref_squeeze %dma_start3A_295 : memref<1x2x128xi32, #tpu.memory_space<vmem>> -> memref<2x128xi32, #tpu.memory_space<vmem>>
        %dma_start3A_297 = arith.constant 0 : i32
        %dma_start3A_298 = arith.constant 0 : i32
        %dma_start3A_299 = tpu.memref_slice %arg3[%add3A_291, %dma_start3A_297, %dma_start3A_298] : memref<2560x2x128xi32, #tpu.memory_space<hbm>> -> memref<1x2x128xi32, #tpu.memory_space<hbm>>
        %dma_start3A_300 = tpu.memref_squeeze %dma_start3A_299 : memref<1x2x128xi32, #tpu.memory_space<hbm>> -> memref<2x128xi32, #tpu.memory_space<hbm>>
        %dma_start3A_301 = arith.constant 0 : i32
        %dma_start3A_302 = arith.constant 0 : i32
        %dma_start3A_303 = tpu.memref_slice %arg6[%dma_start3A_292, %dma_start3A_301, %dma_start3A_302] : memref<4x2x128xi32, #tpu.memory_space<vmem>> -> memref<1x2x128xi32, #tpu.memory_space<vmem>>
        %dma_start3A_304 = tpu.memref_squeeze %dma_start3A_303 : memref<1x2x128xi32, #tpu.memory_space<vmem>> -> memref<2x128xi32, #tpu.memory_space<vmem>>
        %dma_start3A_305 = arith.constant 0 : i32
        %dma_start3A_306 = arith.constant 0 : i32
        %dma_start3A_307 = tpu.memref_slice %arg3[%add3A_291, %dma_start3A_305, %dma_start3A_306] : memref<2560x2x128xi32, #tpu.memory_space<hbm>> -> memref<1x2x128xi32, #tpu.memory_space<hbm>>
        %dma_start3A_308 = tpu.memref_squeeze %dma_start3A_307 : memref<1x2x128xi32, #tpu.memory_space<hbm>> -> memref<2x128xi32, #tpu.memory_space<hbm>>
        tpu.enqueue_dma source(%dma_start3A_308 : memref<2x128xi32, #tpu.memory_space<hbm>>) target(%dma_start3A_304 : memref<2x128xi32, #tpu.memory_space<vmem>>) target_semaphore(%arg9 : memref<!tpu.dma_semaphore, #tpu.memory_space<semaphore_mem>>)
      } else {
      }
      %mul3A_195 = arith.constant 4 : i32
      %mul3A_196 = arith.muli %while3A_104, %mul3A_195 : i32
      %add3A_197 = arith.constant 2 : i32
      %add3A_198 = arith.addi %mul3A_196, %add3A_197 : i32
      %add3A_199 = arith.constant 1 : i32
      %add3A_200 = arith.addi %add3A_198, %add3A_199 : i32
      %dma_wait3A_201 = arith.constant 2 : i32
      %dma_wait3A_202 = arith.constant 0 : i32
      %dma_wait3A_203 = arith.constant 0 : i32
      %dma_wait3A_204 = arith.constant 0 : i32
      %dma_wait3A_205 = arith.constant 0 : i32
      %dma_wait3A_206 = tpu.memref_slice %arg7[%dma_wait3A_203, %dma_wait3A_204, %dma_wait3A_205] : memref<2x128x128xf32, #tpu.memory_space<vmem>> -> memref<1x128x128xf32, #tpu.memory_space<vmem>>
      %dma_wait3A_207 = tpu.memref_squeeze %dma_wait3A_206 : memref<1x128x128xf32, #tpu.memory_space<vmem>> -> memref<128x128xf32, #tpu.memory_space<vmem>>
      %dma_wait3A_208 = arith.constant 0 : i32
      %dma_wait3A_209 = tpu.memref_slice %arg6[%dma_wait3A_201, %dma_wait3A_202, %dma_wait3A_208] : memref<4x2x128xi32, #tpu.memory_space<vmem>> -> memref<1x1x128xi32, #tpu.memory_space<vmem>>
      %dma_wait3A_210 = tpu.memref_squeeze %dma_wait3A_209 : memref<1x1x128xi32, #tpu.memory_space<vmem>> -> memref<128xi32, #tpu.memory_space<vmem>>
      %dma_wait3A_211 = arith.constant 0 : i32
      %dma_wait3A_212 = arith.constant 0 : i32
      %dma_wait3A_213 = tpu.memref_slice %arg2[%dma_wait3A_211, %dma_wait3A_212] : memref<10000x128xf32, #tpu.memory_space<hbm>> -> memref<10000x128xf32, #tpu.memory_space<hbm>>
      tpu.wait_indirect_dma semaphore(%arg10 : memref<!tpu.dma_semaphore, #tpu.memory_space<semaphore_mem>>) src(%dma_wait3A_213 : memref<10000x128xf32, #tpu.memory_space<hbm>>) dst(%dma_wait3A_207 : memref<128x128xf32, #tpu.memory_space<vmem>>)
      %dma_start3A_214 = arith.constant 0 : i32
      %dma_start3A_215 = arith.constant 2 : i32
      %dma_start3A_216 = arith.constant 1 : i32
      %dma_start3A_217 = arith.constant 0 : i32
      %dma_start3A_218 = arith.constant 0 : i32
      %dma_start3A_219 = tpu.memref_slice %arg7[%dma_start3A_214, %dma_start3A_217, %dma_start3A_218] : memref<2x128x128xf32, #tpu.memory_space<vmem>> -> memref<1x128x128xf32, #tpu.memory_space<vmem>>
      %dma_start3A_220 = tpu.memref_squeeze %dma_start3A_219 : memref<1x128x128xf32, #tpu.memory_space<vmem>> -> memref<128x128xf32, #tpu.memory_space<vmem>>
      %dma_start3A_221 = arith.constant 0 : i32
      %dma_start3A_222 = tpu.memref_slice %arg6[%dma_start3A_215, %dma_start3A_216, %dma_start3A_221] : memref<4x2x128xi32, #tpu.memory_space<vmem>> -> memref<1x1x128xi32, #tpu.memory_space<vmem>>
      %dma_start3A_223 = tpu.memref_squeeze %dma_start3A_222 : memref<1x1x128xi32, #tpu.memory_space<vmem>> -> memref<128xi32, #tpu.memory_space<vmem>>
      %dma_start3A_224 = arith.constant 0 : i32
      %dma_start3A_225 = arith.constant 0 : i32
      %dma_start3A_226 = tpu.memref_slice %arg8[%dma_start3A_224, %dma_start3A_225] : memref<10240x128xf32, #tpu.memory_space<vmem_shared>> -> memref<10240x128xf32, #tpu.memory_space<vmem_shared>>
      tpu.enqueue_indirect_dma source(%dma_start3A_220 : memref<128x128xf32, #tpu.memory_space<vmem>>) target(%dma_start3A_226 : memref<10240x128xf32, #tpu.memory_space<vmem_shared>>) offsets(%dma_start3A_223 : memref<128xi32, #tpu.memory_space<vmem>>) semaphore(%arg11 : memref<!tpu.dma_semaphore, #tpu.memory_space<semaphore_mem>>) {add = true}
      %ge3A_227 = arith.constant 1 : i32
      %ge3A_228 = arith.cmpi sge, %add3A_198, %ge3A_227 : i32
      %convert_element_type3A_229 = arith.extui %ge3A_228 : i1 to i32
      %cond3A_230 = arith.constant 0 : i32
      %cond3A_231 = arith.cmpi ne, %convert_element_type3A_229, %cond3A_230 : i32
      scf.if %cond3A_231 {
        %dma_wait3A_289 = arith.constant 1 : i32
        %dma_wait3A_290 = arith.constant 1 : i32
        %dma_wait3A_291 = arith.constant 1 : i32
        %dma_wait3A_292 = arith.constant 0 : i32
        %dma_wait3A_293 = arith.constant 0 : i32
        %dma_wait3A_294 = tpu.memref_slice %arg7[%dma_wait3A_289, %dma_wait3A_292, %dma_wait3A_293] : memref<2x128x128xf32, #tpu.memory_space<vmem>> -> memref<1x128x128xf32, #tpu.memory_space<vmem>>
        %dma_wait3A_295 = tpu.memref_squeeze %dma_wait3A_294 : memref<1x128x128xf32, #tpu.memory_space<vmem>> -> memref<128x128xf32, #tpu.memory_space<vmem>>
        %dma_wait3A_296 = arith.constant 0 : i32
        %dma_wait3A_297 = tpu.memref_slice %arg6[%dma_wait3A_290, %dma_wait3A_291, %dma_wait3A_296] : memref<4x2x128xi32, #tpu.memory_space<vmem>> -> memref<1x1x128xi32, #tpu.memory_space<vmem>>
        %dma_wait3A_298 = tpu.memref_squeeze %dma_wait3A_297 : memref<1x1x128xi32, #tpu.memory_space<vmem>> -> memref<128xi32, #tpu.memory_space<vmem>>
        %dma_wait3A_299 = arith.constant 0 : i32
        %dma_wait3A_300 = arith.constant 0 : i32
        %dma_wait3A_301 = tpu.memref_slice %arg8[%dma_wait3A_299, %dma_wait3A_300] : memref<10240x128xf32, #tpu.memory_space<vmem_shared>> -> memref<10240x128xf32, #tpu.memory_space<vmem_shared>>
        tpu.wait_indirect_dma semaphore(%arg11 : memref<!tpu.dma_semaphore, #tpu.memory_space<semaphore_mem>>) src(%dma_wait3A_295 : memref<128x128xf32, #tpu.memory_space<vmem>>) dst(%dma_wait3A_301 : memref<10240x128xf32, #tpu.memory_space<vmem_shared>>)
      } else {
      }
      %lt3A_232 = arith.cmpi slt, %add3A_200, %select_n3A : i32
      %convert_element_type3A_233 = arith.extui %lt3A_232 : i1 to i32
      %cond3A_234 = arith.constant 0 : i32
      %cond3A_235 = arith.cmpi ne, %convert_element_type3A_233, %cond3A_234 : i32
      scf.if %cond3A_235 {
        %add3A_289 = arith.addi %select_n3A_8, %add3A_200 : i32
        %dma_wait3A_290 = arith.constant 3 : i32
        %dma_wait3A_291 = arith.constant 0 : i32
        %dma_wait3A_292 = arith.constant 0 : i32
        %dma_wait3A_293 = tpu.memref_slice %arg6[%dma_wait3A_290, %dma_wait3A_291, %dma_wait3A_292] : memref<4x2x128xi32, #tpu.memory_space<vmem>> -> memref<1x2x128xi32, #tpu.memory_space<vmem>>
        %dma_wait3A_294 = tpu.memref_squeeze %dma_wait3A_293 : memref<1x2x128xi32, #tpu.memory_space<vmem>> -> memref<2x128xi32, #tpu.memory_space<vmem>>
        %dma_wait3A_295 = arith.constant 0 : i32
        %dma_wait3A_296 = arith.constant 0 : i32
        %dma_wait3A_297 = tpu.memref_slice %arg3[%add3A_289, %dma_wait3A_295, %dma_wait3A_296] : memref<2560x2x128xi32, #tpu.memory_space<hbm>> -> memref<1x2x128xi32, #tpu.memory_space<hbm>>
        %dma_wait3A_298 = tpu.memref_squeeze %dma_wait3A_297 : memref<1x2x128xi32, #tpu.memory_space<hbm>> -> memref<2x128xi32, #tpu.memory_space<hbm>>
        %dma_wait3A_299 = arith.constant 0 : i32
        %dma_wait3A_300 = arith.constant 0 : i32
        %dma_wait3A_301 = tpu.memref_slice %arg6[%dma_wait3A_290, %dma_wait3A_299, %dma_wait3A_300] : memref<4x2x128xi32, #tpu.memory_space<vmem>> -> memref<1x2x128xi32, #tpu.memory_space<vmem>>
        %dma_wait3A_302 = tpu.memref_squeeze %dma_wait3A_301 : memref<1x2x128xi32, #tpu.memory_space<vmem>> -> memref<2x128xi32, #tpu.memory_space<vmem>>
        %dma_wait3A_303 = arith.constant 0 : i32
        %dma_wait3A_304 = arith.constant 0 : i32
        %dma_wait3A_305 = tpu.memref_slice %arg3[%add3A_289, %dma_wait3A_303, %dma_wait3A_304] : memref<2560x2x128xi32, #tpu.memory_space<hbm>> -> memref<1x2x128xi32, #tpu.memory_space<hbm>>
        %dma_wait3A_306 = tpu.memref_squeeze %dma_wait3A_305 : memref<1x2x128xi32, #tpu.memory_space<hbm>> -> memref<2x128xi32, #tpu.memory_space<hbm>>
        tpu.wait_dma2 semaphore(%arg9 : memref<!tpu.dma_semaphore, #tpu.memory_space<semaphore_mem>>) src(%dma_wait3A_306 : memref<2x128xi32, #tpu.memory_space<hbm>>) dst(%dma_wait3A_302 : memref<2x128xi32, #tpu.memory_space<vmem>>)
        %dma_start3A_307 = arith.constant 3 : i32
        %dma_start3A_308 = arith.constant 0 : i32
        %dma_start3A_309 = arith.constant 1 : i32
        %dma_start3A_310 = arith.constant 0 : i32
        %dma_start3A_311 = arith.constant 0 : i32
        %dma_start3A_312 = tpu.memref_slice %arg7[%dma_start3A_309, %dma_start3A_310, %dma_start3A_311] : memref<2x128x128xf32, #tpu.memory_space<vmem>> -> memref<1x128x128xf32, #tpu.memory_space<vmem>>
        %dma_start3A_313 = tpu.memref_squeeze %dma_start3A_312 : memref<1x128x128xf32, #tpu.memory_space<vmem>> -> memref<128x128xf32, #tpu.memory_space<vmem>>
        %dma_start3A_314 = arith.constant 0 : i32
        %dma_start3A_315 = tpu.memref_slice %arg6[%dma_start3A_307, %dma_start3A_308, %dma_start3A_314] : memref<4x2x128xi32, #tpu.memory_space<vmem>> -> memref<1x1x128xi32, #tpu.memory_space<vmem>>
        %dma_start3A_316 = tpu.memref_squeeze %dma_start3A_315 : memref<1x1x128xi32, #tpu.memory_space<vmem>> -> memref<128xi32, #tpu.memory_space<vmem>>
        %dma_start3A_317 = arith.constant 0 : i32
        %dma_start3A_318 = arith.constant 0 : i32
        %dma_start3A_319 = tpu.memref_slice %arg2[%dma_start3A_317, %dma_start3A_318] : memref<10000x128xf32, #tpu.memory_space<hbm>> -> memref<10000x128xf32, #tpu.memory_space<hbm>>
        tpu.enqueue_indirect_dma source(%dma_start3A_319 : memref<10000x128xf32, #tpu.memory_space<hbm>>) target(%dma_start3A_313 : memref<128x128xf32, #tpu.memory_space<vmem>>) offsets(%dma_start3A_316 : memref<128xi32, #tpu.memory_space<vmem>>) semaphore(%arg10 : memref<!tpu.dma_semaphore, #tpu.memory_space<semaphore_mem>>)
      } else {
      }
      %add3A_236 = arith.constant 2 : i32
      %add3A_237 = arith.addi %add3A_198, %add3A_236 : i32
      %lt3A_238 = arith.cmpi slt, %add3A_237, %select_n3A : i32
      %convert_element_type3A_239 = arith.extui %lt3A_238 : i1 to i32
      %cond3A_240 = arith.constant 0 : i32
      %cond3A_241 = arith.cmpi ne, %convert_element_type3A_239, %cond3A_240 : i32
      scf.if %cond3A_241 {
        %add3A_289 = arith.constant 2 : i32
        %add3A_290 = arith.addi %add3A_198, %add3A_289 : i32
        %add3A_291 = arith.addi %select_n3A_8, %add3A_290 : i32
        %dma_start3A_292 = arith.constant 0 : i32
        %dma_start3A_293 = arith.constant 0 : i32
        %dma_start3A_294 = arith.constant 0 : i32
        %dma_start3A_295 = tpu.memref_slice %arg6[%dma_start3A_292, %dma_start3A_293, %dma_start3A_294] : memref<4x2x128xi32, #tpu.memory_space<vmem>> -> memref<1x2x128xi32, #tpu.memory_space<vmem>>
        %dma_start3A_296 = tpu.memref_squeeze %dma_start3A_295 : memref<1x2x128xi32, #tpu.memory_space<vmem>> -> memref<2x128xi32, #tpu.memory_space<vmem>>
        %dma_start3A_297 = arith.constant 0 : i32
        %dma_start3A_298 = arith.constant 0 : i32
        %dma_start3A_299 = tpu.memref_slice %arg3[%add3A_291, %dma_start3A_297, %dma_start3A_298] : memref<2560x2x128xi32, #tpu.memory_space<hbm>> -> memref<1x2x128xi32, #tpu.memory_space<hbm>>
        %dma_start3A_300 = tpu.memref_squeeze %dma_start3A_299 : memref<1x2x128xi32, #tpu.memory_space<hbm>> -> memref<2x128xi32, #tpu.memory_space<hbm>>
        %dma_start3A_301 = arith.constant 0 : i32
        %dma_start3A_302 = arith.constant 0 : i32
        %dma_start3A_303 = tpu.memref_slice %arg6[%dma_start3A_292, %dma_start3A_301, %dma_start3A_302] : memref<4x2x128xi32, #tpu.memory_space<vmem>> -> memref<1x2x128xi32, #tpu.memory_space<vmem>>
        %dma_start3A_304 = tpu.memref_squeeze %dma_start3A_303 : memref<1x2x128xi32, #tpu.memory_space<vmem>> -> memref<2x128xi32, #tpu.memory_space<vmem>>
        %dma_start3A_305 = arith.constant 0 : i32
        %dma_start3A_306 = arith.constant 0 : i32
        %dma_start3A_307 = tpu.memref_slice %arg3[%add3A_291, %dma_start3A_305, %dma_start3A_306] : memref<2560x2x128xi32, #tpu.memory_space<hbm>> -> memref<1x2x128xi32, #tpu.memory_space<hbm>>
        %dma_start3A_308 = tpu.memref_squeeze %dma_start3A_307 : memref<1x2x128xi32, #tpu.memory_space<hbm>> -> memref<2x128xi32, #tpu.memory_space<hbm>>
        tpu.enqueue_dma source(%dma_start3A_308 : memref<2x128xi32, #tpu.memory_space<hbm>>) target(%dma_start3A_304 : memref<2x128xi32, #tpu.memory_space<vmem>>) target_semaphore(%arg9 : memref<!tpu.dma_semaphore, #tpu.memory_space<semaphore_mem>>)
      } else {
      }
      %mul3A_242 = arith.constant 4 : i32
      %mul3A_243 = arith.muli %while3A_104, %mul3A_242 : i32
      %add3A_244 = arith.constant 3 : i32
      %add3A_245 = arith.addi %mul3A_243, %add3A_244 : i32
      %add3A_246 = arith.constant 1 : i32
      %add3A_247 = arith.addi %add3A_245, %add3A_246 : i32
      %dma_wait3A_248 = arith.constant 3 : i32
      %dma_wait3A_249 = arith.constant 0 : i32
      %dma_wait3A_250 = arith.constant 1 : i32
      %dma_wait3A_251 = arith.constant 0 : i32
      %dma_wait3A_252 = arith.constant 0 : i32
      %dma_wait3A_253 = tpu.memref_slice %arg7[%dma_wait3A_250, %dma_wait3A_251, %dma_wait3A_252] : memref<2x128x128xf32, #tpu.memory_space<vmem>> -> memref<1x128x128xf32, #tpu.memory_space<vmem>>
      %dma_wait3A_254 = tpu.memref_squeeze %dma_wait3A_253 : memref<1x128x128xf32, #tpu.memory_space<vmem>> -> memref<128x128xf32, #tpu.memory_space<vmem>>
      %dma_wait3A_255 = arith.constant 0 : i32
      %dma_wait3A_256 = tpu.memref_slice %arg6[%dma_wait3A_248, %dma_wait3A_249, %dma_wait3A_255] : memref<4x2x128xi32, #tpu.memory_space<vmem>> -> memref<1x1x128xi32, #tpu.memory_space<vmem>>
      %dma_wait3A_257 = tpu.memref_squeeze %dma_wait3A_256 : memref<1x1x128xi32, #tpu.memory_space<vmem>> -> memref<128xi32, #tpu.memory_space<vmem>>
      %dma_wait3A_258 = arith.constant 0 : i32
      %dma_wait3A_259 = arith.constant 0 : i32
      %dma_wait3A_260 = tpu.memref_slice %arg2[%dma_wait3A_258, %dma_wait3A_259] : memref<10000x128xf32, #tpu.memory_space<hbm>> -> memref<10000x128xf32, #tpu.memory_space<hbm>>
      tpu.wait_indirect_dma semaphore(%arg10 : memref<!tpu.dma_semaphore, #tpu.memory_space<semaphore_mem>>) src(%dma_wait3A_260 : memref<10000x128xf32, #tpu.memory_space<hbm>>) dst(%dma_wait3A_254 : memref<128x128xf32, #tpu.memory_space<vmem>>)
      %dma_start3A_261 = arith.constant 1 : i32
      %dma_start3A_262 = arith.constant 3 : i32
      %dma_start3A_263 = arith.constant 1 : i32
      %dma_start3A_264 = arith.constant 0 : i32
      %dma_start3A_265 = arith.constant 0 : i32
      %dma_start3A_266 = tpu.memref_slice %arg7[%dma_start3A_261, %dma_start3A_264, %dma_start3A_265] : memref<2x128x128xf32, #tpu.memory_space<vmem>> -> memref<1x128x128xf32, #tpu.memory_space<vmem>>
      %dma_start3A_267 = tpu.memref_squeeze %dma_start3A_266 : memref<1x128x128xf32, #tpu.memory_space<vmem>> -> memref<128x128xf32, #tpu.memory_space<vmem>>
      %dma_start3A_268 = arith.constant 0 : i32
      %dma_start3A_269 = tpu.memref_slice %arg6[%dma_start3A_262, %dma_start3A_263, %dma_start3A_268] : memref<4x2x128xi32, #tpu.memory_space<vmem>> -> memref<1x1x128xi32, #tpu.memory_space<vmem>>
      %dma_start3A_270 = tpu.memref_squeeze %dma_start3A_269 : memref<1x1x128xi32, #tpu.memory_space<vmem>> -> memref<128xi32, #tpu.memory_space<vmem>>
      %dma_start3A_271 = arith.constant 0 : i32
      %dma_start3A_272 = arith.constant 0 : i32
      %dma_start3A_273 = tpu.memref_slice %arg8[%dma_start3A_271, %dma_start3A_272] : memref<10240x128xf32, #tpu.memory_space<vmem_shared>> -> memref<10240x128xf32, #tpu.memory_space<vmem_shared>>
      tpu.enqueue_indirect_dma source(%dma_start3A_267 : memref<128x128xf32, #tpu.memory_space<vmem>>) target(%dma_start3A_273 : memref<10240x128xf32, #tpu.memory_space<vmem_shared>>) offsets(%dma_start3A_270 : memref<128xi32, #tpu.memory_space<vmem>>) semaphore(%arg11 : memref<!tpu.dma_semaphore, #tpu.memory_space<semaphore_mem>>) {add = true}
      %ge3A_274 = arith.constant 1 : i32
      %ge3A_275 = arith.cmpi sge, %add3A_245, %ge3A_274 : i32
      %convert_element_type3A_276 = arith.extui %ge3A_275 : i1 to i32
      %cond3A_277 = arith.constant 0 : i32
      %cond3A_278 = arith.cmpi ne, %convert_element_type3A_276, %cond3A_277 : i32
      scf.if %cond3A_278 {
        %dma_wait3A_289 = arith.constant 0 : i32
        %dma_wait3A_290 = arith.constant 2 : i32
        %dma_wait3A_291 = arith.constant 1 : i32
        %dma_wait3A_292 = arith.constant 0 : i32
        %dma_wait3A_293 = arith.constant 0 : i32
        %dma_wait3A_294 = tpu.memref_slice %arg7[%dma_wait3A_289, %dma_wait3A_292, %dma_wait3A_293] : memref<2x128x128xf32, #tpu.memory_space<vmem>> -> memref<1x128x128xf32, #tpu.memory_space<vmem>>
        %dma_wait3A_295 = tpu.memref_squeeze %dma_wait3A_294 : memref<1x128x128xf32, #tpu.memory_space<vmem>> -> memref<128x128xf32, #tpu.memory_space<vmem>>
        %dma_wait3A_296 = arith.constant 0 : i32
        %dma_wait3A_297 = tpu.memref_slice %arg6[%dma_wait3A_290, %dma_wait3A_291, %dma_wait3A_296] : memref<4x2x128xi32, #tpu.memory_space<vmem>> -> memref<1x1x128xi32, #tpu.memory_space<vmem>>
        %dma_wait3A_298 = tpu.memref_squeeze %dma_wait3A_297 : memref<1x1x128xi32, #tpu.memory_space<vmem>> -> memref<128xi32, #tpu.memory_space<vmem>>
        %dma_wait3A_299 = arith.constant 0 : i32
        %dma_wait3A_300 = arith.constant 0 : i32
        %dma_wait3A_301 = tpu.memref_slice %arg8[%dma_wait3A_299, %dma_wait3A_300] : memref<10240x128xf32, #tpu.memory_space<vmem_shared>> -> memref<10240x128xf32, #tpu.memory_space<vmem_shared>>
        tpu.wait_indirect_dma semaphore(%arg11 : memref<!tpu.dma_semaphore, #tpu.memory_space<semaphore_mem>>) src(%dma_wait3A_295 : memref<128x128xf32, #tpu.memory_space<vmem>>) dst(%dma_wait3A_301 : memref<10240x128xf32, #tpu.memory_space<vmem_shared>>)
      } else {
      }
      %lt3A_279 = arith.cmpi slt, %add3A_247, %select_n3A : i32
      %convert_element_type3A_280 = arith.extui %lt3A_279 : i1 to i32
      %cond3A_281 = arith.constant 0 : i32
      %cond3A_282 = arith.cmpi ne, %convert_element_type3A_280, %cond3A_281 : i32
      scf.if %cond3A_282 {
        %add3A_289 = arith.addi %select_n3A_8, %add3A_247 : i32
        %dma_wait3A_290 = arith.constant 0 : i32
        %dma_wait3A_291 = arith.constant 0 : i32
        %dma_wait3A_292 = arith.constant 0 : i32
        %dma_wait3A_293 = tpu.memref_slice %arg6[%dma_wait3A_290, %dma_wait3A_291, %dma_wait3A_292] : memref<4x2x128xi32, #tpu.memory_space<vmem>> -> memref<1x2x128xi32, #tpu.memory_space<vmem>>
        %dma_wait3A_294 = tpu.memref_squeeze %dma_wait3A_293 : memref<1x2x128xi32, #tpu.memory_space<vmem>> -> memref<2x128xi32, #tpu.memory_space<vmem>>
        %dma_wait3A_295 = arith.constant 0 : i32
        %dma_wait3A_296 = arith.constant 0 : i32
        %dma_wait3A_297 = tpu.memref_slice %arg3[%add3A_289, %dma_wait3A_295, %dma_wait3A_296] : memref<2560x2x128xi32, #tpu.memory_space<hbm>> -> memref<1x2x128xi32, #tpu.memory_space<hbm>>
        %dma_wait3A_298 = tpu.memref_squeeze %dma_wait3A_297 : memref<1x2x128xi32, #tpu.memory_space<hbm>> -> memref<2x128xi32, #tpu.memory_space<hbm>>
        %dma_wait3A_299 = arith.constant 0 : i32
        %dma_wait3A_300 = arith.constant 0 : i32
        %dma_wait3A_301 = tpu.memref_slice %arg6[%dma_wait3A_290, %dma_wait3A_299, %dma_wait3A_300] : memref<4x2x128xi32, #tpu.memory_space<vmem>> -> memref<1x2x128xi32, #tpu.memory_space<vmem>>
        %dma_wait3A_302 = tpu.memref_squeeze %dma_wait3A_301 : memref<1x2x128xi32, #tpu.memory_space<vmem>> -> memref<2x128xi32, #tpu.memory_space<vmem>>
        %dma_wait3A_303 = arith.constant 0 : i32
        %dma_wait3A_304 = arith.constant 0 : i32
        %dma_wait3A_305 = tpu.memref_slice %arg3[%add3A_289, %dma_wait3A_303, %dma_wait3A_304] : memref<2560x2x128xi32, #tpu.memory_space<hbm>> -> memref<1x2x128xi32, #tpu.memory_space<hbm>>
        %dma_wait3A_306 = tpu.memref_squeeze %dma_wait3A_305 : memref<1x2x128xi32, #tpu.memory_space<hbm>> -> memref<2x128xi32, #tpu.memory_space<hbm>>
        tpu.wait_dma2 semaphore(%arg9 : memref<!tpu.dma_semaphore, #tpu.memory_space<semaphore_mem>>) src(%dma_wait3A_306 : memref<2x128xi32, #tpu.memory_space<hbm>>) dst(%dma_wait3A_302 : memref<2x128xi32, #tpu.memory_space<vmem>>)
        %dma_start3A_307 = arith.constant 0 : i32
        %dma_start3A_308 = arith.constant 0 : i32
        %dma_start3A_309 = arith.constant 0 : i32
        %dma_start3A_310 = arith.constant 0 : i32
        %dma_start3A_311 = arith.constant 0 : i32
        %dma_start3A_312 = tpu.memref_slice %arg7[%dma_start3A_309, %dma_start3A_310, %dma_start3A_311] : memref<2x128x128xf32, #tpu.memory_space<vmem>> -> memref<1x128x128xf32, #tpu.memory_space<vmem>>
        %dma_start3A_313 = tpu.memref_squeeze %dma_start3A_312 : memref<1x128x128xf32, #tpu.memory_space<vmem>> -> memref<128x128xf32, #tpu.memory_space<vmem>>
        %dma_start3A_314 = arith.constant 0 : i32
        %dma_start3A_315 = tpu.memref_slice %arg6[%dma_start3A_307, %dma_start3A_308, %dma_start3A_314] : memref<4x2x128xi32, #tpu.memory_space<vmem>> -> memref<1x1x128xi32, #tpu.memory_space<vmem>>
        %dma_start3A_316 = tpu.memref_squeeze %dma_start3A_315 : memref<1x1x128xi32, #tpu.memory_space<vmem>> -> memref<128xi32, #tpu.memory_space<vmem>>
        %dma_start3A_317 = arith.constant 0 : i32
        %dma_start3A_318 = arith.constant 0 : i32
        %dma_start3A_319 = tpu.memref_slice %arg2[%dma_start3A_317, %dma_start3A_318] : memref<10000x128xf32, #tpu.memory_space<hbm>> -> memref<10000x128xf32, #tpu.memory_space<hbm>>
        tpu.enqueue_indirect_dma source(%dma_start3A_319 : memref<10000x128xf32, #tpu.memory_space<hbm>>) target(%dma_start3A_313 : memref<128x128xf32, #tpu.memory_space<vmem>>) offsets(%dma_start3A_316 : memref<128xi32, #tpu.memory_space<vmem>>) semaphore(%arg10 : memref<!tpu.dma_semaphore, #tpu.memory_space<semaphore_mem>>)
      } else {
      }
      %add3A_283 = arith.constant 2 : i32
      %add3A_284 = arith.addi %add3A_245, %add3A_283 : i32
      %lt3A_285 = arith.cmpi slt, %add3A_284, %select_n3A : i32
      %convert_element_type3A_286 = arith.extui %lt3A_285 : i1 to i32
      %cond3A_287 = arith.constant 0 : i32
      %cond3A_288 = arith.cmpi ne, %convert_element_type3A_286, %cond3A_287 : i32
      scf.if %cond3A_288 {
        %add3A_289 = arith.constant 2 : i32
        %add3A_290 = arith.addi %add3A_245, %add3A_289 : i32
        %add3A_291 = arith.addi %select_n3A_8, %add3A_290 : i32
        %dma_start3A_292 = arith.constant 1 : i32
        %dma_start3A_293 = arith.constant 0 : i32
        %dma_start3A_294 = arith.constant 0 : i32
        %dma_start3A_295 = tpu.memref_slice %arg6[%dma_start3A_292, %dma_start3A_293, %dma_start3A_294] : memref<4x2x128xi32, #tpu.memory_space<vmem>> -> memref<1x2x128xi32, #tpu.memory_space<vmem>>
        %dma_start3A_296 = tpu.memref_squeeze %dma_start3A_295 : memref<1x2x128xi32, #tpu.memory_space<vmem>> -> memref<2x128xi32, #tpu.memory_space<vmem>>
        %dma_start3A_297 = arith.constant 0 : i32
        %dma_start3A_298 = arith.constant 0 : i32
        %dma_start3A_299 = tpu.memref_slice %arg3[%add3A_291, %dma_start3A_297, %dma_start3A_298] : memref<2560x2x128xi32, #tpu.memory_space<hbm>> -> memref<1x2x128xi32, #tpu.memory_space<hbm>>
        %dma_start3A_300 = tpu.memref_squeeze %dma_start3A_299 : memref<1x2x128xi32, #tpu.memory_space<hbm>> -> memref<2x128xi32, #tpu.memory_space<hbm>>
        %dma_start3A_301 = arith.constant 0 : i32
        %dma_start3A_302 = arith.constant 0 : i32
        %dma_start3A_303 = tpu.memref_slice %arg6[%dma_start3A_292, %dma_start3A_301, %dma_start3A_302] : memref<4x2x128xi32, #tpu.memory_space<vmem>> -> memref<1x2x128xi32, #tpu.memory_space<vmem>>
        %dma_start3A_304 = tpu.memref_squeeze %dma_start3A_303 : memref<1x2x128xi32, #tpu.memory_space<vmem>> -> memref<2x128xi32, #tpu.memory_space<vmem>>
        %dma_start3A_305 = arith.constant 0 : i32
        %dma_start3A_306 = arith.constant 0 : i32
        %dma_start3A_307 = tpu.memref_slice %arg3[%add3A_291, %dma_start3A_305, %dma_start3A_306] : memref<2560x2x128xi32, #tpu.memory_space<hbm>> -> memref<1x2x128xi32, #tpu.memory_space<hbm>>
        %dma_start3A_308 = tpu.memref_squeeze %dma_start3A_307 : memref<1x2x128xi32, #tpu.memory_space<hbm>> -> memref<2x128xi32, #tpu.memory_space<hbm>>
        tpu.enqueue_dma source(%dma_start3A_308 : memref<2x128xi32, #tpu.memory_space<hbm>>) target(%dma_start3A_304 : memref<2x128xi32, #tpu.memory_space<vmem>>) target_semaphore(%arg9 : memref<!tpu.dma_semaphore, #tpu.memory_space<semaphore_mem>>)
      } else {
      }
    }
    %while3A_86 = arith.constant 1 : i32
    scf.for %while3A_104 = %while3A_84 to %while3A_80 step %while3A_86  : i32 {
      %mul3A_105 = arith.constant 4 : i32
      %mul3A_106 = arith.muli %while3A_104, %mul3A_105 : i32
      %add3A_107 = arith.constant 0 : i32
      %add3A_108 = arith.addi %mul3A_106, %add3A_107 : i32
      %add3A_109 = arith.constant 1 : i32
      %add3A_110 = arith.addi %add3A_108, %add3A_109 : i32
      %dma_wait3A_111 = arith.constant 0 : i32
      %dma_wait3A_112 = arith.constant 0 : i32
      %dma_wait3A_113 = arith.constant 0 : i32
      %dma_wait3A_114 = arith.constant 0 : i32
      %dma_wait3A_115 = arith.constant 0 : i32
      %dma_wait3A_116 = tpu.memref_slice %arg7[%dma_wait3A_113, %dma_wait3A_114, %dma_wait3A_115] : memref<2x128x128xf32, #tpu.memory_space<vmem>> -> memref<1x128x128xf32, #tpu.memory_space<vmem>>
      %dma_wait3A_117 = tpu.memref_squeeze %dma_wait3A_116 : memref<1x128x128xf32, #tpu.memory_space<vmem>> -> memref<128x128xf32, #tpu.memory_space<vmem>>
      %dma_wait3A_118 = arith.constant 0 : i32
      %dma_wait3A_119 = tpu.memref_slice %arg6[%dma_wait3A_111, %dma_wait3A_112, %dma_wait3A_118] : memref<4x2x128xi32, #tpu.memory_space<vmem>> -> memref<1x1x128xi32, #tpu.memory_space<vmem>>
      %dma_wait3A_120 = tpu.memref_squeeze %dma_wait3A_119 : memref<1x1x128xi32, #tpu.memory_space<vmem>> -> memref<128xi32, #tpu.memory_space<vmem>>
      %dma_wait3A_121 = arith.constant 0 : i32
      %dma_wait3A_122 = arith.constant 0 : i32
      %dma_wait3A_123 = tpu.memref_slice %arg2[%dma_wait3A_121, %dma_wait3A_122] : memref<10000x128xf32, #tpu.memory_space<hbm>> -> memref<10000x128xf32, #tpu.memory_space<hbm>>
      tpu.wait_indirect_dma semaphore(%arg10 : memref<!tpu.dma_semaphore, #tpu.memory_space<semaphore_mem>>) src(%dma_wait3A_123 : memref<10000x128xf32, #tpu.memory_space<hbm>>) dst(%dma_wait3A_117 : memref<128x128xf32, #tpu.memory_space<vmem>>)
      %dma_start3A_124 = arith.constant 0 : i32
      %dma_start3A_125 = arith.constant 0 : i32
      %dma_start3A_126 = arith.constant 1 : i32
      %dma_start3A_127 = arith.constant 0 : i32
      %dma_start3A_128 = arith.constant 0 : i32
      %dma_start3A_129 = tpu.memref_slice %arg7[%dma_start3A_124, %dma_start3A_127, %dma_start3A_128] : memref<2x128x128xf32, #tpu.memory_space<vmem>> -> memref<1x128x128xf32, #tpu.memory_space<vmem>>
      %dma_start3A_130 = tpu.memref_squeeze %dma_start3A_129 : memref<1x128x128xf32, #tpu.memory_space<vmem>> -> memref<128x128xf32, #tpu.memory_space<vmem>>
      %dma_start3A_131 = arith.constant 0 : i32
      %dma_start3A_132 = tpu.memref_slice %arg6[%dma_start3A_125, %dma_start3A_126, %dma_start3A_131] : memref<4x2x128xi32, #tpu.memory_space<vmem>> -> memref<1x1x128xi32, #tpu.memory_space<vmem>>
      %dma_start3A_133 = tpu.memref_squeeze %dma_start3A_132 : memref<1x1x128xi32, #tpu.memory_space<vmem>> -> memref<128xi32, #tpu.memory_space<vmem>>
      %dma_start3A_134 = arith.constant 0 : i32
      %dma_start3A_135 = arith.constant 0 : i32
      %dma_start3A_136 = tpu.memref_slice %arg8[%dma_start3A_134, %dma_start3A_135] : memref<10240x128xf32, #tpu.memory_space<vmem_shared>> -> memref<10240x128xf32, #tpu.memory_space<vmem_shared>>
      tpu.enqueue_indirect_dma source(%dma_start3A_130 : memref<128x128xf32, #tpu.memory_space<vmem>>) target(%dma_start3A_136 : memref<10240x128xf32, #tpu.memory_space<vmem_shared>>) offsets(%dma_start3A_133 : memref<128xi32, #tpu.memory_space<vmem>>) semaphore(%arg11 : memref<!tpu.dma_semaphore, #tpu.memory_space<semaphore_mem>>) {add = true}
      %ge3A = arith.constant 1 : i32
      %ge3A_137 = arith.cmpi sge, %add3A_108, %ge3A : i32
      %convert_element_type3A = arith.extui %ge3A_137 : i1 to i32
      %cond3A = arith.constant 0 : i32
      %cond3A_138 = arith.cmpi ne, %convert_element_type3A, %cond3A : i32
      scf.if %cond3A_138 {
        %dma_wait3A_289 = arith.constant 1 : i32
        %dma_wait3A_290 = arith.constant 3 : i32
        %dma_wait3A_291 = arith.constant 1 : i32
        %dma_wait3A_292 = arith.constant 0 : i32
        %dma_wait3A_293 = arith.constant 0 : i32
        %dma_wait3A_294 = tpu.memref_slice %arg7[%dma_wait3A_289, %dma_wait3A_292, %dma_wait3A_293] : memref<2x128x128xf32, #tpu.memory_space<vmem>> -> memref<1x128x128xf32, #tpu.memory_space<vmem>>
        %dma_wait3A_295 = tpu.memref_squeeze %dma_wait3A_294 : memref<1x128x128xf32, #tpu.memory_space<vmem>> -> memref<128x128xf32, #tpu.memory_space<vmem>>
        %dma_wait3A_296 = arith.constant 0 : i32
        %dma_wait3A_297 = tpu.memref_slice %arg6[%dma_wait3A_290, %dma_wait3A_291, %dma_wait3A_296] : memref<4x2x128xi32, #tpu.memory_space<vmem>> -> memref<1x1x128xi32, #tpu.memory_space<vmem>>
        %dma_wait3A_298 = tpu.memref_squeeze %dma_wait3A_297 : memref<1x1x128xi32, #tpu.memory_space<vmem>> -> memref<128xi32, #tpu.memory_space<vmem>>
        %dma_wait3A_299 = arith.constant 0 : i32
        %dma_wait3A_300 = arith.constant 0 : i32
        %dma_wait3A_301 = tpu.memref_slice %arg8[%dma_wait3A_299, %dma_wait3A_300] : memref<10240x128xf32, #tpu.memory_space<vmem_shared>> -> memref<10240x128xf32, #tpu.memory_space<vmem_shared>>
        tpu.wait_indirect_dma semaphore(%arg11 : memref<!tpu.dma_semaphore, #tpu.memory_space<semaphore_mem>>) src(%dma_wait3A_295 : memref<128x128xf32, #tpu.memory_space<vmem>>) dst(%dma_wait3A_301 : memref<10240x128xf32, #tpu.memory_space<vmem_shared>>)
      } else {
      }
      %lt3A = arith.cmpi slt, %add3A_110, %select_n3A : i32
      %convert_element_type3A_139 = arith.extui %lt3A : i1 to i32
      %cond3A_140 = arith.constant 0 : i32
      %cond3A_141 = arith.cmpi ne, %convert_element_type3A_139, %cond3A_140 : i32
      scf.if %cond3A_141 {
        %add3A_289 = arith.addi %select_n3A_8, %add3A_110 : i32
        %dma_wait3A_290 = arith.constant 1 : i32
        %dma_wait3A_291 = arith.constant 0 : i32
        %dma_wait3A_292 = arith.constant 0 : i32
        %dma_wait3A_293 = tpu.memref_slice %arg6[%dma_wait3A_290, %dma_wait3A_291, %dma_wait3A_292] : memref<4x2x128xi32, #tpu.memory_space<vmem>> -> memref<1x2x128xi32, #tpu.memory_space<vmem>>
        %dma_wait3A_294 = tpu.memref_squeeze %dma_wait3A_293 : memref<1x2x128xi32, #tpu.memory_space<vmem>> -> memref<2x128xi32, #tpu.memory_space<vmem>>
        %dma_wait3A_295 = arith.constant 0 : i32
        %dma_wait3A_296 = arith.constant 0 : i32
        %dma_wait3A_297 = tpu.memref_slice %arg3[%add3A_289, %dma_wait3A_295, %dma_wait3A_296] : memref<2560x2x128xi32, #tpu.memory_space<hbm>> -> memref<1x2x128xi32, #tpu.memory_space<hbm>>
        %dma_wait3A_298 = tpu.memref_squeeze %dma_wait3A_297 : memref<1x2x128xi32, #tpu.memory_space<hbm>> -> memref<2x128xi32, #tpu.memory_space<hbm>>
        %dma_wait3A_299 = arith.constant 0 : i32
        %dma_wait3A_300 = arith.constant 0 : i32
        %dma_wait3A_301 = tpu.memref_slice %arg6[%dma_wait3A_290, %dma_wait3A_299, %dma_wait3A_300] : memref<4x2x128xi32, #tpu.memory_space<vmem>> -> memref<1x2x128xi32, #tpu.memory_space<vmem>>
        %dma_wait3A_302 = tpu.memref_squeeze %dma_wait3A_301 : memref<1x2x128xi32, #tpu.memory_space<vmem>> -> memref<2x128xi32, #tpu.memory_space<vmem>>
        %dma_wait3A_303 = arith.constant 0 : i32
        %dma_wait3A_304 = arith.constant 0 : i32
        %dma_wait3A_305 = tpu.memref_slice %arg3[%add3A_289, %dma_wait3A_303, %dma_wait3A_304] : memref<2560x2x128xi32, #tpu.memory_space<hbm>> -> memref<1x2x128xi32, #tpu.memory_space<hbm>>
        %dma_wait3A_306 = tpu.memref_squeeze %dma_wait3A_305 : memref<1x2x128xi32, #tpu.memory_space<hbm>> -> memref<2x128xi32, #tpu.memory_space<hbm>>
        tpu.wait_dma2 semaphore(%arg9 : memref<!tpu.dma_semaphore, #tpu.memory_space<semaphore_mem>>) src(%dma_wait3A_306 : memref<2x128xi32, #tpu.memory_space<hbm>>) dst(%dma_wait3A_302 : memref<2x128xi32, #tpu.memory_space<vmem>>)
        %dma_start3A_307 = arith.constant 1 : i32
        %dma_start3A_308 = arith.constant 0 : i32
        %dma_start3A_309 = arith.constant 1 : i32
        %dma_start3A_310 = arith.constant 0 : i32
        %dma_start3A_311 = arith.constant 0 : i32
        %dma_start3A_312 = tpu.memref_slice %arg7[%dma_start3A_309, %dma_start3A_310, %dma_start3A_311] : memref<2x128x128xf32, #tpu.memory_space<vmem>> -> memref<1x128x128xf32, #tpu.memory_space<vmem>>
        %dma_start3A_313 = tpu.memref_squeeze %dma_start3A_312 : memref<1x128x128xf32, #tpu.memory_space<vmem>> -> memref<128x128xf32, #tpu.memory_space<vmem>>
        %dma_start3A_314 = arith.constant 0 : i32
        %dma_start3A_315 = tpu.memref_slice %arg6[%dma_start3A_307, %dma_start3A_308, %dma_start3A_314] : memref<4x2x128xi32, #tpu.memory_space<vmem>> -> memref<1x1x128xi32, #tpu.memory_space<vmem>>
        %dma_start3A_316 = tpu.memref_squeeze %dma_start3A_315 : memref<1x1x128xi32, #tpu.memory_space<vmem>> -> memref<128xi32, #tpu.memory_space<vmem>>
        %dma_start3A_317 = arith.constant 0 : i32
        %dma_start3A_318 = arith.constant 0 : i32
        %dma_start3A_319 = tpu.memref_slice %arg2[%dma_start3A_317, %dma_start3A_318] : memref<10000x128xf32, #tpu.memory_space<hbm>> -> memref<10000x128xf32, #tpu.memory_space<hbm>>
        tpu.enqueue_indirect_dma source(%dma_start3A_319 : memref<10000x128xf32, #tpu.memory_space<hbm>>) target(%dma_start3A_313 : memref<128x128xf32, #tpu.memory_space<vmem>>) offsets(%dma_start3A_316 : memref<128xi32, #tpu.memory_space<vmem>>) semaphore(%arg10 : memref<!tpu.dma_semaphore, #tpu.memory_space<semaphore_mem>>)
      } else {
      }
      %add3A_142 = arith.constant 2 : i32
      %add3A_143 = arith.addi %add3A_108, %add3A_142 : i32
      %lt3A_144 = arith.cmpi slt, %add3A_143, %select_n3A : i32
      %convert_element_type3A_145 = arith.extui %lt3A_144 : i1 to i32
      %cond3A_146 = arith.constant 0 : i32
      %cond3A_147 = arith.cmpi ne, %convert_element_type3A_145, %cond3A_146 : i32
      scf.if %cond3A_147 {
        %add3A_289 = arith.constant 2 : i32
        %add3A_290 = arith.addi %add3A_108, %add3A_289 : i32
        %add3A_291 = arith.addi %select_n3A_8, %add3A_290 : i32
        %dma_start3A_292 = arith.constant 2 : i32
        %dma_start3A_293 = arith.constant 0 : i32
        %dma_start3A_294 = arith.constant 0 : i32
        %dma_start3A_295 = tpu.memref_slice %arg6[%dma_start3A_292, %dma_start3A_293, %dma_start3A_294] : memref<4x2x128xi32, #tpu.memory_space<vmem>> -> memref<1x2x128xi32, #tpu.memory_space<vmem>>
        %dma_start3A_296 = tpu.memref_squeeze %dma_start3A_295 : memref<1x2x128xi32, #tpu.memory_space<vmem>> -> memref<2x128xi32, #tpu.memory_space<vmem>>
        %dma_start3A_297 = arith.constant 0 : i32
        %dma_start3A_298 = arith.constant 0 : i32
        %dma_start3A_299 = tpu.memref_slice %arg3[%add3A_291, %dma_start3A_297, %dma_start3A_298] : memref<2560x2x128xi32, #tpu.memory_space<hbm>> -> memref<1x2x128xi32, #tpu.memory_space<hbm>>
        %dma_start3A_300 = tpu.memref_squeeze %dma_start3A_299 : memref<1x2x128xi32, #tpu.memory_space<hbm>> -> memref<2x128xi32, #tpu.memory_space<hbm>>
        %dma_start3A_301 = arith.constant 0 : i32
        %dma_start3A_302 = arith.constant 0 : i32
        %dma_start3A_303 = tpu.memref_slice %arg6[%dma_start3A_292, %dma_start3A_301, %dma_start3A_302] : memref<4x2x128xi32, #tpu.memory_space<vmem>> -> memref<1x2x128xi32, #tpu.memory_space<vmem>>
        %dma_start3A_304 = tpu.memref_squeeze %dma_start3A_303 : memref<1x2x128xi32, #tpu.memory_space<vmem>> -> memref<2x128xi32, #tpu.memory_space<vmem>>
        %dma_start3A_305 = arith.constant 0 : i32
        %dma_start3A_306 = arith.constant 0 : i32
        %dma_start3A_307 = tpu.memref_slice %arg3[%add3A_291, %dma_start3A_305, %dma_start3A_306] : memref<2560x2x128xi32, #tpu.memory_space<hbm>> -> memref<1x2x128xi32, #tpu.memory_space<hbm>>
        %dma_start3A_308 = tpu.memref_squeeze %dma_start3A_307 : memref<1x2x128xi32, #tpu.memory_space<hbm>> -> memref<2x128xi32, #tpu.memory_space<hbm>>
        tpu.enqueue_dma source(%dma_start3A_308 : memref<2x128xi32, #tpu.memory_space<hbm>>) target(%dma_start3A_304 : memref<2x128xi32, #tpu.memory_space<vmem>>) target_semaphore(%arg9 : memref<!tpu.dma_semaphore, #tpu.memory_space<semaphore_mem>>)
      } else {
      }
      %mul3A_148 = arith.constant 4 : i32
      %mul3A_149 = arith.muli %while3A_104, %mul3A_148 : i32
      %add3A_150 = arith.constant 1 : i32
      %add3A_151 = arith.addi %mul3A_149, %add3A_150 : i32
      %add3A_152 = arith.constant 1 : i32
      %add3A_153 = arith.addi %add3A_151, %add3A_152 : i32
      %dma_wait3A_154 = arith.constant 1 : i32
      %dma_wait3A_155 = arith.constant 0 : i32
      %dma_wait3A_156 = arith.constant 1 : i32
      %dma_wait3A_157 = arith.constant 0 : i32
      %dma_wait3A_158 = arith.constant 0 : i32
      %dma_wait3A_159 = tpu.memref_slice %arg7[%dma_wait3A_156, %dma_wait3A_157, %dma_wait3A_158] : memref<2x128x128xf32, #tpu.memory_space<vmem>> -> memref<1x128x128xf32, #tpu.memory_space<vmem>>
      %dma_wait3A_160 = tpu.memref_squeeze %dma_wait3A_159 : memref<1x128x128xf32, #tpu.memory_space<vmem>> -> memref<128x128xf32, #tpu.memory_space<vmem>>
      %dma_wait3A_161 = arith.constant 0 : i32
      %dma_wait3A_162 = tpu.memref_slice %arg6[%dma_wait3A_154, %dma_wait3A_155, %dma_wait3A_161] : memref<4x2x128xi32, #tpu.memory_space<vmem>> -> memref<1x1x128xi32, #tpu.memory_space<vmem>>
      %dma_wait3A_163 = tpu.memref_squeeze %dma_wait3A_162 : memref<1x1x128xi32, #tpu.memory_space<vmem>> -> memref<128xi32, #tpu.memory_space<vmem>>
      %dma_wait3A_164 = arith.constant 0 : i32
      %dma_wait3A_165 = arith.constant 0 : i32
      %dma_wait3A_166 = tpu.memref_slice %arg2[%dma_wait3A_164, %dma_wait3A_165] : memref<10000x128xf32, #tpu.memory_space<hbm>> -> memref<10000x128xf32, #tpu.memory_space<hbm>>
      tpu.wait_indirect_dma semaphore(%arg10 : memref<!tpu.dma_semaphore, #tpu.memory_space<semaphore_mem>>) src(%dma_wait3A_166 : memref<10000x128xf32, #tpu.memory_space<hbm>>) dst(%dma_wait3A_160 : memref<128x128xf32, #tpu.memory_space<vmem>>)
      %dma_start3A_167 = arith.constant 1 : i32
      %dma_start3A_168 = arith.constant 1 : i32
      %dma_start3A_169 = arith.constant 1 : i32
      %dma_start3A_170 = arith.constant 0 : i32
      %dma_start3A_171 = arith.constant 0 : i32
      %dma_start3A_172 = tpu.memref_slice %arg7[%dma_start3A_167, %dma_start3A_170, %dma_start3A_171] : memref<2x128x128xf32, #tpu.memory_space<vmem>> -> memref<1x128x128xf32, #tpu.memory_space<vmem>>
      %dma_start3A_173 = tpu.memref_squeeze %dma_start3A_172 : memref<1x128x128xf32, #tpu.memory_space<vmem>> -> memref<128x128xf32, #tpu.memory_space<vmem>>
      %dma_start3A_174 = arith.constant 0 : i32
      %dma_start3A_175 = tpu.memref_slice %arg6[%dma_start3A_168, %dma_start3A_169, %dma_start3A_174] : memref<4x2x128xi32, #tpu.memory_space<vmem>> -> memref<1x1x128xi32, #tpu.memory_space<vmem>>
      %dma_start3A_176 = tpu.memref_squeeze %dma_start3A_175 : memref<1x1x128xi32, #tpu.memory_space<vmem>> -> memref<128xi32, #tpu.memory_space<vmem>>
      %dma_start3A_177 = arith.constant 0 : i32
      %dma_start3A_178 = arith.constant 0 : i32
      %dma_start3A_179 = tpu.memref_slice %arg8[%dma_start3A_177, %dma_start3A_178] : memref<10240x128xf32, #tpu.memory_space<vmem_shared>> -> memref<10240x128xf32, #tpu.memory_space<vmem_shared>>
      tpu.enqueue_indirect_dma source(%dma_start3A_173 : memref<128x128xf32, #tpu.memory_space<vmem>>) target(%dma_start3A_179 : memref<10240x128xf32, #tpu.memory_space<vmem_shared>>) offsets(%dma_start3A_176 : memref<128xi32, #tpu.memory_space<vmem>>) semaphore(%arg11 : memref<!tpu.dma_semaphore, #tpu.memory_space<semaphore_mem>>) {add = true}
      %ge3A_180 = arith.constant 1 : i32
      %ge3A_181 = arith.cmpi sge, %add3A_151, %ge3A_180 : i32
      %convert_element_type3A_182 = arith.extui %ge3A_181 : i1 to i32
      %cond3A_183 = arith.constant 0 : i32
      %cond3A_184 = arith.cmpi ne, %convert_element_type3A_182, %cond3A_183 : i32
      scf.if %cond3A_184 {
        %dma_wait3A_289 = arith.constant 0 : i32
        %dma_wait3A_290 = arith.constant 0 : i32
        %dma_wait3A_291 = arith.constant 1 : i32
        %dma_wait3A_292 = arith.constant 0 : i32
        %dma_wait3A_293 = arith.constant 0 : i32
        %dma_wait3A_294 = tpu.memref_slice %arg7[%dma_wait3A_289, %dma_wait3A_292, %dma_wait3A_293] : memref<2x128x128xf32, #tpu.memory_space<vmem>> -> memref<1x128x128xf32, #tpu.memory_space<vmem>>
        %dma_wait3A_295 = tpu.memref_squeeze %dma_wait3A_294 : memref<1x128x128xf32, #tpu.memory_space<vmem>> -> memref<128x128xf32, #tpu.memory_space<vmem>>
        %dma_wait3A_296 = arith.constant 0 : i32
        %dma_wait3A_297 = tpu.memref_slice %arg6[%dma_wait3A_290, %dma_wait3A_291, %dma_wait3A_296] : memref<4x2x128xi32, #tpu.memory_space<vmem>> -> memref<1x1x128xi32, #tpu.memory_space<vmem>>
        %dma_wait3A_298 = tpu.memref_squeeze %dma_wait3A_297 : memref<1x1x128xi32, #tpu.memory_space<vmem>> -> memref<128xi32, #tpu.memory_space<vmem>>
        %dma_wait3A_299 = arith.constant 0 : i32
        %dma_wait3A_300 = arith.constant 0 : i32
        %dma_wait3A_301 = tpu.memref_slice %arg8[%dma_wait3A_299, %dma_wait3A_300] : memref<10240x128xf32, #tpu.memory_space<vmem_shared>> -> memref<10240x128xf32, #tpu.memory_space<vmem_shared>>
        tpu.wait_indirect_dma semaphore(%arg11 : memref<!tpu.dma_semaphore, #tpu.memory_space<semaphore_mem>>) src(%dma_wait3A_295 : memref<128x128xf32, #tpu.memory_space<vmem>>) dst(%dma_wait3A_301 : memref<10240x128xf32, #tpu.memory_space<vmem_shared>>)
      } else {
      }
      %lt3A_185 = arith.cmpi slt, %add3A_153, %select_n3A : i32
      %convert_element_type3A_186 = arith.extui %lt3A_185 : i1 to i32
      %cond3A_187 = arith.constant 0 : i32
      %cond3A_188 = arith.cmpi ne, %convert_element_type3A_186, %cond3A_187 : i32
      scf.if %cond3A_188 {
        %add3A_289 = arith.addi %select_n3A_8, %add3A_153 : i32
        %dma_wait3A_290 = arith.constant 2 : i32
        %dma_wait3A_291 = arith.constant 0 : i32
        %dma_wait3A_292 = arith.constant 0 : i32
        %dma_wait3A_293 = tpu.memref_slice %arg6[%dma_wait3A_290, %dma_wait3A_291, %dma_wait3A_292] : memref<4x2x128xi32, #tpu.memory_space<vmem>> -> memref<1x2x128xi32, #tpu.memory_space<vmem>>
        %dma_wait3A_294 = tpu.memref_squeeze %dma_wait3A_293 : memref<1x2x128xi32, #tpu.memory_space<vmem>> -> memref<2x128xi32, #tpu.memory_space<vmem>>
        %dma_wait3A_295 = arith.constant 0 : i32
        %dma_wait3A_296 = arith.constant 0 : i32
        %dma_wait3A_297 = tpu.memref_slice %arg3[%add3A_289, %dma_wait3A_295, %dma_wait3A_296] : memref<2560x2x128xi32, #tpu.memory_space<hbm>> -> memref<1x2x128xi32, #tpu.memory_space<hbm>>
        %dma_wait3A_298 = tpu.memref_squeeze %dma_wait3A_297 : memref<1x2x128xi32, #tpu.memory_space<hbm>> -> memref<2x128xi32, #tpu.memory_space<hbm>>
        %dma_wait3A_299 = arith.constant 0 : i32
        %dma_wait3A_300 = arith.constant 0 : i32
        %dma_wait3A_301 = tpu.memref_slice %arg6[%dma_wait3A_290, %dma_wait3A_299, %dma_wait3A_300] : memref<4x2x128xi32, #tpu.memory_space<vmem>> -> memref<1x2x128xi32, #tpu.memory_space<vmem>>
        %dma_wait3A_302 = tpu.memref_squeeze %dma_wait3A_301 : memref<1x2x128xi32, #tpu.memory_space<vmem>> -> memref<2x128xi32, #tpu.memory_space<vmem>>
        %dma_wait3A_303 = arith.constant 0 : i32
        %dma_wait3A_304 = arith.constant 0 : i32
        %dma_wait3A_305 = tpu.memref_slice %arg3[%add3A_289, %dma_wait3A_303, %dma_wait3A_304] : memref<2560x2x128xi32, #tpu.memory_space<hbm>> -> memref<1x2x128xi32, #tpu.memory_space<hbm>>
        %dma_wait3A_306 = tpu.memref_squeeze %dma_wait3A_305 : memref<1x2x128xi32, #tpu.memory_space<hbm>> -> memref<2x128xi32, #tpu.memory_space<hbm>>
        tpu.wait_dma2 semaphore(%arg9 : memref<!tpu.dma_semaphore, #tpu.memory_space<semaphore_mem>>) src(%dma_wait3A_306 : memref<2x128xi32, #tpu.memory_space<hbm>>) dst(%dma_wait3A_302 : memref<2x128xi32, #tpu.memory_space<vmem>>)
        %dma_start3A_307 = arith.constant 2 : i32
        %dma_start3A_308 = arith.constant 0 : i32
        %dma_start3A_309 = arith.constant 0 : i32
        %dma_start3A_310 = arith.constant 0 : i32
        %dma_start3A_311 = arith.constant 0 : i32
        %dma_start3A_312 = tpu.memref_slice %arg7[%dma_start3A_309, %dma_start3A_310, %dma_start3A_311] : memref<2x128x128xf32, #tpu.memory_space<vmem>> -> memref<1x128x128xf32, #tpu.memory_space<vmem>>
        %dma_start3A_313 = tpu.memref_squeeze %dma_start3A_312 : memref<1x128x128xf32, #tpu.memory_space<vmem>> -> memref<128x128xf32, #tpu.memory_space<vmem>>
        %dma_start3A_314 = arith.constant 0 : i32
        %dma_start3A_315 = tpu.memref_slice %arg6[%dma_start3A_307, %dma_start3A_308, %dma_start3A_314] : memref<4x2x128xi32, #tpu.memory_space<vmem>> -> memref<1x1x128xi32, #tpu.memory_space<vmem>>
        %dma_start3A_316 = tpu.memref_squeeze %dma_start3A_315 : memref<1x1x128xi32, #tpu.memory_space<vmem>> -> memref<128xi32, #tpu.memory_space<vmem>>
        %dma_start3A_317 = arith.constant 0 : i32
        %dma_start3A_318 = arith.constant 0 : i32
        %dma_start3A_319 = tpu.memref_slice %arg2[%dma_start3A_317, %dma_start3A_318] : memref<10000x128xf32, #tpu.memory_space<hbm>> -> memref<10000x128xf32, #tpu.memory_space<hbm>>
        tpu.enqueue_indirect_dma source(%dma_start3A_319 : memref<10000x128xf32, #tpu.memory_space<hbm>>) target(%dma_start3A_313 : memref<128x128xf32, #tpu.memory_space<vmem>>) offsets(%dma_start3A_316 : memref<128xi32, #tpu.memory_space<vmem>>) semaphore(%arg10 : memref<!tpu.dma_semaphore, #tpu.memory_space<semaphore_mem>>)
      } else {
      }
      %add3A_189 = arith.constant 2 : i32
      %add3A_190 = arith.addi %add3A_151, %add3A_189 : i32
      %lt3A_191 = arith.cmpi slt, %add3A_190, %select_n3A : i32
      %convert_element_type3A_192 = arith.extui %lt3A_191 : i1 to i32
      %cond3A_193 = arith.constant 0 : i32
      %cond3A_194 = arith.cmpi ne, %convert_element_type3A_192, %cond3A_193 : i32
      scf.if %cond3A_194 {
        %add3A_289 = arith.constant 2 : i32
        %add3A_290 = arith.addi %add3A_151, %add3A_289 : i32
        %add3A_291 = arith.addi %select_n3A_8, %add3A_290 : i32
        %dma_start3A_292 = arith.constant 3 : i32
        %dma_start3A_293 = arith.constant 0 : i32
        %dma_start3A_294 = arith.constant 0 : i32
        %dma_start3A_295 = tpu.memref_slice %arg6[%dma_start3A_292, %dma_start3A_293, %dma_start3A_294] : memref<4x2x128xi32, #tpu.memory_space<vmem>> -> memref<1x2x128xi32, #tpu.memory_space<vmem>>
        %dma_start3A_296 = tpu.memref_squeeze %dma_start3A_295 : memref<1x2x128xi32, #tpu.memory_space<vmem>> -> memref<2x128xi32, #tpu.memory_space<vmem>>
        %dma_start3A_297 = arith.constant 0 : i32
        %dma_start3A_298 = arith.constant 0 : i32
        %dma_start3A_299 = tpu.memref_slice %arg3[%add3A_291, %dma_start3A_297, %dma_start3A_298] : memref<2560x2x128xi32, #tpu.memory_space<hbm>> -> memref<1x2x128xi32, #tpu.memory_space<hbm>>
        %dma_start3A_300 = tpu.memref_squeeze %dma_start3A_299 : memref<1x2x128xi32, #tpu.memory_space<hbm>> -> memref<2x128xi32, #tpu.memory_space<hbm>>
        %dma_start3A_301 = arith.constant 0 : i32
        %dma_start3A_302 = arith.constant 0 : i32
        %dma_start3A_303 = tpu.memref_slice %arg6[%dma_start3A_292, %dma_start3A_301, %dma_start3A_302] : memref<4x2x128xi32, #tpu.memory_space<vmem>> -> memref<1x2x128xi32, #tpu.memory_space<vmem>>
        %dma_start3A_304 = tpu.memref_squeeze %dma_start3A_303 : memref<1x2x128xi32, #tpu.memory_space<vmem>> -> memref<2x128xi32, #tpu.memory_space<vmem>>
        %dma_start3A_305 = arith.constant 0 : i32
        %dma_start3A_306 = arith.constant 0 : i32
        %dma_start3A_307 = tpu.memref_slice %arg3[%add3A_291, %dma_start3A_305, %dma_start3A_306] : memref<2560x2x128xi32, #tpu.memory_space<hbm>> -> memref<1x2x128xi32, #tpu.memory_space<hbm>>
        %dma_start3A_308 = tpu.memref_squeeze %dma_start3A_307 : memref<1x2x128xi32, #tpu.memory_space<hbm>> -> memref<2x128xi32, #tpu.memory_space<hbm>>
        tpu.enqueue_dma source(%dma_start3A_308 : memref<2x128xi32, #tpu.memory_space<hbm>>) target(%dma_start3A_304 : memref<2x128xi32, #tpu.memory_space<vmem>>) target_semaphore(%arg9 : memref<!tpu.dma_semaphore, #tpu.memory_space<semaphore_mem>>)
      } else {
      }
      %mul3A_195 = arith.constant 4 : i32
      %mul3A_196 = arith.muli %while3A_104, %mul3A_195 : i32
      %add3A_197 = arith.constant 2 : i32
      %add3A_198 = arith.addi %mul3A_196, %add3A_197 : i32
      %add3A_199 = arith.constant 1 : i32
      %add3A_200 = arith.addi %add3A_198, %add3A_199 : i32
      %dma_wait3A_201 = arith.constant 2 : i32
      %dma_wait3A_202 = arith.constant 0 : i32
      %dma_wait3A_203 = arith.constant 0 : i32
      %dma_wait3A_204 = arith.constant 0 : i32
      %dma_wait3A_205 = arith.constant 0 : i32
      %dma_wait3A_206 = tpu.memref_slice %arg7[%dma_wait3A_203, %dma_wait3A_204, %dma_wait3A_205] : memref<2x128x128xf32, #tpu.memory_space<vmem>> -> memref<1x128x128xf32, #tpu.memory_space<vmem>>
      %dma_wait3A_207 = tpu.memref_squeeze %dma_wait3A_206 : memref<1x128x128xf32, #tpu.memory_space<vmem>> -> memref<128x128xf32, #tpu.memory_space<vmem>>
      %dma_wait3A_208 = arith.constant 0 : i32
      %dma_wait3A_209 = tpu.memref_slice %arg6[%dma_wait3A_201, %dma_wait3A_202, %dma_wait3A_208] : memref<4x2x128xi32, #tpu.memory_space<vmem>> -> memref<1x1x128xi32, #tpu.memory_space<vmem>>
      %dma_wait3A_210 = tpu.memref_squeeze %dma_wait3A_209 : memref<1x1x128xi32, #tpu.memory_space<vmem>> -> memref<128xi32, #tpu.memory_space<vmem>>
      %dma_wait3A_211 = arith.constant 0 : i32
      %dma_wait3A_212 = arith.constant 0 : i32
      %dma_wait3A_213 = tpu.memref_slice %arg2[%dma_wait3A_211, %dma_wait3A_212] : memref<10000x128xf32, #tpu.memory_space<hbm>> -> memref<10000x128xf32, #tpu.memory_space<hbm>>
      tpu.wait_indirect_dma semaphore(%arg10 : memref<!tpu.dma_semaphore, #tpu.memory_space<semaphore_mem>>) src(%dma_wait3A_213 : memref<10000x128xf32, #tpu.memory_space<hbm>>) dst(%dma_wait3A_207 : memref<128x128xf32, #tpu.memory_space<vmem>>)
      %dma_start3A_214 = arith.constant 0 : i32
      %dma_start3A_215 = arith.constant 2 : i32
      %dma_start3A_216 = arith.constant 1 : i32
      %dma_start3A_217 = arith.constant 0 : i32
      %dma_start3A_218 = arith.constant 0 : i32
      %dma_start3A_219 = tpu.memref_slice %arg7[%dma_start3A_214, %dma_start3A_217, %dma_start3A_218] : memref<2x128x128xf32, #tpu.memory_space<vmem>> -> memref<1x128x128xf32, #tpu.memory_space<vmem>>
      %dma_start3A_220 = tpu.memref_squeeze %dma_start3A_219 : memref<1x128x128xf32, #tpu.memory_space<vmem>> -> memref<128x128xf32, #tpu.memory_space<vmem>>
      %dma_start3A_221 = arith.constant 0 : i32
      %dma_start3A_222 = tpu.memref_slice %arg6[%dma_start3A_215, %dma_start3A_216, %dma_start3A_221] : memref<4x2x128xi32, #tpu.memory_space<vmem>> -> memref<1x1x128xi32, #tpu.memory_space<vmem>>
      %dma_start3A_223 = tpu.memref_squeeze %dma_start3A_222 : memref<1x1x128xi32, #tpu.memory_space<vmem>> -> memref<128xi32, #tpu.memory_space<vmem>>
      %dma_start3A_224 = arith.constant 0 : i32
      %dma_start3A_225 = arith.constant 0 : i32
      %dma_start3A_226 = tpu.memref_slice %arg8[%dma_start3A_224, %dma_start3A_225] : memref<10240x128xf32, #tpu.memory_space<vmem_shared>> -> memref<10240x128xf32, #tpu.memory_space<vmem_shared>>
      tpu.enqueue_indirect_dma source(%dma_start3A_220 : memref<128x128xf32, #tpu.memory_space<vmem>>) target(%dma_start3A_226 : memref<10240x128xf32, #tpu.memory_space<vmem_shared>>) offsets(%dma_start3A_223 : memref<128xi32, #tpu.memory_space<vmem>>) semaphore(%arg11 : memref<!tpu.dma_semaphore, #tpu.memory_space<semaphore_mem>>) {add = true}
      %ge3A_227 = arith.constant 1 : i32
      %ge3A_228 = arith.cmpi sge, %add3A_198, %ge3A_227 : i32
      %convert_element_type3A_229 = arith.extui %ge3A_228 : i1 to i32
      %cond3A_230 = arith.constant 0 : i32
      %cond3A_231 = arith.cmpi ne, %convert_element_type3A_229, %cond3A_230 : i32
      scf.if %cond3A_231 {
        %dma_wait3A_289 = arith.constant 1 : i32
        %dma_wait3A_290 = arith.constant 1 : i32
        %dma_wait3A_291 = arith.constant 1 : i32
        %dma_wait3A_292 = arith.constant 0 : i32
        %dma_wait3A_293 = arith.constant 0 : i32
        %dma_wait3A_294 = tpu.memref_slice %arg7[%dma_wait3A_289, %dma_wait3A_292, %dma_wait3A_293] : memref<2x128x128xf32, #tpu.memory_space<vmem>> -> memref<1x128x128xf32, #tpu.memory_space<vmem>>
        %dma_wait3A_295 = tpu.memref_squeeze %dma_wait3A_294 : memref<1x128x128xf32, #tpu.memory_space<vmem>> -> memref<128x128xf32, #tpu.memory_space<vmem>>
        %dma_wait3A_296 = arith.constant 0 : i32
        %dma_wait3A_297 = tpu.memref_slice %arg6[%dma_wait3A_290, %dma_wait3A_291, %dma_wait3A_296] : memref<4x2x128xi32, #tpu.memory_space<vmem>> -> memref<1x1x128xi32, #tpu.memory_space<vmem>>
        %dma_wait3A_298 = tpu.memref_squeeze %dma_wait3A_297 : memref<1x1x128xi32, #tpu.memory_space<vmem>> -> memref<128xi32, #tpu.memory_space<vmem>>
        %dma_wait3A_299 = arith.constant 0 : i32
        %dma_wait3A_300 = arith.constant 0 : i32
        %dma_wait3A_301 = tpu.memref_slice %arg8[%dma_wait3A_299, %dma_wait3A_300] : memref<10240x128xf32, #tpu.memory_space<vmem_shared>> -> memref<10240x128xf32, #tpu.memory_space<vmem_shared>>
        tpu.wait_indirect_dma semaphore(%arg11 : memref<!tpu.dma_semaphore, #tpu.memory_space<semaphore_mem>>) src(%dma_wait3A_295 : memref<128x128xf32, #tpu.memory_space<vmem>>) dst(%dma_wait3A_301 : memref<10240x128xf32, #tpu.memory_space<vmem_shared>>)
      } else {
      }
      %lt3A_232 = arith.cmpi slt, %add3A_200, %select_n3A : i32
      %convert_element_type3A_233 = arith.extui %lt3A_232 : i1 to i32
      %cond3A_234 = arith.constant 0 : i32
      %cond3A_235 = arith.cmpi ne, %convert_element_type3A_233, %cond3A_234 : i32
      scf.if %cond3A_235 {
        %add3A_289 = arith.addi %select_n3A_8, %add3A_200 : i32
        %dma_wait3A_290 = arith.constant 3 : i32
        %dma_wait3A_291 = arith.constant 0 : i32
        %dma_wait3A_292 = arith.constant 0 : i32
        %dma_wait3A_293 = tpu.memref_slice %arg6[%dma_wait3A_290, %dma_wait3A_291, %dma_wait3A_292] : memref<4x2x128xi32, #tpu.memory_space<vmem>> -> memref<1x2x128xi32, #tpu.memory_space<vmem>>
        %dma_wait3A_294 = tpu.memref_squeeze %dma_wait3A_293 : memref<1x2x128xi32, #tpu.memory_space<vmem>> -> memref<2x128xi32, #tpu.memory_space<vmem>>
        %dma_wait3A_295 = arith.constant 0 : i32
        %dma_wait3A_296 = arith.constant 0 : i32
        %dma_wait3A_297 = tpu.memref_slice %arg3[%add3A_289, %dma_wait3A_295, %dma_wait3A_296] : memref<2560x2x128xi32, #tpu.memory_space<hbm>> -> memref<1x2x128xi32, #tpu.memory_space<hbm>>
        %dma_wait3A_298 = tpu.memref_squeeze %dma_wait3A_297 : memref<1x2x128xi32, #tpu.memory_space<hbm>> -> memref<2x128xi32, #tpu.memory_space<hbm>>
        %dma_wait3A_299 = arith.constant 0 : i32
        %dma_wait3A_300 = arith.constant 0 : i32
        %dma_wait3A_301 = tpu.memref_slice %arg6[%dma_wait3A_290, %dma_wait3A_299, %dma_wait3A_300] : memref<4x2x128xi32, #tpu.memory_space<vmem>> -> memref<1x2x128xi32, #tpu.memory_space<vmem>>
        %dma_wait3A_302 = tpu.memref_squeeze %dma_wait3A_301 : memref<1x2x128xi32, #tpu.memory_space<vmem>> -> memref<2x128xi32, #tpu.memory_space<vmem>>
        %dma_wait3A_303 = arith.constant 0 : i32
        %dma_wait3A_304 = arith.constant 0 : i32
        %dma_wait3A_305 = tpu.memref_slice %arg3[%add3A_289, %dma_wait3A_303, %dma_wait3A_304] : memref<2560x2x128xi32, #tpu.memory_space<hbm>> -> memref<1x2x128xi32, #tpu.memory_space<hbm>>
        %dma_wait3A_306 = tpu.memref_squeeze %dma_wait3A_305 : memref<1x2x128xi32, #tpu.memory_space<hbm>> -> memref<2x128xi32, #tpu.memory_space<hbm>>
        tpu.wait_dma2 semaphore(%arg9 : memref<!tpu.dma_semaphore, #tpu.memory_space<semaphore_mem>>) src(%dma_wait3A_306 : memref<2x128xi32, #tpu.memory_space<hbm>>) dst(%dma_wait3A_302 : memref<2x128xi32, #tpu.memory_space<vmem>>)
        %dma_start3A_307 = arith.constant 3 : i32
        %dma_start3A_308 = arith.constant 0 : i32
        %dma_start3A_309 = arith.constant 1 : i32
        %dma_start3A_310 = arith.constant 0 : i32
        %dma_start3A_311 = arith.constant 0 : i32
        %dma_start3A_312 = tpu.memref_slice %arg7[%dma_start3A_309, %dma_start3A_310, %dma_start3A_311] : memref<2x128x128xf32, #tpu.memory_space<vmem>> -> memref<1x128x128xf32, #tpu.memory_space<vmem>>
        %dma_start3A_313 = tpu.memref_squeeze %dma_start3A_312 : memref<1x128x128xf32, #tpu.memory_space<vmem>> -> memref<128x128xf32, #tpu.memory_space<vmem>>
        %dma_start3A_314 = arith.constant 0 : i32
        %dma_start3A_315 = tpu.memref_slice %arg6[%dma_start3A_307, %dma_start3A_308, %dma_start3A_314] : memref<4x2x128xi32, #tpu.memory_space<vmem>> -> memref<1x1x128xi32, #tpu.memory_space<vmem>>
        %dma_start3A_316 = tpu.memref_squeeze %dma_start3A_315 : memref<1x1x128xi32, #tpu.memory_space<vmem>> -> memref<128xi32, #tpu.memory_space<vmem>>
        %dma_start3A_317 = arith.constant 0 : i32
        %dma_start3A_318 = arith.constant 0 : i32
        %dma_start3A_319 = tpu.memref_slice %arg2[%dma_start3A_317, %dma_start3A_318] : memref<10000x128xf32, #tpu.memory_space<hbm>> -> memref<10000x128xf32, #tpu.memory_space<hbm>>
        tpu.enqueue_indirect_dma source(%dma_start3A_319 : memref<10000x128xf32, #tpu.memory_space<hbm>>) target(%dma_start3A_313 : memref<128x128xf32, #tpu.memory_space<vmem>>) offsets(%dma_start3A_316 : memref<128xi32, #tpu.memory_space<vmem>>) semaphore(%arg10 : memref<!tpu.dma_semaphore, #tpu.memory_space<semaphore_mem>>)
      } else {
      }
      %add3A_236 = arith.constant 2 : i32
      %add3A_237 = arith.addi %add3A_198, %add3A_236 : i32
      %lt3A_238 = arith.cmpi slt, %add3A_237, %select_n3A : i32
      %convert_element_type3A_239 = arith.extui %lt3A_238 : i1 to i32
      %cond3A_240 = arith.constant 0 : i32
      %cond3A_241 = arith.cmpi ne, %convert_element_type3A_239, %cond3A_240 : i32
      scf.if %cond3A_241 {
        %add3A_289 = arith.constant 2 : i32
        %add3A_290 = arith.addi %add3A_198, %add3A_289 : i32
        %add3A_291 = arith.addi %select_n3A_8, %add3A_290 : i32
        %dma_start3A_292 = arith.constant 0 : i32
        %dma_start3A_293 = arith.constant 0 : i32
        %dma_start3A_294 = arith.constant 0 : i32
        %dma_start3A_295 = tpu.memref_slice %arg6[%dma_start3A_292, %dma_start3A_293, %dma_start3A_294] : memref<4x2x128xi32, #tpu.memory_space<vmem>> -> memref<1x2x128xi32, #tpu.memory_space<vmem>>
        %dma_start3A_296 = tpu.memref_squeeze %dma_start3A_295 : memref<1x2x128xi32, #tpu.memory_space<vmem>> -> memref<2x128xi32, #tpu.memory_space<vmem>>
        %dma_start3A_297 = arith.constant 0 : i32
        %dma_start3A_298 = arith.constant 0 : i32
        %dma_start3A_299 = tpu.memref_slice %arg3[%add3A_291, %dma_start3A_297, %dma_start3A_298] : memref<2560x2x128xi32, #tpu.memory_space<hbm>> -> memref<1x2x128xi32, #tpu.memory_space<hbm>>
        %dma_start3A_300 = tpu.memref_squeeze %dma_start3A_299 : memref<1x2x128xi32, #tpu.memory_space<hbm>> -> memref<2x128xi32, #tpu.memory_space<hbm>>
        %dma_start3A_301 = arith.constant 0 : i32
        %dma_start3A_302 = arith.constant 0 : i32
        %dma_start3A_303 = tpu.memref_slice %arg6[%dma_start3A_292, %dma_start3A_301, %dma_start3A_302] : memref<4x2x128xi32, #tpu.memory_space<vmem>> -> memref<1x2x128xi32, #tpu.memory_space<vmem>>
        %dma_start3A_304 = tpu.memref_squeeze %dma_start3A_303 : memref<1x2x128xi32, #tpu.memory_space<vmem>> -> memref<2x128xi32, #tpu.memory_space<vmem>>
        %dma_start3A_305 = arith.constant 0 : i32
        %dma_start3A_306 = arith.constant 0 : i32
        %dma_start3A_307 = tpu.memref_slice %arg3[%add3A_291, %dma_start3A_305, %dma_start3A_306] : memref<2560x2x128xi32, #tpu.memory_space<hbm>> -> memref<1x2x128xi32, #tpu.memory_space<hbm>>
        %dma_start3A_308 = tpu.memref_squeeze %dma_start3A_307 : memref<1x2x128xi32, #tpu.memory_space<hbm>> -> memref<2x128xi32, #tpu.memory_space<hbm>>
        tpu.enqueue_dma source(%dma_start3A_308 : memref<2x128xi32, #tpu.memory_space<hbm>>) target(%dma_start3A_304 : memref<2x128xi32, #tpu.memory_space<vmem>>) target_semaphore(%arg9 : memref<!tpu.dma_semaphore, #tpu.memory_space<semaphore_mem>>)
      } else {
      }
      %mul3A_242 = arith.constant 4 : i32
      %mul3A_243 = arith.muli %while3A_104, %mul3A_242 : i32
      %add3A_244 = arith.constant 3 : i32
      %add3A_245 = arith.addi %mul3A_243, %add3A_244 : i32
      %add3A_246 = arith.constant 1 : i32
      %add3A_247 = arith.addi %add3A_245, %add3A_246 : i32
      %dma_wait3A_248 = arith.constant 3 : i32
      %dma_wait3A_249 = arith.constant 0 : i32
      %dma_wait3A_250 = arith.constant 1 : i32
      %dma_wait3A_251 = arith.constant 0 : i32
      %dma_wait3A_252 = arith.constant 0 : i32
      %dma_wait3A_253 = tpu.memref_slice %arg7[%dma_wait3A_250, %dma_wait3A_251, %dma_wait3A_252] : memref<2x128x128xf32, #tpu.memory_space<vmem>> -> memref<1x128x128xf32, #tpu.memory_space<vmem>>
      %dma_wait3A_254 = tpu.memref_squeeze %dma_wait3A_253 : memref<1x128x128xf32, #tpu.memory_space<vmem>> -> memref<128x128xf32, #tpu.memory_space<vmem>>
      %dma_wait3A_255 = arith.constant 0 : i32
      %dma_wait3A_256 = tpu.memref_slice %arg6[%dma_wait3A_248, %dma_wait3A_249, %dma_wait3A_255] : memref<4x2x128xi32, #tpu.memory_space<vmem>> -> memref<1x1x128xi32, #tpu.memory_space<vmem>>
      %dma_wait3A_257 = tpu.memref_squeeze %dma_wait3A_256 : memref<1x1x128xi32, #tpu.memory_space<vmem>> -> memref<128xi32, #tpu.memory_space<vmem>>
      %dma_wait3A_258 = arith.constant 0 : i32
      %dma_wait3A_259 = arith.constant 0 : i32
      %dma_wait3A_260 = tpu.memref_slice %arg2[%dma_wait3A_258, %dma_wait3A_259] : memref<10000x128xf32, #tpu.memory_space<hbm>> -> memref<10000x128xf32, #tpu.memory_space<hbm>>
      tpu.wait_indirect_dma semaphore(%arg10 : memref<!tpu.dma_semaphore, #tpu.memory_space<semaphore_mem>>) src(%dma_wait3A_260 : memref<10000x128xf32, #tpu.memory_space<hbm>>) dst(%dma_wait3A_254 : memref<128x128xf32, #tpu.memory_space<vmem>>)
      %dma_start3A_261 = arith.constant 1 : i32
      %dma_start3A_262 = arith.constant 3 : i32
      %dma_start3A_263 = arith.constant 1 : i32
      %dma_start3A_264 = arith.constant 0 : i32
      %dma_start3A_265 = arith.constant 0 : i32
      %dma_start3A_266 = tpu.memref_slice %arg7[%dma_start3A_261, %dma_start3A_264, %dma_start3A_265] : memref<2x128x128xf32, #tpu.memory_space<vmem>> -> memref<1x128x128xf32, #tpu.memory_space<vmem>>
      %dma_start3A_267 = tpu.memref_squeeze %dma_start3A_266 : memref<1x128x128xf32, #tpu.memory_space<vmem>> -> memref<128x128xf32, #tpu.memory_space<vmem>>
      %dma_start3A_268 = arith.constant 0 : i32
      %dma_start3A_269 = tpu.memref_slice %arg6[%dma_start3A_262, %dma_start3A_263, %dma_start3A_268] : memref<4x2x128xi32, #tpu.memory_space<vmem>> -> memref<1x1x128xi32, #tpu.memory_space<vmem>>
      %dma_start3A_270 = tpu.memref_squeeze %dma_start3A_269 : memref<1x1x128xi32, #tpu.memory_space<vmem>> -> memref<128xi32, #tpu.memory_space<vmem>>
      %dma_start3A_271 = arith.constant 0 : i32
      %dma_start3A_272 = arith.constant 0 : i32
      %dma_start3A_273 = tpu.memref_slice %arg8[%dma_start3A_271, %dma_start3A_272] : memref<10240x128xf32, #tpu.memory_space<vmem_shared>> -> memref<10240x128xf32, #tpu.memory_space<vmem_shared>>
      tpu.enqueue_indirect_dma source(%dma_start3A_267 : memref<128x128xf32, #tpu.memory_space<vmem>>) target(%dma_start3A_273 : memref<10240x128xf32, #tpu.memory_space<vmem_shared>>) offsets(%dma_start3A_270 : memref<128xi32, #tpu.memory_space<vmem>>) semaphore(%arg11 : memref<!tpu.dma_semaphore, #tpu.memory_space<semaphore_mem>>) {add = true}
      %ge3A_274 = arith.constant 1 : i32
      %ge3A_275 = arith.cmpi sge, %add3A_245, %ge3A_274 : i32
      %convert_element_type3A_276 = arith.extui %ge3A_275 : i1 to i32
      %cond3A_277 = arith.constant 0 : i32
      %cond3A_278 = arith.cmpi ne, %convert_element_type3A_276, %cond3A_277 : i32
      scf.if %cond3A_278 {
        %dma_wait3A_289 = arith.constant 0 : i32
        %dma_wait3A_290 = arith.constant 2 : i32
        %dma_wait3A_291 = arith.constant 1 : i32
        %dma_wait3A_292 = arith.constant 0 : i32
        %dma_wait3A_293 = arith.constant 0 : i32
        %dma_wait3A_294 = tpu.memref_slice %arg7[%dma_wait3A_289, %dma_wait3A_292, %dma_wait3A_293] : memref<2x128x128xf32, #tpu.memory_space<vmem>> -> memref<1x128x128xf32, #tpu.memory_space<vmem>>
        %dma_wait3A_295 = tpu.memref_squeeze %dma_wait3A_294 : memref<1x128x128xf32, #tpu.memory_space<vmem>> -> memref<128x128xf32, #tpu.memory_space<vmem>>
        %dma_wait3A_296 = arith.constant 0 : i32
        %dma_wait3A_297 = tpu.memref_slice %arg6[%dma_wait3A_290, %dma_wait3A_291, %dma_wait3A_296] : memref<4x2x128xi32, #tpu.memory_space<vmem>> -> memref<1x1x128xi32, #tpu.memory_space<vmem>>
        %dma_wait3A_298 = tpu.memref_squeeze %dma_wait3A_297 : memref<1x1x128xi32, #tpu.memory_space<vmem>> -> memref<128xi32, #tpu.memory_space<vmem>>
        %dma_wait3A_299 = arith.constant 0 : i32
        %dma_wait3A_300 = arith.constant 0 : i32
        %dma_wait3A_301 = tpu.memref_slice %arg8[%dma_wait3A_299, %dma_wait3A_300] : memref<10240x128xf32, #tpu.memory_space<vmem_shared>> -> memref<10240x128xf32, #tpu.memory_space<vmem_shared>>
        tpu.wait_indirect_dma semaphore(%arg11 : memref<!tpu.dma_semaphore, #tpu.memory_space<semaphore_mem>>) src(%dma_wait3A_295 : memref<128x128xf32, #tpu.memory_space<vmem>>) dst(%dma_wait3A_301 : memref<10240x128xf32, #tpu.memory_space<vmem_shared>>)
      } else {
      }
      %lt3A_279 = arith.cmpi slt, %add3A_247, %select_n3A : i32
      %convert_element_type3A_280 = arith.extui %lt3A_279 : i1 to i32
      %cond3A_281 = arith.constant 0 : i32
      %cond3A_282 = arith.cmpi ne, %convert_element_type3A_280, %cond3A_281 : i32
      scf.if %cond3A_282 {
        %add3A_289 = arith.addi %select_n3A_8, %add3A_247 : i32
        %dma_wait3A_290 = arith.constant 0 : i32
        %dma_wait3A_291 = arith.constant 0 : i32
        %dma_wait3A_292 = arith.constant 0 : i32
        %dma_wait3A_293 = tpu.memref_slice %arg6[%dma_wait3A_290, %dma_wait3A_291, %dma_wait3A_292] : memref<4x2x128xi32, #tpu.memory_space<vmem>> -> memref<1x2x128xi32, #tpu.memory_space<vmem>>
        %dma_wait3A_294 = tpu.memref_squeeze %dma_wait3A_293 : memref<1x2x128xi32, #tpu.memory_space<vmem>> -> memref<2x128xi32, #tpu.memory_space<vmem>>
        %dma_wait3A_295 = arith.constant 0 : i32
        %dma_wait3A_296 = arith.constant 0 : i32
        %dma_wait3A_297 = tpu.memref_slice %arg3[%add3A_289, %dma_wait3A_295, %dma_wait3A_296] : memref<2560x2x128xi32, #tpu.memory_space<hbm>> -> memref<1x2x128xi32, #tpu.memory_space<hbm>>
        %dma_wait3A_298 = tpu.memref_squeeze %dma_wait3A_297 : memref<1x2x128xi32, #tpu.memory_space<hbm>> -> memref<2x128xi32, #tpu.memory_space<hbm>>
        %dma_wait3A_299 = arith.constant 0 : i32
        %dma_wait3A_300 = arith.constant 0 : i32
        %dma_wait3A_301 = tpu.memref_slice %arg6[%dma_wait3A_290, %dma_wait3A_299, %dma_wait3A_300] : memref<4x2x128xi32, #tpu.memory_space<vmem>> -> memref<1x2x128xi32, #tpu.memory_space<vmem>>
        %dma_wait3A_302 = tpu.memref_squeeze %dma_wait3A_301 : memref<1x2x128xi32, #tpu.memory_space<vmem>> -> memref<2x128xi32, #tpu.memory_space<vmem>>
        %dma_wait3A_303 = arith.constant 0 : i32
        %dma_wait3A_304 = arith.constant 0 : i32
        %dma_wait3A_305 = tpu.memref_slice %arg3[%add3A_289, %dma_wait3A_303, %dma_wait3A_304] : memref<2560x2x128xi32, #tpu.memory_space<hbm>> -> memref<1x2x128xi32, #tpu.memory_space<hbm>>
        %dma_wait3A_306 = tpu.memref_squeeze %dma_wait3A_305 : memref<1x2x128xi32, #tpu.memory_space<hbm>> -> memref<2x128xi32, #tpu.memory_space<hbm>>
        tpu.wait_dma2 semaphore(%arg9 : memref<!tpu.dma_semaphore, #tpu.memory_space<semaphore_mem>>) src(%dma_wait3A_306 : memref<2x128xi32, #tpu.memory_space<hbm>>) dst(%dma_wait3A_302 : memref<2x128xi32, #tpu.memory_space<vmem>>)
        %dma_start3A_307 = arith.constant 0 : i32
        %dma_start3A_308 = arith.constant 0 : i32
        %dma_start3A_309 = arith.constant 0 : i32
        %dma_start3A_310 = arith.constant 0 : i32
        %dma_start3A_311 = arith.constant 0 : i32
        %dma_start3A_312 = tpu.memref_slice %arg7[%dma_start3A_309, %dma_start3A_310, %dma_start3A_311] : memref<2x128x128xf32, #tpu.memory_space<vmem>> -> memref<1x128x128xf32, #tpu.memory_space<vmem>>
        %dma_start3A_313 = tpu.memref_squeeze %dma_start3A_312 : memref<1x128x128xf32, #tpu.memory_space<vmem>> -> memref<128x128xf32, #tpu.memory_space<vmem>>
        %dma_start3A_314 = arith.constant 0 : i32
        %dma_start3A_315 = tpu.memref_slice %arg6[%dma_start3A_307, %dma_start3A_308, %dma_start3A_314] : memref<4x2x128xi32, #tpu.memory_space<vmem>> -> memref<1x1x128xi32, #tpu.memory_space<vmem>>
        %dma_start3A_316 = tpu.memref_squeeze %dma_start3A_315 : memref<1x1x128xi32, #tpu.memory_space<vmem>> -> memref<128xi32, #tpu.memory_space<vmem>>
        %dma_start3A_317 = arith.constant 0 : i32
        %dma_start3A_318 = arith.constant 0 : i32
        %dma_start3A_319 = tpu.memref_slice %arg2[%dma_start3A_317, %dma_start3A_318] : memref<10000x128xf32, #tpu.memory_space<hbm>> -> memref<10000x128xf32, #tpu.memory_space<hbm>>
        tpu.enqueue_indirect_dma source(%dma_start3A_319 : memref<10000x128xf32, #tpu.memory_space<hbm>>) target(%dma_start3A_313 : memref<128x128xf32, #tpu.memory_space<vmem>>) offsets(%dma_start3A_316 : memref<128xi32, #tpu.memory_space<vmem>>) semaphore(%arg10 : memref<!tpu.dma_semaphore, #tpu.memory_space<semaphore_mem>>)
      } else {
      }
      %add3A_283 = arith.constant 2 : i32
      %add3A_284 = arith.addi %add3A_245, %add3A_283 : i32
      %lt3A_285 = arith.cmpi slt, %add3A_284, %select_n3A : i32
      %convert_element_type3A_286 = arith.extui %lt3A_285 : i1 to i32
      %cond3A_287 = arith.constant 0 : i32
      %cond3A_288 = arith.cmpi ne, %convert_element_type3A_286, %cond3A_287 : i32
      scf.if %cond3A_288 {
        %add3A_289 = arith.constant 2 : i32
        %add3A_290 = arith.addi %add3A_245, %add3A_289 : i32
        %add3A_291 = arith.addi %select_n3A_8, %add3A_290 : i32
        %dma_start3A_292 = arith.constant 1 : i32
        %dma_start3A_293 = arith.constant 0 : i32
        %dma_start3A_294 = arith.constant 0 : i32
        %dma_start3A_295 = tpu.memref_slice %arg6[%dma_start3A_292, %dma_start3A_293, %dma_start3A_294] : memref<4x2x128xi32, #tpu.memory_space<vmem>> -> memref<1x2x128xi32, #tpu.memory_space<vmem>>
        %dma_start3A_296 = tpu.memref_squeeze %dma_start3A_295 : memref<1x2x128xi32, #tpu.memory_space<vmem>> -> memref<2x128xi32, #tpu.memory_space<vmem>>
        %dma_start3A_297 = arith.constant 0 : i32
        %dma_start3A_298 = arith.constant 0 : i32
        %dma_start3A_299 = tpu.memref_slice %arg3[%add3A_291, %dma_start3A_297, %dma_start3A_298] : memref<2560x2x128xi32, #tpu.memory_space<hbm>> -> memref<1x2x128xi32, #tpu.memory_space<hbm>>
        %dma_start3A_300 = tpu.memref_squeeze %dma_start3A_299 : memref<1x2x128xi32, #tpu.memory_space<hbm>> -> memref<2x128xi32, #tpu.memory_space<hbm>>
        %dma_start3A_301 = arith.constant 0 : i32
        %dma_start3A_302 = arith.constant 0 : i32
        %dma_start3A_303 = tpu.memref_slice %arg6[%dma_start3A_292, %dma_start3A_301, %dma_start3A_302] : memref<4x2x128xi32, #tpu.memory_space<vmem>> -> memref<1x2x128xi32, #tpu.memory_space<vmem>>
        %dma_start3A_304 = tpu.memref_squeeze %dma_start3A_303 : memref<1x2x128xi32, #tpu.memory_space<vmem>> -> memref<2x128xi32, #tpu.memory_space<vmem>>
        %dma_start3A_305 = arith.constant 0 : i32
        %dma_start3A_306 = arith.constant 0 : i32
        %dma_start3A_307 = tpu.memref_slice %arg3[%add3A_291, %dma_start3A_305, %dma_start3A_306] : memref<2560x2x128xi32, #tpu.memory_space<hbm>> -> memref<1x2x128xi32, #tpu.memory_space<hbm>>
        %dma_start3A_308 = tpu.memref_squeeze %dma_start3A_307 : memref<1x2x128xi32, #tpu.memory_space<hbm>> -> memref<2x128xi32, #tpu.memory_space<hbm>>
        tpu.enqueue_dma source(%dma_start3A_308 : memref<2x128xi32, #tpu.memory_space<hbm>>) target(%dma_start3A_304 : memref<2x128xi32, #tpu.memory_space<vmem>>) target_semaphore(%arg9 : memref<!tpu.dma_semaphore, #tpu.memory_space<semaphore_mem>>)
      } else {
      }
    }
    %dma_wait3A = arith.constant 1 : i32
    %dma_wait3A_87 = arith.constant 3 : i32
    %dma_wait3A_88 = arith.constant 1 : i32
    %dma_wait3A_89 = arith.constant 0 : i32
    %dma_wait3A_90 = arith.constant 0 : i32
    %dma_wait3A_91 = tpu.memref_slice %arg7[%dma_wait3A, %dma_wait3A_89, %dma_wait3A_90] : memref<2x128x128xf32, #tpu.memory_space<vmem>> -> memref<1x128x128xf32, #tpu.memory_space<vmem>>
    %dma_wait3A_92 = tpu.memref_squeeze %dma_wait3A_91 : memref<1x128x128xf32, #tpu.memory_space<vmem>> -> memref<128x128xf32, #tpu.memory_space<vmem>>
    %dma_wait3A_93 = arith.constant 0 : i32
    %dma_wait3A_94 = tpu.memref_slice %arg6[%dma_wait3A_87, %dma_wait3A_88, %dma_wait3A_93] : memref<4x2x128xi32, #tpu.memory_space<vmem>> -> memref<1x1x128xi32, #tpu.memory_space<vmem>>
    %dma_wait3A_95 = tpu.memref_squeeze %dma_wait3A_94 : memref<1x1x128xi32, #tpu.memory_space<vmem>> -> memref<128xi32, #tpu.memory_space<vmem>>
    %dma_wait3A_96 = arith.constant 0 : i32
    %dma_wait3A_97 = arith.constant 0 : i32
    %dma_wait3A_98 = tpu.memref_slice %arg8[%dma_wait3A_96, %dma_wait3A_97] : memref<10240x128xf32, #tpu.memory_space<vmem_shared>> -> memref<10240x128xf32, #tpu.memory_space<vmem_shared>>
    tpu.wait_indirect_dma semaphore(%arg11 : memref<!tpu.dma_semaphore, #tpu.memory_space<semaphore_mem>>) src(%dma_wait3A_92 : memref<128x128xf32, #tpu.memory_space<vmem>>) dst(%dma_wait3A_98 : memref<10240x128xf32, #tpu.memory_space<vmem_shared>>)
    %barrier3A_99 = arith.constant 0 : index
    tpu.barrier barrier_id(%barrier3A_99)
    %mul3A_100 = arith.constant 640 : i32
    %mul3A_101 = arith.muli %arg1, %mul3A_100 : i32
    %mul3A_102 = arith.constant 640 : i32
    %mul3A_103 = arith.muli %arg1, %mul3A_102 : i32
    "tpu.region"() ({
      %run_scoped3A_104 = tpu.sem_alloc : memref<!tpu.dma_semaphore, #tpu.memory_space<semaphore_mem>>
      %dma_start3A_105 = arith.constant 0 : i32
      %dma_start3A_106 = tpu.memref_slice %arg5[%arg0, %mul3A_103, %dma_start3A_105] : memref<2x10240x128xf32, #tpu.memory_space<hbm>> -> memref<1x640x128xf32, #tpu.memory_space<hbm>>
      %dma_start3A_107 = tpu.memref_squeeze %dma_start3A_106 : memref<1x640x128xf32, #tpu.memory_space<hbm>> -> memref<640x128xf32, #tpu.memory_space<hbm>>
      %dma_start3A_108 = arith.constant 0 : i32
      %dma_start3A_109 = tpu.memref_slice %arg8[%mul3A_101, %dma_start3A_108] : memref<10240x128xf32, #tpu.memory_space<vmem_shared>> -> memref<640x128xf32, #tpu.memory_space<vmem_shared>>
      tpu.enqueue_dma source(%dma_start3A_109 : memref<640x128xf32, #tpu.memory_space<vmem_shared>>) target(%dma_start3A_107 : memref<640x128xf32, #tpu.memory_space<hbm>>) target_semaphore(%run_scoped3A_104 : memref<!tpu.dma_semaphore, #tpu.memory_space<semaphore_mem>>)
      %dma_wait3A_110 = arith.constant 0 : i32
      %dma_wait3A_111 = tpu.memref_slice %arg5[%arg0, %mul3A_103, %dma_wait3A_110] : memref<2x10240x128xf32, #tpu.memory_space<hbm>> -> memref<1x640x128xf32, #tpu.memory_space<hbm>>
      %dma_wait3A_112 = tpu.memref_squeeze %dma_wait3A_111 : memref<1x640x128xf32, #tpu.memory_space<hbm>> -> memref<640x128xf32, #tpu.memory_space<hbm>>
      %dma_wait3A_113 = arith.constant 0 : i32
      %dma_wait3A_114 = tpu.memref_slice %arg8[%mul3A_101, %dma_wait3A_113] : memref<10240x128xf32, #tpu.memory_space<vmem_shared>> -> memref<640x128xf32, #tpu.memory_space<vmem_shared>>
      tpu.wait_dma2 semaphore(%run_scoped3A_104 : memref<!tpu.dma_semaphore, #tpu.memory_space<semaphore_mem>>) src(%dma_wait3A_114 : memref<640x128xf32, #tpu.memory_space<vmem_shared>>) dst(%dma_wait3A_112 : memref<640x128xf32, #tpu.memory_space<hbm>>)
      tpu.yield
    }) : () -> ()
    return
  }
}

#map = affine_map<(d0, d1) -> (0, 0)>
#map1 = affine_map<(d0, d1) -> (0, 0, 0)>
module attributes {stable_mosaic.version = 14 : i64} {
  func.func @segsum(%arg0: i32, %arg1: i32, %arg2: memref<10000x128xf32, #tpu.memory_space<hbm>>, %arg3: memref<2560x2x128xi32, #tpu.memory_space<hbm>>, %arg4: memref<128x128xf32, #tpu.memory_space<hbm>>, %arg5: memref<2x10240x128xf32, #tpu.memory_space<hbm>>, %arg6: memref<4x2x128xi32, #tpu.memory_space<vmem>>, %arg7: memref<2x128x128xf32, #tpu.memory_space<vmem>>, %arg8: memref<10240x128xf32, #tpu.memory_space<vmem_shared>>, %arg9: memref<!tpu.dma_semaphore, #tpu.memory_space<semaphore_mem>>, %arg10: memref<!tpu.dma_semaphore, #tpu.memory_space<semaphore_mem>>, %arg11: memref<!tpu.dma_semaphore, #tpu.memory_space<semaphore_mem>>) attributes {dimension_semantics = [#tpu.dimension_semantics<core_parallel>, #tpu.dimension_semantics<subcore_parallel>], iteration_bounds = array<i64: 2, 16>, scalar_prefetch = 0 : i64, scratch_operands = 6 : i64, tpu.core_type = #tpu.core_type<sc_vector_subcore>, window_params = [{transform_indices = #map}, {transform_indices = #map1}, {transform_indices = #map}, {transform_indices = #map1}]} {
    %eq3A = arith.constant 0 : i32
    %eq3A_0 = arith.cmpi eq, %arg0, %eq3A : i32
    %jit3A = arith.constant 144 : i32
    %jit3A_1 = arith.constant 16 : i32
    %select_n3A = arith.select %eq3A_0, %jit3A, %jit3A_1 : i32
    %eq3A_2 = arith.constant 0 : i32
    %eq3A_3 = arith.cmpi eq, %arg0, %eq3A_2 : i32
    %mul3A = arith.constant 144 : i32
    %mul3A_4 = arith.muli %arg1, %mul3A : i32
    %mul3A_5 = arith.constant 16 : i32
    %mul3A_6 = arith.muli %arg1, %mul3A_5 : i32
    %add3A = arith.constant 2304 : i32
    %add3A_7 = arith.addi %add3A, %mul3A_6 : i32
    %select_n3A_8 = arith.select %eq3A_3, %mul3A_4, %add3A_7 : i32
    %mul3A_9 = arith.constant 640 : i32
    %mul3A_10 = arith.muli %arg1, %mul3A_9 : i32
    %add3A_11 = arith.constant 0 : i32
    %add3A_12 = arith.addi %mul3A_10, %add3A_11 : i32
    "tpu.region"() ({
      %run_scoped3A_104 = tpu.sem_alloc : memref<!tpu.dma_semaphore, #tpu.memory_space<semaphore_mem>>
      %dma_start3A_105 = arith.constant 0 : i32
      %dma_start3A_106 = tpu.memref_slice %arg8[%add3A_12, %dma_start3A_105] : memref<10240x128xf32, #tpu.memory_space<vmem_shared>> -> memref<128x128xf32, #tpu.memory_space<vmem_shared>>
      tpu.enqueue_dma source(%arg4 : memref<128x128xf32, #tpu.memory_space<hbm>>) target(%dma_start3A_106 : memref<128x128xf32, #tpu.memory_space<vmem_shared>>) target_semaphore(%run_scoped3A_104 : memref<!tpu.dma_semaphore, #tpu.memory_space<semaphore_mem>>)
      %dma_wait3A_107 = arith.constant 0 : i32
      %dma_wait3A_108 = tpu.memref_slice %arg8[%add3A_12, %dma_wait3A_107] : memref<10240x128xf32, #tpu.memory_space<vmem_shared>> -> memref<128x128xf32, #tpu.memory_space<vmem_shared>>
      tpu.wait_dma2 semaphore(%run_scoped3A_104 : memref<!tpu.dma_semaphore, #tpu.memory_space<semaphore_mem>>) src(%arg4 : memref<128x128xf32, #tpu.memory_space<hbm>>) dst(%dma_wait3A_108 : memref<128x128xf32, #tpu.memory_space<vmem_shared>>)
      tpu.yield
    }) : () -> ()
    %mul3A_13 = arith.constant 640 : i32
    %mul3A_14 = arith.muli %arg1, %mul3A_13 : i32
    %add3A_15 = arith.constant 128 : i32
    %add3A_16 = arith.addi %mul3A_14, %add3A_15 : i32
    "tpu.region"() ({
      %run_scoped3A_104 = tpu.sem_alloc : memref<!tpu.dma_semaphore, #tpu.memory_space<semaphore_mem>>
      %dma_start3A_105 = arith.constant 0 : i32
      %dma_start3A_106 = tpu.memref_slice %arg8[%add3A_16, %dma_start3A_105] : memref<10240x128xf32, #tpu.memory_space<vmem_shared>> -> memref<128x128xf32, #tpu.memory_space<vmem_shared>>
      tpu.enqueue_dma source(%arg4 : memref<128x128xf32, #tpu.memory_space<hbm>>) target(%dma_start3A_106 : memref<128x128xf32, #tpu.memory_space<vmem_shared>>) target_semaphore(%run_scoped3A_104 : memref<!tpu.dma_semaphore, #tpu.memory_space<semaphore_mem>>)
      %dma_wait3A_107 = arith.constant 0 : i32
      %dma_wait3A_108 = tpu.memref_slice %arg8[%add3A_16, %dma_wait3A_107] : memref<10240x128xf32, #tpu.memory_space<vmem_shared>> -> memref<128x128xf32, #tpu.memory_space<vmem_shared>>
      tpu.wait_dma2 semaphore(%run_scoped3A_104 : memref<!tpu.dma_semaphore, #tpu.memory_space<semaphore_mem>>) src(%arg4 : memref<128x128xf32, #tpu.memory_space<hbm>>) dst(%dma_wait3A_108 : memref<128x128xf32, #tpu.memory_space<vmem_shared>>)
      tpu.yield
    }) : () -> ()
    %mul3A_17 = arith.constant 640 : i32
    %mul3A_18 = arith.muli %arg1, %mul3A_17 : i32
    %add3A_19 = arith.constant 256 : i32
    %add3A_20 = arith.addi %mul3A_18, %add3A_19 : i32
    "tpu.region"() ({
      %run_scoped3A_104 = tpu.sem_alloc : memref<!tpu.dma_semaphore, #tpu.memory_space<semaphore_mem>>
      %dma_start3A_105 = arith.constant 0 : i32
      %dma_start3A_106 = tpu.memref_slice %arg8[%add3A_20, %dma_start3A_105] : memref<10240x128xf32, #tpu.memory_space<vmem_shared>> -> memref<128x128xf32, #tpu.memory_space<vmem_shared>>
      tpu.enqueue_dma source(%arg4 : memref<128x128xf32, #tpu.memory_space<hbm>>) target(%dma_start3A_106 : memref<128x128xf32, #tpu.memory_space<vmem_shared>>) target_semaphore(%run_scoped3A_104 : memref<!tpu.dma_semaphore, #tpu.memory_space<semaphore_mem>>)
      %dma_wait3A_107 = arith.constant 0 : i32
      %dma_wait3A_108 = tpu.memref_slice %arg8[%add3A_20, %dma_wait3A_107] : memref<10240x128xf32, #tpu.memory_space<vmem_shared>> -> memref<128x128xf32, #tpu.memory_space<vmem_shared>>
      tpu.wait_dma2 semaphore(%run_scoped3A_104 : memref<!tpu.dma_semaphore, #tpu.memory_space<semaphore_mem>>) src(%arg4 : memref<128x128xf32, #tpu.memory_space<hbm>>) dst(%dma_wait3A_108 : memref<128x128xf32, #tpu.memory_space<vmem_shared>>)
      tpu.yield
    }) : () -> ()
    %mul3A_21 = arith.constant 640 : i32
    %mul3A_22 = arith.muli %arg1, %mul3A_21 : i32
    %add3A_23 = arith.constant 384 : i32
    %add3A_24 = arith.addi %mul3A_22, %add3A_23 : i32
    "tpu.region"() ({
      %run_scoped3A_104 = tpu.sem_alloc : memref<!tpu.dma_semaphore, #tpu.memory_space<semaphore_mem>>
      %dma_start3A_105 = arith.constant 0 : i32
      %dma_start3A_106 = tpu.memref_slice %arg8[%add3A_24, %dma_start3A_105] : memref<10240x128xf32, #tpu.memory_space<vmem_shared>> -> memref<128x128xf32, #tpu.memory_space<vmem_shared>>
      tpu.enqueue_dma source(%arg4 : memref<128x128xf32, #tpu.memory_space<hbm>>) target(%dma_start3A_106 : memref<128x128xf32, #tpu.memory_space<vmem_shared>>) target_semaphore(%run_scoped3A_104 : memref<!tpu.dma_semaphore, #tpu.memory_space<semaphore_mem>>)
      %dma_wait3A_107 = arith.constant 0 : i32
      %dma_wait3A_108 = tpu.memref_slice %arg8[%add3A_24, %dma_wait3A_107] : memref<10240x128xf32, #tpu.memory_space<vmem_shared>> -> memref<128x128xf32, #tpu.memory_space<vmem_shared>>
      tpu.wait_dma2 semaphore(%run_scoped3A_104 : memref<!tpu.dma_semaphore, #tpu.memory_space<semaphore_mem>>) src(%arg4 : memref<128x128xf32, #tpu.memory_space<hbm>>) dst(%dma_wait3A_108 : memref<128x128xf32, #tpu.memory_space<vmem_shared>>)
      tpu.yield
    }) : () -> ()
    %mul3A_25 = arith.constant 640 : i32
    %mul3A_26 = arith.muli %arg1, %mul3A_25 : i32
    %add3A_27 = arith.constant 512 : i32
    %add3A_28 = arith.addi %mul3A_26, %add3A_27 : i32
    "tpu.region"() ({
      %run_scoped3A_104 = tpu.sem_alloc : memref<!tpu.dma_semaphore, #tpu.memory_space<semaphore_mem>>
      %dma_start3A_105 = arith.constant 0 : i32
      %dma_start3A_106 = tpu.memref_slice %arg8[%add3A_28, %dma_start3A_105] : memref<10240x128xf32, #tpu.memory_space<vmem_shared>> -> memref<128x128xf32, #tpu.memory_space<vmem_shared>>
      tpu.enqueue_dma source(%arg4 : memref<128x128xf32, #tpu.memory_space<hbm>>) target(%dma_start3A_106 : memref<128x128xf32, #tpu.memory_space<vmem_shared>>) target_semaphore(%run_scoped3A_104 : memref<!tpu.dma_semaphore, #tpu.memory_space<semaphore_mem>>)
      %dma_wait3A_107 = arith.constant 0 : i32
      %dma_wait3A_108 = tpu.memref_slice %arg8[%add3A_28, %dma_wait3A_107] : memref<10240x128xf32, #tpu.memory_space<vmem_shared>> -> memref<128x128xf32, #tpu.memory_space<vmem_shared>>
      tpu.wait_dma2 semaphore(%run_scoped3A_104 : memref<!tpu.dma_semaphore, #tpu.memory_space<semaphore_mem>>) src(%arg4 : memref<128x128xf32, #tpu.memory_space<hbm>>) dst(%dma_wait3A_108 : memref<128x128xf32, #tpu.memory_space<vmem_shared>>)
      tpu.yield
    }) : () -> ()
    %barrier3A = arith.constant 0 : index
    tpu.barrier barrier_id(%barrier3A)
    %run_scoped3A = arith.constant 0 : i32
    "tpu.region"() ({
      %run_scoped3A_104 = tpu.sem_alloc : memref<!tpu.dma_semaphore, #tpu.memory_space<semaphore_mem>>
      %dma_start3A_105 = arith.constant 0 : i32
      %dma_start3A_106 = arith.constant 0 : i32
      %dma_start3A_107 = tpu.memref_slice %arg6[%run_scoped3A, %dma_start3A_105, %dma_start3A_106] : memref<4x2x128xi32, #tpu.memory_space<vmem>> -> memref<1x2x128xi32, #tpu.memory_space<vmem>>
      %dma_start3A_108 = tpu.memref_squeeze %dma_start3A_107 : memref<1x2x128xi32, #tpu.memory_space<vmem>> -> memref<2x128xi32, #tpu.memory_space<vmem>>
      %dma_start3A_109 = arith.constant 0 : i32
      %dma_start3A_110 = arith.constant 0 : i32
      %dma_start3A_111 = tpu.memref_slice %arg3[%select_n3A_8, %dma_start3A_109, %dma_start3A_110] : memref<2560x2x128xi32, #tpu.memory_space<hbm>> -> memref<1x2x128xi32, #tpu.memory_space<hbm>>
      %dma_start3A_112 = tpu.memref_squeeze %dma_start3A_111 : memref<1x2x128xi32, #tpu.memory_space<hbm>> -> memref<2x128xi32, #tpu.memory_space<hbm>>
      %dma_start3A_113 = arith.constant 0 : i32
      %dma_start3A_114 = arith.constant 0 : i32
      %dma_start3A_115 = tpu.memref_slice %arg6[%run_scoped3A, %dma_start3A_113, %dma_start3A_114] : memref<4x2x128xi32, #tpu.memory_space<vmem>> -> memref<1x2x128xi32, #tpu.memory_space<vmem>>
      %dma_start3A_116 = tpu.memref_squeeze %dma_start3A_115 : memref<1x2x128xi32, #tpu.memory_space<vmem>> -> memref<2x128xi32, #tpu.memory_space<vmem>>
      %dma_start3A_117 = arith.constant 0 : i32
      %dma_start3A_118 = arith.constant 0 : i32
      %dma_start3A_119 = tpu.memref_slice %arg3[%select_n3A_8, %dma_start3A_117, %dma_start3A_118] : memref<2560x2x128xi32, #tpu.memory_space<hbm>> -> memref<1x2x128xi32, #tpu.memory_space<hbm>>
      %dma_start3A_120 = tpu.memref_squeeze %dma_start3A_119 : memref<1x2x128xi32, #tpu.memory_space<hbm>> -> memref<2x128xi32, #tpu.memory_space<hbm>>
      tpu.enqueue_dma source(%dma_start3A_120 : memref<2x128xi32, #tpu.memory_space<hbm>>) target(%dma_start3A_116 : memref<2x128xi32, #tpu.memory_space<vmem>>) target_semaphore(%run_scoped3A_104 : memref<!tpu.dma_semaphore, #tpu.memory_space<semaphore_mem>>)
      %dma_wait3A_121 = arith.constant 0 : i32
      %dma_wait3A_122 = arith.constant 0 : i32
      %dma_wait3A_123 = tpu.memref_slice %arg6[%run_scoped3A, %dma_wait3A_121, %dma_wait3A_122] : memref<4x2x128xi32, #tpu.memory_space<vmem>> -> memref<1x2x128xi32, #tpu.memory_space<vmem>>
      %dma_wait3A_124 = tpu.memref_squeeze %dma_wait3A_123 : memref<1x2x128xi32, #tpu.memory_space<vmem>> -> memref<2x128xi32, #tpu.memory_space<vmem>>
      %dma_wait3A_125 = arith.constant 0 : i32
      %dma_wait3A_126 = arith.constant 0 : i32
      %dma_wait3A_127 = tpu.memref_slice %arg3[%select_n3A_8, %dma_wait3A_125, %dma_wait3A_126] : memref<2560x2x128xi32, #tpu.memory_space<hbm>> -> memref<1x2x128xi32, #tpu.memory_space<hbm>>
      %dma_wait3A_128 = tpu.memref_squeeze %dma_wait3A_127 : memref<1x2x128xi32, #tpu.memory_space<hbm>> -> memref<2x128xi32, #tpu.memory_space<hbm>>
      %dma_wait3A_129 = arith.constant 0 : i32
      %dma_wait3A_130 = arith.constant 0 : i32
      %dma_wait3A_131 = tpu.memref_slice %arg6[%run_scoped3A, %dma_wait3A_129, %dma_wait3A_130] : memref<4x2x128xi32, #tpu.memory_space<vmem>> -> memref<1x2x128xi32, #tpu.memory_space<vmem>>
      %dma_wait3A_132 = tpu.memref_squeeze %dma_wait3A_131 : memref<1x2x128xi32, #tpu.memory_space<vmem>> -> memref<2x128xi32, #tpu.memory_space<vmem>>
      %dma_wait3A_133 = arith.constant 0 : i32
      %dma_wait3A_134 = arith.constant 0 : i32
      %dma_wait3A_135 = tpu.memref_slice %arg3[%select_n3A_8, %dma_wait3A_133, %dma_wait3A_134] : memref<2560x2x128xi32, #tpu.memory_space<hbm>> -> memref<1x2x128xi32, #tpu.memory_space<hbm>>
      %dma_wait3A_136 = tpu.memref_squeeze %dma_wait3A_135 : memref<1x2x128xi32, #tpu.memory_space<hbm>> -> memref<2x128xi32, #tpu.memory_space<hbm>>
      tpu.wait_dma2 semaphore(%run_scoped3A_104 : memref<!tpu.dma_semaphore, #tpu.memory_space<semaphore_mem>>) src(%dma_wait3A_136 : memref<2x128xi32, #tpu.memory_space<hbm>>) dst(%dma_wait3A_132 : memref<2x128xi32, #tpu.memory_space<vmem>>)
      tpu.yield
    }) : () -> ()
    %dma_start3A = arith.constant 0 : i32
    %dma_start3A_29 = arith.constant 0 : i32
    %dma_start3A_30 = arith.constant 0 : i32
    %dma_start3A_31 = arith.constant 0 : i32
    %dma_start3A_32 = arith.constant 0 : i32
    %dma_start3A_33 = tpu.memref_slice %arg7[%dma_start3A_30, %dma_start3A_31, %dma_start3A_32] : memref<2x128x128xf32, #tpu.memory_space<vmem>> -> memref<1x128x128xf32, #tpu.memory_space<vmem>>
    %dma_start3A_34 = tpu.memref_squeeze %dma_start3A_33 : memref<1x128x128xf32, #tpu.memory_space<vmem>> -> memref<128x128xf32, #tpu.memory_space<vmem>>
    %dma_start3A_35 = arith.constant 0 : i32
    %dma_start3A_36 = tpu.memref_slice %arg6[%dma_start3A, %dma_start3A_29, %dma_start3A_35] : memref<4x2x128xi32, #tpu.memory_space<vmem>> -> memref<1x1x128xi32, #tpu.memory_space<vmem>>
    %dma_start3A_37 = tpu.memref_squeeze %dma_start3A_36 : memref<1x1x128xi32, #tpu.memory_space<vmem>> -> memref<128xi32, #tpu.memory_space<vmem>>
    %dma_start3A_38 = arith.constant 0 : i32
    %dma_start3A_39 = arith.constant 0 : i32
    %dma_start3A_40 = tpu.memref_slice %arg2[%dma_start3A_38, %dma_start3A_39] : memref<10000x128xf32, #tpu.memory_space<hbm>> -> memref<10000x128xf32, #tpu.memory_space<hbm>>
    tpu.enqueue_indirect_dma source(%dma_start3A_40 : memref<10000x128xf32, #tpu.memory_space<hbm>>) target(%dma_start3A_34 : memref<128x128xf32, #tpu.memory_space<vmem>>) offsets(%dma_start3A_37 : memref<128xi32, #tpu.memory_space<vmem>>) semaphore(%arg10 : memref<!tpu.dma_semaphore, #tpu.memory_space<semaphore_mem>>)
    %add3A_41 = arith.constant 1 : i32
    %add3A_42 = arith.addi %select_n3A_8, %add3A_41 : i32
    %dma_start3A_43 = arith.constant 1 : i32
    %dma_start3A_44 = arith.constant 0 : i32
    %dma_start3A_45 = arith.constant 0 : i32
    %dma_start3A_46 = tpu.memref_slice %arg6[%dma_start3A_43, %dma_start3A_44, %dma_start3A_45] : memref<4x2x128xi32, #tpu.memory_space<vmem>> -> memref<1x2x128xi32, #tpu.memory_space<vmem>>
    %dma_start3A_47 = tpu.memref_squeeze %dma_start3A_46 : memref<1x2x128xi32, #tpu.memory_space<vmem>> -> memref<2x128xi32, #tpu.memory_space<vmem>>
    %dma_start3A_48 = arith.constant 0 : i32
    %dma_start3A_49 = arith.constant 0 : i32
    %dma_start3A_50 = tpu.memref_slice %arg3[%add3A_42, %dma_start3A_48, %dma_start3A_49] : memref<2560x2x128xi32, #tpu.memory_space<hbm>> -> memref<1x2x128xi32, #tpu.memory_space<hbm>>
    %dma_start3A_51 = tpu.memref_squeeze %dma_start3A_50 : memref<1x2x128xi32, #tpu.memory_space<hbm>> -> memref<2x128xi32, #tpu.memory_space<hbm>>
    %dma_start3A_52 = arith.constant 0 : i32
    %dma_start3A_53 = arith.constant 0 : i32
    %dma_start3A_54 = tpu.memref_slice %arg6[%dma_start3A_43, %dma_start3A_52, %dma_start3A_53] : memref<4x2x128xi32, #tpu.memory_space<vmem>> -> memref<1x2x128xi32, #tpu.memory_space<vmem>>
    %dma_start3A_55 = tpu.memref_squeeze %dma_start3A_54 : memref<1x2x128xi32, #tpu.memory_space<vmem>> -> memref<2x128xi32, #tpu.memory_space<vmem>>
    %dma_start3A_56 = arith.constant 0 : i32
    %dma_start3A_57 = arith.constant 0 : i32
    %dma_start3A_58 = tpu.memref_slice %arg3[%add3A_42, %dma_start3A_56, %dma_start3A_57] : memref<2560x2x128xi32, #tpu.memory_space<hbm>> -> memref<1x2x128xi32, #tpu.memory_space<hbm>>
    %dma_start3A_59 = tpu.memref_squeeze %dma_start3A_58 : memref<1x2x128xi32, #tpu.memory_space<hbm>> -> memref<2x128xi32, #tpu.memory_space<hbm>>
    tpu.enqueue_dma source(%dma_start3A_59 : memref<2x128xi32, #tpu.memory_space<hbm>>) target(%dma_start3A_55 : memref<2x128xi32, #tpu.memory_space<vmem>>) target_semaphore(%arg9 : memref<!tpu.dma_semaphore, #tpu.memory_space<semaphore_mem>>)
    %jit3A_60 = arith.constant 4 : i32
    %div3A = arith.divsi %select_n3A, %jit3A_60 : i32
    %sign3A = arith.constant 0 : i32
    %sign3A_61 = arith.cmpi sgt, %select_n3A, %sign3A : i32
    %sign3A_62 = arith.extui %sign3A_61 : i1 to i32
    %sign3A_63 = arith.constant 0 : i32
    %sign3A_64 = arith.cmpi slt, %select_n3A, %sign3A_63 : i32
    %sign3A_65 = arith.extui %sign3A_64 : i1 to i32
    %sign3A_66 = arith.subi %sign3A_62, %sign3A_65 : i32
    %sign3A_67 = arith.constant 0 : i32
    %sign3A_68 = arith.cmpi sgt, %jit3A_60, %sign3A_67 : i32
    %sign3A_69 = arith.extui %sign3A_68 : i1 to i32
    %sign3A_70 = arith.constant 0 : i32
    %sign3A_71 = arith.cmpi slt, %jit3A_60, %sign3A_70 : i32
    %sign3A_72 = arith.extui %sign3A_71 : i1 to i32
    %sign3A_73 = arith.subi %sign3A_69, %sign3A_72 : i32
    %ne3A = arith.cmpi ne, %sign3A_66, %sign3A_73 : i32
    %rem3A = arith.remsi %select_n3A, %jit3A_60 : i32
    %ne3A_74 = arith.constant 0 : i32
    %ne3A_75 = arith.cmpi ne, %rem3A, %ne3A_74 : i32
    %and3A = arith.andi %ne3A, %ne3A_75 : i1
    %sub3A = arith.constant 1 : i32
    %sub3A_76 = arith.subi %div3A, %sub3A : i32
    %select_n3A_77 = arith.select %and3A, %sub3A_76, %div3A : i32
    %while3A = arith.constant 0 : i32
    %while3A_78 = arith.constant 0 : i32
    %while3A_79 = arith.subi %select_n3A_77, %while3A_78 : i32
    %while3A_80 = arith.addi %while3A_78, %while3A_79 : i32
    %while3A_81 = arith.constant 1 : i32
    %while3A_82 = arith.divsi %while3A_79, %while3A_81 : i32
    %while3A_83 = arith.muli %while3A_82, %while3A_81 : i32
    %while3A_84 = arith.addi %while3A_78, %while3A_83 : i32
    %while3A_85 = arith.constant 1 : i32
    scf.for %while3A_104 = %while3A_78 to %while3A_84 step %while3A_85  : i32 {
      %mul3A_105 = arith.constant 4 : i32
      %mul3A_106 = arith.muli %while3A_104, %mul3A_105 : i32
      %add3A_107 = arith.constant 0 : i32
      %add3A_108 = arith.addi %mul3A_106, %add3A_107 : i32
      %add3A_109 = arith.constant 1 : i32
      %add3A_110 = arith.addi %add3A_108, %add3A_109 : i32
      %dma_wait3A_111 = arith.constant 0 : i32
      %dma_wait3A_112 = arith.constant 0 : i32
      %dma_wait3A_113 = arith.constant 0 : i32
      %dma_wait3A_114 = arith.constant 0 : i32
      %dma_wait3A_115 = arith.constant 0 : i32
      %dma_wait3A_116 = tpu.memref_slice %arg7[%dma_wait3A_113, %dma_wait3A_114, %dma_wait3A_115] : memref<2x128x128xf32, #tpu.memory_space<vmem>> -> memref<1x128x128xf32, #tpu.memory_space<vmem>>
      %dma_wait3A_117 = tpu.memref_squeeze %dma_wait3A_116 : memref<1x128x128xf32, #tpu.memory_space<vmem>> -> memref<128x128xf32, #tpu.memory_space<vmem>>
      %dma_wait3A_118 = arith.constant 0 : i32
      %dma_wait3A_119 = tpu.memref_slice %arg6[%dma_wait3A_111, %dma_wait3A_112, %dma_wait3A_118] : memref<4x2x128xi32, #tpu.memory_space<vmem>> -> memref<1x1x128xi32, #tpu.memory_space<vmem>>
      %dma_wait3A_120 = tpu.memref_squeeze %dma_wait3A_119 : memref<1x1x128xi32, #tpu.memory_space<vmem>> -> memref<128xi32, #tpu.memory_space<vmem>>
      %dma_wait3A_121 = arith.constant 0 : i32
      %dma_wait3A_122 = arith.constant 0 : i32
      %dma_wait3A_123 = tpu.memref_slice %arg2[%dma_wait3A_121, %dma_wait3A_122] : memref<10000x128xf32, #tpu.memory_space<hbm>> -> memref<10000x128xf32, #tpu.memory_space<hbm>>
      tpu.wait_indirect_dma semaphore(%arg10 : memref<!tpu.dma_semaphore, #tpu.memory_space<semaphore_mem>>) src(%dma_wait3A_123 : memref<10000x128xf32, #tpu.memory_space<hbm>>) dst(%dma_wait3A_117 : memref<128x128xf32, #tpu.memory_space<vmem>>)
      %dma_start3A_124 = arith.constant 0 : i32
      %dma_start3A_125 = arith.constant 0 : i32
      %dma_start3A_126 = arith.constant 1 : i32
      %dma_start3A_127 = arith.constant 0 : i32
      %dma_start3A_128 = arith.constant 0 : i32
      %dma_start3A_129 = tpu.memref_slice %arg7[%dma_start3A_124, %dma_start3A_127, %dma_start3A_128] : memref<2x128x128xf32, #tpu.memory_space<vmem>> -> memref<1x128x128xf32, #tpu.memory_space<vmem>>
      %dma_start3A_130 = tpu.memref_squeeze %dma_start3A_129 : memref<1x128x128xf32, #tpu.memory_space<vmem>> -> memref<128x128xf32, #tpu.memory_space<vmem>>
      %dma_start3A_131 = arith.constant 0 : i32
      %dma_start3A_132 = tpu.memref_slice %arg6[%dma_start3A_125, %dma_start3A_126, %dma_start3A_131] : memref<4x2x128xi32, #tpu.memory_space<vmem>> -> memref<1x1x128xi32, #tpu.memory_space<vmem>>
      %dma_start3A_133 = tpu.memref_squeeze %dma_start3A_132 : memref<1x1x128xi32, #tpu.memory_space<vmem>> -> memref<128xi32, #tpu.memory_space<vmem>>
      %dma_start3A_134 = arith.constant 0 : i32
      %dma_start3A_135 = arith.constant 0 : i32
      %dma_start3A_136 = tpu.memref_slice %arg8[%dma_start3A_134, %dma_start3A_135] : memref<10240x128xf32, #tpu.memory_space<vmem_shared>> -> memref<10240x128xf32, #tpu.memory_space<vmem_shared>>
      tpu.enqueue_indirect_dma source(%dma_start3A_130 : memref<128x128xf32, #tpu.memory_space<vmem>>) target(%dma_start3A_136 : memref<10240x128xf32, #tpu.memory_space<vmem_shared>>) offsets(%dma_start3A_133 : memref<128xi32, #tpu.memory_space<vmem>>) semaphore(%arg11 : memref<!tpu.dma_semaphore, #tpu.memory_space<semaphore_mem>>) {add = true}
      %ge3A = arith.constant 1 : i32
      %ge3A_137 = arith.cmpi sge, %add3A_108, %ge3A : i32
      %convert_element_type3A = arith.extui %ge3A_137 : i1 to i32
      %cond3A = arith.constant 0 : i32
      %cond3A_138 = arith.cmpi ne, %convert_element_type3A, %cond3A : i32
      scf.if %cond3A_138 {
        %dma_wait3A_289 = arith.constant 1 : i32
        %dma_wait3A_290 = arith.constant 3 : i32
        %dma_wait3A_291 = arith.constant 1 : i32
        %dma_wait3A_292 = arith.constant 0 : i32
        %dma_wait3A_293 = arith.constant 0 : i32
        %dma_wait3A_294 = tpu.memref_slice %arg7[%dma_wait3A_289, %dma_wait3A_292, %dma_wait3A_293] : memref<2x128x128xf32, #tpu.memory_space<vmem>> -> memref<1x128x128xf32, #tpu.memory_space<vmem>>
        %dma_wait3A_295 = tpu.memref_squeeze %dma_wait3A_294 : memref<1x128x128xf32, #tpu.memory_space<vmem>> -> memref<128x128xf32, #tpu.memory_space<vmem>>
        %dma_wait3A_296 = arith.constant 0 : i32
        %dma_wait3A_297 = tpu.memref_slice %arg6[%dma_wait3A_290, %dma_wait3A_291, %dma_wait3A_296] : memref<4x2x128xi32, #tpu.memory_space<vmem>> -> memref<1x1x128xi32, #tpu.memory_space<vmem>>
        %dma_wait3A_298 = tpu.memref_squeeze %dma_wait3A_297 : memref<1x1x128xi32, #tpu.memory_space<vmem>> -> memref<128xi32, #tpu.memory_space<vmem>>
        %dma_wait3A_299 = arith.constant 0 : i32
        %dma_wait3A_300 = arith.constant 0 : i32
        %dma_wait3A_301 = tpu.memref_slice %arg8[%dma_wait3A_299, %dma_wait3A_300] : memref<10240x128xf32, #tpu.memory_space<vmem_shared>> -> memref<10240x128xf32, #tpu.memory_space<vmem_shared>>
        tpu.wait_indirect_dma semaphore(%arg11 : memref<!tpu.dma_semaphore, #tpu.memory_space<semaphore_mem>>) src(%dma_wait3A_295 : memref<128x128xf32, #tpu.memory_space<vmem>>) dst(%dma_wait3A_301 : memref<10240x128xf32, #tpu.memory_space<vmem_shared>>)
      } else {
      }
      %lt3A = arith.cmpi slt, %add3A_110, %select_n3A : i32
      %convert_element_type3A_139 = arith.extui %lt3A : i1 to i32
      %cond3A_140 = arith.constant 0 : i32
      %cond3A_141 = arith.cmpi ne, %convert_element_type3A_139, %cond3A_140 : i32
      scf.if %cond3A_141 {
        %add3A_289 = arith.addi %select_n3A_8, %add3A_110 : i32
        %dma_wait3A_290 = arith.constant 1 : i32
        %dma_wait3A_291 = arith.constant 0 : i32
        %dma_wait3A_292 = arith.constant 0 : i32
        %dma_wait3A_293 = tpu.memref_slice %arg6[%dma_wait3A_290, %dma_wait3A_291, %dma_wait3A_292] : memref<4x2x128xi32, #tpu.memory_space<vmem>> -> memref<1x2x128xi32, #tpu.memory_space<vmem>>
        %dma_wait3A_294 = tpu.memref_squeeze %dma_wait3A_293 : memref<1x2x128xi32, #tpu.memory_space<vmem>> -> memref<2x128xi32, #tpu.memory_space<vmem>>
        %dma_wait3A_295 = arith.constant 0 : i32
        %dma_wait3A_296 = arith.constant 0 : i32
        %dma_wait3A_297 = tpu.memref_slice %arg3[%add3A_289, %dma_wait3A_295, %dma_wait3A_296] : memref<2560x2x128xi32, #tpu.memory_space<hbm>> -> memref<1x2x128xi32, #tpu.memory_space<hbm>>
        %dma_wait3A_298 = tpu.memref_squeeze %dma_wait3A_297 : memref<1x2x128xi32, #tpu.memory_space<hbm>> -> memref<2x128xi32, #tpu.memory_space<hbm>>
        %dma_wait3A_299 = arith.constant 0 : i32
        %dma_wait3A_300 = arith.constant 0 : i32
        %dma_wait3A_301 = tpu.memref_slice %arg6[%dma_wait3A_290, %dma_wait3A_299, %dma_wait3A_300] : memref<4x2x128xi32, #tpu.memory_space<vmem>> -> memref<1x2x128xi32, #tpu.memory_space<vmem>>
        %dma_wait3A_302 = tpu.memref_squeeze %dma_wait3A_301 : memref<1x2x128xi32, #tpu.memory_space<vmem>> -> memref<2x128xi32, #tpu.memory_space<vmem>>
        %dma_wait3A_303 = arith.constant 0 : i32
        %dma_wait3A_304 = arith.constant 0 : i32
        %dma_wait3A_305 = tpu.memref_slice %arg3[%add3A_289, %dma_wait3A_303, %dma_wait3A_304] : memref<2560x2x128xi32, #tpu.memory_space<hbm>> -> memref<1x2x128xi32, #tpu.memory_space<hbm>>
        %dma_wait3A_306 = tpu.memref_squeeze %dma_wait3A_305 : memref<1x2x128xi32, #tpu.memory_space<hbm>> -> memref<2x128xi32, #tpu.memory_space<hbm>>
        tpu.wait_dma2 semaphore(%arg9 : memref<!tpu.dma_semaphore, #tpu.memory_space<semaphore_mem>>) src(%dma_wait3A_306 : memref<2x128xi32, #tpu.memory_space<hbm>>) dst(%dma_wait3A_302 : memref<2x128xi32, #tpu.memory_space<vmem>>)
        %dma_start3A_307 = arith.constant 1 : i32
        %dma_start3A_308 = arith.constant 0 : i32
        %dma_start3A_309 = arith.constant 1 : i32
        %dma_start3A_310 = arith.constant 0 : i32
        %dma_start3A_311 = arith.constant 0 : i32
        %dma_start3A_312 = tpu.memref_slice %arg7[%dma_start3A_309, %dma_start3A_310, %dma_start3A_311] : memref<2x128x128xf32, #tpu.memory_space<vmem>> -> memref<1x128x128xf32, #tpu.memory_space<vmem>>
        %dma_start3A_313 = tpu.memref_squeeze %dma_start3A_312 : memref<1x128x128xf32, #tpu.memory_space<vmem>> -> memref<128x128xf32, #tpu.memory_space<vmem>>
        %dma_start3A_314 = arith.constant 0 : i32
        %dma_start3A_315 = tpu.memref_slice %arg6[%dma_start3A_307, %dma_start3A_308, %dma_start3A_314] : memref<4x2x128xi32, #tpu.memory_space<vmem>> -> memref<1x1x128xi32, #tpu.memory_space<vmem>>
        %dma_start3A_316 = tpu.memref_squeeze %dma_start3A_315 : memref<1x1x128xi32, #tpu.memory_space<vmem>> -> memref<128xi32, #tpu.memory_space<vmem>>
        %dma_start3A_317 = arith.constant 0 : i32
        %dma_start3A_318 = arith.constant 0 : i32
        %dma_start3A_319 = tpu.memref_slice %arg2[%dma_start3A_317, %dma_start3A_318] : memref<10000x128xf32, #tpu.memory_space<hbm>> -> memref<10000x128xf32, #tpu.memory_space<hbm>>
        tpu.enqueue_indirect_dma source(%dma_start3A_319 : memref<10000x128xf32, #tpu.memory_space<hbm>>) target(%dma_start3A_313 : memref<128x128xf32, #tpu.memory_space<vmem>>) offsets(%dma_start3A_316 : memref<128xi32, #tpu.memory_space<vmem>>) semaphore(%arg10 : memref<!tpu.dma_semaphore, #tpu.memory_space<semaphore_mem>>)
      } else {
      }
      %add3A_142 = arith.constant 2 : i32
      %add3A_143 = arith.addi %add3A_108, %add3A_142 : i32
      %lt3A_144 = arith.cmpi slt, %add3A_143, %select_n3A : i32
      %convert_element_type3A_145 = arith.extui %lt3A_144 : i1 to i32
      %cond3A_146 = arith.constant 0 : i32
      %cond3A_147 = arith.cmpi ne, %convert_element_type3A_145, %cond3A_146 : i32
      scf.if %cond3A_147 {
        %add3A_289 = arith.constant 2 : i32
        %add3A_290 = arith.addi %add3A_108, %add3A_289 : i32
        %add3A_291 = arith.addi %select_n3A_8, %add3A_290 : i32
        %dma_start3A_292 = arith.constant 2 : i32
        %dma_start3A_293 = arith.constant 0 : i32
        %dma_start3A_294 = arith.constant 0 : i32
        %dma_start3A_295 = tpu.memref_slice %arg6[%dma_start3A_292, %dma_start3A_293, %dma_start3A_294] : memref<4x2x128xi32, #tpu.memory_space<vmem>> -> memref<1x2x128xi32, #tpu.memory_space<vmem>>
        %dma_start3A_296 = tpu.memref_squeeze %dma_start3A_295 : memref<1x2x128xi32, #tpu.memory_space<vmem>> -> memref<2x128xi32, #tpu.memory_space<vmem>>
        %dma_start3A_297 = arith.constant 0 : i32
        %dma_start3A_298 = arith.constant 0 : i32
        %dma_start3A_299 = tpu.memref_slice %arg3[%add3A_291, %dma_start3A_297, %dma_start3A_298] : memref<2560x2x128xi32, #tpu.memory_space<hbm>> -> memref<1x2x128xi32, #tpu.memory_space<hbm>>
        %dma_start3A_300 = tpu.memref_squeeze %dma_start3A_299 : memref<1x2x128xi32, #tpu.memory_space<hbm>> -> memref<2x128xi32, #tpu.memory_space<hbm>>
        %dma_start3A_301 = arith.constant 0 : i32
        %dma_start3A_302 = arith.constant 0 : i32
        %dma_start3A_303 = tpu.memref_slice %arg6[%dma_start3A_292, %dma_start3A_301, %dma_start3A_302] : memref<4x2x128xi32, #tpu.memory_space<vmem>> -> memref<1x2x128xi32, #tpu.memory_space<vmem>>
        %dma_start3A_304 = tpu.memref_squeeze %dma_start3A_303 : memref<1x2x128xi32, #tpu.memory_space<vmem>> -> memref<2x128xi32, #tpu.memory_space<vmem>>
        %dma_start3A_305 = arith.constant 0 : i32
        %dma_start3A_306 = arith.constant 0 : i32
        %dma_start3A_307 = tpu.memref_slice %arg3[%add3A_291, %dma_start3A_305, %dma_start3A_306] : memref<2560x2x128xi32, #tpu.memory_space<hbm>> -> memref<1x2x128xi32, #tpu.memory_space<hbm>>
        %dma_start3A_308 = tpu.memref_squeeze %dma_start3A_307 : memref<1x2x128xi32, #tpu.memory_space<hbm>> -> memref<2x128xi32, #tpu.memory_space<hbm>>
        tpu.enqueue_dma source(%dma_start3A_308 : memref<2x128xi32, #tpu.memory_space<hbm>>) target(%dma_start3A_304 : memref<2x128xi32, #tpu.memory_space<vmem>>) target_semaphore(%arg9 : memref<!tpu.dma_semaphore, #tpu.memory_space<semaphore_mem>>)
      } else {
      }
      %mul3A_148 = arith.constant 4 : i32
      %mul3A_149 = arith.muli %while3A_104, %mul3A_148 : i32
      %add3A_150 = arith.constant 1 : i32
      %add3A_151 = arith.addi %mul3A_149, %add3A_150 : i32
      %add3A_152 = arith.constant 1 : i32
      %add3A_153 = arith.addi %add3A_151, %add3A_152 : i32
      %dma_wait3A_154 = arith.constant 1 : i32
      %dma_wait3A_155 = arith.constant 0 : i32
      %dma_wait3A_156 = arith.constant 1 : i32
      %dma_wait3A_157 = arith.constant 0 : i32
      %dma_wait3A_158 = arith.constant 0 : i32
      %dma_wait3A_159 = tpu.memref_slice %arg7[%dma_wait3A_156, %dma_wait3A_157, %dma_wait3A_158] : memref<2x128x128xf32, #tpu.memory_space<vmem>> -> memref<1x128x128xf32, #tpu.memory_space<vmem>>
      %dma_wait3A_160 = tpu.memref_squeeze %dma_wait3A_159 : memref<1x128x128xf32, #tpu.memory_space<vmem>> -> memref<128x128xf32, #tpu.memory_space<vmem>>
      %dma_wait3A_161 = arith.constant 0 : i32
      %dma_wait3A_162 = tpu.memref_slice %arg6[%dma_wait3A_154, %dma_wait3A_155, %dma_wait3A_161] : memref<4x2x128xi32, #tpu.memory_space<vmem>> -> memref<1x1x128xi32, #tpu.memory_space<vmem>>
      %dma_wait3A_163 = tpu.memref_squeeze %dma_wait3A_162 : memref<1x1x128xi32, #tpu.memory_space<vmem>> -> memref<128xi32, #tpu.memory_space<vmem>>
      %dma_wait3A_164 = arith.constant 0 : i32
      %dma_wait3A_165 = arith.constant 0 : i32
      %dma_wait3A_166 = tpu.memref_slice %arg2[%dma_wait3A_164, %dma_wait3A_165] : memref<10000x128xf32, #tpu.memory_space<hbm>> -> memref<10000x128xf32, #tpu.memory_space<hbm>>
      tpu.wait_indirect_dma semaphore(%arg10 : memref<!tpu.dma_semaphore, #tpu.memory_space<semaphore_mem>>) src(%dma_wait3A_166 : memref<10000x128xf32, #tpu.memory_space<hbm>>) dst(%dma_wait3A_160 : memref<128x128xf32, #tpu.memory_space<vmem>>)
      %dma_start3A_167 = arith.constant 1 : i32
      %dma_start3A_168 = arith.constant 1 : i32
      %dma_start3A_169 = arith.constant 1 : i32
      %dma_start3A_170 = arith.constant 0 : i32
      %dma_start3A_171 = arith.constant 0 : i32
      %dma_start3A_172 = tpu.memref_slice %arg7[%dma_start3A_167, %dma_start3A_170, %dma_start3A_171] : memref<2x128x128xf32, #tpu.memory_space<vmem>> -> memref<1x128x128xf32, #tpu.memory_space<vmem>>
      %dma_start3A_173 = tpu.memref_squeeze %dma_start3A_172 : memref<1x128x128xf32, #tpu.memory_space<vmem>> -> memref<128x128xf32, #tpu.memory_space<vmem>>
      %dma_start3A_174 = arith.constant 0 : i32
      %dma_start3A_175 = tpu.memref_slice %arg6[%dma_start3A_168, %dma_start3A_169, %dma_start3A_174] : memref<4x2x128xi32, #tpu.memory_space<vmem>> -> memref<1x1x128xi32, #tpu.memory_space<vmem>>
      %dma_start3A_176 = tpu.memref_squeeze %dma_start3A_175 : memref<1x1x128xi32, #tpu.memory_space<vmem>> -> memref<128xi32, #tpu.memory_space<vmem>>
      %dma_start3A_177 = arith.constant 0 : i32
      %dma_start3A_178 = arith.constant 0 : i32
      %dma_start3A_179 = tpu.memref_slice %arg8[%dma_start3A_177, %dma_start3A_178] : memref<10240x128xf32, #tpu.memory_space<vmem_shared>> -> memref<10240x128xf32, #tpu.memory_space<vmem_shared>>
      tpu.enqueue_indirect_dma source(%dma_start3A_173 : memref<128x128xf32, #tpu.memory_space<vmem>>) target(%dma_start3A_179 : memref<10240x128xf32, #tpu.memory_space<vmem_shared>>) offsets(%dma_start3A_176 : memref<128xi32, #tpu.memory_space<vmem>>) semaphore(%arg11 : memref<!tpu.dma_semaphore, #tpu.memory_space<semaphore_mem>>) {add = true}
      %ge3A_180 = arith.constant 1 : i32
      %ge3A_181 = arith.cmpi sge, %add3A_151, %ge3A_180 : i32
      %convert_element_type3A_182 = arith.extui %ge3A_181 : i1 to i32
      %cond3A_183 = arith.constant 0 : i32
      %cond3A_184 = arith.cmpi ne, %convert_element_type3A_182, %cond3A_183 : i32
      scf.if %cond3A_184 {
        %dma_wait3A_289 = arith.constant 0 : i32
        %dma_wait3A_290 = arith.constant 0 : i32
        %dma_wait3A_291 = arith.constant 1 : i32
        %dma_wait3A_292 = arith.constant 0 : i32
        %dma_wait3A_293 = arith.constant 0 : i32
        %dma_wait3A_294 = tpu.memref_slice %arg7[%dma_wait3A_289, %dma_wait3A_292, %dma_wait3A_293] : memref<2x128x128xf32, #tpu.memory_space<vmem>> -> memref<1x128x128xf32, #tpu.memory_space<vmem>>
        %dma_wait3A_295 = tpu.memref_squeeze %dma_wait3A_294 : memref<1x128x128xf32, #tpu.memory_space<vmem>> -> memref<128x128xf32, #tpu.memory_space<vmem>>
        %dma_wait3A_296 = arith.constant 0 : i32
        %dma_wait3A_297 = tpu.memref_slice %arg6[%dma_wait3A_290, %dma_wait3A_291, %dma_wait3A_296] : memref<4x2x128xi32, #tpu.memory_space<vmem>> -> memref<1x1x128xi32, #tpu.memory_space<vmem>>
        %dma_wait3A_298 = tpu.memref_squeeze %dma_wait3A_297 : memref<1x1x128xi32, #tpu.memory_space<vmem>> -> memref<128xi32, #tpu.memory_space<vmem>>
        %dma_wait3A_299 = arith.constant 0 : i32
        %dma_wait3A_300 = arith.constant 0 : i32
        %dma_wait3A_301 = tpu.memref_slice %arg8[%dma_wait3A_299, %dma_wait3A_300] : memref<10240x128xf32, #tpu.memory_space<vmem_shared>> -> memref<10240x128xf32, #tpu.memory_space<vmem_shared>>
        tpu.wait_indirect_dma semaphore(%arg11 : memref<!tpu.dma_semaphore, #tpu.memory_space<semaphore_mem>>) src(%dma_wait3A_295 : memref<128x128xf32, #tpu.memory_space<vmem>>) dst(%dma_wait3A_301 : memref<10240x128xf32, #tpu.memory_space<vmem_shared>>)
      } else {
      }
      %lt3A_185 = arith.cmpi slt, %add3A_153, %select_n3A : i32
      %convert_element_type3A_186 = arith.extui %lt3A_185 : i1 to i32
      %cond3A_187 = arith.constant 0 : i32
      %cond3A_188 = arith.cmpi ne, %convert_element_type3A_186, %cond3A_187 : i32
      scf.if %cond3A_188 {
        %add3A_289 = arith.addi %select_n3A_8, %add3A_153 : i32
        %dma_wait3A_290 = arith.constant 2 : i32
        %dma_wait3A_291 = arith.constant 0 : i32
        %dma_wait3A_292 = arith.constant 0 : i32
        %dma_wait3A_293 = tpu.memref_slice %arg6[%dma_wait3A_290, %dma_wait3A_291, %dma_wait3A_292] : memref<4x2x128xi32, #tpu.memory_space<vmem>> -> memref<1x2x128xi32, #tpu.memory_space<vmem>>
        %dma_wait3A_294 = tpu.memref_squeeze %dma_wait3A_293 : memref<1x2x128xi32, #tpu.memory_space<vmem>> -> memref<2x128xi32, #tpu.memory_space<vmem>>
        %dma_wait3A_295 = arith.constant 0 : i32
        %dma_wait3A_296 = arith.constant 0 : i32
        %dma_wait3A_297 = tpu.memref_slice %arg3[%add3A_289, %dma_wait3A_295, %dma_wait3A_296] : memref<2560x2x128xi32, #tpu.memory_space<hbm>> -> memref<1x2x128xi32, #tpu.memory_space<hbm>>
        %dma_wait3A_298 = tpu.memref_squeeze %dma_wait3A_297 : memref<1x2x128xi32, #tpu.memory_space<hbm>> -> memref<2x128xi32, #tpu.memory_space<hbm>>
        %dma_wait3A_299 = arith.constant 0 : i32
        %dma_wait3A_300 = arith.constant 0 : i32
        %dma_wait3A_301 = tpu.memref_slice %arg6[%dma_wait3A_290, %dma_wait3A_299, %dma_wait3A_300] : memref<4x2x128xi32, #tpu.memory_space<vmem>> -> memref<1x2x128xi32, #tpu.memory_space<vmem>>
        %dma_wait3A_302 = tpu.memref_squeeze %dma_wait3A_301 : memref<1x2x128xi32, #tpu.memory_space<vmem>> -> memref<2x128xi32, #tpu.memory_space<vmem>>
        %dma_wait3A_303 = arith.constant 0 : i32
        %dma_wait3A_304 = arith.constant 0 : i32
        %dma_wait3A_305 = tpu.memref_slice %arg3[%add3A_289, %dma_wait3A_303, %dma_wait3A_304] : memref<2560x2x128xi32, #tpu.memory_space<hbm>> -> memref<1x2x128xi32, #tpu.memory_space<hbm>>
        %dma_wait3A_306 = tpu.memref_squeeze %dma_wait3A_305 : memref<1x2x128xi32, #tpu.memory_space<hbm>> -> memref<2x128xi32, #tpu.memory_space<hbm>>
        tpu.wait_dma2 semaphore(%arg9 : memref<!tpu.dma_semaphore, #tpu.memory_space<semaphore_mem>>) src(%dma_wait3A_306 : memref<2x128xi32, #tpu.memory_space<hbm>>) dst(%dma_wait3A_302 : memref<2x128xi32, #tpu.memory_space<vmem>>)
        %dma_start3A_307 = arith.constant 2 : i32
        %dma_start3A_308 = arith.constant 0 : i32
        %dma_start3A_309 = arith.constant 0 : i32
        %dma_start3A_310 = arith.constant 0 : i32
        %dma_start3A_311 = arith.constant 0 : i32
        %dma_start3A_312 = tpu.memref_slice %arg7[%dma_start3A_309, %dma_start3A_310, %dma_start3A_311] : memref<2x128x128xf32, #tpu.memory_space<vmem>> -> memref<1x128x128xf32, #tpu.memory_space<vmem>>
        %dma_start3A_313 = tpu.memref_squeeze %dma_start3A_312 : memref<1x128x128xf32, #tpu.memory_space<vmem>> -> memref<128x128xf32, #tpu.memory_space<vmem>>
        %dma_start3A_314 = arith.constant 0 : i32
        %dma_start3A_315 = tpu.memref_slice %arg6[%dma_start3A_307, %dma_start3A_308, %dma_start3A_314] : memref<4x2x128xi32, #tpu.memory_space<vmem>> -> memref<1x1x128xi32, #tpu.memory_space<vmem>>
        %dma_start3A_316 = tpu.memref_squeeze %dma_start3A_315 : memref<1x1x128xi32, #tpu.memory_space<vmem>> -> memref<128xi32, #tpu.memory_space<vmem>>
        %dma_start3A_317 = arith.constant 0 : i32
        %dma_start3A_318 = arith.constant 0 : i32
        %dma_start3A_319 = tpu.memref_slice %arg2[%dma_start3A_317, %dma_start3A_318] : memref<10000x128xf32, #tpu.memory_space<hbm>> -> memref<10000x128xf32, #tpu.memory_space<hbm>>
        tpu.enqueue_indirect_dma source(%dma_start3A_319 : memref<10000x128xf32, #tpu.memory_space<hbm>>) target(%dma_start3A_313 : memref<128x128xf32, #tpu.memory_space<vmem>>) offsets(%dma_start3A_316 : memref<128xi32, #tpu.memory_space<vmem>>) semaphore(%arg10 : memref<!tpu.dma_semaphore, #tpu.memory_space<semaphore_mem>>)
      } else {
      }
      %add3A_189 = arith.constant 2 : i32
      %add3A_190 = arith.addi %add3A_151, %add3A_189 : i32
      %lt3A_191 = arith.cmpi slt, %add3A_190, %select_n3A : i32
      %convert_element_type3A_192 = arith.extui %lt3A_191 : i1 to i32
      %cond3A_193 = arith.constant 0 : i32
      %cond3A_194 = arith.cmpi ne, %convert_element_type3A_192, %cond3A_193 : i32
      scf.if %cond3A_194 {
        %add3A_289 = arith.constant 2 : i32
        %add3A_290 = arith.addi %add3A_151, %add3A_289 : i32
        %add3A_291 = arith.addi %select_n3A_8, %add3A_290 : i32
        %dma_start3A_292 = arith.constant 3 : i32
        %dma_start3A_293 = arith.constant 0 : i32
        %dma_start3A_294 = arith.constant 0 : i32
        %dma_start3A_295 = tpu.memref_slice %arg6[%dma_start3A_292, %dma_start3A_293, %dma_start3A_294] : memref<4x2x128xi32, #tpu.memory_space<vmem>> -> memref<1x2x128xi32, #tpu.memory_space<vmem>>
        %dma_start3A_296 = tpu.memref_squeeze %dma_start3A_295 : memref<1x2x128xi32, #tpu.memory_space<vmem>> -> memref<2x128xi32, #tpu.memory_space<vmem>>
        %dma_start3A_297 = arith.constant 0 : i32
        %dma_start3A_298 = arith.constant 0 : i32
        %dma_start3A_299 = tpu.memref_slice %arg3[%add3A_291, %dma_start3A_297, %dma_start3A_298] : memref<2560x2x128xi32, #tpu.memory_space<hbm>> -> memref<1x2x128xi32, #tpu.memory_space<hbm>>
        %dma_start3A_300 = tpu.memref_squeeze %dma_start3A_299 : memref<1x2x128xi32, #tpu.memory_space<hbm>> -> memref<2x128xi32, #tpu.memory_space<hbm>>
        %dma_start3A_301 = arith.constant 0 : i32
        %dma_start3A_302 = arith.constant 0 : i32
        %dma_start3A_303 = tpu.memref_slice %arg6[%dma_start3A_292, %dma_start3A_301, %dma_start3A_302] : memref<4x2x128xi32, #tpu.memory_space<vmem>> -> memref<1x2x128xi32, #tpu.memory_space<vmem>>
        %dma_start3A_304 = tpu.memref_squeeze %dma_start3A_303 : memref<1x2x128xi32, #tpu.memory_space<vmem>> -> memref<2x128xi32, #tpu.memory_space<vmem>>
        %dma_start3A_305 = arith.constant 0 : i32
        %dma_start3A_306 = arith.constant 0 : i32
        %dma_start3A_307 = tpu.memref_slice %arg3[%add3A_291, %dma_start3A_305, %dma_start3A_306] : memref<2560x2x128xi32, #tpu.memory_space<hbm>> -> memref<1x2x128xi32, #tpu.memory_space<hbm>>
        %dma_start3A_308 = tpu.memref_squeeze %dma_start3A_307 : memref<1x2x128xi32, #tpu.memory_space<hbm>> -> memref<2x128xi32, #tpu.memory_space<hbm>>
        tpu.enqueue_dma source(%dma_start3A_308 : memref<2x128xi32, #tpu.memory_space<hbm>>) target(%dma_start3A_304 : memref<2x128xi32, #tpu.memory_space<vmem>>) target_semaphore(%arg9 : memref<!tpu.dma_semaphore, #tpu.memory_space<semaphore_mem>>)
      } else {
      }
      %mul3A_195 = arith.constant 4 : i32
      %mul3A_196 = arith.muli %while3A_104, %mul3A_195 : i32
      %add3A_197 = arith.constant 2 : i32
      %add3A_198 = arith.addi %mul3A_196, %add3A_197 : i32
      %add3A_199 = arith.constant 1 : i32
      %add3A_200 = arith.addi %add3A_198, %add3A_199 : i32
      %dma_wait3A_201 = arith.constant 2 : i32
      %dma_wait3A_202 = arith.constant 0 : i32
      %dma_wait3A_203 = arith.constant 0 : i32
      %dma_wait3A_204 = arith.constant 0 : i32
      %dma_wait3A_205 = arith.constant 0 : i32
      %dma_wait3A_206 = tpu.memref_slice %arg7[%dma_wait3A_203, %dma_wait3A_204, %dma_wait3A_205] : memref<2x128x128xf32, #tpu.memory_space<vmem>> -> memref<1x128x128xf32, #tpu.memory_space<vmem>>
      %dma_wait3A_207 = tpu.memref_squeeze %dma_wait3A_206 : memref<1x128x128xf32, #tpu.memory_space<vmem>> -> memref<128x128xf32, #tpu.memory_space<vmem>>
      %dma_wait3A_208 = arith.constant 0 : i32
      %dma_wait3A_209 = tpu.memref_slice %arg6[%dma_wait3A_201, %dma_wait3A_202, %dma_wait3A_208] : memref<4x2x128xi32, #tpu.memory_space<vmem>> -> memref<1x1x128xi32, #tpu.memory_space<vmem>>
      %dma_wait3A_210 = tpu.memref_squeeze %dma_wait3A_209 : memref<1x1x128xi32, #tpu.memory_space<vmem>> -> memref<128xi32, #tpu.memory_space<vmem>>
      %dma_wait3A_211 = arith.constant 0 : i32
      %dma_wait3A_212 = arith.constant 0 : i32
      %dma_wait3A_213 = tpu.memref_slice %arg2[%dma_wait3A_211, %dma_wait3A_212] : memref<10000x128xf32, #tpu.memory_space<hbm>> -> memref<10000x128xf32, #tpu.memory_space<hbm>>
      tpu.wait_indirect_dma semaphore(%arg10 : memref<!tpu.dma_semaphore, #tpu.memory_space<semaphore_mem>>) src(%dma_wait3A_213 : memref<10000x128xf32, #tpu.memory_space<hbm>>) dst(%dma_wait3A_207 : memref<128x128xf32, #tpu.memory_space<vmem>>)
      %dma_start3A_214 = arith.constant 0 : i32
      %dma_start3A_215 = arith.constant 2 : i32
      %dma_start3A_216 = arith.constant 1 : i32
      %dma_start3A_217 = arith.constant 0 : i32
      %dma_start3A_218 = arith.constant 0 : i32
      %dma_start3A_219 = tpu.memref_slice %arg7[%dma_start3A_214, %dma_start3A_217, %dma_start3A_218] : memref<2x128x128xf32, #tpu.memory_space<vmem>> -> memref<1x128x128xf32, #tpu.memory_space<vmem>>
      %dma_start3A_220 = tpu.memref_squeeze %dma_start3A_219 : memref<1x128x128xf32, #tpu.memory_space<vmem>> -> memref<128x128xf32, #tpu.memory_space<vmem>>
      %dma_start3A_221 = arith.constant 0 : i32
      %dma_start3A_222 = tpu.memref_slice %arg6[%dma_start3A_215, %dma_start3A_216, %dma_start3A_221] : memref<4x2x128xi32, #tpu.memory_space<vmem>> -> memref<1x1x128xi32, #tpu.memory_space<vmem>>
      %dma_start3A_223 = tpu.memref_squeeze %dma_start3A_222 : memref<1x1x128xi32, #tpu.memory_space<vmem>> -> memref<128xi32, #tpu.memory_space<vmem>>
      %dma_start3A_224 = arith.constant 0 : i32
      %dma_start3A_225 = arith.constant 0 : i32
      %dma_start3A_226 = tpu.memref_slice %arg8[%dma_start3A_224, %dma_start3A_225] : memref<10240x128xf32, #tpu.memory_space<vmem_shared>> -> memref<10240x128xf32, #tpu.memory_space<vmem_shared>>
      tpu.enqueue_indirect_dma source(%dma_start3A_220 : memref<128x128xf32, #tpu.memory_space<vmem>>) target(%dma_start3A_226 : memref<10240x128xf32, #tpu.memory_space<vmem_shared>>) offsets(%dma_start3A_223 : memref<128xi32, #tpu.memory_space<vmem>>) semaphore(%arg11 : memref<!tpu.dma_semaphore, #tpu.memory_space<semaphore_mem>>) {add = true}
      %ge3A_227 = arith.constant 1 : i32
      %ge3A_228 = arith.cmpi sge, %add3A_198, %ge3A_227 : i32
      %convert_element_type3A_229 = arith.extui %ge3A_228 : i1 to i32
      %cond3A_230 = arith.constant 0 : i32
      %cond3A_231 = arith.cmpi ne, %convert_element_type3A_229, %cond3A_230 : i32
      scf.if %cond3A_231 {
        %dma_wait3A_289 = arith.constant 1 : i32
        %dma_wait3A_290 = arith.constant 1 : i32
        %dma_wait3A_291 = arith.constant 1 : i32
        %dma_wait3A_292 = arith.constant 0 : i32
        %dma_wait3A_293 = arith.constant 0 : i32
        %dma_wait3A_294 = tpu.memref_slice %arg7[%dma_wait3A_289, %dma_wait3A_292, %dma_wait3A_293] : memref<2x128x128xf32, #tpu.memory_space<vmem>> -> memref<1x128x128xf32, #tpu.memory_space<vmem>>
        %dma_wait3A_295 = tpu.memref_squeeze %dma_wait3A_294 : memref<1x128x128xf32, #tpu.memory_space<vmem>> -> memref<128x128xf32, #tpu.memory_space<vmem>>
        %dma_wait3A_296 = arith.constant 0 : i32
        %dma_wait3A_297 = tpu.memref_slice %arg6[%dma_wait3A_290, %dma_wait3A_291, %dma_wait3A_296] : memref<4x2x128xi32, #tpu.memory_space<vmem>> -> memref<1x1x128xi32, #tpu.memory_space<vmem>>
        %dma_wait3A_298 = tpu.memref_squeeze %dma_wait3A_297 : memref<1x1x128xi32, #tpu.memory_space<vmem>> -> memref<128xi32, #tpu.memory_space<vmem>>
        %dma_wait3A_299 = arith.constant 0 : i32
        %dma_wait3A_300 = arith.constant 0 : i32
        %dma_wait3A_301 = tpu.memref_slice %arg8[%dma_wait3A_299, %dma_wait3A_300] : memref<10240x128xf32, #tpu.memory_space<vmem_shared>> -> memref<10240x128xf32, #tpu.memory_space<vmem_shared>>
        tpu.wait_indirect_dma semaphore(%arg11 : memref<!tpu.dma_semaphore, #tpu.memory_space<semaphore_mem>>) src(%dma_wait3A_295 : memref<128x128xf32, #tpu.memory_space<vmem>>) dst(%dma_wait3A_301 : memref<10240x128xf32, #tpu.memory_space<vmem_shared>>)
      } else {
      }
      %lt3A_232 = arith.cmpi slt, %add3A_200, %select_n3A : i32
      %convert_element_type3A_233 = arith.extui %lt3A_232 : i1 to i32
      %cond3A_234 = arith.constant 0 : i32
      %cond3A_235 = arith.cmpi ne, %convert_element_type3A_233, %cond3A_234 : i32
      scf.if %cond3A_235 {
        %add3A_289 = arith.addi %select_n3A_8, %add3A_200 : i32
        %dma_wait3A_290 = arith.constant 3 : i32
        %dma_wait3A_291 = arith.constant 0 : i32
        %dma_wait3A_292 = arith.constant 0 : i32
        %dma_wait3A_293 = tpu.memref_slice %arg6[%dma_wait3A_290, %dma_wait3A_291, %dma_wait3A_292] : memref<4x2x128xi32, #tpu.memory_space<vmem>> -> memref<1x2x128xi32, #tpu.memory_space<vmem>>
        %dma_wait3A_294 = tpu.memref_squeeze %dma_wait3A_293 : memref<1x2x128xi32, #tpu.memory_space<vmem>> -> memref<2x128xi32, #tpu.memory_space<vmem>>
        %dma_wait3A_295 = arith.constant 0 : i32
        %dma_wait3A_296 = arith.constant 0 : i32
        %dma_wait3A_297 = tpu.memref_slice %arg3[%add3A_289, %dma_wait3A_295, %dma_wait3A_296] : memref<2560x2x128xi32, #tpu.memory_space<hbm>> -> memref<1x2x128xi32, #tpu.memory_space<hbm>>
        %dma_wait3A_298 = tpu.memref_squeeze %dma_wait3A_297 : memref<1x2x128xi32, #tpu.memory_space<hbm>> -> memref<2x128xi32, #tpu.memory_space<hbm>>
        %dma_wait3A_299 = arith.constant 0 : i32
        %dma_wait3A_300 = arith.constant 0 : i32
        %dma_wait3A_301 = tpu.memref_slice %arg6[%dma_wait3A_290, %dma_wait3A_299, %dma_wait3A_300] : memref<4x2x128xi32, #tpu.memory_space<vmem>> -> memref<1x2x128xi32, #tpu.memory_space<vmem>>
        %dma_wait3A_302 = tpu.memref_squeeze %dma_wait3A_301 : memref<1x2x128xi32, #tpu.memory_space<vmem>> -> memref<2x128xi32, #tpu.memory_space<vmem>>
        %dma_wait3A_303 = arith.constant 0 : i32
        %dma_wait3A_304 = arith.constant 0 : i32
        %dma_wait3A_305 = tpu.memref_slice %arg3[%add3A_289, %dma_wait3A_303, %dma_wait3A_304] : memref<2560x2x128xi32, #tpu.memory_space<hbm>> -> memref<1x2x128xi32, #tpu.memory_space<hbm>>
        %dma_wait3A_306 = tpu.memref_squeeze %dma_wait3A_305 : memref<1x2x128xi32, #tpu.memory_space<hbm>> -> memref<2x128xi32, #tpu.memory_space<hbm>>
        tpu.wait_dma2 semaphore(%arg9 : memref<!tpu.dma_semaphore, #tpu.memory_space<semaphore_mem>>) src(%dma_wait3A_306 : memref<2x128xi32, #tpu.memory_space<hbm>>) dst(%dma_wait3A_302 : memref<2x128xi32, #tpu.memory_space<vmem>>)
        %dma_start3A_307 = arith.constant 3 : i32
        %dma_start3A_308 = arith.constant 0 : i32
        %dma_start3A_309 = arith.constant 1 : i32
        %dma_start3A_310 = arith.constant 0 : i32
        %dma_start3A_311 = arith.constant 0 : i32
        %dma_start3A_312 = tpu.memref_slice %arg7[%dma_start3A_309, %dma_start3A_310, %dma_start3A_311] : memref<2x128x128xf32, #tpu.memory_space<vmem>> -> memref<1x128x128xf32, #tpu.memory_space<vmem>>
        %dma_start3A_313 = tpu.memref_squeeze %dma_start3A_312 : memref<1x128x128xf32, #tpu.memory_space<vmem>> -> memref<128x128xf32, #tpu.memory_space<vmem>>
        %dma_start3A_314 = arith.constant 0 : i32
        %dma_start3A_315 = tpu.memref_slice %arg6[%dma_start3A_307, %dma_start3A_308, %dma_start3A_314] : memref<4x2x128xi32, #tpu.memory_space<vmem>> -> memref<1x1x128xi32, #tpu.memory_space<vmem>>
        %dma_start3A_316 = tpu.memref_squeeze %dma_start3A_315 : memref<1x1x128xi32, #tpu.memory_space<vmem>> -> memref<128xi32, #tpu.memory_space<vmem>>
        %dma_start3A_317 = arith.constant 0 : i32
        %dma_start3A_318 = arith.constant 0 : i32
        %dma_start3A_319 = tpu.memref_slice %arg2[%dma_start3A_317, %dma_start3A_318] : memref<10000x128xf32, #tpu.memory_space<hbm>> -> memref<10000x128xf32, #tpu.memory_space<hbm>>
        tpu.enqueue_indirect_dma source(%dma_start3A_319 : memref<10000x128xf32, #tpu.memory_space<hbm>>) target(%dma_start3A_313 : memref<128x128xf32, #tpu.memory_space<vmem>>) offsets(%dma_start3A_316 : memref<128xi32, #tpu.memory_space<vmem>>) semaphore(%arg10 : memref<!tpu.dma_semaphore, #tpu.memory_space<semaphore_mem>>)
      } else {
      }
      %add3A_236 = arith.constant 2 : i32
      %add3A_237 = arith.addi %add3A_198, %add3A_236 : i32
      %lt3A_238 = arith.cmpi slt, %add3A_237, %select_n3A : i32
      %convert_element_type3A_239 = arith.extui %lt3A_238 : i1 to i32
      %cond3A_240 = arith.constant 0 : i32
      %cond3A_241 = arith.cmpi ne, %convert_element_type3A_239, %cond3A_240 : i32
      scf.if %cond3A_241 {
        %add3A_289 = arith.constant 2 : i32
        %add3A_290 = arith.addi %add3A_198, %add3A_289 : i32
        %add3A_291 = arith.addi %select_n3A_8, %add3A_290 : i32
        %dma_start3A_292 = arith.constant 0 : i32
        %dma_start3A_293 = arith.constant 0 : i32
        %dma_start3A_294 = arith.constant 0 : i32
        %dma_start3A_295 = tpu.memref_slice %arg6[%dma_start3A_292, %dma_start3A_293, %dma_start3A_294] : memref<4x2x128xi32, #tpu.memory_space<vmem>> -> memref<1x2x128xi32, #tpu.memory_space<vmem>>
        %dma_start3A_296 = tpu.memref_squeeze %dma_start3A_295 : memref<1x2x128xi32, #tpu.memory_space<vmem>> -> memref<2x128xi32, #tpu.memory_space<vmem>>
        %dma_start3A_297 = arith.constant 0 : i32
        %dma_start3A_298 = arith.constant 0 : i32
        %dma_start3A_299 = tpu.memref_slice %arg3[%add3A_291, %dma_start3A_297, %dma_start3A_298] : memref<2560x2x128xi32, #tpu.memory_space<hbm>> -> memref<1x2x128xi32, #tpu.memory_space<hbm>>
        %dma_start3A_300 = tpu.memref_squeeze %dma_start3A_299 : memref<1x2x128xi32, #tpu.memory_space<hbm>> -> memref<2x128xi32, #tpu.memory_space<hbm>>
        %dma_start3A_301 = arith.constant 0 : i32
        %dma_start3A_302 = arith.constant 0 : i32
        %dma_start3A_303 = tpu.memref_slice %arg6[%dma_start3A_292, %dma_start3A_301, %dma_start3A_302] : memref<4x2x128xi32, #tpu.memory_space<vmem>> -> memref<1x2x128xi32, #tpu.memory_space<vmem>>
        %dma_start3A_304 = tpu.memref_squeeze %dma_start3A_303 : memref<1x2x128xi32, #tpu.memory_space<vmem>> -> memref<2x128xi32, #tpu.memory_space<vmem>>
        %dma_start3A_305 = arith.constant 0 : i32
        %dma_start3A_306 = arith.constant 0 : i32
        %dma_start3A_307 = tpu.memref_slice %arg3[%add3A_291, %dma_start3A_305, %dma_start3A_306] : memref<2560x2x128xi32, #tpu.memory_space<hbm>> -> memref<1x2x128xi32, #tpu.memory_space<hbm>>
        %dma_start3A_308 = tpu.memref_squeeze %dma_start3A_307 : memref<1x2x128xi32, #tpu.memory_space<hbm>> -> memref<2x128xi32, #tpu.memory_space<hbm>>
        tpu.enqueue_dma source(%dma_start3A_308 : memref<2x128xi32, #tpu.memory_space<hbm>>) target(%dma_start3A_304 : memref<2x128xi32, #tpu.memory_space<vmem>>) target_semaphore(%arg9 : memref<!tpu.dma_semaphore, #tpu.memory_space<semaphore_mem>>)
      } else {
      }
      %mul3A_242 = arith.constant 4 : i32
      %mul3A_243 = arith.muli %while3A_104, %mul3A_242 : i32
      %add3A_244 = arith.constant 3 : i32
      %add3A_245 = arith.addi %mul3A_243, %add3A_244 : i32
      %add3A_246 = arith.constant 1 : i32
      %add3A_247 = arith.addi %add3A_245, %add3A_246 : i32
      %dma_wait3A_248 = arith.constant 3 : i32
      %dma_wait3A_249 = arith.constant 0 : i32
      %dma_wait3A_250 = arith.constant 1 : i32
      %dma_wait3A_251 = arith.constant 0 : i32
      %dma_wait3A_252 = arith.constant 0 : i32
      %dma_wait3A_253 = tpu.memref_slice %arg7[%dma_wait3A_250, %dma_wait3A_251, %dma_wait3A_252] : memref<2x128x128xf32, #tpu.memory_space<vmem>> -> memref<1x128x128xf32, #tpu.memory_space<vmem>>
      %dma_wait3A_254 = tpu.memref_squeeze %dma_wait3A_253 : memref<1x128x128xf32, #tpu.memory_space<vmem>> -> memref<128x128xf32, #tpu.memory_space<vmem>>
      %dma_wait3A_255 = arith.constant 0 : i32
      %dma_wait3A_256 = tpu.memref_slice %arg6[%dma_wait3A_248, %dma_wait3A_249, %dma_wait3A_255] : memref<4x2x128xi32, #tpu.memory_space<vmem>> -> memref<1x1x128xi32, #tpu.memory_space<vmem>>
      %dma_wait3A_257 = tpu.memref_squeeze %dma_wait3A_256 : memref<1x1x128xi32, #tpu.memory_space<vmem>> -> memref<128xi32, #tpu.memory_space<vmem>>
      %dma_wait3A_258 = arith.constant 0 : i32
      %dma_wait3A_259 = arith.constant 0 : i32
      %dma_wait3A_260 = tpu.memref_slice %arg2[%dma_wait3A_258, %dma_wait3A_259] : memref<10000x128xf32, #tpu.memory_space<hbm>> -> memref<10000x128xf32, #tpu.memory_space<hbm>>
      tpu.wait_indirect_dma semaphore(%arg10 : memref<!tpu.dma_semaphore, #tpu.memory_space<semaphore_mem>>) src(%dma_wait3A_260 : memref<10000x128xf32, #tpu.memory_space<hbm>>) dst(%dma_wait3A_254 : memref<128x128xf32, #tpu.memory_space<vmem>>)
      %dma_start3A_261 = arith.constant 1 : i32
      %dma_start3A_262 = arith.constant 3 : i32
      %dma_start3A_263 = arith.constant 1 : i32
      %dma_start3A_264 = arith.constant 0 : i32
      %dma_start3A_265 = arith.constant 0 : i32
      %dma_start3A_266 = tpu.memref_slice %arg7[%dma_start3A_261, %dma_start3A_264, %dma_start3A_265] : memref<2x128x128xf32, #tpu.memory_space<vmem>> -> memref<1x128x128xf32, #tpu.memory_space<vmem>>
      %dma_start3A_267 = tpu.memref_squeeze %dma_start3A_266 : memref<1x128x128xf32, #tpu.memory_space<vmem>> -> memref<128x128xf32, #tpu.memory_space<vmem>>
      %dma_start3A_268 = arith.constant 0 : i32
      %dma_start3A_269 = tpu.memref_slice %arg6[%dma_start3A_262, %dma_start3A_263, %dma_start3A_268] : memref<4x2x128xi32, #tpu.memory_space<vmem>> -> memref<1x1x128xi32, #tpu.memory_space<vmem>>
      %dma_start3A_270 = tpu.memref_squeeze %dma_start3A_269 : memref<1x1x128xi32, #tpu.memory_space<vmem>> -> memref<128xi32, #tpu.memory_space<vmem>>
      %dma_start3A_271 = arith.constant 0 : i32
      %dma_start3A_272 = arith.constant 0 : i32
      %dma_start3A_273 = tpu.memref_slice %arg8[%dma_start3A_271, %dma_start3A_272] : memref<10240x128xf32, #tpu.memory_space<vmem_shared>> -> memref<10240x128xf32, #tpu.memory_space<vmem_shared>>
      tpu.enqueue_indirect_dma source(%dma_start3A_267 : memref<128x128xf32, #tpu.memory_space<vmem>>) target(%dma_start3A_273 : memref<10240x128xf32, #tpu.memory_space<vmem_shared>>) offsets(%dma_start3A_270 : memref<128xi32, #tpu.memory_space<vmem>>) semaphore(%arg11 : memref<!tpu.dma_semaphore, #tpu.memory_space<semaphore_mem>>) {add = true}
      %ge3A_274 = arith.constant 1 : i32
      %ge3A_275 = arith.cmpi sge, %add3A_245, %ge3A_274 : i32
      %convert_element_type3A_276 = arith.extui %ge3A_275 : i1 to i32
      %cond3A_277 = arith.constant 0 : i32
      %cond3A_278 = arith.cmpi ne, %convert_element_type3A_276, %cond3A_277 : i32
      scf.if %cond3A_278 {
        %dma_wait3A_289 = arith.constant 0 : i32
        %dma_wait3A_290 = arith.constant 2 : i32
        %dma_wait3A_291 = arith.constant 1 : i32
        %dma_wait3A_292 = arith.constant 0 : i32
        %dma_wait3A_293 = arith.constant 0 : i32
        %dma_wait3A_294 = tpu.memref_slice %arg7[%dma_wait3A_289, %dma_wait3A_292, %dma_wait3A_293] : memref<2x128x128xf32, #tpu.memory_space<vmem>> -> memref<1x128x128xf32, #tpu.memory_space<vmem>>
        %dma_wait3A_295 = tpu.memref_squeeze %dma_wait3A_294 : memref<1x128x128xf32, #tpu.memory_space<vmem>> -> memref<128x128xf32, #tpu.memory_space<vmem>>
        %dma_wait3A_296 = arith.constant 0 : i32
        %dma_wait3A_297 = tpu.memref_slice %arg6[%dma_wait3A_290, %dma_wait3A_291, %dma_wait3A_296] : memref<4x2x128xi32, #tpu.memory_space<vmem>> -> memref<1x1x128xi32, #tpu.memory_space<vmem>>
        %dma_wait3A_298 = tpu.memref_squeeze %dma_wait3A_297 : memref<1x1x128xi32, #tpu.memory_space<vmem>> -> memref<128xi32, #tpu.memory_space<vmem>>
        %dma_wait3A_299 = arith.constant 0 : i32
        %dma_wait3A_300 = arith.constant 0 : i32
        %dma_wait3A_301 = tpu.memref_slice %arg8[%dma_wait3A_299, %dma_wait3A_300] : memref<10240x128xf32, #tpu.memory_space<vmem_shared>> -> memref<10240x128xf32, #tpu.memory_space<vmem_shared>>
        tpu.wait_indirect_dma semaphore(%arg11 : memref<!tpu.dma_semaphore, #tpu.memory_space<semaphore_mem>>) src(%dma_wait3A_295 : memref<128x128xf32, #tpu.memory_space<vmem>>) dst(%dma_wait3A_301 : memref<10240x128xf32, #tpu.memory_space<vmem_shared>>)
      } else {
      }
      %lt3A_279 = arith.cmpi slt, %add3A_247, %select_n3A : i32
      %convert_element_type3A_280 = arith.extui %lt3A_279 : i1 to i32
      %cond3A_281 = arith.constant 0 : i32
      %cond3A_282 = arith.cmpi ne, %convert_element_type3A_280, %cond3A_281 : i32
      scf.if %cond3A_282 {
        %add3A_289 = arith.addi %select_n3A_8, %add3A_247 : i32
        %dma_wait3A_290 = arith.constant 0 : i32
        %dma_wait3A_291 = arith.constant 0 : i32
        %dma_wait3A_292 = arith.constant 0 : i32
        %dma_wait3A_293 = tpu.memref_slice %arg6[%dma_wait3A_290, %dma_wait3A_291, %dma_wait3A_292] : memref<4x2x128xi32, #tpu.memory_space<vmem>> -> memref<1x2x128xi32, #tpu.memory_space<vmem>>
        %dma_wait3A_294 = tpu.memref_squeeze %dma_wait3A_293 : memref<1x2x128xi32, #tpu.memory_space<vmem>> -> memref<2x128xi32, #tpu.memory_space<vmem>>
        %dma_wait3A_295 = arith.constant 0 : i32
        %dma_wait3A_296 = arith.constant 0 : i32
        %dma_wait3A_297 = tpu.memref_slice %arg3[%add3A_289, %dma_wait3A_295, %dma_wait3A_296] : memref<2560x2x128xi32, #tpu.memory_space<hbm>> -> memref<1x2x128xi32, #tpu.memory_space<hbm>>
        %dma_wait3A_298 = tpu.memref_squeeze %dma_wait3A_297 : memref<1x2x128xi32, #tpu.memory_space<hbm>> -> memref<2x128xi32, #tpu.memory_space<hbm>>
        %dma_wait3A_299 = arith.constant 0 : i32
        %dma_wait3A_300 = arith.constant 0 : i32
        %dma_wait3A_301 = tpu.memref_slice %arg6[%dma_wait3A_290, %dma_wait3A_299, %dma_wait3A_300] : memref<4x2x128xi32, #tpu.memory_space<vmem>> -> memref<1x2x128xi32, #tpu.memory_space<vmem>>
        %dma_wait3A_302 = tpu.memref_squeeze %dma_wait3A_301 : memref<1x2x128xi32, #tpu.memory_space<vmem>> -> memref<2x128xi32, #tpu.memory_space<vmem>>
        %dma_wait3A_303 = arith.constant 0 : i32
        %dma_wait3A_304 = arith.constant 0 : i32
        %dma_wait3A_305 = tpu.memref_slice %arg3[%add3A_289, %dma_wait3A_303, %dma_wait3A_304] : memref<2560x2x128xi32, #tpu.memory_space<hbm>> -> memref<1x2x128xi32, #tpu.memory_space<hbm>>
        %dma_wait3A_306 = tpu.memref_squeeze %dma_wait3A_305 : memref<1x2x128xi32, #tpu.memory_space<hbm>> -> memref<2x128xi32, #tpu.memory_space<hbm>>
        tpu.wait_dma2 semaphore(%arg9 : memref<!tpu.dma_semaphore, #tpu.memory_space<semaphore_mem>>) src(%dma_wait3A_306 : memref<2x128xi32, #tpu.memory_space<hbm>>) dst(%dma_wait3A_302 : memref<2x128xi32, #tpu.memory_space<vmem>>)
        %dma_start3A_307 = arith.constant 0 : i32
        %dma_start3A_308 = arith.constant 0 : i32
        %dma_start3A_309 = arith.constant 0 : i32
        %dma_start3A_310 = arith.constant 0 : i32
        %dma_start3A_311 = arith.constant 0 : i32
        %dma_start3A_312 = tpu.memref_slice %arg7[%dma_start3A_309, %dma_start3A_310, %dma_start3A_311] : memref<2x128x128xf32, #tpu.memory_space<vmem>> -> memref<1x128x128xf32, #tpu.memory_space<vmem>>
        %dma_start3A_313 = tpu.memref_squeeze %dma_start3A_312 : memref<1x128x128xf32, #tpu.memory_space<vmem>> -> memref<128x128xf32, #tpu.memory_space<vmem>>
        %dma_start3A_314 = arith.constant 0 : i32
        %dma_start3A_315 = tpu.memref_slice %arg6[%dma_start3A_307, %dma_start3A_308, %dma_start3A_314] : memref<4x2x128xi32, #tpu.memory_space<vmem>> -> memref<1x1x128xi32, #tpu.memory_space<vmem>>
        %dma_start3A_316 = tpu.memref_squeeze %dma_start3A_315 : memref<1x1x128xi32, #tpu.memory_space<vmem>> -> memref<128xi32, #tpu.memory_space<vmem>>
        %dma_start3A_317 = arith.constant 0 : i32
        %dma_start3A_318 = arith.constant 0 : i32
        %dma_start3A_319 = tpu.memref_slice %arg2[%dma_start3A_317, %dma_start3A_318] : memref<10000x128xf32, #tpu.memory_space<hbm>> -> memref<10000x128xf32, #tpu.memory_space<hbm>>
        tpu.enqueue_indirect_dma source(%dma_start3A_319 : memref<10000x128xf32, #tpu.memory_space<hbm>>) target(%dma_start3A_313 : memref<128x128xf32, #tpu.memory_space<vmem>>) offsets(%dma_start3A_316 : memref<128xi32, #tpu.memory_space<vmem>>) semaphore(%arg10 : memref<!tpu.dma_semaphore, #tpu.memory_space<semaphore_mem>>)
      } else {
      }
      %add3A_283 = arith.constant 2 : i32
      %add3A_284 = arith.addi %add3A_245, %add3A_283 : i32
      %lt3A_285 = arith.cmpi slt, %add3A_284, %select_n3A : i32
      %convert_element_type3A_286 = arith.extui %lt3A_285 : i1 to i32
      %cond3A_287 = arith.constant 0 : i32
      %cond3A_288 = arith.cmpi ne, %convert_element_type3A_286, %cond3A_287 : i32
      scf.if %cond3A_288 {
        %add3A_289 = arith.constant 2 : i32
        %add3A_290 = arith.addi %add3A_245, %add3A_289 : i32
        %add3A_291 = arith.addi %select_n3A_8, %add3A_290 : i32
        %dma_start3A_292 = arith.constant 1 : i32
        %dma_start3A_293 = arith.constant 0 : i32
        %dma_start3A_294 = arith.constant 0 : i32
        %dma_start3A_295 = tpu.memref_slice %arg6[%dma_start3A_292, %dma_start3A_293, %dma_start3A_294] : memref<4x2x128xi32, #tpu.memory_space<vmem>> -> memref<1x2x128xi32, #tpu.memory_space<vmem>>
        %dma_start3A_296 = tpu.memref_squeeze %dma_start3A_295 : memref<1x2x128xi32, #tpu.memory_space<vmem>> -> memref<2x128xi32, #tpu.memory_space<vmem>>
        %dma_start3A_297 = arith.constant 0 : i32
        %dma_start3A_298 = arith.constant 0 : i32
        %dma_start3A_299 = tpu.memref_slice %arg3[%add3A_291, %dma_start3A_297, %dma_start3A_298] : memref<2560x2x128xi32, #tpu.memory_space<hbm>> -> memref<1x2x128xi32, #tpu.memory_space<hbm>>
        %dma_start3A_300 = tpu.memref_squeeze %dma_start3A_299 : memref<1x2x128xi32, #tpu.memory_space<hbm>> -> memref<2x128xi32, #tpu.memory_space<hbm>>
        %dma_start3A_301 = arith.constant 0 : i32
        %dma_start3A_302 = arith.constant 0 : i32
        %dma_start3A_303 = tpu.memref_slice %arg6[%dma_start3A_292, %dma_start3A_301, %dma_start3A_302] : memref<4x2x128xi32, #tpu.memory_space<vmem>> -> memref<1x2x128xi32, #tpu.memory_space<vmem>>
        %dma_start3A_304 = tpu.memref_squeeze %dma_start3A_303 : memref<1x2x128xi32, #tpu.memory_space<vmem>> -> memref<2x128xi32, #tpu.memory_space<vmem>>
        %dma_start3A_305 = arith.constant 0 : i32
        %dma_start3A_306 = arith.constant 0 : i32
        %dma_start3A_307 = tpu.memref_slice %arg3[%add3A_291, %dma_start3A_305, %dma_start3A_306] : memref<2560x2x128xi32, #tpu.memory_space<hbm>> -> memref<1x2x128xi32, #tpu.memory_space<hbm>>
        %dma_start3A_308 = tpu.memref_squeeze %dma_start3A_307 : memref<1x2x128xi32, #tpu.memory_space<hbm>> -> memref<2x128xi32, #tpu.memory_space<hbm>>
        tpu.enqueue_dma source(%dma_start3A_308 : memref<2x128xi32, #tpu.memory_space<hbm>>) target(%dma_start3A_304 : memref<2x128xi32, #tpu.memory_space<vmem>>) target_semaphore(%arg9 : memref<!tpu.dma_semaphore, #tpu.memory_space<semaphore_mem>>)
      } else {
      }
    }
    %while3A_86 = arith.constant 1 : i32
    scf.for %while3A_104 = %while3A_84 to %while3A_80 step %while3A_86  : i32 {
      %mul3A_105 = arith.constant 4 : i32
      %mul3A_106 = arith.muli %while3A_104, %mul3A_105 : i32
      %add3A_107 = arith.constant 0 : i32
      %add3A_108 = arith.addi %mul3A_106, %add3A_107 : i32
      %add3A_109 = arith.constant 1 : i32
      %add3A_110 = arith.addi %add3A_108, %add3A_109 : i32
      %dma_wait3A_111 = arith.constant 0 : i32
      %dma_wait3A_112 = arith.constant 0 : i32
      %dma_wait3A_113 = arith.constant 0 : i32
      %dma_wait3A_114 = arith.constant 0 : i32
      %dma_wait3A_115 = arith.constant 0 : i32
      %dma_wait3A_116 = tpu.memref_slice %arg7[%dma_wait3A_113, %dma_wait3A_114, %dma_wait3A_115] : memref<2x128x128xf32, #tpu.memory_space<vmem>> -> memref<1x128x128xf32, #tpu.memory_space<vmem>>
      %dma_wait3A_117 = tpu.memref_squeeze %dma_wait3A_116 : memref<1x128x128xf32, #tpu.memory_space<vmem>> -> memref<128x128xf32, #tpu.memory_space<vmem>>
      %dma_wait3A_118 = arith.constant 0 : i32
      %dma_wait3A_119 = tpu.memref_slice %arg6[%dma_wait3A_111, %dma_wait3A_112, %dma_wait3A_118] : memref<4x2x128xi32, #tpu.memory_space<vmem>> -> memref<1x1x128xi32, #tpu.memory_space<vmem>>
      %dma_wait3A_120 = tpu.memref_squeeze %dma_wait3A_119 : memref<1x1x128xi32, #tpu.memory_space<vmem>> -> memref<128xi32, #tpu.memory_space<vmem>>
      %dma_wait3A_121 = arith.constant 0 : i32
      %dma_wait3A_122 = arith.constant 0 : i32
      %dma_wait3A_123 = tpu.memref_slice %arg2[%dma_wait3A_121, %dma_wait3A_122] : memref<10000x128xf32, #tpu.memory_space<hbm>> -> memref<10000x128xf32, #tpu.memory_space<hbm>>
      tpu.wait_indirect_dma semaphore(%arg10 : memref<!tpu.dma_semaphore, #tpu.memory_space<semaphore_mem>>) src(%dma_wait3A_123 : memref<10000x128xf32, #tpu.memory_space<hbm>>) dst(%dma_wait3A_117 : memref<128x128xf32, #tpu.memory_space<vmem>>)
      %dma_start3A_124 = arith.constant 0 : i32
      %dma_start3A_125 = arith.constant 0 : i32
      %dma_start3A_126 = arith.constant 1 : i32
      %dma_start3A_127 = arith.constant 0 : i32
      %dma_start3A_128 = arith.constant 0 : i32
      %dma_start3A_129 = tpu.memref_slice %arg7[%dma_start3A_124, %dma_start3A_127, %dma_start3A_128] : memref<2x128x128xf32, #tpu.memory_space<vmem>> -> memref<1x128x128xf32, #tpu.memory_space<vmem>>
      %dma_start3A_130 = tpu.memref_squeeze %dma_start3A_129 : memref<1x128x128xf32, #tpu.memory_space<vmem>> -> memref<128x128xf32, #tpu.memory_space<vmem>>
      %dma_start3A_131 = arith.constant 0 : i32
      %dma_start3A_132 = tpu.memref_slice %arg6[%dma_start3A_125, %dma_start3A_126, %dma_start3A_131] : memref<4x2x128xi32, #tpu.memory_space<vmem>> -> memref<1x1x128xi32, #tpu.memory_space<vmem>>
      %dma_start3A_133 = tpu.memref_squeeze %dma_start3A_132 : memref<1x1x128xi32, #tpu.memory_space<vmem>> -> memref<128xi32, #tpu.memory_space<vmem>>
      %dma_start3A_134 = arith.constant 0 : i32
      %dma_start3A_135 = arith.constant 0 : i32
      %dma_start3A_136 = tpu.memref_slice %arg8[%dma_start3A_134, %dma_start3A_135] : memref<10240x128xf32, #tpu.memory_space<vmem_shared>> -> memref<10240x128xf32, #tpu.memory_space<vmem_shared>>
      tpu.enqueue_indirect_dma source(%dma_start3A_130 : memref<128x128xf32, #tpu.memory_space<vmem>>) target(%dma_start3A_136 : memref<10240x128xf32, #tpu.memory_space<vmem_shared>>) offsets(%dma_start3A_133 : memref<128xi32, #tpu.memory_space<vmem>>) semaphore(%arg11 : memref<!tpu.dma_semaphore, #tpu.memory_space<semaphore_mem>>) {add = true}
      %ge3A = arith.constant 1 : i32
      %ge3A_137 = arith.cmpi sge, %add3A_108, %ge3A : i32
      %convert_element_type3A = arith.extui %ge3A_137 : i1 to i32
      %cond3A = arith.constant 0 : i32
      %cond3A_138 = arith.cmpi ne, %convert_element_type3A, %cond3A : i32
      scf.if %cond3A_138 {
        %dma_wait3A_289 = arith.constant 1 : i32
        %dma_wait3A_290 = arith.constant 3 : i32
        %dma_wait3A_291 = arith.constant 1 : i32
        %dma_wait3A_292 = arith.constant 0 : i32
        %dma_wait3A_293 = arith.constant 0 : i32
        %dma_wait3A_294 = tpu.memref_slice %arg7[%dma_wait3A_289, %dma_wait3A_292, %dma_wait3A_293] : memref<2x128x128xf32, #tpu.memory_space<vmem>> -> memref<1x128x128xf32, #tpu.memory_space<vmem>>
        %dma_wait3A_295 = tpu.memref_squeeze %dma_wait3A_294 : memref<1x128x128xf32, #tpu.memory_space<vmem>> -> memref<128x128xf32, #tpu.memory_space<vmem>>
        %dma_wait3A_296 = arith.constant 0 : i32
        %dma_wait3A_297 = tpu.memref_slice %arg6[%dma_wait3A_290, %dma_wait3A_291, %dma_wait3A_296] : memref<4x2x128xi32, #tpu.memory_space<vmem>> -> memref<1x1x128xi32, #tpu.memory_space<vmem>>
        %dma_wait3A_298 = tpu.memref_squeeze %dma_wait3A_297 : memref<1x1x128xi32, #tpu.memory_space<vmem>> -> memref<128xi32, #tpu.memory_space<vmem>>
        %dma_wait3A_299 = arith.constant 0 : i32
        %dma_wait3A_300 = arith.constant 0 : i32
        %dma_wait3A_301 = tpu.memref_slice %arg8[%dma_wait3A_299, %dma_wait3A_300] : memref<10240x128xf32, #tpu.memory_space<vmem_shared>> -> memref<10240x128xf32, #tpu.memory_space<vmem_shared>>
        tpu.wait_indirect_dma semaphore(%arg11 : memref<!tpu.dma_semaphore, #tpu.memory_space<semaphore_mem>>) src(%dma_wait3A_295 : memref<128x128xf32, #tpu.memory_space<vmem>>) dst(%dma_wait3A_301 : memref<10240x128xf32, #tpu.memory_space<vmem_shared>>)
      } else {
      }
      %lt3A = arith.cmpi slt, %add3A_110, %select_n3A : i32
      %convert_element_type3A_139 = arith.extui %lt3A : i1 to i32
      %cond3A_140 = arith.constant 0 : i32
      %cond3A_141 = arith.cmpi ne, %convert_element_type3A_139, %cond3A_140 : i32
      scf.if %cond3A_141 {
        %add3A_289 = arith.addi %select_n3A_8, %add3A_110 : i32
        %dma_wait3A_290 = arith.constant 1 : i32
        %dma_wait3A_291 = arith.constant 0 : i32
        %dma_wait3A_292 = arith.constant 0 : i32
        %dma_wait3A_293 = tpu.memref_slice %arg6[%dma_wait3A_290, %dma_wait3A_291, %dma_wait3A_292] : memref<4x2x128xi32, #tpu.memory_space<vmem>> -> memref<1x2x128xi32, #tpu.memory_space<vmem>>
        %dma_wait3A_294 = tpu.memref_squeeze %dma_wait3A_293 : memref<1x2x128xi32, #tpu.memory_space<vmem>> -> memref<2x128xi32, #tpu.memory_space<vmem>>
        %dma_wait3A_295 = arith.constant 0 : i32
        %dma_wait3A_296 = arith.constant 0 : i32
        %dma_wait3A_297 = tpu.memref_slice %arg3[%add3A_289, %dma_wait3A_295, %dma_wait3A_296] : memref<2560x2x128xi32, #tpu.memory_space<hbm>> -> memref<1x2x128xi32, #tpu.memory_space<hbm>>
        %dma_wait3A_298 = tpu.memref_squeeze %dma_wait3A_297 : memref<1x2x128xi32, #tpu.memory_space<hbm>> -> memref<2x128xi32, #tpu.memory_space<hbm>>
        %dma_wait3A_299 = arith.constant 0 : i32
        %dma_wait3A_300 = arith.constant 0 : i32
        %dma_wait3A_301 = tpu.memref_slice %arg6[%dma_wait3A_290, %dma_wait3A_299, %dma_wait3A_300] : memref<4x2x128xi32, #tpu.memory_space<vmem>> -> memref<1x2x128xi32, #tpu.memory_space<vmem>>
        %dma_wait3A_302 = tpu.memref_squeeze %dma_wait3A_301 : memref<1x2x128xi32, #tpu.memory_space<vmem>> -> memref<2x128xi32, #tpu.memory_space<vmem>>
        %dma_wait3A_303 = arith.constant 0 : i32
        %dma_wait3A_304 = arith.constant 0 : i32
        %dma_wait3A_305 = tpu.memref_slice %arg3[%add3A_289, %dma_wait3A_303, %dma_wait3A_304] : memref<2560x2x128xi32, #tpu.memory_space<hbm>> -> memref<1x2x128xi32, #tpu.memory_space<hbm>>
        %dma_wait3A_306 = tpu.memref_squeeze %dma_wait3A_305 : memref<1x2x128xi32, #tpu.memory_space<hbm>> -> memref<2x128xi32, #tpu.memory_space<hbm>>
        tpu.wait_dma2 semaphore(%arg9 : memref<!tpu.dma_semaphore, #tpu.memory_space<semaphore_mem>>) src(%dma_wait3A_306 : memref<2x128xi32, #tpu.memory_space<hbm>>) dst(%dma_wait3A_302 : memref<2x128xi32, #tpu.memory_space<vmem>>)
        %dma_start3A_307 = arith.constant 1 : i32
        %dma_start3A_308 = arith.constant 0 : i32
        %dma_start3A_309 = arith.constant 1 : i32
        %dma_start3A_310 = arith.constant 0 : i32
        %dma_start3A_311 = arith.constant 0 : i32
        %dma_start3A_312 = tpu.memref_slice %arg7[%dma_start3A_309, %dma_start3A_310, %dma_start3A_311] : memref<2x128x128xf32, #tpu.memory_space<vmem>> -> memref<1x128x128xf32, #tpu.memory_space<vmem>>
        %dma_start3A_313 = tpu.memref_squeeze %dma_start3A_312 : memref<1x128x128xf32, #tpu.memory_space<vmem>> -> memref<128x128xf32, #tpu.memory_space<vmem>>
        %dma_start3A_314 = arith.constant 0 : i32
        %dma_start3A_315 = tpu.memref_slice %arg6[%dma_start3A_307, %dma_start3A_308, %dma_start3A_314] : memref<4x2x128xi32, #tpu.memory_space<vmem>> -> memref<1x1x128xi32, #tpu.memory_space<vmem>>
        %dma_start3A_316 = tpu.memref_squeeze %dma_start3A_315 : memref<1x1x128xi32, #tpu.memory_space<vmem>> -> memref<128xi32, #tpu.memory_space<vmem>>
        %dma_start3A_317 = arith.constant 0 : i32
        %dma_start3A_318 = arith.constant 0 : i32
        %dma_start3A_319 = tpu.memref_slice %arg2[%dma_start3A_317, %dma_start3A_318] : memref<10000x128xf32, #tpu.memory_space<hbm>> -> memref<10000x128xf32, #tpu.memory_space<hbm>>
        tpu.enqueue_indirect_dma source(%dma_start3A_319 : memref<10000x128xf32, #tpu.memory_space<hbm>>) target(%dma_start3A_313 : memref<128x128xf32, #tpu.memory_space<vmem>>) offsets(%dma_start3A_316 : memref<128xi32, #tpu.memory_space<vmem>>) semaphore(%arg10 : memref<!tpu.dma_semaphore, #tpu.memory_space<semaphore_mem>>)
      } else {
      }
      %add3A_142 = arith.constant 2 : i32
      %add3A_143 = arith.addi %add3A_108, %add3A_142 : i32
      %lt3A_144 = arith.cmpi slt, %add3A_143, %select_n3A : i32
      %convert_element_type3A_145 = arith.extui %lt3A_144 : i1 to i32
      %cond3A_146 = arith.constant 0 : i32
      %cond3A_147 = arith.cmpi ne, %convert_element_type3A_145, %cond3A_146 : i32
      scf.if %cond3A_147 {
        %add3A_289 = arith.constant 2 : i32
        %add3A_290 = arith.addi %add3A_108, %add3A_289 : i32
        %add3A_291 = arith.addi %select_n3A_8, %add3A_290 : i32
        %dma_start3A_292 = arith.constant 2 : i32
        %dma_start3A_293 = arith.constant 0 : i32
        %dma_start3A_294 = arith.constant 0 : i32
        %dma_start3A_295 = tpu.memref_slice %arg6[%dma_start3A_292, %dma_start3A_293, %dma_start3A_294] : memref<4x2x128xi32, #tpu.memory_space<vmem>> -> memref<1x2x128xi32, #tpu.memory_space<vmem>>
        %dma_start3A_296 = tpu.memref_squeeze %dma_start3A_295 : memref<1x2x128xi32, #tpu.memory_space<vmem>> -> memref<2x128xi32, #tpu.memory_space<vmem>>
        %dma_start3A_297 = arith.constant 0 : i32
        %dma_start3A_298 = arith.constant 0 : i32
        %dma_start3A_299 = tpu.memref_slice %arg3[%add3A_291, %dma_start3A_297, %dma_start3A_298] : memref<2560x2x128xi32, #tpu.memory_space<hbm>> -> memref<1x2x128xi32, #tpu.memory_space<hbm>>
        %dma_start3A_300 = tpu.memref_squeeze %dma_start3A_299 : memref<1x2x128xi32, #tpu.memory_space<hbm>> -> memref<2x128xi32, #tpu.memory_space<hbm>>
        %dma_start3A_301 = arith.constant 0 : i32
        %dma_start3A_302 = arith.constant 0 : i32
        %dma_start3A_303 = tpu.memref_slice %arg6[%dma_start3A_292, %dma_start3A_301, %dma_start3A_302] : memref<4x2x128xi32, #tpu.memory_space<vmem>> -> memref<1x2x128xi32, #tpu.memory_space<vmem>>
        %dma_start3A_304 = tpu.memref_squeeze %dma_start3A_303 : memref<1x2x128xi32, #tpu.memory_space<vmem>> -> memref<2x128xi32, #tpu.memory_space<vmem>>
        %dma_start3A_305 = arith.constant 0 : i32
        %dma_start3A_306 = arith.constant 0 : i32
        %dma_start3A_307 = tpu.memref_slice %arg3[%add3A_291, %dma_start3A_305, %dma_start3A_306] : memref<2560x2x128xi32, #tpu.memory_space<hbm>> -> memref<1x2x128xi32, #tpu.memory_space<hbm>>
        %dma_start3A_308 = tpu.memref_squeeze %dma_start3A_307 : memref<1x2x128xi32, #tpu.memory_space<hbm>> -> memref<2x128xi32, #tpu.memory_space<hbm>>
        tpu.enqueue_dma source(%dma_start3A_308 : memref<2x128xi32, #tpu.memory_space<hbm>>) target(%dma_start3A_304 : memref<2x128xi32, #tpu.memory_space<vmem>>) target_semaphore(%arg9 : memref<!tpu.dma_semaphore, #tpu.memory_space<semaphore_mem>>)
      } else {
      }
      %mul3A_148 = arith.constant 4 : i32
      %mul3A_149 = arith.muli %while3A_104, %mul3A_148 : i32
      %add3A_150 = arith.constant 1 : i32
      %add3A_151 = arith.addi %mul3A_149, %add3A_150 : i32
      %add3A_152 = arith.constant 1 : i32
      %add3A_153 = arith.addi %add3A_151, %add3A_152 : i32
      %dma_wait3A_154 = arith.constant 1 : i32
      %dma_wait3A_155 = arith.constant 0 : i32
      %dma_wait3A_156 = arith.constant 1 : i32
      %dma_wait3A_157 = arith.constant 0 : i32
      %dma_wait3A_158 = arith.constant 0 : i32
      %dma_wait3A_159 = tpu.memref_slice %arg7[%dma_wait3A_156, %dma_wait3A_157, %dma_wait3A_158] : memref<2x128x128xf32, #tpu.memory_space<vmem>> -> memref<1x128x128xf32, #tpu.memory_space<vmem>>
      %dma_wait3A_160 = tpu.memref_squeeze %dma_wait3A_159 : memref<1x128x128xf32, #tpu.memory_space<vmem>> -> memref<128x128xf32, #tpu.memory_space<vmem>>
      %dma_wait3A_161 = arith.constant 0 : i32
      %dma_wait3A_162 = tpu.memref_slice %arg6[%dma_wait3A_154, %dma_wait3A_155, %dma_wait3A_161] : memref<4x2x128xi32, #tpu.memory_space<vmem>> -> memref<1x1x128xi32, #tpu.memory_space<vmem>>
      %dma_wait3A_163 = tpu.memref_squeeze %dma_wait3A_162 : memref<1x1x128xi32, #tpu.memory_space<vmem>> -> memref<128xi32, #tpu.memory_space<vmem>>
      %dma_wait3A_164 = arith.constant 0 : i32
      %dma_wait3A_165 = arith.constant 0 : i32
      %dma_wait3A_166 = tpu.memref_slice %arg2[%dma_wait3A_164, %dma_wait3A_165] : memref<10000x128xf32, #tpu.memory_space<hbm>> -> memref<10000x128xf32, #tpu.memory_space<hbm>>
      tpu.wait_indirect_dma semaphore(%arg10 : memref<!tpu.dma_semaphore, #tpu.memory_space<semaphore_mem>>) src(%dma_wait3A_166 : memref<10000x128xf32, #tpu.memory_space<hbm>>) dst(%dma_wait3A_160 : memref<128x128xf32, #tpu.memory_space<vmem>>)
      %dma_start3A_167 = arith.constant 1 : i32
      %dma_start3A_168 = arith.constant 1 : i32
      %dma_start3A_169 = arith.constant 1 : i32
      %dma_start3A_170 = arith.constant 0 : i32
      %dma_start3A_171 = arith.constant 0 : i32
      %dma_start3A_172 = tpu.memref_slice %arg7[%dma_start3A_167, %dma_start3A_170, %dma_start3A_171] : memref<2x128x128xf32, #tpu.memory_space<vmem>> -> memref<1x128x128xf32, #tpu.memory_space<vmem>>
      %dma_start3A_173 = tpu.memref_squeeze %dma_start3A_172 : memref<1x128x128xf32, #tpu.memory_space<vmem>> -> memref<128x128xf32, #tpu.memory_space<vmem>>
      %dma_start3A_174 = arith.constant 0 : i32
      %dma_start3A_175 = tpu.memref_slice %arg6[%dma_start3A_168, %dma_start3A_169, %dma_start3A_174] : memref<4x2x128xi32, #tpu.memory_space<vmem>> -> memref<1x1x128xi32, #tpu.memory_space<vmem>>
      %dma_start3A_176 = tpu.memref_squeeze %dma_start3A_175 : memref<1x1x128xi32, #tpu.memory_space<vmem>> -> memref<128xi32, #tpu.memory_space<vmem>>
      %dma_start3A_177 = arith.constant 0 : i32
      %dma_start3A_178 = arith.constant 0 : i32
      %dma_start3A_179 = tpu.memref_slice %arg8[%dma_start3A_177, %dma_start3A_178] : memref<10240x128xf32, #tpu.memory_space<vmem_shared>> -> memref<10240x128xf32, #tpu.memory_space<vmem_shared>>
      tpu.enqueue_indirect_dma source(%dma_start3A_173 : memref<128x128xf32, #tpu.memory_space<vmem>>) target(%dma_start3A_179 : memref<10240x128xf32, #tpu.memory_space<vmem_shared>>) offsets(%dma_start3A_176 : memref<128xi32, #tpu.memory_space<vmem>>) semaphore(%arg11 : memref<!tpu.dma_semaphore, #tpu.memory_space<semaphore_mem>>) {add = true}
      %ge3A_180 = arith.constant 1 : i32
      %ge3A_181 = arith.cmpi sge, %add3A_151, %ge3A_180 : i32
      %convert_element_type3A_182 = arith.extui %ge3A_181 : i1 to i32
      %cond3A_183 = arith.constant 0 : i32
      %cond3A_184 = arith.cmpi ne, %convert_element_type3A_182, %cond3A_183 : i32
      scf.if %cond3A_184 {
        %dma_wait3A_289 = arith.constant 0 : i32
        %dma_wait3A_290 = arith.constant 0 : i32
        %dma_wait3A_291 = arith.constant 1 : i32
        %dma_wait3A_292 = arith.constant 0 : i32
        %dma_wait3A_293 = arith.constant 0 : i32
        %dma_wait3A_294 = tpu.memref_slice %arg7[%dma_wait3A_289, %dma_wait3A_292, %dma_wait3A_293] : memref<2x128x128xf32, #tpu.memory_space<vmem>> -> memref<1x128x128xf32, #tpu.memory_space<vmem>>
        %dma_wait3A_295 = tpu.memref_squeeze %dma_wait3A_294 : memref<1x128x128xf32, #tpu.memory_space<vmem>> -> memref<128x128xf32, #tpu.memory_space<vmem>>
        %dma_wait3A_296 = arith.constant 0 : i32
        %dma_wait3A_297 = tpu.memref_slice %arg6[%dma_wait3A_290, %dma_wait3A_291, %dma_wait3A_296] : memref<4x2x128xi32, #tpu.memory_space<vmem>> -> memref<1x1x128xi32, #tpu.memory_space<vmem>>
        %dma_wait3A_298 = tpu.memref_squeeze %dma_wait3A_297 : memref<1x1x128xi32, #tpu.memory_space<vmem>> -> memref<128xi32, #tpu.memory_space<vmem>>
        %dma_wait3A_299 = arith.constant 0 : i32
        %dma_wait3A_300 = arith.constant 0 : i32
        %dma_wait3A_301 = tpu.memref_slice %arg8[%dma_wait3A_299, %dma_wait3A_300] : memref<10240x128xf32, #tpu.memory_space<vmem_shared>> -> memref<10240x128xf32, #tpu.memory_space<vmem_shared>>
        tpu.wait_indirect_dma semaphore(%arg11 : memref<!tpu.dma_semaphore, #tpu.memory_space<semaphore_mem>>) src(%dma_wait3A_295 : memref<128x128xf32, #tpu.memory_space<vmem>>) dst(%dma_wait3A_301 : memref<10240x128xf32, #tpu.memory_space<vmem_shared>>)
      } else {
      }
      %lt3A_185 = arith.cmpi slt, %add3A_153, %select_n3A : i32
      %convert_element_type3A_186 = arith.extui %lt3A_185 : i1 to i32
      %cond3A_187 = arith.constant 0 : i32
      %cond3A_188 = arith.cmpi ne, %convert_element_type3A_186, %cond3A_187 : i32
      scf.if %cond3A_188 {
        %add3A_289 = arith.addi %select_n3A_8, %add3A_153 : i32
        %dma_wait3A_290 = arith.constant 2 : i32
        %dma_wait3A_291 = arith.constant 0 : i32
        %dma_wait3A_292 = arith.constant 0 : i32
        %dma_wait3A_293 = tpu.memref_slice %arg6[%dma_wait3A_290, %dma_wait3A_291, %dma_wait3A_292] : memref<4x2x128xi32, #tpu.memory_space<vmem>> -> memref<1x2x128xi32, #tpu.memory_space<vmem>>
        %dma_wait3A_294 = tpu.memref_squeeze %dma_wait3A_293 : memref<1x2x128xi32, #tpu.memory_space<vmem>> -> memref<2x128xi32, #tpu.memory_space<vmem>>
        %dma_wait3A_295 = arith.constant 0 : i32
        %dma_wait3A_296 = arith.constant 0 : i32
        %dma_wait3A_297 = tpu.memref_slice %arg3[%add3A_289, %dma_wait3A_295, %dma_wait3A_296] : memref<2560x2x128xi32, #tpu.memory_space<hbm>> -> memref<1x2x128xi32, #tpu.memory_space<hbm>>
        %dma_wait3A_298 = tpu.memref_squeeze %dma_wait3A_297 : memref<1x2x128xi32, #tpu.memory_space<hbm>> -> memref<2x128xi32, #tpu.memory_space<hbm>>
        %dma_wait3A_299 = arith.constant 0 : i32
        %dma_wait3A_300 = arith.constant 0 : i32
        %dma_wait3A_301 = tpu.memref_slice %arg6[%dma_wait3A_290, %dma_wait3A_299, %dma_wait3A_300] : memref<4x2x128xi32, #tpu.memory_space<vmem>> -> memref<1x2x128xi32, #tpu.memory_space<vmem>>
        %dma_wait3A_302 = tpu.memref_squeeze %dma_wait3A_301 : memref<1x2x128xi32, #tpu.memory_space<vmem>> -> memref<2x128xi32, #tpu.memory_space<vmem>>
        %dma_wait3A_303 = arith.constant 0 : i32
        %dma_wait3A_304 = arith.constant 0 : i32
        %dma_wait3A_305 = tpu.memref_slice %arg3[%add3A_289, %dma_wait3A_303, %dma_wait3A_304] : memref<2560x2x128xi32, #tpu.memory_space<hbm>> -> memref<1x2x128xi32, #tpu.memory_space<hbm>>
        %dma_wait3A_306 = tpu.memref_squeeze %dma_wait3A_305 : memref<1x2x128xi32, #tpu.memory_space<hbm>> -> memref<2x128xi32, #tpu.memory_space<hbm>>
        tpu.wait_dma2 semaphore(%arg9 : memref<!tpu.dma_semaphore, #tpu.memory_space<semaphore_mem>>) src(%dma_wait3A_306 : memref<2x128xi32, #tpu.memory_space<hbm>>) dst(%dma_wait3A_302 : memref<2x128xi32, #tpu.memory_space<vmem>>)
        %dma_start3A_307 = arith.constant 2 : i32
        %dma_start3A_308 = arith.constant 0 : i32
        %dma_start3A_309 = arith.constant 0 : i32
        %dma_start3A_310 = arith.constant 0 : i32
        %dma_start3A_311 = arith.constant 0 : i32
        %dma_start3A_312 = tpu.memref_slice %arg7[%dma_start3A_309, %dma_start3A_310, %dma_start3A_311] : memref<2x128x128xf32, #tpu.memory_space<vmem>> -> memref<1x128x128xf32, #tpu.memory_space<vmem>>
        %dma_start3A_313 = tpu.memref_squeeze %dma_start3A_312 : memref<1x128x128xf32, #tpu.memory_space<vmem>> -> memref<128x128xf32, #tpu.memory_space<vmem>>
        %dma_start3A_314 = arith.constant 0 : i32
        %dma_start3A_315 = tpu.memref_slice %arg6[%dma_start3A_307, %dma_start3A_308, %dma_start3A_314] : memref<4x2x128xi32, #tpu.memory_space<vmem>> -> memref<1x1x128xi32, #tpu.memory_space<vmem>>
        %dma_start3A_316 = tpu.memref_squeeze %dma_start3A_315 : memref<1x1x128xi32, #tpu.memory_space<vmem>> -> memref<128xi32, #tpu.memory_space<vmem>>
        %dma_start3A_317 = arith.constant 0 : i32
        %dma_start3A_318 = arith.constant 0 : i32
        %dma_start3A_319 = tpu.memref_slice %arg2[%dma_start3A_317, %dma_start3A_318] : memref<10000x128xf32, #tpu.memory_space<hbm>> -> memref<10000x128xf32, #tpu.memory_space<hbm>>
        tpu.enqueue_indirect_dma source(%dma_start3A_319 : memref<10000x128xf32, #tpu.memory_space<hbm>>) target(%dma_start3A_313 : memref<128x128xf32, #tpu.memory_space<vmem>>) offsets(%dma_start3A_316 : memref<128xi32, #tpu.memory_space<vmem>>) semaphore(%arg10 : memref<!tpu.dma_semaphore, #tpu.memory_space<semaphore_mem>>)
      } else {
      }
      %add3A_189 = arith.constant 2 : i32
      %add3A_190 = arith.addi %add3A_151, %add3A_189 : i32
      %lt3A_191 = arith.cmpi slt, %add3A_190, %select_n3A : i32
      %convert_element_type3A_192 = arith.extui %lt3A_191 : i1 to i32
      %cond3A_193 = arith.constant 0 : i32
      %cond3A_194 = arith.cmpi ne, %convert_element_type3A_192, %cond3A_193 : i32
      scf.if %cond3A_194 {
        %add3A_289 = arith.constant 2 : i32
        %add3A_290 = arith.addi %add3A_151, %add3A_289 : i32
        %add3A_291 = arith.addi %select_n3A_8, %add3A_290 : i32
        %dma_start3A_292 = arith.constant 3 : i32
        %dma_start3A_293 = arith.constant 0 : i32
        %dma_start3A_294 = arith.constant 0 : i32
        %dma_start3A_295 = tpu.memref_slice %arg6[%dma_start3A_292, %dma_start3A_293, %dma_start3A_294] : memref<4x2x128xi32, #tpu.memory_space<vmem>> -> memref<1x2x128xi32, #tpu.memory_space<vmem>>
        %dma_start3A_296 = tpu.memref_squeeze %dma_start3A_295 : memref<1x2x128xi32, #tpu.memory_space<vmem>> -> memref<2x128xi32, #tpu.memory_space<vmem>>
        %dma_start3A_297 = arith.constant 0 : i32
        %dma_start3A_298 = arith.constant 0 : i32
        %dma_start3A_299 = tpu.memref_slice %arg3[%add3A_291, %dma_start3A_297, %dma_start3A_298] : memref<2560x2x128xi32, #tpu.memory_space<hbm>> -> memref<1x2x128xi32, #tpu.memory_space<hbm>>
        %dma_start3A_300 = tpu.memref_squeeze %dma_start3A_299 : memref<1x2x128xi32, #tpu.memory_space<hbm>> -> memref<2x128xi32, #tpu.memory_space<hbm>>
        %dma_start3A_301 = arith.constant 0 : i32
        %dma_start3A_302 = arith.constant 0 : i32
        %dma_start3A_303 = tpu.memref_slice %arg6[%dma_start3A_292, %dma_start3A_301, %dma_start3A_302] : memref<4x2x128xi32, #tpu.memory_space<vmem>> -> memref<1x2x128xi32, #tpu.memory_space<vmem>>
        %dma_start3A_304 = tpu.memref_squeeze %dma_start3A_303 : memref<1x2x128xi32, #tpu.memory_space<vmem>> -> memref<2x128xi32, #tpu.memory_space<vmem>>
        %dma_start3A_305 = arith.constant 0 : i32
        %dma_start3A_306 = arith.constant 0 : i32
        %dma_start3A_307 = tpu.memref_slice %arg3[%add3A_291, %dma_start3A_305, %dma_start3A_306] : memref<2560x2x128xi32, #tpu.memory_space<hbm>> -> memref<1x2x128xi32, #tpu.memory_space<hbm>>
        %dma_start3A_308 = tpu.memref_squeeze %dma_start3A_307 : memref<1x2x128xi32, #tpu.memory_space<hbm>> -> memref<2x128xi32, #tpu.memory_space<hbm>>
        tpu.enqueue_dma source(%dma_start3A_308 : memref<2x128xi32, #tpu.memory_space<hbm>>) target(%dma_start3A_304 : memref<2x128xi32, #tpu.memory_space<vmem>>) target_semaphore(%arg9 : memref<!tpu.dma_semaphore, #tpu.memory_space<semaphore_mem>>)
      } else {
      }
      %mul3A_195 = arith.constant 4 : i32
      %mul3A_196 = arith.muli %while3A_104, %mul3A_195 : i32
      %add3A_197 = arith.constant 2 : i32
      %add3A_198 = arith.addi %mul3A_196, %add3A_197 : i32
      %add3A_199 = arith.constant 1 : i32
      %add3A_200 = arith.addi %add3A_198, %add3A_199 : i32
      %dma_wait3A_201 = arith.constant 2 : i32
      %dma_wait3A_202 = arith.constant 0 : i32
      %dma_wait3A_203 = arith.constant 0 : i32
      %dma_wait3A_204 = arith.constant 0 : i32
      %dma_wait3A_205 = arith.constant 0 : i32
      %dma_wait3A_206 = tpu.memref_slice %arg7[%dma_wait3A_203, %dma_wait3A_204, %dma_wait3A_205] : memref<2x128x128xf32, #tpu.memory_space<vmem>> -> memref<1x128x128xf32, #tpu.memory_space<vmem>>
      %dma_wait3A_207 = tpu.memref_squeeze %dma_wait3A_206 : memref<1x128x128xf32, #tpu.memory_space<vmem>> -> memref<128x128xf32, #tpu.memory_space<vmem>>
      %dma_wait3A_208 = arith.constant 0 : i32
      %dma_wait3A_209 = tpu.memref_slice %arg6[%dma_wait3A_201, %dma_wait3A_202, %dma_wait3A_208] : memref<4x2x128xi32, #tpu.memory_space<vmem>> -> memref<1x1x128xi32, #tpu.memory_space<vmem>>
      %dma_wait3A_210 = tpu.memref_squeeze %dma_wait3A_209 : memref<1x1x128xi32, #tpu.memory_space<vmem>> -> memref<128xi32, #tpu.memory_space<vmem>>
      %dma_wait3A_211 = arith.constant 0 : i32
      %dma_wait3A_212 = arith.constant 0 : i32
      %dma_wait3A_213 = tpu.memref_slice %arg2[%dma_wait3A_211, %dma_wait3A_212] : memref<10000x128xf32, #tpu.memory_space<hbm>> -> memref<10000x128xf32, #tpu.memory_space<hbm>>
      tpu.wait_indirect_dma semaphore(%arg10 : memref<!tpu.dma_semaphore, #tpu.memory_space<semaphore_mem>>) src(%dma_wait3A_213 : memref<10000x128xf32, #tpu.memory_space<hbm>>) dst(%dma_wait3A_207 : memref<128x128xf32, #tpu.memory_space<vmem>>)
      %dma_start3A_214 = arith.constant 0 : i32
      %dma_start3A_215 = arith.constant 2 : i32
      %dma_start3A_216 = arith.constant 1 : i32
      %dma_start3A_217 = arith.constant 0 : i32
      %dma_start3A_218 = arith.constant 0 : i32
      %dma_start3A_219 = tpu.memref_slice %arg7[%dma_start3A_214, %dma_start3A_217, %dma_start3A_218] : memref<2x128x128xf32, #tpu.memory_space<vmem>> -> memref<1x128x128xf32, #tpu.memory_space<vmem>>
      %dma_start3A_220 = tpu.memref_squeeze %dma_start3A_219 : memref<1x128x128xf32, #tpu.memory_space<vmem>> -> memref<128x128xf32, #tpu.memory_space<vmem>>
      %dma_start3A_221 = arith.constant 0 : i32
      %dma_start3A_222 = tpu.memref_slice %arg6[%dma_start3A_215, %dma_start3A_216, %dma_start3A_221] : memref<4x2x128xi32, #tpu.memory_space<vmem>> -> memref<1x1x128xi32, #tpu.memory_space<vmem>>
      %dma_start3A_223 = tpu.memref_squeeze %dma_start3A_222 : memref<1x1x128xi32, #tpu.memory_space<vmem>> -> memref<128xi32, #tpu.memory_space<vmem>>
      %dma_start3A_224 = arith.constant 0 : i32
      %dma_start3A_225 = arith.constant 0 : i32
      %dma_start3A_226 = tpu.memref_slice %arg8[%dma_start3A_224, %dma_start3A_225] : memref<10240x128xf32, #tpu.memory_space<vmem_shared>> -> memref<10240x128xf32, #tpu.memory_space<vmem_shared>>
      tpu.enqueue_indirect_dma source(%dma_start3A_220 : memref<128x128xf32, #tpu.memory_space<vmem>>) target(%dma_start3A_226 : memref<10240x128xf32, #tpu.memory_space<vmem_shared>>) offsets(%dma_start3A_223 : memref<128xi32, #tpu.memory_space<vmem>>) semaphore(%arg11 : memref<!tpu.dma_semaphore, #tpu.memory_space<semaphore_mem>>) {add = true}
      %ge3A_227 = arith.constant 1 : i32
      %ge3A_228 = arith.cmpi sge, %add3A_198, %ge3A_227 : i32
      %convert_element_type3A_229 = arith.extui %ge3A_228 : i1 to i32
      %cond3A_230 = arith.constant 0 : i32
      %cond3A_231 = arith.cmpi ne, %convert_element_type3A_229, %cond3A_230 : i32
      scf.if %cond3A_231 {
        %dma_wait3A_289 = arith.constant 1 : i32
        %dma_wait3A_290 = arith.constant 1 : i32
        %dma_wait3A_291 = arith.constant 1 : i32
        %dma_wait3A_292 = arith.constant 0 : i32
        %dma_wait3A_293 = arith.constant 0 : i32
        %dma_wait3A_294 = tpu.memref_slice %arg7[%dma_wait3A_289, %dma_wait3A_292, %dma_wait3A_293] : memref<2x128x128xf32, #tpu.memory_space<vmem>> -> memref<1x128x128xf32, #tpu.memory_space<vmem>>
        %dma_wait3A_295 = tpu.memref_squeeze %dma_wait3A_294 : memref<1x128x128xf32, #tpu.memory_space<vmem>> -> memref<128x128xf32, #tpu.memory_space<vmem>>
        %dma_wait3A_296 = arith.constant 0 : i32
        %dma_wait3A_297 = tpu.memref_slice %arg6[%dma_wait3A_290, %dma_wait3A_291, %dma_wait3A_296] : memref<4x2x128xi32, #tpu.memory_space<vmem>> -> memref<1x1x128xi32, #tpu.memory_space<vmem>>
        %dma_wait3A_298 = tpu.memref_squeeze %dma_wait3A_297 : memref<1x1x128xi32, #tpu.memory_space<vmem>> -> memref<128xi32, #tpu.memory_space<vmem>>
        %dma_wait3A_299 = arith.constant 0 : i32
        %dma_wait3A_300 = arith.constant 0 : i32
        %dma_wait3A_301 = tpu.memref_slice %arg8[%dma_wait3A_299, %dma_wait3A_300] : memref<10240x128xf32, #tpu.memory_space<vmem_shared>> -> memref<10240x128xf32, #tpu.memory_space<vmem_shared>>
        tpu.wait_indirect_dma semaphore(%arg11 : memref<!tpu.dma_semaphore, #tpu.memory_space<semaphore_mem>>) src(%dma_wait3A_295 : memref<128x128xf32, #tpu.memory_space<vmem>>) dst(%dma_wait3A_301 : memref<10240x128xf32, #tpu.memory_space<vmem_shared>>)
      } else {
      }
      %lt3A_232 = arith.cmpi slt, %add3A_200, %select_n3A : i32
      %convert_element_type3A_233 = arith.extui %lt3A_232 : i1 to i32
      %cond3A_234 = arith.constant 0 : i32
      %cond3A_235 = arith.cmpi ne, %convert_element_type3A_233, %cond3A_234 : i32
      scf.if %cond3A_235 {
        %add3A_289 = arith.addi %select_n3A_8, %add3A_200 : i32
        %dma_wait3A_290 = arith.constant 3 : i32
        %dma_wait3A_291 = arith.constant 0 : i32
        %dma_wait3A_292 = arith.constant 0 : i32
        %dma_wait3A_293 = tpu.memref_slice %arg6[%dma_wait3A_290, %dma_wait3A_291, %dma_wait3A_292] : memref<4x2x128xi32, #tpu.memory_space<vmem>> -> memref<1x2x128xi32, #tpu.memory_space<vmem>>
        %dma_wait3A_294 = tpu.memref_squeeze %dma_wait3A_293 : memref<1x2x128xi32, #tpu.memory_space<vmem>> -> memref<2x128xi32, #tpu.memory_space<vmem>>
        %dma_wait3A_295 = arith.constant 0 : i32
        %dma_wait3A_296 = arith.constant 0 : i32
        %dma_wait3A_297 = tpu.memref_slice %arg3[%add3A_289, %dma_wait3A_295, %dma_wait3A_296] : memref<2560x2x128xi32, #tpu.memory_space<hbm>> -> memref<1x2x128xi32, #tpu.memory_space<hbm>>
        %dma_wait3A_298 = tpu.memref_squeeze %dma_wait3A_297 : memref<1x2x128xi32, #tpu.memory_space<hbm>> -> memref<2x128xi32, #tpu.memory_space<hbm>>
        %dma_wait3A_299 = arith.constant 0 : i32
        %dma_wait3A_300 = arith.constant 0 : i32
        %dma_wait3A_301 = tpu.memref_slice %arg6[%dma_wait3A_290, %dma_wait3A_299, %dma_wait3A_300] : memref<4x2x128xi32, #tpu.memory_space<vmem>> -> memref<1x2x128xi32, #tpu.memory_space<vmem>>
        %dma_wait3A_302 = tpu.memref_squeeze %dma_wait3A_301 : memref<1x2x128xi32, #tpu.memory_space<vmem>> -> memref<2x128xi32, #tpu.memory_space<vmem>>
        %dma_wait3A_303 = arith.constant 0 : i32
        %dma_wait3A_304 = arith.constant 0 : i32
        %dma_wait3A_305 = tpu.memref_slice %arg3[%add3A_289, %dma_wait3A_303, %dma_wait3A_304] : memref<2560x2x128xi32, #tpu.memory_space<hbm>> -> memref<1x2x128xi32, #tpu.memory_space<hbm>>
        %dma_wait3A_306 = tpu.memref_squeeze %dma_wait3A_305 : memref<1x2x128xi32, #tpu.memory_space<hbm>> -> memref<2x128xi32, #tpu.memory_space<hbm>>
        tpu.wait_dma2 semaphore(%arg9 : memref<!tpu.dma_semaphore, #tpu.memory_space<semaphore_mem>>) src(%dma_wait3A_306 : memref<2x128xi32, #tpu.memory_space<hbm>>) dst(%dma_wait3A_302 : memref<2x128xi32, #tpu.memory_space<vmem>>)
        %dma_start3A_307 = arith.constant 3 : i32
        %dma_start3A_308 = arith.constant 0 : i32
        %dma_start3A_309 = arith.constant 1 : i32
        %dma_start3A_310 = arith.constant 0 : i32
        %dma_start3A_311 = arith.constant 0 : i32
        %dma_start3A_312 = tpu.memref_slice %arg7[%dma_start3A_309, %dma_start3A_310, %dma_start3A_311] : memref<2x128x128xf32, #tpu.memory_space<vmem>> -> memref<1x128x128xf32, #tpu.memory_space<vmem>>
        %dma_start3A_313 = tpu.memref_squeeze %dma_start3A_312 : memref<1x128x128xf32, #tpu.memory_space<vmem>> -> memref<128x128xf32, #tpu.memory_space<vmem>>
        %dma_start3A_314 = arith.constant 0 : i32
        %dma_start3A_315 = tpu.memref_slice %arg6[%dma_start3A_307, %dma_start3A_308, %dma_start3A_314] : memref<4x2x128xi32, #tpu.memory_space<vmem>> -> memref<1x1x128xi32, #tpu.memory_space<vmem>>
        %dma_start3A_316 = tpu.memref_squeeze %dma_start3A_315 : memref<1x1x128xi32, #tpu.memory_space<vmem>> -> memref<128xi32, #tpu.memory_space<vmem>>
        %dma_start3A_317 = arith.constant 0 : i32
        %dma_start3A_318 = arith.constant 0 : i32
        %dma_start3A_319 = tpu.memref_slice %arg2[%dma_start3A_317, %dma_start3A_318] : memref<10000x128xf32, #tpu.memory_space<hbm>> -> memref<10000x128xf32, #tpu.memory_space<hbm>>
        tpu.enqueue_indirect_dma source(%dma_start3A_319 : memref<10000x128xf32, #tpu.memory_space<hbm>>) target(%dma_start3A_313 : memref<128x128xf32, #tpu.memory_space<vmem>>) offsets(%dma_start3A_316 : memref<128xi32, #tpu.memory_space<vmem>>) semaphore(%arg10 : memref<!tpu.dma_semaphore, #tpu.memory_space<semaphore_mem>>)
      } else {
      }
      %add3A_236 = arith.constant 2 : i32
      %add3A_237 = arith.addi %add3A_198, %add3A_236 : i32
      %lt3A_238 = arith.cmpi slt, %add3A_237, %select_n3A : i32
      %convert_element_type3A_239 = arith.extui %lt3A_238 : i1 to i32
      %cond3A_240 = arith.constant 0 : i32
      %cond3A_241 = arith.cmpi ne, %convert_element_type3A_239, %cond3A_240 : i32
      scf.if %cond3A_241 {
        %add3A_289 = arith.constant 2 : i32
        %add3A_290 = arith.addi %add3A_198, %add3A_289 : i32
        %add3A_291 = arith.addi %select_n3A_8, %add3A_290 : i32
        %dma_start3A_292 = arith.constant 0 : i32
        %dma_start3A_293 = arith.constant 0 : i32
        %dma_start3A_294 = arith.constant 0 : i32
        %dma_start3A_295 = tpu.memref_slice %arg6[%dma_start3A_292, %dma_start3A_293, %dma_start3A_294] : memref<4x2x128xi32, #tpu.memory_space<vmem>> -> memref<1x2x128xi32, #tpu.memory_space<vmem>>
        %dma_start3A_296 = tpu.memref_squeeze %dma_start3A_295 : memref<1x2x128xi32, #tpu.memory_space<vmem>> -> memref<2x128xi32, #tpu.memory_space<vmem>>
        %dma_start3A_297 = arith.constant 0 : i32
        %dma_start3A_298 = arith.constant 0 : i32
        %dma_start3A_299 = tpu.memref_slice %arg3[%add3A_291, %dma_start3A_297, %dma_start3A_298] : memref<2560x2x128xi32, #tpu.memory_space<hbm>> -> memref<1x2x128xi32, #tpu.memory_space<hbm>>
        %dma_start3A_300 = tpu.memref_squeeze %dma_start3A_299 : memref<1x2x128xi32, #tpu.memory_space<hbm>> -> memref<2x128xi32, #tpu.memory_space<hbm>>
        %dma_start3A_301 = arith.constant 0 : i32
        %dma_start3A_302 = arith.constant 0 : i32
        %dma_start3A_303 = tpu.memref_slice %arg6[%dma_start3A_292, %dma_start3A_301, %dma_start3A_302] : memref<4x2x128xi32, #tpu.memory_space<vmem>> -> memref<1x2x128xi32, #tpu.memory_space<vmem>>
        %dma_start3A_304 = tpu.memref_squeeze %dma_start3A_303 : memref<1x2x128xi32, #tpu.memory_space<vmem>> -> memref<2x128xi32, #tpu.memory_space<vmem>>
        %dma_start3A_305 = arith.constant 0 : i32
        %dma_start3A_306 = arith.constant 0 : i32
        %dma_start3A_307 = tpu.memref_slice %arg3[%add3A_291, %dma_start3A_305, %dma_start3A_306] : memref<2560x2x128xi32, #tpu.memory_space<hbm>> -> memref<1x2x128xi32, #tpu.memory_space<hbm>>
        %dma_start3A_308 = tpu.memref_squeeze %dma_start3A_307 : memref<1x2x128xi32, #tpu.memory_space<hbm>> -> memref<2x128xi32, #tpu.memory_space<hbm>>
        tpu.enqueue_dma source(%dma_start3A_308 : memref<2x128xi32, #tpu.memory_space<hbm>>) target(%dma_start3A_304 : memref<2x128xi32, #tpu.memory_space<vmem>>) target_semaphore(%arg9 : memref<!tpu.dma_semaphore, #tpu.memory_space<semaphore_mem>>)
      } else {
      }
      %mul3A_242 = arith.constant 4 : i32
      %mul3A_243 = arith.muli %while3A_104, %mul3A_242 : i32
      %add3A_244 = arith.constant 3 : i32
      %add3A_245 = arith.addi %mul3A_243, %add3A_244 : i32
      %add3A_246 = arith.constant 1 : i32
      %add3A_247 = arith.addi %add3A_245, %add3A_246 : i32
      %dma_wait3A_248 = arith.constant 3 : i32
      %dma_wait3A_249 = arith.constant 0 : i32
      %dma_wait3A_250 = arith.constant 1 : i32
      %dma_wait3A_251 = arith.constant 0 : i32
      %dma_wait3A_252 = arith.constant 0 : i32
      %dma_wait3A_253 = tpu.memref_slice %arg7[%dma_wait3A_250, %dma_wait3A_251, %dma_wait3A_252] : memref<2x128x128xf32, #tpu.memory_space<vmem>> -> memref<1x128x128xf32, #tpu.memory_space<vmem>>
      %dma_wait3A_254 = tpu.memref_squeeze %dma_wait3A_253 : memref<1x128x128xf32, #tpu.memory_space<vmem>> -> memref<128x128xf32, #tpu.memory_space<vmem>>
      %dma_wait3A_255 = arith.constant 0 : i32
      %dma_wait3A_256 = tpu.memref_slice %arg6[%dma_wait3A_248, %dma_wait3A_249, %dma_wait3A_255] : memref<4x2x128xi32, #tpu.memory_space<vmem>> -> memref<1x1x128xi32, #tpu.memory_space<vmem>>
      %dma_wait3A_257 = tpu.memref_squeeze %dma_wait3A_256 : memref<1x1x128xi32, #tpu.memory_space<vmem>> -> memref<128xi32, #tpu.memory_space<vmem>>
      %dma_wait3A_258 = arith.constant 0 : i32
      %dma_wait3A_259 = arith.constant 0 : i32
      %dma_wait3A_260 = tpu.memref_slice %arg2[%dma_wait3A_258, %dma_wait3A_259] : memref<10000x128xf32, #tpu.memory_space<hbm>> -> memref<10000x128xf32, #tpu.memory_space<hbm>>
      tpu.wait_indirect_dma semaphore(%arg10 : memref<!tpu.dma_semaphore, #tpu.memory_space<semaphore_mem>>) src(%dma_wait3A_260 : memref<10000x128xf32, #tpu.memory_space<hbm>>) dst(%dma_wait3A_254 : memref<128x128xf32, #tpu.memory_space<vmem>>)
      %dma_start3A_261 = arith.constant 1 : i32
      %dma_start3A_262 = arith.constant 3 : i32
      %dma_start3A_263 = arith.constant 1 : i32
      %dma_start3A_264 = arith.constant 0 : i32
      %dma_start3A_265 = arith.constant 0 : i32
      %dma_start3A_266 = tpu.memref_slice %arg7[%dma_start3A_261, %dma_start3A_264, %dma_start3A_265] : memref<2x128x128xf32, #tpu.memory_space<vmem>> -> memref<1x128x128xf32, #tpu.memory_space<vmem>>
      %dma_start3A_267 = tpu.memref_squeeze %dma_start3A_266 : memref<1x128x128xf32, #tpu.memory_space<vmem>> -> memref<128x128xf32, #tpu.memory_space<vmem>>
      %dma_start3A_268 = arith.constant 0 : i32
      %dma_start3A_269 = tpu.memref_slice %arg6[%dma_start3A_262, %dma_start3A_263, %dma_start3A_268] : memref<4x2x128xi32, #tpu.memory_space<vmem>> -> memref<1x1x128xi32, #tpu.memory_space<vmem>>
      %dma_start3A_270 = tpu.memref_squeeze %dma_start3A_269 : memref<1x1x128xi32, #tpu.memory_space<vmem>> -> memref<128xi32, #tpu.memory_space<vmem>>
      %dma_start3A_271 = arith.constant 0 : i32
      %dma_start3A_272 = arith.constant 0 : i32
      %dma_start3A_273 = tpu.memref_slice %arg8[%dma_start3A_271, %dma_start3A_272] : memref<10240x128xf32, #tpu.memory_space<vmem_shared>> -> memref<10240x128xf32, #tpu.memory_space<vmem_shared>>
      tpu.enqueue_indirect_dma source(%dma_start3A_267 : memref<128x128xf32, #tpu.memory_space<vmem>>) target(%dma_start3A_273 : memref<10240x128xf32, #tpu.memory_space<vmem_shared>>) offsets(%dma_start3A_270 : memref<128xi32, #tpu.memory_space<vmem>>) semaphore(%arg11 : memref<!tpu.dma_semaphore, #tpu.memory_space<semaphore_mem>>) {add = true}
      %ge3A_274 = arith.constant 1 : i32
      %ge3A_275 = arith.cmpi sge, %add3A_245, %ge3A_274 : i32
      %convert_element_type3A_276 = arith.extui %ge3A_275 : i1 to i32
      %cond3A_277 = arith.constant 0 : i32
      %cond3A_278 = arith.cmpi ne, %convert_element_type3A_276, %cond3A_277 : i32
      scf.if %cond3A_278 {
        %dma_wait3A_289 = arith.constant 0 : i32
        %dma_wait3A_290 = arith.constant 2 : i32
        %dma_wait3A_291 = arith.constant 1 : i32
        %dma_wait3A_292 = arith.constant 0 : i32
        %dma_wait3A_293 = arith.constant 0 : i32
        %dma_wait3A_294 = tpu.memref_slice %arg7[%dma_wait3A_289, %dma_wait3A_292, %dma_wait3A_293] : memref<2x128x128xf32, #tpu.memory_space<vmem>> -> memref<1x128x128xf32, #tpu.memory_space<vmem>>
        %dma_wait3A_295 = tpu.memref_squeeze %dma_wait3A_294 : memref<1x128x128xf32, #tpu.memory_space<vmem>> -> memref<128x128xf32, #tpu.memory_space<vmem>>
        %dma_wait3A_296 = arith.constant 0 : i32
        %dma_wait3A_297 = tpu.memref_slice %arg6[%dma_wait3A_290, %dma_wait3A_291, %dma_wait3A_296] : memref<4x2x128xi32, #tpu.memory_space<vmem>> -> memref<1x1x128xi32, #tpu.memory_space<vmem>>
        %dma_wait3A_298 = tpu.memref_squeeze %dma_wait3A_297 : memref<1x1x128xi32, #tpu.memory_space<vmem>> -> memref<128xi32, #tpu.memory_space<vmem>>
        %dma_wait3A_299 = arith.constant 0 : i32
        %dma_wait3A_300 = arith.constant 0 : i32
        %dma_wait3A_301 = tpu.memref_slice %arg8[%dma_wait3A_299, %dma_wait3A_300] : memref<10240x128xf32, #tpu.memory_space<vmem_shared>> -> memref<10240x128xf32, #tpu.memory_space<vmem_shared>>
        tpu.wait_indirect_dma semaphore(%arg11 : memref<!tpu.dma_semaphore, #tpu.memory_space<semaphore_mem>>) src(%dma_wait3A_295 : memref<128x128xf32, #tpu.memory_space<vmem>>) dst(%dma_wait3A_301 : memref<10240x128xf32, #tpu.memory_space<vmem_shared>>)
      } else {
      }
      %lt3A_279 = arith.cmpi slt, %add3A_247, %select_n3A : i32
      %convert_element_type3A_280 = arith.extui %lt3A_279 : i1 to i32
      %cond3A_281 = arith.constant 0 : i32
      %cond3A_282 = arith.cmpi ne, %convert_element_type3A_280, %cond3A_281 : i32
      scf.if %cond3A_282 {
        %add3A_289 = arith.addi %select_n3A_8, %add3A_247 : i32
        %dma_wait3A_290 = arith.constant 0 : i32
        %dma_wait3A_291 = arith.constant 0 : i32
        %dma_wait3A_292 = arith.constant 0 : i32
        %dma_wait3A_293 = tpu.memref_slice %arg6[%dma_wait3A_290, %dma_wait3A_291, %dma_wait3A_292] : memref<4x2x128xi32, #tpu.memory_space<vmem>> -> memref<1x2x128xi32, #tpu.memory_space<vmem>>
        %dma_wait3A_294 = tpu.memref_squeeze %dma_wait3A_293 : memref<1x2x128xi32, #tpu.memory_space<vmem>> -> memref<2x128xi32, #tpu.memory_space<vmem>>
        %dma_wait3A_295 = arith.constant 0 : i32
        %dma_wait3A_296 = arith.constant 0 : i32
        %dma_wait3A_297 = tpu.memref_slice %arg3[%add3A_289, %dma_wait3A_295, %dma_wait3A_296] : memref<2560x2x128xi32, #tpu.memory_space<hbm>> -> memref<1x2x128xi32, #tpu.memory_space<hbm>>
        %dma_wait3A_298 = tpu.memref_squeeze %dma_wait3A_297 : memref<1x2x128xi32, #tpu.memory_space<hbm>> -> memref<2x128xi32, #tpu.memory_space<hbm>>
        %dma_wait3A_299 = arith.constant 0 : i32
        %dma_wait3A_300 = arith.constant 0 : i32
        %dma_wait3A_301 = tpu.memref_slice %arg6[%dma_wait3A_290, %dma_wait3A_299, %dma_wait3A_300] : memref<4x2x128xi32, #tpu.memory_space<vmem>> -> memref<1x2x128xi32, #tpu.memory_space<vmem>>
        %dma_wait3A_302 = tpu.memref_squeeze %dma_wait3A_301 : memref<1x2x128xi32, #tpu.memory_space<vmem>> -> memref<2x128xi32, #tpu.memory_space<vmem>>
        %dma_wait3A_303 = arith.constant 0 : i32
        %dma_wait3A_304 = arith.constant 0 : i32
        %dma_wait3A_305 = tpu.memref_slice %arg3[%add3A_289, %dma_wait3A_303, %dma_wait3A_304] : memref<2560x2x128xi32, #tpu.memory_space<hbm>> -> memref<1x2x128xi32, #tpu.memory_space<hbm>>
        %dma_wait3A_306 = tpu.memref_squeeze %dma_wait3A_305 : memref<1x2x128xi32, #tpu.memory_space<hbm>> -> memref<2x128xi32, #tpu.memory_space<hbm>>
        tpu.wait_dma2 semaphore(%arg9 : memref<!tpu.dma_semaphore, #tpu.memory_space<semaphore_mem>>) src(%dma_wait3A_306 : memref<2x128xi32, #tpu.memory_space<hbm>>) dst(%dma_wait3A_302 : memref<2x128xi32, #tpu.memory_space<vmem>>)
        %dma_start3A_307 = arith.constant 0 : i32
        %dma_start3A_308 = arith.constant 0 : i32
        %dma_start3A_309 = arith.constant 0 : i32
        %dma_start3A_310 = arith.constant 0 : i32
        %dma_start3A_311 = arith.constant 0 : i32
        %dma_start3A_312 = tpu.memref_slice %arg7[%dma_start3A_309, %dma_start3A_310, %dma_start3A_311] : memref<2x128x128xf32, #tpu.memory_space<vmem>> -> memref<1x128x128xf32, #tpu.memory_space<vmem>>
        %dma_start3A_313 = tpu.memref_squeeze %dma_start3A_312 : memref<1x128x128xf32, #tpu.memory_space<vmem>> -> memref<128x128xf32, #tpu.memory_space<vmem>>
        %dma_start3A_314 = arith.constant 0 : i32
        %dma_start3A_315 = tpu.memref_slice %arg6[%dma_start3A_307, %dma_start3A_308, %dma_start3A_314] : memref<4x2x128xi32, #tpu.memory_space<vmem>> -> memref<1x1x128xi32, #tpu.memory_space<vmem>>
        %dma_start3A_316 = tpu.memref_squeeze %dma_start3A_315 : memref<1x1x128xi32, #tpu.memory_space<vmem>> -> memref<128xi32, #tpu.memory_space<vmem>>
        %dma_start3A_317 = arith.constant 0 : i32
        %dma_start3A_318 = arith.constant 0 : i32
        %dma_start3A_319 = tpu.memref_slice %arg2[%dma_start3A_317, %dma_start3A_318] : memref<10000x128xf32, #tpu.memory_space<hbm>> -> memref<10000x128xf32, #tpu.memory_space<hbm>>
        tpu.enqueue_indirect_dma source(%dma_start3A_319 : memref<10000x128xf32, #tpu.memory_space<hbm>>) target(%dma_start3A_313 : memref<128x128xf32, #tpu.memory_space<vmem>>) offsets(%dma_start3A_316 : memref<128xi32, #tpu.memory_space<vmem>>) semaphore(%arg10 : memref<!tpu.dma_semaphore, #tpu.memory_space<semaphore_mem>>)
      } else {
      }
      %add3A_283 = arith.constant 2 : i32
      %add3A_284 = arith.addi %add3A_245, %add3A_283 : i32
      %lt3A_285 = arith.cmpi slt, %add3A_284, %select_n3A : i32
      %convert_element_type3A_286 = arith.extui %lt3A_285 : i1 to i32
      %cond3A_287 = arith.constant 0 : i32
      %cond3A_288 = arith.cmpi ne, %convert_element_type3A_286, %cond3A_287 : i32
      scf.if %cond3A_288 {
        %add3A_289 = arith.constant 2 : i32
        %add3A_290 = arith.addi %add3A_245, %add3A_289 : i32
        %add3A_291 = arith.addi %select_n3A_8, %add3A_290 : i32
        %dma_start3A_292 = arith.constant 1 : i32
        %dma_start3A_293 = arith.constant 0 : i32
        %dma_start3A_294 = arith.constant 0 : i32
        %dma_start3A_295 = tpu.memref_slice %arg6[%dma_start3A_292, %dma_start3A_293, %dma_start3A_294] : memref<4x2x128xi32, #tpu.memory_space<vmem>> -> memref<1x2x128xi32, #tpu.memory_space<vmem>>
        %dma_start3A_296 = tpu.memref_squeeze %dma_start3A_295 : memref<1x2x128xi32, #tpu.memory_space<vmem>> -> memref<2x128xi32, #tpu.memory_space<vmem>>
        %dma_start3A_297 = arith.constant 0 : i32
        %dma_start3A_298 = arith.constant 0 : i32
        %dma_start3A_299 = tpu.memref_slice %arg3[%add3A_291, %dma_start3A_297, %dma_start3A_298] : memref<2560x2x128xi32, #tpu.memory_space<hbm>> -> memref<1x2x128xi32, #tpu.memory_space<hbm>>
        %dma_start3A_300 = tpu.memref_squeeze %dma_start3A_299 : memref<1x2x128xi32, #tpu.memory_space<hbm>> -> memref<2x128xi32, #tpu.memory_space<hbm>>
        %dma_start3A_301 = arith.constant 0 : i32
        %dma_start3A_302 = arith.constant 0 : i32
        %dma_start3A_303 = tpu.memref_slice %arg6[%dma_start3A_292, %dma_start3A_301, %dma_start3A_302] : memref<4x2x128xi32, #tpu.memory_space<vmem>> -> memref<1x2x128xi32, #tpu.memory_space<vmem>>
        %dma_start3A_304 = tpu.memref_squeeze %dma_start3A_303 : memref<1x2x128xi32, #tpu.memory_space<vmem>> -> memref<2x128xi32, #tpu.memory_space<vmem>>
        %dma_start3A_305 = arith.constant 0 : i32
        %dma_start3A_306 = arith.constant 0 : i32
        %dma_start3A_307 = tpu.memref_slice %arg3[%add3A_291, %dma_start3A_305, %dma_start3A_306] : memref<2560x2x128xi32, #tpu.memory_space<hbm>> -> memref<1x2x128xi32, #tpu.memory_space<hbm>>
        %dma_start3A_308 = tpu.memref_squeeze %dma_start3A_307 : memref<1x2x128xi32, #tpu.memory_space<hbm>> -> memref<2x128xi32, #tpu.memory_space<hbm>>
        tpu.enqueue_dma source(%dma_start3A_308 : memref<2x128xi32, #tpu.memory_space<hbm>>) target(%dma_start3A_304 : memref<2x128xi32, #tpu.memory_space<vmem>>) target_semaphore(%arg9 : memref<!tpu.dma_semaphore, #tpu.memory_space<semaphore_mem>>)
      } else {
      }
    }
    %dma_wait3A = arith.constant 1 : i32
    %dma_wait3A_87 = arith.constant 3 : i32
    %dma_wait3A_88 = arith.constant 1 : i32
    %dma_wait3A_89 = arith.constant 0 : i32
    %dma_wait3A_90 = arith.constant 0 : i32
    %dma_wait3A_91 = tpu.memref_slice %arg7[%dma_wait3A, %dma_wait3A_89, %dma_wait3A_90] : memref<2x128x128xf32, #tpu.memory_space<vmem>> -> memref<1x128x128xf32, #tpu.memory_space<vmem>>
    %dma_wait3A_92 = tpu.memref_squeeze %dma_wait3A_91 : memref<1x128x128xf32, #tpu.memory_space<vmem>> -> memref<128x128xf32, #tpu.memory_space<vmem>>
    %dma_wait3A_93 = arith.constant 0 : i32
    %dma_wait3A_94 = tpu.memref_slice %arg6[%dma_wait3A_87, %dma_wait3A_88, %dma_wait3A_93] : memref<4x2x128xi32, #tpu.memory_space<vmem>> -> memref<1x1x128xi32, #tpu.memory_space<vmem>>
    %dma_wait3A_95 = tpu.memref_squeeze %dma_wait3A_94 : memref<1x1x128xi32, #tpu.memory_space<vmem>> -> memref<128xi32, #tpu.memory_space<vmem>>
    %dma_wait3A_96 = arith.constant 0 : i32
    %dma_wait3A_97 = arith.constant 0 : i32
    %dma_wait3A_98 = tpu.memref_slice %arg8[%dma_wait3A_96, %dma_wait3A_97] : memref<10240x128xf32, #tpu.memory_space<vmem_shared>> -> memref<10240x128xf32, #tpu.memory_space<vmem_shared>>
    tpu.wait_indirect_dma semaphore(%arg11 : memref<!tpu.dma_semaphore, #tpu.memory_space<semaphore_mem>>) src(%dma_wait3A_92 : memref<128x128xf32, #tpu.memory_space<vmem>>) dst(%dma_wait3A_98 : memref<10240x128xf32, #tpu.memory_space<vmem_shared>>)
    %barrier3A_99 = arith.constant 0 : index
    tpu.barrier barrier_id(%barrier3A_99)
    %mul3A_100 = arith.constant 640 : i32
    %mul3A_101 = arith.muli %arg1, %mul3A_100 : i32
    %mul3A_102 = arith.constant 640 : i32
    %mul3A_103 = arith.muli %arg1, %mul3A_102 : i32
    "tpu.region"() ({
      %run_scoped3A_104 = tpu.sem_alloc : memref<!tpu.dma_semaphore, #tpu.memory_space<semaphore_mem>>
      %dma_start3A_105 = arith.constant 0 : i32
      %dma_start3A_106 = tpu.memref_slice %arg5[%arg0, %mul3A_103, %dma_start3A_105] : memref<2x10240x128xf32, #tpu.memory_space<hbm>> -> memref<1x640x128xf32, #tpu.memory_space<hbm>>
      %dma_start3A_107 = tpu.memref_squeeze %dma_start3A_106 : memref<1x640x128xf32, #tpu.memory_space<hbm>> -> memref<640x128xf32, #tpu.memory_space<hbm>>
      %dma_start3A_108 = arith.constant 0 : i32
      %dma_start3A_109 = tpu.memref_slice %arg8[%mul3A_101, %dma_start3A_108] : memref<10240x128xf32, #tpu.memory_space<vmem_shared>> -> memref<640x128xf32, #tpu.memory_space<vmem_shared>>
      tpu.enqueue_dma source(%dma_start3A_109 : memref<640x128xf32, #tpu.memory_space<vmem_shared>>) target(%dma_start3A_107 : memref<640x128xf32, #tpu.memory_space<hbm>>) target_semaphore(%run_scoped3A_104 : memref<!tpu.dma_semaphore, #tpu.memory_space<semaphore_mem>>)
      %dma_wait3A_110 = arith.constant 0 : i32
      %dma_wait3A_111 = tpu.memref_slice %arg5[%arg0, %mul3A_103, %dma_wait3A_110] : memref<2x10240x128xf32, #tpu.memory_space<hbm>> -> memref<1x640x128xf32, #tpu.memory_space<hbm>>
      %dma_wait3A_112 = tpu.memref_squeeze %dma_wait3A_111 : memref<1x640x128xf32, #tpu.memory_space<hbm>> -> memref<640x128xf32, #tpu.memory_space<hbm>>
      %dma_wait3A_113 = arith.constant 0 : i32
      %dma_wait3A_114 = tpu.memref_slice %arg8[%mul3A_101, %dma_wait3A_113] : memref<10240x128xf32, #tpu.memory_space<vmem_shared>> -> memref<640x128xf32, #tpu.memory_space<vmem_shared>>
      tpu.wait_dma2 semaphore(%run_scoped3A_104 : memref<!tpu.dma_semaphore, #tpu.memory_space<semaphore_mem>>) src(%dma_wait3A_114 : memref<640x128xf32, #tpu.memory_space<vmem_shared>>) dst(%dma_wait3A_112 : memref<640x128xf32, #tpu.memory_space<hbm>>)
      tpu.yield
    }) : () -> ()
    return
  }
}

module attributes {stable_mosaic.version = 14 : i64} {
  func.func @_enc_body(%arg0: i32, %arg1: memref<1000x128xf32, #tpu.memory_space<vmem>>, %arg2: memref<128x128xf32, #tpu.memory_space<vmem>>, %arg3: memref<1x128xf32, #tpu.memory_space<vmem>>, %arg4: memref<1000x128xf32, #tpu.memory_space<vmem>>) attributes {dimension_semantics = [#tpu.dimension_semantics<arbitrary>], iteration_bounds = array<i64: 10>, scalar_prefetch = 0 : i64, scratch_operands = 0 : i64, tpu.core_type = #tpu.core_type<tc>, window_params = [{transform_indices = @transform_0, window_bounds = array<i64: 1000, 128>}, {pipeline_mode = #tpu.pipeline_mode<synchronous>, transform_indices = @transform_1, window_bounds = array<i64: 128, 128>}, {pipeline_mode = #tpu.pipeline_mode<synchronous>, transform_indices = @transform_2, window_bounds = array<i64: 1, 128>}, {transform_indices = @transform_3, window_bounds = array<i64: 1000, 128>}]} {
    %get3A = arith.constant 0 : index
    %get3A_0 = arith.constant 0 : index
    %get3A_1 = vector.load %arg1[%get3A, %get3A_0] : memref<1000x128xf32, #tpu.memory_space<vmem>>, vector<1000x128xf32>
    %get3A_2 = arith.constant 0 : index
    %get3A_3 = arith.constant 0 : index
    %get3A_4 = vector.load %arg2[%get3A_2, %get3A_3] : memref<128x128xf32, #tpu.memory_space<vmem>>, vector<128x128xf32>
    %dot_general3A = arith.constant dense<0.000000e+00> : vector<1000x128xf32>
    %dot_general3A_5 = tpu.matmul %get3A_1, %get3A_4, %dot_general3A {dimension_numbers = #tpu.dot_dimension_numbers<[1], [0], [0], [1], [0, 0, 1, 1], [], []>, transpose_lhs_hint = false} : vector<1000x128xf32>, vector<128x128xf32>, vector<1000x128xf32> -> vector<1000x128xf32>
    %get3A_6 = arith.constant 0 : index
    %get3A_7 = arith.constant 0 : index
    %get3A_8 = vector.load %arg3[%get3A_6, %get3A_7] : memref<1x128xf32, #tpu.memory_space<vmem>>, vector<1x128xf32>
    %add3A = vector.broadcast %get3A_8 : vector<1x128xf32> to vector<1000x128xf32>
    %add3A_9 = arith.addf %dot_general3A_5, %add3A : vector<1000x128xf32>
    %swap3A = arith.constant 0 : index
    %swap3A_10 = arith.constant 0 : index
    %swap3A_11 = vector.load %arg4[%swap3A, %swap3A_10] : memref<1000x128xf32, #tpu.memory_space<vmem>>, vector<1000x128xf32>
    tpu.vector_store %arg4[%swap3A, %swap3A_10], %add3A_9 {strides = array<i32>} : memref<1000x128xf32, #tpu.memory_space<vmem>>, vector<1000x128xf32>,
    return
  }
  func.func @transform_0(%arg0: i32) -> (i32, i32) {
    %c0_i32 = arith.constant 0 : i32
    %c0_i32_0 = arith.constant 0 : i32
    return %arg0, %c0_i32 : i32, i32
  }
  func.func @transform_1(%arg0: i32) -> (i32, i32) {
    %c0_i32 = arith.constant 0 : i32
    %c0_i32_0 = arith.constant 0 : i32
    %c0_i32_1 = arith.constant 0 : i32
    return %c0_i32, %c0_i32_0 : i32, i32
  }
  func.func @transform_2(%arg0: i32) -> (i32, i32) {
    %c0_i32 = arith.constant 0 : i32
    %c0_i32_0 = arith.constant 0 : i32
    %c0_i32_1 = arith.constant 0 : i32
    return %c0_i32, %c0_i32_0 : i32, i32
  }
  func.func @transform_3(%arg0: i32) -> (i32, i32) {
    %c0_i32 = arith.constant 0 : i32
    %c0_i32_0 = arith.constant 0 : i32
    return %arg0, %c0_i32 : i32, i32
  }
}

module attributes {stable_mosaic.version = 14 : i64} {
  func.func @_layer_body(%arg0: i32, %arg1: memref<1000x128xf32, #tpu.memory_space<vmem>>, %arg2: memref<2x1000x128xf32, #tpu.memory_space<vmem>>, %arg3: memref<128x128xf32, #tpu.memory_space<vmem>>, %arg4: memref<128x128xf32, #tpu.memory_space<vmem>>, %arg5: memref<1x128xf32, #tpu.memory_space<vmem>>, %arg6: memref<1x128xf32, #tpu.memory_space<vmem>>, %arg7: memref<1x128xf32, #tpu.memory_space<vmem>>, %arg8: memref<1000x128xf32, #tpu.memory_space<vmem>>) attributes {dimension_semantics = [#tpu.dimension_semantics<arbitrary>], iteration_bounds = array<i64: 10>, scalar_prefetch = 0 : i64, scratch_operands = 0 : i64, tpu.core_type = #tpu.core_type<tc>, window_params = [{transform_indices = @transform_0, window_bounds = array<i64: 1000, 128>}, {transform_indices = @transform_1, window_bounds = array<i64: 2, 1000, 128>}, {pipeline_mode = #tpu.pipeline_mode<synchronous>, transform_indices = @transform_2, window_bounds = array<i64: 128, 128>}, {pipeline_mode = #tpu.pipeline_mode<synchronous>, transform_indices = @transform_3, window_bounds = array<i64: 128, 128>}, {pipeline_mode = #tpu.pipeline_mode<synchronous>, transform_indices = @transform_4, window_bounds = array<i64: 1, 128>}, {pipeline_mode = #tpu.pipeline_mode<synchronous>, transform_indices = @transform_5, window_bounds = array<i64: 1, 128>}, {pipeline_mode = #tpu.pipeline_mode<synchronous>, transform_indices = @transform_6, window_bounds = array<i64: 1, 128>}, {transform_indices = @transform_7, window_bounds = array<i64: 1000, 128>}]} {
    %get3A = arith.constant 0 : index
    %get3A_0 = arith.constant 0 : index
    %get3A_1 = vector.load %arg1[%get3A, %get3A_0] : memref<1000x128xf32, #tpu.memory_space<vmem>>, vector<1000x128xf32>
    %get3A_2 = arith.constant 0 : index
    %get3A_3 = arith.constant 0 : index
    %get3A_4 = arith.constant 0 : index
    %get3A_5 = vector.load %arg2[%get3A_2, %get3A_3, %get3A_4] : memref<2x1000x128xf32, #tpu.memory_space<vmem>>, vector<1x1000x128xf32>
    %get3A_6 = vector.shape_cast %get3A_5 : vector<1x1000x128xf32> to vector<1000x128xf32>
    %get3A_7 = arith.constant 1 : index
    %get3A_8 = arith.constant 0 : index
    %get3A_9 = arith.constant 0 : index
    %get3A_10 = vector.load %arg2[%get3A_7, %get3A_8, %get3A_9] : memref<2x1000x128xf32, #tpu.memory_space<vmem>>, vector<1x1000x128xf32>
    %get3A_11 = vector.shape_cast %get3A_10 : vector<1x1000x128xf32> to vector<1000x128xf32>
    %add3A = arith.addf %get3A_6, %get3A_11 : vector<1000x128xf32>
    %get3A_12 = arith.constant 0 : index
    %get3A_13 = arith.constant 0 : index
    %get3A_14 = vector.load %arg3[%get3A_12, %get3A_13] : memref<128x128xf32, #tpu.memory_space<vmem>>, vector<128x128xf32>
    %dot_general3A = arith.constant dense<0.000000e+00> : vector<1000x128xf32>
    %dot_general3A_15 = tpu.matmul %get3A_1, %get3A_14, %dot_general3A {dimension_numbers = #tpu.dot_dimension_numbers<[1], [0], [0], [1], [0, 0, 1, 1], [], []>, transpose_lhs_hint = false} : vector<1000x128xf32>, vector<128x128xf32>, vector<1000x128xf32> -> vector<1000x128xf32>
    %get3A_16 = arith.constant 0 : index
    %get3A_17 = arith.constant 0 : index
    %get3A_18 = vector.load %arg4[%get3A_16, %get3A_17] : memref<128x128xf32, #tpu.memory_space<vmem>>, vector<128x128xf32>
    %dot_general3A_19 = arith.constant dense<0.000000e+00> : vector<1000x128xf32>
    %dot_general3A_20 = tpu.matmul %add3A, %get3A_18, %dot_general3A_19 {dimension_numbers = #tpu.dot_dimension_numbers<[1], [0], [0], [1], [0, 0, 1, 1], [], []>, transpose_lhs_hint = false} : vector<1000x128xf32>, vector<128x128xf32>, vector<1000x128xf32> -> vector<1000x128xf32>
    %add3A_21 = arith.addf %dot_general3A_15, %dot_general3A_20 : vector<1000x128xf32>
    %get3A_22 = arith.constant 0 : index
    %get3A_23 = arith.constant 0 : index
    %get3A_24 = vector.load %arg5[%get3A_22, %get3A_23] : memref<1x128xf32, #tpu.memory_space<vmem>>, vector<1x128xf32>
    %add3A_25 = vector.broadcast %get3A_24 : vector<1x128xf32> to vector<1000x128xf32>
    %add3A_26 = arith.addf %add3A_21, %add3A_25 : vector<1000x128xf32>
    %reduce_sum3A = arith.constant dense<0.000000e+00> : vector<1000xf32>
    %reduce_sum3A_27 = vector.multi_reduction <add>, %add3A_26, %reduce_sum3A [1] : vector<1000x128xf32> to vector<1000xf32>
    %broadcast_in_dim3A = vector.shape_cast %reduce_sum3A_27 : vector<1000xf32> to vector<1000x1xf32>
    %div3A = arith.constant 1.280000e+02 : f32
    %div3A_28 = vector.broadcast %div3A : f32 to vector<1000x1xf32>
    %div3A_29 = arith.divf %broadcast_in_dim3A, %div3A_28 : vector<1000x1xf32>
    %sub3A = vector.broadcast %div3A_29 : vector<1000x1xf32> to vector<1000x128xf32>
    %sub3A_30 = arith.subf %add3A_26, %sub3A : vector<1000x128xf32>
    %mul3A = arith.mulf %sub3A_30, %sub3A_30 : vector<1000x128xf32>
    %reduce_sum3A_31 = arith.constant dense<0.000000e+00> : vector<1000xf32>
    %reduce_sum3A_32 = vector.multi_reduction <add>, %mul3A, %reduce_sum3A_31 [1] : vector<1000x128xf32> to vector<1000xf32>
    %broadcast_in_dim3A_33 = vector.shape_cast %reduce_sum3A_32 : vector<1000xf32> to vector<1000x1xf32>
    %div3A_34 = arith.constant 1.280000e+02 : f32
    %div3A_35 = vector.broadcast %div3A_34 : f32 to vector<1000x1xf32>
    %div3A_36 = arith.divf %broadcast_in_dim3A_33, %div3A_35 : vector<1000x1xf32>
    %add3A_37 = arith.constant 9.99999974E-6 : f32
    %add3A_38 = vector.broadcast %add3A_37 : f32 to vector<1000x1xf32>
    %add3A_39 = arith.addf %div3A_36, %add3A_38 : vector<1000x1xf32>
    %rsqrt3A = math.rsqrt %add3A_39 : vector<1000x1xf32>
    %mul3A_40 = vector.broadcast %rsqrt3A : vector<1000x1xf32> to vector<1000x128xf32>
    %mul3A_41 = arith.mulf %sub3A_30, %mul3A_40 : vector<1000x128xf32>
    %get3A_42 = arith.constant 0 : index
    %get3A_43 = arith.constant 0 : index
    %get3A_44 = vector.load %arg6[%get3A_42, %get3A_43] : memref<1x128xf32, #tpu.memory_space<vmem>>, vector<1x128xf32>
    %mul3A_45 = vector.broadcast %get3A_44 : vector<1x128xf32> to vector<1000x128xf32>
    %mul3A_46 = arith.mulf %mul3A_41, %mul3A_45 : vector<1000x128xf32>
    %get3A_47 = arith.constant 0 : index
    %get3A_48 = arith.constant 0 : index
    %get3A_49 = vector.load %arg7[%get3A_47, %get3A_48] : memref<1x128xf32, #tpu.memory_space<vmem>>, vector<1x128xf32>
    %add3A_50 = vector.broadcast %get3A_49 : vector<1x128xf32> to vector<1000x128xf32>
    %add3A_51 = arith.addf %mul3A_46, %add3A_50 : vector<1000x128xf32>
    %max3A = arith.constant 0.000000e+00 : f32
    %max3A_52 = vector.broadcast %max3A : f32 to vector<1000x128xf32>
    %max3A_53 = arith.maximumf %add3A_51, %max3A_52 : vector<1000x128xf32>
    %swap3A = arith.constant 0 : index
    %swap3A_54 = arith.constant 0 : index
    %swap3A_55 = vector.load %arg8[%swap3A, %swap3A_54] : memref<1000x128xf32, #tpu.memory_space<vmem>>, vector<1000x128xf32>
    tpu.vector_store %arg8[%swap3A, %swap3A_54], %max3A_53 {strides = array<i32>} : memref<1000x128xf32, #tpu.memory_space<vmem>>, vector<1000x128xf32>,
    return
  }
  func.func @transform_0(%arg0: i32) -> (i32, i32) {
    %c0_i32 = arith.constant 0 : i32
    %c0_i32_0 = arith.constant 0 : i32
    return %arg0, %c0_i32 : i32, i32
  }
  func.func @transform_1(%arg0: i32) -> (i32, i32, i32) {
    %c0_i32 = arith.constant 0 : i32
    %c0_i32_0 = arith.constant 0 : i32
    %c0_i32_1 = arith.constant 0 : i32
    return %c0_i32, %arg0, %c0_i32_0 : i32, i32, i32
  }
  func.func @transform_2(%arg0: i32) -> (i32, i32) {
    %c0_i32 = arith.constant 0 : i32
    %c0_i32_0 = arith.constant 0 : i32
    %c0_i32_1 = arith.constant 0 : i32
    return %c0_i32, %c0_i32_0 : i32, i32
  }
  func.func @transform_3(%arg0: i32) -> (i32, i32) {
    %c0_i32 = arith.constant 0 : i32
    %c0_i32_0 = arith.constant 0 : i32
    %c0_i32_1 = arith.constant 0 : i32
    return %c0_i32, %c0_i32_0 : i32, i32
  }
  func.func @transform_4(%arg0: i32) -> (i32, i32) {
    %c0_i32 = arith.constant 0 : i32
    %c0_i32_0 = arith.constant 0 : i32
    %c0_i32_1 = arith.constant 0 : i32
    return %c0_i32, %c0_i32_0 : i32, i32
  }
  func.func @transform_5(%arg0: i32) -> (i32, i32) {
    %c0_i32 = arith.constant 0 : i32
    %c0_i32_0 = arith.constant 0 : i32
    %c0_i32_1 = arith.constant 0 : i32
    return %c0_i32, %c0_i32_0 : i32, i32
  }
  func.func @transform_6(%arg0: i32) -> (i32, i32) {
    %c0_i32 = arith.constant 0 : i32
    %c0_i32_0 = arith.constant 0 : i32
    %c0_i32_1 = arith.constant 0 : i32
    return %c0_i32, %c0_i32_0 : i32, i32
  }
  func.func @transform_7(%arg0: i32) -> (i32, i32) {
    %c0_i32 = arith.constant 0 : i32
    %c0_i32_0 = arith.constant 0 : i32
    return %arg0, %c0_i32 : i32, i32
  }
}

module attributes {stable_mosaic.version = 14 : i64} {
  func.func @_layer_body(%arg0: i32, %arg1: memref<1000x128xf32, #tpu.memory_space<vmem>>, %arg2: memref<2x1000x128xf32, #tpu.memory_space<vmem>>, %arg3: memref<128x128xf32, #tpu.memory_space<vmem>>, %arg4: memref<128x128xf32, #tpu.memory_space<vmem>>, %arg5: memref<1x128xf32, #tpu.memory_space<vmem>>, %arg6: memref<1x128xf32, #tpu.memory_space<vmem>>, %arg7: memref<1x128xf32, #tpu.memory_space<vmem>>, %arg8: memref<1000x128xf32, #tpu.memory_space<vmem>>) attributes {dimension_semantics = [#tpu.dimension_semantics<arbitrary>], iteration_bounds = array<i64: 10>, scalar_prefetch = 0 : i64, scratch_operands = 0 : i64, tpu.core_type = #tpu.core_type<tc>, window_params = [{transform_indices = @transform_0, window_bounds = array<i64: 1000, 128>}, {transform_indices = @transform_1, window_bounds = array<i64: 2, 1000, 128>}, {pipeline_mode = #tpu.pipeline_mode<synchronous>, transform_indices = @transform_2, window_bounds = array<i64: 128, 128>}, {pipeline_mode = #tpu.pipeline_mode<synchronous>, transform_indices = @transform_3, window_bounds = array<i64: 128, 128>}, {pipeline_mode = #tpu.pipeline_mode<synchronous>, transform_indices = @transform_4, window_bounds = array<i64: 1, 128>}, {pipeline_mode = #tpu.pipeline_mode<synchronous>, transform_indices = @transform_5, window_bounds = array<i64: 1, 128>}, {pipeline_mode = #tpu.pipeline_mode<synchronous>, transform_indices = @transform_6, window_bounds = array<i64: 1, 128>}, {transform_indices = @transform_7, window_bounds = array<i64: 1000, 128>}]} {
    %get3A = arith.constant 0 : index
    %get3A_0 = arith.constant 0 : index
    %get3A_1 = vector.load %arg1[%get3A, %get3A_0] : memref<1000x128xf32, #tpu.memory_space<vmem>>, vector<1000x128xf32>
    %get3A_2 = arith.constant 0 : index
    %get3A_3 = arith.constant 0 : index
    %get3A_4 = arith.constant 0 : index
    %get3A_5 = vector.load %arg2[%get3A_2, %get3A_3, %get3A_4] : memref<2x1000x128xf32, #tpu.memory_space<vmem>>, vector<1x1000x128xf32>
    %get3A_6 = vector.shape_cast %get3A_5 : vector<1x1000x128xf32> to vector<1000x128xf32>
    %get3A_7 = arith.constant 1 : index
    %get3A_8 = arith.constant 0 : index
    %get3A_9 = arith.constant 0 : index
    %get3A_10 = vector.load %arg2[%get3A_7, %get3A_8, %get3A_9] : memref<2x1000x128xf32, #tpu.memory_space<vmem>>, vector<1x1000x128xf32>
    %get3A_11 = vector.shape_cast %get3A_10 : vector<1x1000x128xf32> to vector<1000x128xf32>
    %add3A = arith.addf %get3A_6, %get3A_11 : vector<1000x128xf32>
    %get3A_12 = arith.constant 0 : index
    %get3A_13 = arith.constant 0 : index
    %get3A_14 = vector.load %arg3[%get3A_12, %get3A_13] : memref<128x128xf32, #tpu.memory_space<vmem>>, vector<128x128xf32>
    %dot_general3A = arith.constant dense<0.000000e+00> : vector<1000x128xf32>
    %dot_general3A_15 = tpu.matmul %get3A_1, %get3A_14, %dot_general3A {dimension_numbers = #tpu.dot_dimension_numbers<[1], [0], [0], [1], [0, 0, 1, 1], [], []>, transpose_lhs_hint = false} : vector<1000x128xf32>, vector<128x128xf32>, vector<1000x128xf32> -> vector<1000x128xf32>
    %get3A_16 = arith.constant 0 : index
    %get3A_17 = arith.constant 0 : index
    %get3A_18 = vector.load %arg4[%get3A_16, %get3A_17] : memref<128x128xf32, #tpu.memory_space<vmem>>, vector<128x128xf32>
    %dot_general3A_19 = arith.constant dense<0.000000e+00> : vector<1000x128xf32>
    %dot_general3A_20 = tpu.matmul %add3A, %get3A_18, %dot_general3A_19 {dimension_numbers = #tpu.dot_dimension_numbers<[1], [0], [0], [1], [0, 0, 1, 1], [], []>, transpose_lhs_hint = false} : vector<1000x128xf32>, vector<128x128xf32>, vector<1000x128xf32> -> vector<1000x128xf32>
    %add3A_21 = arith.addf %dot_general3A_15, %dot_general3A_20 : vector<1000x128xf32>
    %get3A_22 = arith.constant 0 : index
    %get3A_23 = arith.constant 0 : index
    %get3A_24 = vector.load %arg5[%get3A_22, %get3A_23] : memref<1x128xf32, #tpu.memory_space<vmem>>, vector<1x128xf32>
    %add3A_25 = vector.broadcast %get3A_24 : vector<1x128xf32> to vector<1000x128xf32>
    %add3A_26 = arith.addf %add3A_21, %add3A_25 : vector<1000x128xf32>
    %reduce_sum3A = arith.constant dense<0.000000e+00> : vector<1000xf32>
    %reduce_sum3A_27 = vector.multi_reduction <add>, %add3A_26, %reduce_sum3A [1] : vector<1000x128xf32> to vector<1000xf32>
    %broadcast_in_dim3A = vector.shape_cast %reduce_sum3A_27 : vector<1000xf32> to vector<1000x1xf32>
    %div3A = arith.constant 1.280000e+02 : f32
    %div3A_28 = vector.broadcast %div3A : f32 to vector<1000x1xf32>
    %div3A_29 = arith.divf %broadcast_in_dim3A, %div3A_28 : vector<1000x1xf32>
    %sub3A = vector.broadcast %div3A_29 : vector<1000x1xf32> to vector<1000x128xf32>
    %sub3A_30 = arith.subf %add3A_26, %sub3A : vector<1000x128xf32>
    %mul3A = arith.mulf %sub3A_30, %sub3A_30 : vector<1000x128xf32>
    %reduce_sum3A_31 = arith.constant dense<0.000000e+00> : vector<1000xf32>
    %reduce_sum3A_32 = vector.multi_reduction <add>, %mul3A, %reduce_sum3A_31 [1] : vector<1000x128xf32> to vector<1000xf32>
    %broadcast_in_dim3A_33 = vector.shape_cast %reduce_sum3A_32 : vector<1000xf32> to vector<1000x1xf32>
    %div3A_34 = arith.constant 1.280000e+02 : f32
    %div3A_35 = vector.broadcast %div3A_34 : f32 to vector<1000x1xf32>
    %div3A_36 = arith.divf %broadcast_in_dim3A_33, %div3A_35 : vector<1000x1xf32>
    %add3A_37 = arith.constant 9.99999974E-6 : f32
    %add3A_38 = vector.broadcast %add3A_37 : f32 to vector<1000x1xf32>
    %add3A_39 = arith.addf %div3A_36, %add3A_38 : vector<1000x1xf32>
    %rsqrt3A = math.rsqrt %add3A_39 : vector<1000x1xf32>
    %mul3A_40 = vector.broadcast %rsqrt3A : vector<1000x1xf32> to vector<1000x128xf32>
    %mul3A_41 = arith.mulf %sub3A_30, %mul3A_40 : vector<1000x128xf32>
    %get3A_42 = arith.constant 0 : index
    %get3A_43 = arith.constant 0 : index
    %get3A_44 = vector.load %arg6[%get3A_42, %get3A_43] : memref<1x128xf32, #tpu.memory_space<vmem>>, vector<1x128xf32>
    %mul3A_45 = vector.broadcast %get3A_44 : vector<1x128xf32> to vector<1000x128xf32>
    %mul3A_46 = arith.mulf %mul3A_41, %mul3A_45 : vector<1000x128xf32>
    %get3A_47 = arith.constant 0 : index
    %get3A_48 = arith.constant 0 : index
    %get3A_49 = vector.load %arg7[%get3A_47, %get3A_48] : memref<1x128xf32, #tpu.memory_space<vmem>>, vector<1x128xf32>
    %add3A_50 = vector.broadcast %get3A_49 : vector<1x128xf32> to vector<1000x128xf32>
    %add3A_51 = arith.addf %mul3A_46, %add3A_50 : vector<1000x128xf32>
    %max3A = arith.constant 0.000000e+00 : f32
    %max3A_52 = vector.broadcast %max3A : f32 to vector<1000x128xf32>
    %max3A_53 = arith.maximumf %add3A_51, %max3A_52 : vector<1000x128xf32>
    %swap3A = arith.constant 0 : index
    %swap3A_54 = arith.constant 0 : index
    %swap3A_55 = vector.load %arg8[%swap3A, %swap3A_54] : memref<1000x128xf32, #tpu.memory_space<vmem>>, vector<1000x128xf32>
    tpu.vector_store %arg8[%swap3A, %swap3A_54], %max3A_53 {strides = array<i32>} : memref<1000x128xf32, #tpu.memory_space<vmem>>, vector<1000x128xf32>,
    return
  }
  func.func @transform_0(%arg0: i32) -> (i32, i32) {
    %c0_i32 = arith.constant 0 : i32
    %c0_i32_0 = arith.constant 0 : i32
    return %arg0, %c0_i32 : i32, i32
  }
  func.func @transform_1(%arg0: i32) -> (i32, i32, i32) {
    %c0_i32 = arith.constant 0 : i32
    %c0_i32_0 = arith.constant 0 : i32
    %c0_i32_1 = arith.constant 0 : i32
    return %c0_i32, %arg0, %c0_i32_0 : i32, i32, i32
  }
  func.func @transform_2(%arg0: i32) -> (i32, i32) {
    %c0_i32 = arith.constant 0 : i32
    %c0_i32_0 = arith.constant 0 : i32
    %c0_i32_1 = arith.constant 0 : i32
    return %c0_i32, %c0_i32_0 : i32, i32
  }
  func.func @transform_3(%arg0: i32) -> (i32, i32) {
    %c0_i32 = arith.constant 0 : i32
    %c0_i32_0 = arith.constant 0 : i32
    %c0_i32_1 = arith.constant 0 : i32
    return %c0_i32, %c0_i32_0 : i32, i32
  }
  func.func @transform_4(%arg0: i32) -> (i32, i32) {
    %c0_i32 = arith.constant 0 : i32
    %c0_i32_0 = arith.constant 0 : i32
    %c0_i32_1 = arith.constant 0 : i32
    return %c0_i32, %c0_i32_0 : i32, i32
  }
  func.func @transform_5(%arg0: i32) -> (i32, i32) {
    %c0_i32 = arith.constant 0 : i32
    %c0_i32_0 = arith.constant 0 : i32
    %c0_i32_1 = arith.constant 0 : i32
    return %c0_i32, %c0_i32_0 : i32, i32
  }
  func.func @transform_6(%arg0: i32) -> (i32, i32) {
    %c0_i32 = arith.constant 0 : i32
    %c0_i32_0 = arith.constant 0 : i32
    %c0_i32_1 = arith.constant 0 : i32
    return %c0_i32, %c0_i32_0 : i32, i32
  }
  func.func @transform_7(%arg0: i32) -> (i32, i32) {
    %c0_i32 = arith.constant 0 : i32
    %c0_i32_0 = arith.constant 0 : i32
    return %arg0, %c0_i32 : i32, i32
  }
}

</mosaic_0001>

<sc_bundles>
// kernel: kernel.12.cloned.1.call-start
scs
__scs_entry_jumppad:
0x0: {  	(pc) =	sbr.rel $0x88, $3  }
0x1: {  	(tag) =	ssettag $0x0;
	lr =	simm.s32 $0x1  }
0x2: {  	[smem:$0x3F98] =	sst lr;
	_ =	strace $0xD0000000  }
0x3: {  	_ = 	snop  }
0x4: {  	_ = 	snop  }
0x5: {  	_ = 	snop  }
0x6: {  	_ = 	snop  }
0x7: {  	_ = 	snop  }
__scs_overlays_trampoline_lowered:
0x8: {  	[smem:$0x3FA7] =	sst s0  }
0x9: {  	[smem:$0x3FA8] =	sst s1  }
0xa: {  	[smem:$0x3FA9] =	sst s2  }
0xb: {  	[smem:$0x3FAA] =	sst s3  }
0xc: {  	[smem:$0x3FAB] =	sst s4  }
0xd: {  	[smem:$0x3FAC] =	sst s5  }
0xe: {  	[smem:$0x3FAD] =	sst s6  }
0xf: {  	[smem:$0x3FAE] =	sst s7  }
0x10: {  	[smem:$0x3FAF] =	sst s8  }
0x11: {  	[smem:$0x3FB0] =	sst s9;
	s0 =	simm.s32 @!p0 $0x0  }
0x12: {  	s1 =	sld [smem:$0x3F96];
	s0 =	simm.s32 @p0 $0x1  }
0x13: {  	[smem:$0x3FB1] =	sst s0;
	s0 =	simm.s32 @!p1 $0x0  }
0x14: {  	s2 =	sld [smem:$0x3F95];
	s0 =	simm.s32 @p1 $0x1  }
0x15: {  	[smem:$0x3FB2] =	sst s0;
	s0 =	simm.s32 @!p2 $0x0  }
0x16: {  	s3 =	sld [smem:$0x3FDB];
	s0 =	simm.s32 @p2 $0x1  }
0x17: {  	s4 =	simm.s32 $0x1BF5;
	[smem:$0x3FB4] =	sst s0  }
0x18: {  	s0 =	sld [smem:$0x3F97];
	_ =	swait.ge [sflag:s4], $0x0  }
0x19: {  	s7 =	sld [smem:$0x3F98]  }
0x1a: {  	s8 =	sadd.s32 $0xFFFFE003, lr  }
0x1b: {  	s9 =	sadd.s32 $0xFFFFFEF7, lr;
	s5 =	simm.s32 $0xFFFFFFFF;
	p2 =	slt.u32 s8, $0xFFFFF086  }
0x1c: {  	p1 =	slt.u32 s9, $0xF7A;
	s5 =	simm.s32 @!p2 $0x0  }
0x1d: {  	s5 =	simm.s32 @p1 $0x1;
	p0 =	seq.s32 s7, s2  }
0x1e: {  	s7 =	smul.u32 @!p0 $0xF7A, s2;
	p2 =	seq.s32 @!p0 s5, $0x0  }
0x1f: {  	s9 =	smul.u32 $0xF7A, s1;
	s8 =	simm.s32 @!p0 $0x1BF5;
	p2 =	por !p2, p0  }
0x20: {  	[sflag:s8] =	ssyncset.s32 @!p0 $0xFFFFF086;
	s6 =	sadd.s32 @!p0 s3, s7;
	s7 =	simm.s32 @!p0 $0x108  }
0x21: {  	s3 =	sadd.s32 s3, s9;
	s6 =	sadd.s32 @!p0 $0x88, s6;
	s7 =	simm.s32 @p2 $0x1082  }
0x22: {  	[simem:s7], [sflag:s8] =	dma.local @!p0 [hbm:s6], $0xF7A  }
0x23: {  	s9 =	sor.u32 $0xD0000000, s2;
	s6 =	simm.s32 $0x108;
	_ =	swait.ge @!p0 [sflag:s8], $0x0  }
0x24: {  	s3 =	sadd.s32 $0x88, s3;
	s6 =	simm.s32 @!p1 $0x1082;
	[sflag:s4] =	ssyncset.s32 $0xFFFFF086  }
0x25: {  	[simem:s6], [sflag:s4] =	dma.local [hbm:s3], $0xF7A  }
0x26: {  	[smem:$0x3F98] =	sst s1;
	(tag) =	ssettag s2;
	_ =	strace s9  }
0x27: {  	s1 =	sld [smem:$0x3FA8]  }
0x28: {  	s2 =	sld [smem:$0x3FA9]  }
0x29: {  	s4 =	sld [smem:$0x3FAB]  }
0x2a: {  	p0 =	seq.s32 s5, $0x0;
	s5 =	sld [smem:$0x3FAC]  }
0x2b: {  	s6 =	sld [smem:$0x3FAD]  }
0x2c: {  	s7 =	sld [smem:$0x3FAE]  }
0x2d: {  	s3 =	simm.s32 $0x108;
	s8 =	sld [smem:$0x3FAF]  }
0x2e: {  	s3 =	simm.s32 @!p0 $0x1082;
	s9 =	sld [smem:$0x3FB0]  }
0x2f: {  	lr =	sadd.s32 s0, s3;
	s0 =	sld [smem:$0x3FA7]  }
0x30: {  	s3 =	sld [smem:$0x3FAA]  }
0x31: {  	[smem:$0x3FB3] =	sst s10  }
0x32: {  	s10 =	sld [smem:$0x3FB1];
	_ =	sdelay $0x3  }
0x33: {  	p0 =	seq.s32 s10, $0x1;
	s10 =	sld [smem:$0x3FB3];
	_ =	sdelay $0x3  }
0x34: {  	[smem:$0x3FB3] =	sst s10  }
0x35: {  	s10 =	sld [smem:$0x3FB2];
	_ =	sdelay $0x3  }
0x36: {  	p1 =	seq.s32 s10, $0x1;
	s10 =	sld [smem:$0x3FB3];
	_ =	sdelay $0x3  }
0x37: {  	[smem:$0x3FB3] =	sst s10  }
0x38: {  	s10 =	sld [smem:$0x3FB4]  }
0x39: {  	_ = 	snop;
	(pc) =	sbr.ind lr, $3  }
0x3a: {  	_ = 	snop  }
0x3b: {  	_ = 	snop  }
0x3c: {  	p2 =	seq.s32 s10, $0x1;
	s10 =	sld [smem:$0x3FB3]  }
0x3d: {  	_ =	shalt  }
0x3e: {  	_ =	shalt  }
0x3f: {  	_ =	shalt  }
0x40: {  	_ =	shalt  }
0x41: {  	_ =	shalt  }
0x42: {  	_ =	shalt  }
0x43: {  	_ =	shalt  }
0x44: {  	_ =	shalt  }
0x45: {  	_ =	shalt  }
0x46: {  	_ =	shalt  }
0x47: {  	_ =	shalt  }
0x48: {  	_ =	shalt  }
0x49: {  	_ =	shalt  }
0x4a: {  	_ =	shalt  }
0x4b: {  	_ =	shalt  }
0x4c: {  	_ =	shalt  }
0x4d: {  	_ =	shalt  }
0x4e: {  	_ =	shalt  }
0x4f: {  	_ =	shalt  }
0x50: {  	_ =	shalt  }
0x51: {  	_ =	shalt  }
0x52: {  	_ =	shalt  }
0x53: {  	_ =	shalt  }
0x54: {  	_ =	shalt  }
0x55: {  	_ =	shalt  }
0x56: {  	_ =	shalt  }
0x57: {  	_ =	shalt  }
0x58: {  	_ =	shalt  }
0x59: {  	_ =	shalt  }
0x5a: {  	_ =	shalt  }
0x5b: {  	_ =	shalt  }
0x5c: {  	_ =	shalt  }
0x5d: {  	_ =	shalt  }
0x5e: {  	_ =	shalt  }
0x5f: {  	_ =	shalt  }
0x60: {  	_ =	shalt  }
0x61: {  	_ =	shalt  }
0x62: {  	_ =	shalt  }
0x63: {  	_ =	shalt  }
0x64: {  	_ =	shalt  }
0x65: {  	_ =	shalt  }
0x66: {  	_ =	shalt  }
0x67: {  	_ =	shalt  }
0x68: {  	_ =	shalt  }
0x69: {  	_ =	shalt  }
0x6a: {  	_ =	shalt  }
0x6b: {  	_ =	shalt  }
0x6c: {  	_ =	shalt  }
0x6d: {  	_ =	shalt  }
0x6e: {  	_ =	shalt  }
0x6f: {  	_ =	shalt  }
0x70: {  	_ =	shalt  }
0x71: {  	_ =	shalt  }
0x72: {  	_ =	shalt  }
0x73: {  	_ =	shalt  }
0x74: {  	_ =	shalt  }
0x75: {  	_ =	shalt  }
0x76: {  	_ =	shalt  }
0x77: {  	_ =	shalt  }
0x78: {  	_ =	shalt  }
0x79: {  	_ =	shalt  }
0x7a: {  	_ =	shalt  }
0x7b: {  	_ =	shalt  }
0x7c: {  	_ =	shalt  }
0x7d: {  	_ =	shalt  }
0x7e: {  	_ =	shalt  }
0x7f: {  	_ =	shalt  }
0x80: {  	_ =	shalt  }
0x81: {  	_ =	shalt  }
0x82: {  	_ =	shalt  }
0x83: {  	_ =	shalt  }
0x84: {  	_ =	shalt  }
0x85: {  	_ =	shalt  }
0x86: {  	_ =	shalt  }
0x87: {  	_ =	shalt  }
.Lfunc_end0:
.L_simem_size_0:
called_computation.1_lowered:
.L_overlay_start_0:
0x88: {  	s2 =	sld [smem:$0x3FD9]  }
0x89: {  	s3 =	sld [smem:$0x3FFE];
	_ =	sdelay $0x1  }
0x8a: {  	s1 =	srdreg.scid  }
0x8b: {  	s0 =	sand.u32 $0x1, s1  }
0x8c: {  	s17 =	sshll.u32 s0, $0xA;
	s2 =	sadd.s32 s3, s2  }
0x8d: {  	s2 =	sadd.s32 s2, s17  }
0x8e: {  	[smem:$0x3FBF] =	sst s2  }
0x8f: {  	_ = 	snop  }
0x90: {  	s2 =	sld [smem:$0x3FD0];
	(tm) =	ssettm $0x1  }
0x91: {  	s18 =	sld [smem:$0x3FFB];
	_ =	sdelay $0x3  }
0x92: {  	_ =	strace s18  }
0x93: {  	s3 =	sld [smem:$0x3FFC];
	_ =	sdelay $0x3  }
0x94: {  	_ =	strace s3  }
0x95: {  	s3 =	sld [smem:$0x3FFD];
	_ =	sdelay $0x3  }
0x96: {  	_ =	strace s3  }
0x97: {  	_ =	strace $0x8FFFFFFF  }
0x98: {  	s19 =	sld [smem:$0x3FDB];
	_ =	sdelay $0x1  }
0x99: {  	s4 =	simm.s32 $_scs_section_size  }
0x9a: {  	s5 =	simm.s32 $_size__tile_overlayer_lowered;
	s6 =	simm.s32 $_tile_overlayer_lowered  }
0x9b: {  	s22 =	simm.s32 $0x1BFF;
	s21 =	sshll.u32 s6, $0x1;
	s3 =	sadd.s32 s4, s19  }
0x9c: {  	s7 =	simm.s32 $0x0;
	s20 =	sshll.u32 s5, $0x1;
	s5 =	sadd.s32 s21, s3  }
0x9d: {  	[timem:s7], [sflag:s22] =	dma.local [hbm:s5], s20  }
0x9e: {  	_ =	swait.ge [sflag:s22], s20  }
0x9f: {  	s4 =	ssub.s32 $0x0, s20;
	[sflag:s22] =	ssyncset.done $0x0  }
0xa0: {  	[sflag:s22] =	ssyncadd.s32 s4;
	_ =	sdelay $0x1  }
0xa1: {  	s23 =	simm.s32 $0x1B8B  }
0xa2: {  	_ =	swait.ge [sflag:s23], $0x1  }
0xa3: {  	[sflag:s23] =	ssyncset.done $0x0  }
0xa4: {  	s25 =	simm.s32 $0x1B8E;
	s24 =	sld [smem:$0x3FFE];
	[sflag:s23] =	ssyncadd.s32 $0xFFFFFFFF  }
0xa5: {  	s26 =	simm.s32 $execute0_lowered;
	[smem:$0x3FD2] =	sst s25  }
0xa6: {  	s5 =	sshll.u32 s26, $0x1;
	_ =	strace $0x80000049;
	[dreg:$0x1] =	wrdreg $0xFFFFFFFF  }
0xa7: {  	s28 =	simm.s32 $_size_execute0_lowered;
	s3 =	sadd.s32 s3, s5;
	[dreg:$0x0] =	wrdreg $0x0  }
0xa8: {  	s5 =	sshll.u32 s28, $0x1;
	[dreg:$0x2] =	wrdreg s3  }
0xa9: {  	[dreg:$0x3] =	wrdreg s5  }
0xaa: {  	[dreg:$0x4] =	wrdreg $0xC0  }
0xab: {  	_ =	task [dreg:s7], $0x5FFFF  }
0xac: {  	[dreg:$0x1] =	wrdreg $0xFFFFFFFF  }
0xad: {  	[dreg:$0x0] =	wrdreg $0x60  }
0xae: {  	[dreg:$0x2] =	wrdreg s2  }
0xaf: {  	[dreg:$0x3] =	wrdreg s24  }
0xb0: {  	[dreg:$0x4] =	wrdreg $0x84000  }
0xb1: {  	[dreg:$0x5] =	wrdreg $0x9  }
0xb2: {  	_ =	task.clear_ibuf [dreg:s7], $0x6FFFF;
	_ =	strace $0x90000049  }
0xb3: {  	s29 =	simm.s32 $0x9;
	_ =	strace $0x8000004B  }
0xb4: {  	_ =	swait.ge [sflag:s29], $0x1  }
0xb5: {  	[sflag:s29] =	ssyncadd.s32 $0xFFFFFFFF  }
0xb6: {  	_ =	strace $0x9000004B  }
0xb7: {  	_ =	sfence  }
0xb8: {  	s30 =	sld [smem:$0x0];
	_ =	sdelay $0x2  }
0xb9: {  	s31 =	sshll.u32 s1, $0xD;
	s1 =	sshrl.u32 s1, $0x2  }
0xba: {  	s3 =	sand.u32 $0x4000, s31;
	s1 =	sadd.s32 s1, s30  }
0xbb: {  	s0 =	sor.u32 s3, s0;
	s1 =	sshll.u32 s1, $0x11  }
0xbc: {  	s0 =	sor.u32 s1, s0  }
0xbd: {  	s0 =	sadd.s32 $0x8F2B, s0  }
0xbe: {  	[sflag:s0] =	ssyncadd.remote.s32 $0x1  }
0xbf: {  	_ =	sfence.sel $0xFFFF  }
0xc0: {  	[dreg:$0x0] =	wrdreg $0xFFFFFFFF;
	(pc) =	sbr.abs _section_cstart, $3  }
0xc1: {  	[dreg:$0x1] =	wrdreg $0xFFFFFFFF  }
0xc2: {  	_ =	task.clear_ibuf [dreg:s7], $0x2FFFF;
	_ =	strace $0x9FFFFFFF  }
0xc3: {  	(tm) =	ssettm $0x7FFFFFFF  }
tec
execute0_lowered:
.L_overlay_start_1:
0x0: {  	(tag) =	ssettag $0x1  }
0x1: {  	s1 =	rddreg [dreg:$0x0]  }
0x2: {  	s0 =	rddreg [dreg:$0x1]  }
0x3: {  	s2 =	rddreg [dreg:$0x2]  }
0x4: {  	s4 =	simm.s32 $0x0;
	s3 =	srdreg.scid;
	s10 =	stileid.u32  }
0x5: {  	s15 =	simm.s32 $0x4;
	s20 =	simm.s32 $0x80;
	s5 =	smul.u32 $0x90, s10  }
0x6: {  	s21 =	simm.s32 $0x400;
	[smem:$0x7FF] =	sst s4;
	s23 =	smul.u32 $0x14000, s10  }
0x7: {  	s3 =	sand.u32 $0x1, s3;
	s6 =	sshll.u32 s10, $0x4;
	s9 =	smul.u32 $0x50000, s10  }
0x8: {  	s28 =	sshll.u32 s10, $0x6;
	p0 =	seq.s32 s3, $0x0;
	s6 =	sor.u32 $0x900, s6  }
0x9: {  	s7 =	smul.u32 $0x140000, s3;
	_ =	strace $0x8000004A;
	s3 =	ssub.s32 $0x2, s3  }
0xa: {  	s6 =	smov.u32 @p0 s5;
	s25 =	sshrl.u32 s3, $0x1;
	s26 =	sshrl.u32 s9, $0x2  }
0xb: {  	s6 =	sshll.u32 s6, $0x5;
	s5 =	sadd.s32 s23, s7;
	s3 =	ssub.s32 s3, s25  }
0xc: {  	s14 =	sadd.s32 s26, s2;
	s7 =	sor.u32 $0x1C04, s28;
	s23 =	simm.s32 $0x2  }
0xd: {  	s25 =	simm.s32 $0x0;
	s8 =	sadd.s32 s6, s0;
	s24 =	sshrl.u32 s5, $0x3  }
0xe: {  	s5 =	sadd.s32 $0x17800, s0;
	s6 =	simm.s32 $0x90;
	s29 =	sadd.s32 $0x4000, s14  }
0xf: {  	s17 =	sadd.s32 $0x8000, s14;
	s18 =	sadd.s32 $0xC000, s14;
	s19 =	sadd.s32 $0x10000, s14  }
0x10: {  	s12 =	smax.u32 s3, $0x1;
	s14 =	sshrl.u32 s14, $0x3;
	s0 =	sadd.s32 s24, s0  }
0x11: {  	s6 =	simm.s32 @!p0 $0x10;
	s30 =	sadd.s32 $0x3800, s8;
	s31 =	sadd.s32 $0x3820, s8  }
0x12: {  	s13 =	sadd.s32 $0x3860, s8;
	s16 =	sshrl.u32 s29, $0x3;
	s17 =	sshrl.u32 s17, $0x3  }
0x13: {  	s18 =	sshrl.u32 s18, $0x3;
	s19 =	sshrl.u32 s19, $0x3;
	[dreg:$0x5] =	wrdreg s30  }
0x14: {  	s24 =	simm.s32 $0x3;
	s11 =	sadd.s32 $0xFFFFFFFF, s6;
	[dreg:$0x6] =	wrdreg s31  }
0x15: {  	s10 =	sshrl.u32 s6, $0x2;
	[dreg:$0x4] =	wrdreg s11;
	s11 =	sadd.s32 $0x18000, s0  }
.LBB2_1:
0x16: {  	[spmem:s14], [sflag:s7] =	dma.local [hbm:s5], $0x800  }
0x17: {  	_ =	swait.ge [sflag:s15], $0x800  }
0x18: {  	[sflag:s15] =	ssyncset.done $0x0  }
0x19: {  	[sflag:s15] =	ssyncadd.s32 $0xFFFFF800  }
0x1a: {  	[spmem:s16], [sflag:s7] =	dma.local [hbm:s5], $0x800  }
0x1b: {  	_ =	swait.ge [sflag:s15], $0x800  }
0x1c: {  	[sflag:s15] =	ssyncset.done $0x0  }
0x1d: {  	[sflag:s15] =	ssyncadd.s32 $0xFFFFF800  }
0x1e: {  	[spmem:s17], [sflag:s7] =	dma.local [hbm:s5], $0x800  }
0x1f: {  	_ =	swait.ge [sflag:s15], $0x800  }
0x20: {  	[sflag:s15] =	ssyncset.done $0x0  }
0x21: {  	[sflag:s15] =	ssyncadd.s32 $0xFFFFF800  }
0x22: {  	[spmem:s18], [sflag:s7] =	dma.local [hbm:s5], $0x800  }
0x23: {  	_ =	swait.ge [sflag:s15], $0x800  }
0x24: {  	[sflag:s15] =	ssyncset.done $0x0  }
0x25: {  	[sflag:s15] =	ssyncadd.s32 $0xFFFFF800  }
0x26: {  	[spmem:s19], [sflag:s7] =	dma.local [hbm:s5], $0x800  }
0x27: {  	_ =	swait.ge [sflag:s15], $0x800  }
0x28: {  	[sflag:s15] =	ssyncset.done $0x0  }
0x29: {  	[sflag:s15] =	ssyncadd.s32 $0xFFFFF800  }
0x2a: {  	[bflag:$0x0] =	sbarrier.arrive $0xFFFF  }
0x2b: {  	s0 =	rddreg [dreg:$0x5]  }
0x2c: {  	[tilespmem:s4], [sflag:$0x4] =	stream.linear.gather [hbm4b:s0+s4], $0x100, $0x38;
	[tilespmem:$0x1C400] =	vst v63  }
0x2d: {  	_ =	swait.ge [sflag:s15], $0x100  }
0x2e: {  	[sflag:s15] =	ssyncset.done $0x0  }
0x2f: {  	[sflag:s15] =	ssyncadd.s32 $0xFFFFFF00  }
0x30: {  	[tilespmem:s21], [sflag:$0x2] =	stream.indirect.gather [hbm4b:s1+s20], $0x80, s4, s20, $0xb8;
	[tilespmem:$0x1C400] =	vst v63  }
0x31: {  	s3 =	simm.s32 $0x100;
	s26 =	rddreg [dreg:$0x6]  }
0x32: {  	[tilespmem:s3], [sflag:$0x1] =	stream.linear.gather [hbm4b:s26+s4], $0x100, $0x38;
	[tilespmem:$0x1C400] =	vst v63  }
0x33: {  	_ =	swait.ge [sflag:s23], $0x4000  }
0x34: {  	p0 =	por $0x1, $0x1;
	[sflag:s23] =	ssyncset.done $0x0  }
0x35: {  	s0 =	simm.s32 @!p0 $0x3;
	[sflag:s23] =	ssyncadd.s32 $0xFFFFC000  }
0x36: {  	[spmem:s2] =	stream.indirect.scatter.add.f32 [tilespmem:s21], [sflag:$0x3], $0x80, s20, s20, $0xb8;
	[tilespmem:$0x1C400] =	vst v63  }
0x37: {  	_ =	swait.ge @!p0 [sflag:s0], $0x4000  }
0x38: {  	s31 =	rddreg [dreg:$0x4]  }
0x39: {  	[sflag:s0] =	ssyncset.done @!p0 $0x0;
	p1 =	sle.u32 s31, $0x0  }
0x3a: {  	[sflag:s0] =	ssyncadd.s32 @!p0 $0xFFFFC000;
	s0 =	simm.s32 @!p1 $0x1  }
0x3b: {  	p0 =	sle.u32 s6, $0x2;
	_ =	swait.ge @!p1 [sflag:s0], $0x100  }
0x3c: {  	s3 =	simm.s32 @!p1 $0x4400;
	s8 =	simm.s32 @!p1 $0x80;
	[sflag:s0] =	ssyncset.done @!p1 $0x0  }
0x3d: {  	s9 =	simm.s32 @!p1 $0x100;
	s22 =	simm.s32 @p0 $0x2;
	[sflag:s0] =	ssyncadd.s32 @!p1 $0xFFFFFF00  }
0x3e: {  	[tilespmem:s3], [sflag:$0x2] =	stream.indirect.gather @!p1 [hbm4b:s1+s8], $0x80, s9, s8, $0xb8;
	[tilespmem:$0x1C400] =	vst v63  }
0x3f: {  	_ =	swait.ge @p0 [sflag:s22], $0x4000  }
0x40: {  	s0 =	simm.s32 @p0 $0x80;
	s3 =	simm.s32 @p0 $0x180;
	[sflag:s22] =	ssyncset.done @p0 $0x0  }
0x41: {  	s8 =	simm.s32 @p0 $0x3;
	s9 =	simm.s32 @p0 $0x4400;
	[sflag:s22] =	ssyncadd.s32 @p0 $0xFFFFC000  }
0x42: {  	[spmem:s2] =	stream.indirect.scatter.add.f32 @p0 [tilespmem:s9], [sflag:$0x3], $0x80, s3, s0, $0xb8;
	[tilespmem:$0x1C400] =	vst v63  }
0x43: {  	_ =	swait.ge @p0 [sflag:s8], $0x4000  }
0x44: {  	s0 =	sadd.s32 @!p0 $0xFFFFFFE0, s13;
	s3 =	simm.s32 @!p0 $0x0;
	[sflag:s8] =	ssyncset.done @p0 $0x0  }
0x45: {  	s9 =	simm.s32 @!p0 $0x2;
	[sflag:s8] =	ssyncadd.s32 @p0 $0xFFFFC000;
	s8 =	simm.s32 @!p0 $0x200  }
0x46: {  	[tilespmem:s8], [sflag:$0x1] =	stream.linear.gather @!p0 [hbm4b:s0+s3], $0x100, $0x38;
	[tilespmem:$0x1C400] =	vst v63  }
0x47: {  	_ =	swait.ge @!p0 [sflag:s9], $0x4000  }
0x48: {  	s22 =	simm.s32 @!p0 $0x3;
	s0 =	simm.s32 @!p0 $0x80;
	[sflag:s9] =	ssyncset.done @!p0 $0x0  }
0x49: {  	s3 =	simm.s32 @!p0 $0x180;
	[sflag:s9] =	ssyncadd.s32 @!p0 $0xFFFFC000;
	s9 =	simm.s32 @!p0 $0x4400  }
0x4a: {  	[spmem:s2] =	stream.indirect.scatter.add.f32 @!p0 [tilespmem:s9], [sflag:$0x3], $0x80, s3, s0, $0xb8;
	[tilespmem:$0x1C400] =	vst v63  }
0x4b: {  	_ =	swait.ge @!p0 [sflag:s22], $0x4000  }
0x4c: {  	[sflag:s22] =	ssyncset.done @!p0 $0x0  }
0x4d: {  	s3 =	simm.s32 @!p0 $0x1;
	[sflag:s22] =	ssyncadd.s32 @!p0 $0xFFFFC000  }
0x4e: {  	_ =	swait.ge @!p0 [sflag:s3], $0x100  }
0x4f: {  	p2 =	sle.u32 s6, $0x3;
	[sflag:s3] =	ssyncset.done @!p0 $0x0  }
0x50: {  	s9 =	simm.s32 @!p0 $0x400;
	s22 =	simm.s32 @p2 $0x2;
	[sflag:s3] =	ssyncadd.s32 @!p0 $0xFFFFFF00  }
0x51: {  	[tilespmem:s9], [sflag:$0x2] =	stream.indirect.gather @!p0 [hbm4b:s1+s0], $0x80, s8, s0, $0xb8;
	[tilespmem:$0x1C400] =	vst v63  }
0x52: {  	_ =	swait.ge @p2 [sflag:s22], $0x4000  }
0x53: {  	s3 =	simm.s32 @p2 $0x280;
	s0 =	simm.s32 @p2 $0x80;
	[sflag:s22] =	ssyncset.done @p2 $0x0  }
0x54: {  	s8 =	simm.s32 @p2 $0x3;
	s9 =	simm.s32 @p2 $0x400;
	[sflag:s22] =	ssyncadd.s32 @p2 $0xFFFFC000  }
0x55: {  	[spmem:s2] =	stream.indirect.scatter.add.f32 @p2 [tilespmem:s9], [sflag:$0x3], $0x80, s3, s0, $0xb8;
	[tilespmem:$0x1C400] =	vst v63  }
0x56: {  	_ =	swait.ge @p2 [sflag:s8], $0x4000  }
0x57: {  	s0 =	simm.s32 @!p2 $0x0;
	[sflag:s8] =	ssyncset.done @p2 $0x0  }
0x58: {  	s3 =	simm.s32 @!p2 $0x300;
	s9 =	simm.s32 @!p2 $0x2;
	[sflag:s8] =	ssyncadd.s32 @p2 $0xFFFFC000  }
0x59: {  	[tilespmem:s3], [sflag:$0x1] =	stream.linear.gather @!p2 [hbm4b:s13+s0], $0x100, $0x38;
	[tilespmem:$0x1C400] =	vst v63  }
0x5a: {  	_ =	swait.ge @!p2 [sflag:s9], $0x4000  }
0x5b: {  	s22 =	simm.s32 @!p2 $0x3;
	s8 =	simm.s32 @!p2 $0x280;
	[sflag:s9] =	ssyncset.done @!p2 $0x0  }
0x5c: {  	s0 =	simm.s32 @!p2 $0x80;
	[sflag:s9] =	ssyncadd.s32 @!p2 $0xFFFFC000;
	s9 =	simm.s32 @!p2 $0x400  }
0x5d: {  	[spmem:s2] =	stream.indirect.scatter.add.f32 @!p2 [tilespmem:s9], [sflag:$0x3], $0x80, s8, s0, $0xb8;
	[tilespmem:$0x1C400] =	vst v63  }
0x5e: {  	_ =	swait.ge @!p2 [sflag:s22], $0x4000  }
0x5f: {  	[sflag:s22] =	ssyncset.done @!p2 $0x0  }
0x60: {  	s8 =	simm.s32 @!p2 $0x1;
	[sflag:s22] =	ssyncadd.s32 @!p2 $0xFFFFC000  }
0x61: {  	_ =	swait.ge @!p2 [sflag:s8], $0x100  }
0x62: {  	p1 =	sle.u32 s6, $0x4;
	[sflag:s8] =	ssyncset.done @!p2 $0x0  }
0x63: {  	s9 =	simm.s32 @!p2 $0x4400;
	s22 =	simm.s32 @p1 $0x2;
	[sflag:s8] =	ssyncadd.s32 @!p2 $0xFFFFFF00  }
0x64: {  	[tilespmem:s9], [sflag:$0x2] =	stream.indirect.gather @!p2 [hbm4b:s1+s0], $0x80, s3, s0, $0xb8;
	[tilespmem:$0x1C400] =	vst v63  }
0x65: {  	_ =	swait.ge @p1 [sflag:s22], $0x4000  }
0x66: {  	s8 =	simm.s32 @p1 $0x3;
	s0 =	simm.s32 @p1 $0x80;
	[sflag:s22] =	ssyncset.done @p1 $0x0  }
0x67: {  	s3 =	simm.s32 @p1 $0x380;
	s9 =	simm.s32 @p1 $0x4400;
	[sflag:s22] =	ssyncadd.s32 @p1 $0xFFFFC000  }
0x68: {  	[spmem:s2] =	stream.indirect.scatter.add.f32 @p1 [tilespmem:s9], [sflag:$0x3], $0x80, s3, s0, $0xb8;
	[tilespmem:$0x1C400] =	vst v63  }
0x69: {  	_ =	swait.ge @p1 [sflag:s8], $0x4000  }
0x6a: {  	s3 =	sadd.s32 @!p1 $0x20, s13;
	[sflag:s8] =	ssyncset.done @p1 $0x0  }
0x6b: {  	s0 =	simm.s32 @!p1 $0x0;
	s9 =	simm.s32 @!p1 $0x2;
	[sflag:s8] =	ssyncadd.s32 @p1 $0xFFFFC000  }
0x6c: {  	[tilespmem:s0], [sflag:$0x1] =	stream.linear.gather @!p1 [hbm4b:s3+s0], $0x100, $0x38;
	[tilespmem:$0x1C400] =	vst v63  }
0x6d: {  	s26 =	sadd.s32 $0xFFFFFFFF, s10;
	_ =	swait.ge @!p1 [sflag:s9], $0x4000  }
0x6e: {  	s22 =	simm.s32 @!p1 $0x3;
	s8 =	simm.s32 @!p1 $0x380;
	[sflag:s9] =	ssyncset.done @!p1 $0x0  }
0x6f: {  	s3 =	simm.s32 @!p1 $0x80;
	[sflag:s9] =	ssyncadd.s32 @!p1 $0xFFFFC000;
	s9 =	simm.s32 @!p1 $0x4400  }
0x70: {  	[spmem:s2] =	stream.indirect.scatter.add.f32 @!p1 [tilespmem:s9], [sflag:$0x3], $0x80, s8, s3, $0xb8;
	[tilespmem:$0x1C400] =	vst v63  }
0x71: {  	p0 =	sne.s32 s26, $0x0;
	_ =	swait.ge @!p1 [sflag:s22], $0x4000  }
.Ltmp0:
0x72: {  	[sflag:s22] =	ssyncset.done @!p1 $0x0;
	(pc) =	sbr.rel @!p0 .LBB2_3-.Ltmp0, $4  }
0x73: {  	s28 =	simm.s32 $0x4;
	s8 =	simm.s32 @!p1 $0x1;
	[sflag:s22] =	ssyncadd.s32 @!p1 $0xFFFFC000  }
0x74: {  	s29 =	sadd.s32 $0x80, s13;
	p2 =	sle.u32 s6, $0x5;
	_ =	swait.ge @!p1 [sflag:s8], $0x100  }
0x75: {  	s30 =	smov.u32 s13;
	s9 =	simm.s32 @!p2 $0x100;
	[sflag:s8] =	ssyncset.done @!p1 $0x0  }
0x76: {  	s22 =	simm.s32 @!p1 $0x400;
	[sflag:s8] =	ssyncadd.s32 @!p1 $0xFFFFFF00;
	s8 =	simm.s32 @!p2 $0x0  }
.LBB2_2:
0x77: {  	[tilespmem:s22], [sflag:$0x2] =	stream.indirect.gather @!p1 [hbm4b:s1+s3], $0x80, s0, s3, $0xb8;
	[tilespmem:$0x1C400] =	vst v63  }
0x78: {  	s0 =	sadd.s32 @!p2 $0x40, s30  }
0x79: {  	[tilespmem:s9], [sflag:$0x1] =	stream.linear.gather @!p2 [hbm4b:s0+s8], $0x100, $0x38;
	[tilespmem:$0x1C400] =	vst v63  }
0x7a: {  	_ =	swait.ge [sflag:s23], $0x4000  }
0x7b: {  	p1 =	seq.s32 s28, $0x0;
	[sflag:s23] =	ssyncset.done $0x0  }
0x7c: {  	s0 =	simm.s32 @!p1 $0x3;
	[sflag:s23] =	ssyncadd.s32 $0xFFFFC000  }
0x7d: {  	[spmem:s2] =	stream.indirect.scatter.add.f32 [tilespmem:s21], [sflag:$0x3], $0x80, s20, s20, $0xb8;
	[tilespmem:$0x1C400] =	vst v63  }
0x7e: {  	_ =	swait.ge @!p1 [sflag:s0], $0x4000  }
0x7f: {  	s9 =	rddreg [dreg:$0x4]  }
0x80: {  	[sflag:s0] =	ssyncset.done @!p1 $0x0;
	p2 =	sge.u32 s28, s9  }
0x81: {  	s22 =	sadd.s32 $0x2, s28;
	[sflag:s0] =	ssyncadd.s32 @!p1 $0xFFFFC000;
	s0 =	simm.s32 @!p2 $0x1  }
0x82: {  	p1 =	sge.u32 s22, s6;
	_ =	swait.ge @!p2 [sflag:s0], $0x100  }
0x83: {  	s3 =	simm.s32 @!p2 $0x4400;
	s9 =	simm.s32 @!p2 $0x80;
	[sflag:s0] =	ssyncset.done @!p2 $0x0  }
0x84: {  	s8 =	simm.s32 @!p2 $0x100;
	s22 =	simm.s32 @p1 $0x2;
	[sflag:s0] =	ssyncadd.s32 @!p2 $0xFFFFFF00  }
0x85: {  	[tilespmem:s3], [sflag:$0x2] =	stream.indirect.gather @!p2 [hbm4b:s1+s9], $0x80, s8, s9, $0xb8;
	[tilespmem:$0x1C400] =	vst v63  }
0x86: {  	_ =	swait.ge @p1 [sflag:s22], $0x4000  }
0x87: {  	s0 =	simm.s32 @p1 $0x80;
	s3 =	simm.s32 @p1 $0x180;
	[sflag:s22] =	ssyncset.done @p1 $0x0  }
0x88: {  	s8 =	simm.s32 @p1 $0x3;
	s9 =	simm.s32 @p1 $0x4400;
	[sflag:s22] =	ssyncadd.s32 @p1 $0xFFFFC000  }
0x89: {  	[spmem:s2] =	stream.indirect.scatter.add.f32 @p1 [tilespmem:s9], [sflag:$0x3], $0x80, s3, s0, $0xb8;
	[tilespmem:$0x1C400] =	vst v63  }
0x8a: {  	_ =	swait.ge @p1 [sflag:s8], $0x4000  }
0x8b: {  	s0 =	sadd.s32 @!p1 $0xFFFFFFE0, s29;
	s3 =	simm.s32 @!p1 $0x0;
	[sflag:s8] =	ssyncset.done @p1 $0x0  }
0x8c: {  	s9 =	simm.s32 @!p1 $0x2;
	[sflag:s8] =	ssyncadd.s32 @p1 $0xFFFFC000;
	s8 =	simm.s32 @!p1 $0x200  }
0x8d: {  	[tilespmem:s8], [sflag:$0x1] =	stream.linear.gather @!p1 [hbm4b:s0+s3], $0x100, $0x38;
	[tilespmem:$0x1C400] =	vst v63  }
0x8e: {  	_ =	swait.ge @!p1 [sflag:s9], $0x4000  }
0x8f: {  	s22 =	simm.s32 @!p1 $0x3;
	s0 =	simm.s32 @!p1 $0x80;
	[sflag:s9] =	ssyncset.done @!p1 $0x0  }
0x90: {  	s3 =	simm.s32 @!p1 $0x180;
	[sflag:s9] =	ssyncadd.s32 @!p1 $0xFFFFC000;
	s9 =	simm.s32 @!p1 $0x4400  }
0x91: {  	[spmem:s2] =	stream.indirect.scatter.add.f32 @!p1 [tilespmem:s9], [sflag:$0x3], $0x80, s3, s0, $0xb8;
	[tilespmem:$0x1C400] =	vst v63  }
0x92: {  	_ =	swait.ge @!p1 [sflag:s22], $0x4000  }
0x93: {  	[sflag:s22] =	ssyncset.done @!p1 $0x0  }
0x94: {  	s3 =	simm.s32 @!p1 $0x1;
	[sflag:s22] =	ssyncadd.s32 @!p1 $0xFFFFC000  }
0x95: {  	s9 =	sadd.s32 $0x3, s28;
	_ =	swait.ge @!p1 [sflag:s3], $0x100  }
0x96: {  	p2 =	sge.u32 s9, s6;
	[sflag:s3] =	ssyncset.done @!p1 $0x0  }
0x97: {  	s9 =	simm.s32 @p2 $0x2;
	s22 =	simm.s32 @!p1 $0x400;
	[sflag:s3] =	ssyncadd.s32 @!p1 $0xFFFFFF00  }
0x98: {  	[tilespmem:s22], [sflag:$0x2] =	stream.indirect.gather @!p1 [hbm4b:s1+s0], $0x80, s8, s0, $0xb8;
	[tilespmem:$0x1C400] =	vst v63  }
0x99: {  	_ =	swait.ge @p2 [sflag:s9], $0x4000  }
0x9a: {  	s3 =	simm.s32 @p2 $0x280;
	s0 =	simm.s32 @p2 $0x80;
	[sflag:s9] =	ssyncset.done @p2 $0x0  }
0x9b: {  	s8 =	simm.s32 @p2 $0x3;
	[sflag:s9] =	ssyncadd.s32 @p2 $0xFFFFC000;
	s9 =	simm.s32 @p2 $0x400  }
0x9c: {  	[spmem:s2] =	stream.indirect.scatter.add.f32 @p2 [tilespmem:s9], [sflag:$0x3], $0x80, s3, s0, $0xb8;
	[tilespmem:$0x1C400] =	vst v63  }
0x9d: {  	_ =	swait.ge @p2 [sflag:s8], $0x4000  }
0x9e: {  	s0 =	simm.s32 @!p2 $0x0;
	[sflag:s8] =	ssyncset.done @p2 $0x0  }
0x9f: {  	s3 =	simm.s32 @!p2 $0x300;
	s9 =	simm.s32 @!p2 $0x2;
	[sflag:s8] =	ssyncadd.s32 @p2 $0xFFFFC000  }
0xa0: {  	[tilespmem:s3], [sflag:$0x1] =	stream.linear.gather @!p2 [hbm4b:s29+s0], $0x100, $0x38;
	[tilespmem:$0x1C400] =	vst v63  }
0xa1: {  	_ =	swait.ge @!p2 [sflag:s9], $0x4000  }
0xa2: {  	s22 =	simm.s32 @!p2 $0x3;
	s8 =	simm.s32 @!p2 $0x280;
	[sflag:s9] =	ssyncset.done @!p2 $0x0  }
0xa3: {  	s0 =	simm.s32 @!p2 $0x80;
	[sflag:s9] =	ssyncadd.s32 @!p2 $0xFFFFC000;
	s9 =	simm.s32 @!p2 $0x400  }
0xa4: {  	[spmem:s2] =	stream.indirect.scatter.add.f32 @!p2 [tilespmem:s9], [sflag:$0x3], $0x80, s8, s0, $0xb8;
	[tilespmem:$0x1C400] =	vst v63  }
0xa5: {  	_ =	swait.ge @!p2 [sflag:s22], $0x4000  }
0xa6: {  	[sflag:s22] =	ssyncset.done @!p2 $0x0  }
0xa7: {  	s8 =	simm.s32 @!p2 $0x1;
	[sflag:s22] =	ssyncadd.s32 @!p2 $0xFFFFC000  }
0xa8: {  	s31 =	smov.u32 s28;
	s28 =	sadd.s32 $0x4, s28;
	_ =	swait.ge @!p2 [sflag:s8], $0x100  }
0xa9: {  	p1 =	sge.u32 s28, s6;
	[sflag:s8] =	ssyncset.done @!p2 $0x0  }
0xaa: {  	s9 =	simm.s32 @!p2 $0x4400;
	s22 =	simm.s32 @p1 $0x2;
	[sflag:s8] =	ssyncadd.s32 @!p2 $0xFFFFFF00  }
0xab: {  	[tilespmem:s9], [sflag:$0x2] =	stream.indirect.gather @!p2 [hbm4b:s1+s0], $0x80, s3, s0, $0xb8;
	[tilespmem:$0x1C400] =	vst v63  }
0xac: {  	_ =	swait.ge @p1 [sflag:s22], $0x4000  }
0xad: {  	s8 =	simm.s32 @p1 $0x3;
	s0 =	simm.s32 @p1 $0x80;
	[sflag:s22] =	ssyncset.done @p1 $0x0  }
0xae: {  	s3 =	simm.s32 @p1 $0x380;
	s9 =	simm.s32 @p1 $0x4400;
	[sflag:s22] =	ssyncadd.s32 @p1 $0xFFFFC000  }
0xaf: {  	[spmem:s2] =	stream.indirect.scatter.add.f32 @p1 [tilespmem:s9], [sflag:$0x3], $0x80, s3, s0, $0xb8;
	[tilespmem:$0x1C400] =	vst v63  }
0xb0: {  	_ =	swait.ge @p1 [sflag:s8], $0x4000  }
0xb1: {  	s3 =	sadd.s32 @!p1 $0x20, s29;
	[sflag:s8] =	ssyncset.done @p1 $0x0  }
0xb2: {  	s0 =	simm.s32 @!p1 $0x0;
	s9 =	simm.s32 @!p1 $0x2;
	[sflag:s8] =	ssyncadd.s32 @p1 $0xFFFFC000  }
0xb3: {  	[tilespmem:s0], [sflag:$0x1] =	stream.linear.gather @!p1 [hbm4b:s3+s0], $0x100, $0x38;
	[tilespmem:$0x1C400] =	vst v63  }
0xb4: {  	s26 =	sadd.s32 $0xFFFFFFFF, s26;
	_ =	swait.ge @!p1 [sflag:s9], $0x4000  }
0xb5: {  	s22 =	simm.s32 @!p1 $0x3;
	s8 =	simm.s32 @!p1 $0x380;
	[sflag:s9] =	ssyncset.done @!p1 $0x0  }
0xb6: {  	s3 =	simm.s32 @!p1 $0x80;
	[sflag:s9] =	ssyncadd.s32 @!p1 $0xFFFFC000;
	s9 =	simm.s32 @!p1 $0x4400  }
0xb7: {  	[spmem:s2] =	stream.indirect.scatter.add.f32 @!p1 [tilespmem:s9], [sflag:$0x3], $0x80, s8, s3, $0xb8;
	[tilespmem:$0x1C400] =	vst v63  }
0xb8: {  	p0 =	sne.s32 s26, $0x0;
	_ =	swait.ge @!p1 [sflag:s22], $0x4000  }
.Ltmp1:
0xb9: {  	[sflag:s22] =	ssyncset.done @!p1 $0x0;
	(pc) =	sbr.rel @p0 .LBB2_2-.Ltmp1, $4  }
0xba: {  	s31 =	sadd.s32 $0x5, s31;
	s8 =	simm.s32 @!p1 $0x1;
	[sflag:s22] =	ssyncadd.s32 @!p1 $0xFFFFC000  }
0xbb: {  	s30 =	smov.u32 s29;
	p2 =	sge.u32 s31, s6;
	_ =	swait.ge @!p1 [sflag:s8], $0x100  }
0xbc: {  	s29 =	sadd.s32 $0x80, s29;
	s9 =	simm.s32 @!p2 $0x100;
	[sflag:s8] =	ssyncset.done @!p1 $0x0  }
0xbd: {  	s22 =	simm.s32 @!p1 $0x400;
	[sflag:s8] =	ssyncadd.s32 @!p1 $0xFFFFFF00;
	s8 =	simm.s32 @!p2 $0x0  }
.LBB2_3:
0xbe: {  	[tilespmem:s22], [sflag:$0x2] =	stream.indirect.gather @!p1 [hbm4b:s1+s3], $0x80, s0, s3, $0xb8;
	[tilespmem:$0x1C400] =	vst v63  }
0xbf: {  	s0 =	sadd.s32 @!p2 $0x40, s30  }
0xc0: {  	[tilespmem:s9], [sflag:$0x1] =	stream.linear.gather @!p2 [hbm4b:s0+s8], $0x100, $0x38;
	[tilespmem:$0x1C400] =	vst v63  }
0xc1: {  	_ =	swait.ge [sflag:s24], $0x4000  }
0xc2: {  	s25 =	sadd.s32 $0x1, s25;
	[sflag:s24] =	ssyncset.done $0x0  }
0xc3: {  	p0 =	sne.s32 s25, s12;
	[sflag:s24] =	ssyncadd.s32 $0xFFFFC000  }
.Ltmp2:
0xc4: {  	[bflag:$0x0] =	sbarrier.arrive $0xFFFF;
	(pc) =	sbr.rel @p0 .LBB2_1-.Ltmp2, $4  }
0xc5: {  	[hbm:s11], [sflag:s7] =	dma.local [spmem:s14], $0x2800  }
0xc6: {  	_ =	swait.ge [sflag:s15], $0x2800  }
0xc7: {  	[sflag:s15] =	ssyncset.done $0x0  }
0xc8: {  	[sflag:s15] =	ssyncadd.s32 $0xFFFFD800  }
0xc9: {  	_ =	sfence.sel $0x180000  }
0xca: {  	[bflag:$0x0] =	sbarrier.arrive $0xFFFF  }
0xcb: {  	_ =	strace $0x9000004A  }
0xcc: {  	s0 =	stileid.u32;
	[bflag:$0x2] =	sbarrier.arrive $0xFFFF  }
0xcd: {  	p0 =	sne.s32 s0, $0x0;
	s0 =	rddreg [dreg:$0x3]  }
0xce: {  	s0 =	sadd.s32 @!p0 $0x100000, s0  }
0xcf: {  	[sflag:s0] =	ssyncadd.tile.s32 @!p0 $0x1;
	_ =	shalt  }
.Lfunc_end2:
_tile_overlayer_lowered:
.L_overlay_start_2:
0xd0: {  	(tag) =	ssettag $0x2  }
0xd1: {  	s0 =	rddreg [dreg:$0x0];
	s2 =	stileid.u32  }
0xd2: {  	s1 =	rddreg [dreg:$0x1];
	p0 =	sne.s32 s2, $0x0  }
0xd3: {  	s3 =	rddreg [dreg:$0x2];
	[bflag:$0x3] =	sbarrier.arrive $0xFFFF;
	s2 =	simm.s32 @!p0 $0x1C04  }
0xd4: {  	[timem:s3], [sflag:s2] =	dma.local @!p0 [hbm:s0], s1  }
0xd5: {  	s0 =	simm.s32 @!p0 $0x4  }
0xd6: {  	_ =	swait.ge @!p0 [sflag:s0], s1  }
0xd7: {  	s1 =	ssub.s32 @!p0 $0x0, s1;
	[sflag:s0] =	ssyncset.done @!p0 $0x0  }
0xd8: {  	[sflag:s0] =	ssyncadd.s32 @!p0 s1  }
0xd9: {  	[bflag:$0x3] =	sbarrier.arrive $0xFFFF  }
0xda: {  	_ =	shalt  }

// kernel: kernel.15.cloned.1.call-start
scs
__scs_entry_jumppad:
0x0: {  	(pc) =	sbr.rel $0x88, $3  }
0x1: {  	(tag) =	ssettag $0x0;
	lr =	simm.s32 $0x1  }
0x2: {  	[smem:$0x3F98] =	sst lr;
	_ =	strace $0xD0000000  }
0x3: {  	_ = 	snop  }
0x4: {  	_ = 	snop  }
0x5: {  	_ = 	snop  }
0x6: {  	_ = 	snop  }
0x7: {  	_ = 	snop  }
__scs_overlays_trampoline_lowered:
0x8: {  	[smem:$0x3FA7] =	sst s0  }
0x9: {  	[smem:$0x3FA8] =	sst s1  }
0xa: {  	[smem:$0x3FA9] =	sst s2  }
0xb: {  	[smem:$0x3FAA] =	sst s3  }
0xc: {  	[smem:$0x3FAB] =	sst s4  }
0xd: {  	[smem:$0x3FAC] =	sst s5  }
0xe: {  	[smem:$0x3FAD] =	sst s6  }
0xf: {  	[smem:$0x3FAE] =	sst s7  }
0x10: {  	[smem:$0x3FAF] =	sst s8  }
0x11: {  	[smem:$0x3FB0] =	sst s9;
	s0 =	simm.s32 @!p0 $0x0  }
0x12: {  	s1 =	sld [smem:$0x3F96];
	s0 =	simm.s32 @p0 $0x1  }
0x13: {  	[smem:$0x3FB1] =	sst s0;
	s0 =	simm.s32 @!p1 $0x0  }
0x14: {  	s2 =	sld [smem:$0x3F95];
	s0 =	simm.s32 @p1 $0x1  }
0x15: {  	[smem:$0x3FB2] =	sst s0;
	s0 =	simm.s32 @!p2 $0x0  }
0x16: {  	s3 =	sld [smem:$0x3FDB];
	s0 =	simm.s32 @p2 $0x1  }
0x17: {  	s4 =	simm.s32 $0x1BF5;
	[smem:$0x3FB4] =	sst s0  }
0x18: {  	s0 =	sld [smem:$0x3F97];
	_ =	swait.ge [sflag:s4], $0x0  }
0x19: {  	s7 =	sld [smem:$0x3F98]  }
0x1a: {  	s8 =	sadd.s32 $0xFFFFE003, lr  }
0x1b: {  	s9 =	sadd.s32 $0xFFFFFEF7, lr;
	s5 =	simm.s32 $0xFFFFFFFF;
	p2 =	slt.u32 s8, $0xFFFFF086  }
0x1c: {  	p1 =	slt.u32 s9, $0xF7A;
	s5 =	simm.s32 @!p2 $0x0  }
0x1d: {  	s5 =	simm.s32 @p1 $0x1;
	p0 =	seq.s32 s7, s2  }
0x1e: {  	s7 =	smul.u32 @!p0 $0xF7A, s2;
	p2 =	seq.s32 @!p0 s5, $0x0  }
0x1f: {  	s9 =	smul.u32 $0xF7A, s1;
	s8 =	simm.s32 @!p0 $0x1BF5;
	p2 =	por !p2, p0  }
0x20: {  	[sflag:s8] =	ssyncset.s32 @!p0 $0xFFFFF086;
	s6 =	sadd.s32 @!p0 s3, s7;
	s7 =	simm.s32 @!p0 $0x108  }
0x21: {  	s3 =	sadd.s32 s3, s9;
	s6 =	sadd.s32 @!p0 $0x88, s6;
	s7 =	simm.s32 @p2 $0x1082  }
0x22: {  	[simem:s7], [sflag:s8] =	dma.local @!p0 [hbm:s6], $0xF7A  }
0x23: {  	s9 =	sor.u32 $0xD0000000, s2;
	s6 =	simm.s32 $0x108;
	_ =	swait.ge @!p0 [sflag:s8], $0x0  }
0x24: {  	s3 =	sadd.s32 $0x88, s3;
	s6 =	simm.s32 @!p1 $0x1082;
	[sflag:s4] =	ssyncset.s32 $0xFFFFF086  }
0x25: {  	[simem:s6], [sflag:s4] =	dma.local [hbm:s3], $0xF7A  }
0x26: {  	[smem:$0x3F98] =	sst s1;
	(tag) =	ssettag s2;
	_ =	strace s9  }
0x27: {  	s1 =	sld [smem:$0x3FA8]  }
0x28: {  	s2 =	sld [smem:$0x3FA9]  }
0x29: {  	s4 =	sld [smem:$0x3FAB]  }
0x2a: {  	p0 =	seq.s32 s5, $0x0;
	s5 =	sld [smem:$0x3FAC]  }
0x2b: {  	s6 =	sld [smem:$0x3FAD]  }
0x2c: {  	s7 =	sld [smem:$0x3FAE]  }
0x2d: {  	s3 =	simm.s32 $0x108;
	s8 =	sld [smem:$0x3FAF]  }
0x2e: {  	s3 =	simm.s32 @!p0 $0x1082;
	s9 =	sld [smem:$0x3FB0]  }
0x2f: {  	lr =	sadd.s32 s0, s3;
	s0 =	sld [smem:$0x3FA7]  }
0x30: {  	s3 =	sld [smem:$0x3FAA]  }
0x31: {  	[smem:$0x3FB3] =	sst s10  }
0x32: {  	s10 =	sld [smem:$0x3FB1];
	_ =	sdelay $0x3  }
0x33: {  	p0 =	seq.s32 s10, $0x1;
	s10 =	sld [smem:$0x3FB3];
	_ =	sdelay $0x3  }
0x34: {  	[smem:$0x3FB3] =	sst s10  }
0x35: {  	s10 =	sld [smem:$0x3FB2];
	_ =	sdelay $0x3  }
0x36: {  	p1 =	seq.s32 s10, $0x1;
	s10 =	sld [smem:$0x3FB3];
	_ =	sdelay $0x3  }
0x37: {  	[smem:$0x3FB3] =	sst s10  }
0x38: {  	s10 =	sld [smem:$0x3FB4]  }
0x39: {  	_ = 	snop;
	(pc) =	sbr.ind lr, $3  }
0x3a: {  	_ = 	snop  }
0x3b: {  	_ = 	snop  }
0x3c: {  	p2 =	seq.s32 s10, $0x1;
	s10 =	sld [smem:$0x3FB3]  }
0x3d: {  	_ =	shalt  }
0x3e: {  	_ =	shalt  }
0x3f: {  	_ =	shalt  }
0x40: {  	_ =	shalt  }
0x41: {  	_ =	shalt  }
0x42: {  	_ =	shalt  }
0x43: {  	_ =	shalt  }
0x44: {  	_ =	shalt  }
0x45: {  	_ =	shalt  }
0x46: {  	_ =	shalt  }
0x47: {  	_ =	shalt  }
0x48: {  	_ =	shalt  }
0x49: {  	_ =	shalt  }
0x4a: {  	_ =	shalt  }
0x4b: {  	_ =	shalt  }
0x4c: {  	_ =	shalt  }
0x4d: {  	_ =	shalt  }
0x4e: {  	_ =	shalt  }
0x4f: {  	_ =	shalt  }
0x50: {  	_ =	shalt  }
0x51: {  	_ =	shalt  }
0x52: {  	_ =	shalt  }
0x53: {  	_ =	shalt  }
0x54: {  	_ =	shalt  }
0x55: {  	_ =	shalt  }
0x56: {  	_ =	shalt  }
0x57: {  	_ =	shalt  }
0x58: {  	_ =	shalt  }
0x59: {  	_ =	shalt  }
0x5a: {  	_ =	shalt  }
0x5b: {  	_ =	shalt  }
0x5c: {  	_ =	shalt  }
0x5d: {  	_ =	shalt  }
0x5e: {  	_ =	shalt  }
0x5f: {  	_ =	shalt  }
0x60: {  	_ =	shalt  }
0x61: {  	_ =	shalt  }
0x62: {  	_ =	shalt  }
0x63: {  	_ =	shalt  }
0x64: {  	_ =	shalt  }
0x65: {  	_ =	shalt  }
0x66: {  	_ =	shalt  }
0x67: {  	_ =	shalt  }
0x68: {  	_ =	shalt  }
0x69: {  	_ =	shalt  }
0x6a: {  	_ =	shalt  }
0x6b: {  	_ =	shalt  }
0x6c: {  	_ =	shalt  }
0x6d: {  	_ =	shalt  }
0x6e: {  	_ =	shalt  }
0x6f: {  	_ =	shalt  }
0x70: {  	_ =	shalt  }
0x71: {  	_ =	shalt  }
0x72: {  	_ =	shalt  }
0x73: {  	_ =	shalt  }
0x74: {  	_ =	shalt  }
0x75: {  	_ =	shalt  }
0x76: {  	_ =	shalt  }
0x77: {  	_ =	shalt  }
0x78: {  	_ =	shalt  }
0x79: {  	_ =	shalt  }
0x7a: {  	_ =	shalt  }
0x7b: {  	_ =	shalt  }
0x7c: {  	_ =	shalt  }
0x7d: {  	_ =	shalt  }
0x7e: {  	_ =	shalt  }
0x7f: {  	_ =	shalt  }
0x80: {  	_ =	shalt  }
0x81: {  	_ =	shalt  }
0x82: {  	_ =	shalt  }
0x83: {  	_ =	shalt  }
0x84: {  	_ =	shalt  }
0x85: {  	_ =	shalt  }
0x86: {  	_ =	shalt  }
0x87: {  	_ =	shalt  }
.Lfunc_end0:
.L_simem_size_0:
called_computation.2_lowered:
.L_overlay_start_0:
0x88: {  	s2 =	sld [smem:$0x3FD9]  }
0x89: {  	s3 =	sld [smem:$0x3FFE];
	_ =	sdelay $0x1  }
0x8a: {  	s1 =	srdreg.scid  }
0x8b: {  	s0 =	sand.u32 $0x1, s1  }
0x8c: {  	s17 =	sshll.u32 s0, $0xA;
	s2 =	sadd.s32 s3, s2  }
0x8d: {  	s2 =	sadd.s32 s2, s17  }
0x8e: {  	[smem:$0x3FBF] =	sst s2  }
0x8f: {  	_ = 	snop  }
0x90: {  	s2 =	sld [smem:$0x3FD0];
	(tm) =	ssettm $0x1  }
0x91: {  	s18 =	sld [smem:$0x3FFB];
	_ =	sdelay $0x3  }
0x92: {  	_ =	strace s18  }
0x93: {  	s3 =	sld [smem:$0x3FFC];
	_ =	sdelay $0x3  }
0x94: {  	_ =	strace s3  }
0x95: {  	s3 =	sld [smem:$0x3FFD];
	_ =	sdelay $0x3  }
0x96: {  	_ =	strace s3  }
0x97: {  	_ =	strace $0x8FFFFFFF  }
0x98: {  	s19 =	sld [smem:$0x3FDB];
	_ =	sdelay $0x1  }
0x99: {  	s4 =	simm.s32 $_scs_section_size  }
0x9a: {  	s5 =	simm.s32 $_size__tile_overlayer_lowered;
	s6 =	simm.s32 $_tile_overlayer_lowered  }
0x9b: {  	s22 =	simm.s32 $0x1BFF;
	s21 =	sshll.u32 s6, $0x1;
	s3 =	sadd.s32 s4, s19  }
0x9c: {  	s7 =	simm.s32 $0x0;
	s20 =	sshll.u32 s5, $0x1;
	s5 =	sadd.s32 s21, s3  }
0x9d: {  	[timem:s7], [sflag:s22] =	dma.local [hbm:s5], s20  }
0x9e: {  	_ =	swait.ge [sflag:s22], s20  }
0x9f: {  	s4 =	ssub.s32 $0x0, s20;
	[sflag:s22] =	ssyncset.done $0x0  }
0xa0: {  	[sflag:s22] =	ssyncadd.s32 s4;
	_ =	sdelay $0x1  }
0xa1: {  	s23 =	simm.s32 $0x1B8B  }
0xa2: {  	_ =	swait.ge [sflag:s23], $0x1  }
0xa3: {  	[sflag:s23] =	ssyncset.done $0x0  }
0xa4: {  	s25 =	simm.s32 $0x1B8E;
	s24 =	sld [smem:$0x3FFE];
	[sflag:s23] =	ssyncadd.s32 $0xFFFFFFFF  }
0xa5: {  	s26 =	simm.s32 $execute0_lowered;
	[smem:$0x3FD2] =	sst s25  }
0xa6: {  	s5 =	sshll.u32 s26, $0x1;
	_ =	strace $0x8000004C;
	[dreg:$0x1] =	wrdreg $0xFFFFFFFF  }
0xa7: {  	s28 =	simm.s32 $_size_execute0_lowered;
	s3 =	sadd.s32 s3, s5;
	[dreg:$0x0] =	wrdreg $0x0  }
0xa8: {  	s5 =	sshll.u32 s28, $0x1;
	[dreg:$0x2] =	wrdreg s3  }
0xa9: {  	[dreg:$0x3] =	wrdreg s5  }
0xaa: {  	[dreg:$0x4] =	wrdreg $0xC0  }
0xab: {  	_ =	task [dreg:s7], $0x5FFFF  }
0xac: {  	[dreg:$0x1] =	wrdreg $0xFFFFFFFF  }
0xad: {  	[dreg:$0x0] =	wrdreg $0x60  }
0xae: {  	[dreg:$0x2] =	wrdreg s2  }
0xaf: {  	[dreg:$0x3] =	wrdreg s24  }
0xb0: {  	[dreg:$0x4] =	wrdreg $0x84000  }
0xb1: {  	[dreg:$0x5] =	wrdreg $0x9  }
0xb2: {  	_ =	task.clear_ibuf [dreg:s7], $0x6FFFF;
	_ =	strace $0x9000004C  }
0xb3: {  	s29 =	simm.s32 $0x9;
	_ =	strace $0x8000004E  }
0xb4: {  	_ =	swait.ge [sflag:s29], $0x1  }
0xb5: {  	[sflag:s29] =	ssyncadd.s32 $0xFFFFFFFF  }
0xb6: {  	_ =	strace $0x9000004E  }
0xb7: {  	_ =	sfence  }
0xb8: {  	s30 =	sld [smem:$0x0];
	_ =	sdelay $0x2  }
0xb9: {  	s31 =	sshll.u32 s1, $0xD;
	s1 =	sshrl.u32 s1, $0x2  }
0xba: {  	s3 =	sand.u32 $0x4000, s31;
	s1 =	sadd.s32 s1, s30  }
0xbb: {  	s0 =	sor.u32 s3, s0;
	s1 =	sshll.u32 s1, $0x11  }
0xbc: {  	s0 =	sor.u32 s1, s0  }
0xbd: {  	s0 =	sadd.s32 $0x8F2B, s0  }
0xbe: {  	[sflag:s0] =	ssyncadd.remote.s32 $0x1  }
0xbf: {  	_ =	sfence.sel $0xFFFF  }
0xc0: {  	[dreg:$0x0] =	wrdreg $0xFFFFFFFF;
	(pc) =	sbr.abs _section_cstart, $3  }
0xc1: {  	[dreg:$0x1] =	wrdreg $0xFFFFFFFF  }
0xc2: {  	_ =	task.clear_ibuf [dreg:s7], $0x2FFFF;
	_ =	strace $0x9FFFFFFF  }
0xc3: {  	(tm) =	ssettm $0x7FFFFFFF  }
tec
execute0_lowered:
.L_overlay_start_1:
0x0: {  	(tag) =	ssettag $0x1  }
0x1: {  	s1 =	rddreg [dreg:$0x0]  }
0x2: {  	s0 =	rddreg [dreg:$0x1]  }
0x3: {  	s2 =	rddreg [dreg:$0x2]  }
0x4: {  	s4 =	simm.s32 $0x0;
	s3 =	srdreg.scid;
	s10 =	stileid.u32  }
0x5: {  	s15 =	simm.s32 $0x4;
	s20 =	simm.s32 $0x80;
	s5 =	smul.u32 $0x90, s10  }
0x6: {  	s21 =	simm.s32 $0x400;
	[smem:$0x7FF] =	sst s4;
	s23 =	smul.u32 $0x14000, s10  }
0x7: {  	s3 =	sand.u32 $0x1, s3;
	s6 =	sshll.u32 s10, $0x4;
	s9 =	smul.u32 $0x50000, s10  }
0x8: {  	s28 =	sshll.u32 s10, $0x6;
	p0 =	seq.s32 s3, $0x0;
	s6 =	sor.u32 $0x900, s6  }
0x9: {  	s7 =	smul.u32 $0x140000, s3;
	_ =	strace $0x8000004D;
	s3 =	ssub.s32 $0x2, s3  }
0xa: {  	s6 =	smov.u32 @p0 s5;
	s25 =	sshrl.u32 s3, $0x1;
	s26 =	sshrl.u32 s9, $0x2  }
0xb: {  	s6 =	sshll.u32 s6, $0x5;
	s5 =	sadd.s32 s23, s7;
	s3 =	ssub.s32 s3, s25  }
0xc: {  	s14 =	sadd.s32 s26, s2;
	s7 =	sor.u32 $0x1C04, s28;
	s23 =	simm.s32 $0x2  }
0xd: {  	s25 =	simm.s32 $0x0;
	s8 =	sadd.s32 s6, s0;
	s24 =	sshrl.u32 s5, $0x3  }
0xe: {  	s5 =	sadd.s32 $0x17800, s0;
	s6 =	simm.s32 $0x90;
	s29 =	sadd.s32 $0x4000, s14  }
0xf: {  	s17 =	sadd.s32 $0x8000, s14;
	s18 =	sadd.s32 $0xC000, s14;
	s19 =	sadd.s32 $0x10000, s14  }
0x10: {  	s12 =	smax.u32 s3, $0x1;
	s14 =	sshrl.u32 s14, $0x3;
	s0 =	sadd.s32 s24, s0  }
0x11: {  	s6 =	simm.s32 @!p0 $0x10;
	s30 =	sadd.s32 $0x3800, s8;
	s31 =	sadd.s32 $0x3820, s8  }
0x12: {  	s13 =	sadd.s32 $0x3860, s8;
	s16 =	sshrl.u32 s29, $0x3;
	s17 =	sshrl.u32 s17, $0x3  }
0x13: {  	s18 =	sshrl.u32 s18, $0x3;
	s19 =	sshrl.u32 s19, $0x3;
	[dreg:$0x5] =	wrdreg s30  }
0x14: {  	s24 =	simm.s32 $0x3;
	s11 =	sadd.s32 $0xFFFFFFFF, s6;
	[dreg:$0x6] =	wrdreg s31  }
0x15: {  	s10 =	sshrl.u32 s6, $0x2;
	[dreg:$0x4] =	wrdreg s11;
	s11 =	sadd.s32 $0x18000, s0  }
.LBB2_1:
0x16: {  	[spmem:s14], [sflag:s7] =	dma.local [hbm:s5], $0x800  }
0x17: {  	_ =	swait.ge [sflag:s15], $0x800  }
0x18: {  	[sflag:s15] =	ssyncset.done $0x0  }
0x19: {  	[sflag:s15] =	ssyncadd.s32 $0xFFFFF800  }
0x1a: {  	[spmem:s16], [sflag:s7] =	dma.local [hbm:s5], $0x800  }
0x1b: {  	_ =	swait.ge [sflag:s15], $0x800  }
0x1c: {  	[sflag:s15] =	ssyncset.done $0x0  }
0x1d: {  	[sflag:s15] =	ssyncadd.s32 $0xFFFFF800  }
0x1e: {  	[spmem:s17], [sflag:s7] =	dma.local [hbm:s5], $0x800  }
0x1f: {  	_ =	swait.ge [sflag:s15], $0x800  }
0x20: {  	[sflag:s15] =	ssyncset.done $0x0  }
0x21: {  	[sflag:s15] =	ssyncadd.s32 $0xFFFFF800  }
0x22: {  	[spmem:s18], [sflag:s7] =	dma.local [hbm:s5], $0x800  }
0x23: {  	_ =	swait.ge [sflag:s15], $0x800  }
0x24: {  	[sflag:s15] =	ssyncset.done $0x0  }
0x25: {  	[sflag:s15] =	ssyncadd.s32 $0xFFFFF800  }
0x26: {  	[spmem:s19], [sflag:s7] =	dma.local [hbm:s5], $0x800  }
0x27: {  	_ =	swait.ge [sflag:s15], $0x800  }
0x28: {  	[sflag:s15] =	ssyncset.done $0x0  }
0x29: {  	[sflag:s15] =	ssyncadd.s32 $0xFFFFF800  }
0x2a: {  	[bflag:$0x0] =	sbarrier.arrive $0xFFFF  }
0x2b: {  	s0 =	rddreg [dreg:$0x5]  }
0x2c: {  	[tilespmem:s4], [sflag:$0x4] =	stream.linear.gather [hbm4b:s0+s4], $0x100, $0x38;
	[tilespmem:$0x1C400] =	vst v63  }
0x2d: {  	_ =	swait.ge [sflag:s15], $0x100  }
0x2e: {  	[sflag:s15] =	ssyncset.done $0x0  }
0x2f: {  	[sflag:s15] =	ssyncadd.s32 $0xFFFFFF00  }
0x30: {  	[tilespmem:s21], [sflag:$0x2] =	stream.indirect.gather [hbm4b:s1+s20], $0x80, s4, s20, $0xb8;
	[tilespmem:$0x1C400] =	vst v63  }
0x31: {  	s3 =	simm.s32 $0x100;
	s26 =	rddreg [dreg:$0x6]  }
0x32: {  	[tilespmem:s3], [sflag:$0x1] =	stream.linear.gather [hbm4b:s26+s4], $0x100, $0x38;
	[tilespmem:$0x1C400] =	vst v63  }
0x33: {  	_ =	swait.ge [sflag:s23], $0x4000  }
0x34: {  	p0 =	por $0x1, $0x1;
	[sflag:s23] =	ssyncset.done $0x0  }
0x35: {  	s0 =	simm.s32 @!p0 $0x3;
	[sflag:s23] =	ssyncadd.s32 $0xFFFFC000  }
0x36: {  	[spmem:s2] =	stream.indirect.scatter.add.f32 [tilespmem:s21], [sflag:$0x3], $0x80, s20, s20, $0xb8;
	[tilespmem:$0x1C400] =	vst v63  }
0x37: {  	_ =	swait.ge @!p0 [sflag:s0], $0x4000  }
0x38: {  	s31 =	rddreg [dreg:$0x4]  }
0x39: {  	[sflag:s0] =	ssyncset.done @!p0 $0x0;
	p1 =	sle.u32 s31, $0x0  }
0x3a: {  	[sflag:s0] =	ssyncadd.s32 @!p0 $0xFFFFC000;
	s0 =	simm.s32 @!p1 $0x1  }
0x3b: {  	p0 =	sle.u32 s6, $0x2;
	_ =	swait.ge @!p1 [sflag:s0], $0x100  }
0x3c: {  	s3 =	simm.s32 @!p1 $0x4400;
	s8 =	simm.s32 @!p1 $0x80;
	[sflag:s0] =	ssyncset.done @!p1 $0x0  }
0x3d: {  	s9 =	simm.s32 @!p1 $0x100;
	s22 =	simm.s32 @p0 $0x2;
	[sflag:s0] =	ssyncadd.s32 @!p1 $0xFFFFFF00  }
0x3e: {  	[tilespmem:s3], [sflag:$0x2] =	stream.indirect.gather @!p1 [hbm4b:s1+s8], $0x80, s9, s8, $0xb8;
	[tilespmem:$0x1C400] =	vst v63  }
0x3f: {  	_ =	swait.ge @p0 [sflag:s22], $0x4000  }
0x40: {  	s0 =	simm.s32 @p0 $0x80;
	s3 =	simm.s32 @p0 $0x180;
	[sflag:s22] =	ssyncset.done @p0 $0x0  }
0x41: {  	s8 =	simm.s32 @p0 $0x3;
	s9 =	simm.s32 @p0 $0x4400;
	[sflag:s22] =	ssyncadd.s32 @p0 $0xFFFFC000  }
0x42: {  	[spmem:s2] =	stream.indirect.scatter.add.f32 @p0 [tilespmem:s9], [sflag:$0x3], $0x80, s3, s0, $0xb8;
	[tilespmem:$0x1C400] =	vst v63  }
0x43: {  	_ =	swait.ge @p0 [sflag:s8], $0x4000  }
0x44: {  	s0 =	sadd.s32 @!p0 $0xFFFFFFE0, s13;
	s3 =	simm.s32 @!p0 $0x0;
	[sflag:s8] =	ssyncset.done @p0 $0x0  }
0x45: {  	s9 =	simm.s32 @!p0 $0x2;
	[sflag:s8] =	ssyncadd.s32 @p0 $0xFFFFC000;
	s8 =	simm.s32 @!p0 $0x200  }
0x46: {  	[tilespmem:s8], [sflag:$0x1] =	stream.linear.gather @!p0 [hbm4b:s0+s3], $0x100, $0x38;
	[tilespmem:$0x1C400] =	vst v63  }
0x47: {  	_ =	swait.ge @!p0 [sflag:s9], $0x4000  }
0x48: {  	s22 =	simm.s32 @!p0 $0x3;
	s0 =	simm.s32 @!p0 $0x80;
	[sflag:s9] =	ssyncset.done @!p0 $0x0  }
0x49: {  	s3 =	simm.s32 @!p0 $0x180;
	[sflag:s9] =	ssyncadd.s32 @!p0 $0xFFFFC000;
	s9 =	simm.s32 @!p0 $0x4400  }
0x4a: {  	[spmem:s2] =	stream.indirect.scatter.add.f32 @!p0 [tilespmem:s9], [sflag:$0x3], $0x80, s3, s0, $0xb8;
	[tilespmem:$0x1C400] =	vst v63  }
0x4b: {  	_ =	swait.ge @!p0 [sflag:s22], $0x4000  }
0x4c: {  	[sflag:s22] =	ssyncset.done @!p0 $0x0  }
0x4d: {  	s3 =	simm.s32 @!p0 $0x1;
	[sflag:s22] =	ssyncadd.s32 @!p0 $0xFFFFC000  }
0x4e: {  	_ =	swait.ge @!p0 [sflag:s3], $0x100  }
0x4f: {  	p2 =	sle.u32 s6, $0x3;
	[sflag:s3] =	ssyncset.done @!p0 $0x0  }
0x50: {  	s9 =	simm.s32 @!p0 $0x400;
	s22 =	simm.s32 @p2 $0x2;
	[sflag:s3] =	ssyncadd.s32 @!p0 $0xFFFFFF00  }
0x51: {  	[tilespmem:s9], [sflag:$0x2] =	stream.indirect.gather @!p0 [hbm4b:s1+s0], $0x80, s8, s0, $0xb8;
	[tilespmem:$0x1C400] =	vst v63  }
0x52: {  	_ =	swait.ge @p2 [sflag:s22], $0x4000  }
0x53: {  	s3 =	simm.s32 @p2 $0x280;
	s0 =	simm.s32 @p2 $0x80;
	[sflag:s22] =	ssyncset.done @p2 $0x0  }
0x54: {  	s8 =	simm.s32 @p2 $0x3;
	s9 =	simm.s32 @p2 $0x400;
	[sflag:s22] =	ssyncadd.s32 @p2 $0xFFFFC000  }
0x55: {  	[spmem:s2] =	stream.indirect.scatter.add.f32 @p2 [tilespmem:s9], [sflag:$0x3], $0x80, s3, s0, $0xb8;
	[tilespmem:$0x1C400] =	vst v63  }
0x56: {  	_ =	swait.ge @p2 [sflag:s8], $0x4000  }
0x57: {  	s0 =	simm.s32 @!p2 $0x0;
	[sflag:s8] =	ssyncset.done @p2 $0x0  }
0x58: {  	s3 =	simm.s32 @!p2 $0x300;
	s9 =	simm.s32 @!p2 $0x2;
	[sflag:s8] =	ssyncadd.s32 @p2 $0xFFFFC000  }
0x59: {  	[tilespmem:s3], [sflag:$0x1] =	stream.linear.gather @!p2 [hbm4b:s13+s0], $0x100, $0x38;
	[tilespmem:$0x1C400] =	vst v63  }
0x5a: {  	_ =	swait.ge @!p2 [sflag:s9], $0x4000  }
0x5b: {  	s22 =	simm.s32 @!p2 $0x3;
	s8 =	simm.s32 @!p2 $0x280;
	[sflag:s9] =	ssyncset.done @!p2 $0x0  }
0x5c: {  	s0 =	simm.s32 @!p2 $0x80;
	[sflag:s9] =	ssyncadd.s32 @!p2 $0xFFFFC000;
	s9 =	simm.s32 @!p2 $0x400  }
0x5d: {  	[spmem:s2] =	stream.indirect.scatter.add.f32 @!p2 [tilespmem:s9], [sflag:$0x3], $0x80, s8, s0, $0xb8;
	[tilespmem:$0x1C400] =	vst v63  }
0x5e: {  	_ =	swait.ge @!p2 [sflag:s22], $0x4000  }
0x5f: {  	[sflag:s22] =	ssyncset.done @!p2 $0x0  }
0x60: {  	s8 =	simm.s32 @!p2 $0x1;
	[sflag:s22] =	ssyncadd.s32 @!p2 $0xFFFFC000  }
0x61: {  	_ =	swait.ge @!p2 [sflag:s8], $0x100  }
0x62: {  	p1 =	sle.u32 s6, $0x4;
	[sflag:s8] =	ssyncset.done @!p2 $0x0  }
0x63: {  	s9 =	simm.s32 @!p2 $0x4400;
	s22 =	simm.s32 @p1 $0x2;
	[sflag:s8] =	ssyncadd.s32 @!p2 $0xFFFFFF00  }
0x64: {  	[tilespmem:s9], [sflag:$0x2] =	stream.indirect.gather @!p2 [hbm4b:s1+s0], $0x80, s3, s0, $0xb8;
	[tilespmem:$0x1C400] =	vst v63  }
0x65: {  	_ =	swait.ge @p1 [sflag:s22], $0x4000  }
0x66: {  	s8 =	simm.s32 @p1 $0x3;
	s0 =	simm.s32 @p1 $0x80;
	[sflag:s22] =	ssyncset.done @p1 $0x0  }
0x67: {  	s3 =	simm.s32 @p1 $0x380;
	s9 =	simm.s32 @p1 $0x4400;
	[sflag:s22] =	ssyncadd.s32 @p1 $0xFFFFC000  }
0x68: {  	[spmem:s2] =	stream.indirect.scatter.add.f32 @p1 [tilespmem:s9], [sflag:$0x3], $0x80, s3, s0, $0xb8;
	[tilespmem:$0x1C400] =	vst v63  }
0x69: {  	_ =	swait.ge @p1 [sflag:s8], $0x4000  }
0x6a: {  	s3 =	sadd.s32 @!p1 $0x20, s13;
	[sflag:s8] =	ssyncset.done @p1 $0x0  }
0x6b: {  	s0 =	simm.s32 @!p1 $0x0;
	s9 =	simm.s32 @!p1 $0x2;
	[sflag:s8] =	ssyncadd.s32 @p1 $0xFFFFC000  }
0x6c: {  	[tilespmem:s0], [sflag:$0x1] =	stream.linear.gather @!p1 [hbm4b:s3+s0], $0x100, $0x38;
	[tilespmem:$0x1C400] =	vst v63  }
0x6d: {  	s26 =	sadd.s32 $0xFFFFFFFF, s10;
	_ =	swait.ge @!p1 [sflag:s9], $0x4000  }
0x6e: {  	s22 =	simm.s32 @!p1 $0x3;
	s8 =	simm.s32 @!p1 $0x380;
	[sflag:s9] =	ssyncset.done @!p1 $0x0  }
0x6f: {  	s3 =	simm.s32 @!p1 $0x80;
	[sflag:s9] =	ssyncadd.s32 @!p1 $0xFFFFC000;
	s9 =	simm.s32 @!p1 $0x4400  }
0x70: {  	[spmem:s2] =	stream.indirect.scatter.add.f32 @!p1 [tilespmem:s9], [sflag:$0x3], $0x80, s8, s3, $0xb8;
	[tilespmem:$0x1C400] =	vst v63  }
0x71: {  	p0 =	sne.s32 s26, $0x0;
	_ =	swait.ge @!p1 [sflag:s22], $0x4000  }
.Ltmp0:
0x72: {  	[sflag:s22] =	ssyncset.done @!p1 $0x0;
	(pc) =	sbr.rel @!p0 .LBB2_3-.Ltmp0, $4  }
0x73: {  	s28 =	simm.s32 $0x4;
	s8 =	simm.s32 @!p1 $0x1;
	[sflag:s22] =	ssyncadd.s32 @!p1 $0xFFFFC000  }
0x74: {  	s29 =	sadd.s32 $0x80, s13;
	p2 =	sle.u32 s6, $0x5;
	_ =	swait.ge @!p1 [sflag:s8], $0x100  }
0x75: {  	s30 =	smov.u32 s13;
	s9 =	simm.s32 @!p2 $0x100;
	[sflag:s8] =	ssyncset.done @!p1 $0x0  }
0x76: {  	s22 =	simm.s32 @!p1 $0x400;
	[sflag:s8] =	ssyncadd.s32 @!p1 $0xFFFFFF00;
	s8 =	simm.s32 @!p2 $0x0  }
.LBB2_2:
0x77: {  	[tilespmem:s22], [sflag:$0x2] =	stream.indirect.gather @!p1 [hbm4b:s1+s3], $0x80, s0, s3, $0xb8;
	[tilespmem:$0x1C400] =	vst v63  }
0x78: {  	s0 =	sadd.s32 @!p2 $0x40, s30  }
0x79: {  	[tilespmem:s9], [sflag:$0x1] =	stream.linear.gather @!p2 [hbm4b:s0+s8], $0x100, $0x38;
	[tilespmem:$0x1C400] =	vst v63  }
0x7a: {  	_ =	swait.ge [sflag:s23], $0x4000  }
0x7b: {  	p1 =	seq.s32 s28, $0x0;
	[sflag:s23] =	ssyncset.done $0x0  }
0x7c: {  	s0 =	simm.s32 @!p1 $0x3;
	[sflag:s23] =	ssyncadd.s32 $0xFFFFC000  }
0x7d: {  	[spmem:s2] =	stream.indirect.scatter.add.f32 [tilespmem:s21], [sflag:$0x3], $0x80, s20, s20, $0xb8;
	[tilespmem:$0x1C400] =	vst v63  }
0x7e: {  	_ =	swait.ge @!p1 [sflag:s0], $0x4000  }
0x7f: {  	s9 =	rddreg [dreg:$0x4]  }
0x80: {  	[sflag:s0] =	ssyncset.done @!p1 $0x0;
	p2 =	sge.u32 s28, s9  }
0x81: {  	s22 =	sadd.s32 $0x2, s28;
	[sflag:s0] =	ssyncadd.s32 @!p1 $0xFFFFC000;
	s0 =	simm.s32 @!p2 $0x1  }
0x82: {  	p1 =	sge.u32 s22, s6;
	_ =	swait.ge @!p2 [sflag:s0], $0x100  }
0x83: {  	s3 =	simm.s32 @!p2 $0x4400;
	s9 =	simm.s32 @!p2 $0x80;
	[sflag:s0] =	ssyncset.done @!p2 $0x0  }
0x84: {  	s8 =	simm.s32 @!p2 $0x100;
	s22 =	simm.s32 @p1 $0x2;
	[sflag:s0] =	ssyncadd.s32 @!p2 $0xFFFFFF00  }
0x85: {  	[tilespmem:s3], [sflag:$0x2] =	stream.indirect.gather @!p2 [hbm4b:s1+s9], $0x80, s8, s9, $0xb8;
	[tilespmem:$0x1C400] =	vst v63  }
0x86: {  	_ =	swait.ge @p1 [sflag:s22], $0x4000  }
0x87: {  	s0 =	simm.s32 @p1 $0x80;
	s3 =	simm.s32 @p1 $0x180;
	[sflag:s22] =	ssyncset.done @p1 $0x0  }
0x88: {  	s8 =	simm.s32 @p1 $0x3;
	s9 =	simm.s32 @p1 $0x4400;
	[sflag:s22] =	ssyncadd.s32 @p1 $0xFFFFC000  }
0x89: {  	[spmem:s2] =	stream.indirect.scatter.add.f32 @p1 [tilespmem:s9], [sflag:$0x3], $0x80, s3, s0, $0xb8;
	[tilespmem:$0x1C400] =	vst v63  }
0x8a: {  	_ =	swait.ge @p1 [sflag:s8], $0x4000  }
0x8b: {  	s0 =	sadd.s32 @!p1 $0xFFFFFFE0, s29;
	s3 =	simm.s32 @!p1 $0x0;
	[sflag:s8] =	ssyncset.done @p1 $0x0  }
0x8c: {  	s9 =	simm.s32 @!p1 $0x2;
	[sflag:s8] =	ssyncadd.s32 @p1 $0xFFFFC000;
	s8 =	simm.s32 @!p1 $0x200  }
0x8d: {  	[tilespmem:s8], [sflag:$0x1] =	stream.linear.gather @!p1 [hbm4b:s0+s3], $0x100, $0x38;
	[tilespmem:$0x1C400] =	vst v63  }
0x8e: {  	_ =	swait.ge @!p1 [sflag:s9], $0x4000  }
0x8f: {  	s22 =	simm.s32 @!p1 $0x3;
	s0 =	simm.s32 @!p1 $0x80;
	[sflag:s9] =	ssyncset.done @!p1 $0x0  }
0x90: {  	s3 =	simm.s32 @!p1 $0x180;
	[sflag:s9] =	ssyncadd.s32 @!p1 $0xFFFFC000;
	s9 =	simm.s32 @!p1 $0x4400  }
0x91: {  	[spmem:s2] =	stream.indirect.scatter.add.f32 @!p1 [tilespmem:s9], [sflag:$0x3], $0x80, s3, s0, $0xb8;
	[tilespmem:$0x1C400] =	vst v63  }
0x92: {  	_ =	swait.ge @!p1 [sflag:s22], $0x4000  }
0x93: {  	[sflag:s22] =	ssyncset.done @!p1 $0x0  }
0x94: {  	s3 =	simm.s32 @!p1 $0x1;
	[sflag:s22] =	ssyncadd.s32 @!p1 $0xFFFFC000  }
0x95: {  	s9 =	sadd.s32 $0x3, s28;
	_ =	swait.ge @!p1 [sflag:s3], $0x100  }
0x96: {  	p2 =	sge.u32 s9, s6;
	[sflag:s3] =	ssyncset.done @!p1 $0x0  }
0x97: {  	s9 =	simm.s32 @p2 $0x2;
	s22 =	simm.s32 @!p1 $0x400;
	[sflag:s3] =	ssyncadd.s32 @!p1 $0xFFFFFF00  }
0x98: {  	[tilespmem:s22], [sflag:$0x2] =	stream.indirect.gather @!p1 [hbm4b:s1+s0], $0x80, s8, s0, $0xb8;
	[tilespmem:$0x1C400] =	vst v63  }
0x99: {  	_ =	swait.ge @p2 [sflag:s9], $0x4000  }
0x9a: {  	s3 =	simm.s32 @p2 $0x280;
	s0 =	simm.s32 @p2 $0x80;
	[sflag:s9] =	ssyncset.done @p2 $0x0  }
0x9b: {  	s8 =	simm.s32 @p2 $0x3;
	[sflag:s9] =	ssyncadd.s32 @p2 $0xFFFFC000;
	s9 =	simm.s32 @p2 $0x400  }
0x9c: {  	[spmem:s2] =	stream.indirect.scatter.add.f32 @p2 [tilespmem:s9], [sflag:$0x3], $0x80, s3, s0, $0xb8;
	[tilespmem:$0x1C400] =	vst v63  }
0x9d: {  	_ =	swait.ge @p2 [sflag:s8], $0x4000  }
0x9e: {  	s0 =	simm.s32 @!p2 $0x0;
	[sflag:s8] =	ssyncset.done @p2 $0x0  }
0x9f: {  	s3 =	simm.s32 @!p2 $0x300;
	s9 =	simm.s32 @!p2 $0x2;
	[sflag:s8] =	ssyncadd.s32 @p2 $0xFFFFC000  }
0xa0: {  	[tilespmem:s3], [sflag:$0x1] =	stream.linear.gather @!p2 [hbm4b:s29+s0], $0x100, $0x38;
	[tilespmem:$0x1C400] =	vst v63  }
0xa1: {  	_ =	swait.ge @!p2 [sflag:s9], $0x4000  }
0xa2: {  	s22 =	simm.s32 @!p2 $0x3;
	s8 =	simm.s32 @!p2 $0x280;
	[sflag:s9] =	ssyncset.done @!p2 $0x0  }
0xa3: {  	s0 =	simm.s32 @!p2 $0x80;
	[sflag:s9] =	ssyncadd.s32 @!p2 $0xFFFFC000;
	s9 =	simm.s32 @!p2 $0x400  }
0xa4: {  	[spmem:s2] =	stream.indirect.scatter.add.f32 @!p2 [tilespmem:s9], [sflag:$0x3], $0x80, s8, s0, $0xb8;
	[tilespmem:$0x1C400] =	vst v63  }
0xa5: {  	_ =	swait.ge @!p2 [sflag:s22], $0x4000  }
0xa6: {  	[sflag:s22] =	ssyncset.done @!p2 $0x0  }
0xa7: {  	s8 =	simm.s32 @!p2 $0x1;
	[sflag:s22] =	ssyncadd.s32 @!p2 $0xFFFFC000  }
0xa8: {  	s31 =	smov.u32 s28;
	s28 =	sadd.s32 $0x4, s28;
	_ =	swait.ge @!p2 [sflag:s8], $0x100  }
0xa9: {  	p1 =	sge.u32 s28, s6;
	[sflag:s8] =	ssyncset.done @!p2 $0x0  }
0xaa: {  	s9 =	simm.s32 @!p2 $0x4400;
	s22 =	simm.s32 @p1 $0x2;
	[sflag:s8] =	ssyncadd.s32 @!p2 $0xFFFFFF00  }
0xab: {  	[tilespmem:s9], [sflag:$0x2] =	stream.indirect.gather @!p2 [hbm4b:s1+s0], $0x80, s3, s0, $0xb8;
	[tilespmem:$0x1C400] =	vst v63  }
0xac: {  	_ =	swait.ge @p1 [sflag:s22], $0x4000  }
0xad: {  	s8 =	simm.s32 @p1 $0x3;
	s0 =	simm.s32 @p1 $0x80;
	[sflag:s22] =	ssyncset.done @p1 $0x0  }
0xae: {  	s3 =	simm.s32 @p1 $0x380;
	s9 =	simm.s32 @p1 $0x4400;
	[sflag:s22] =	ssyncadd.s32 @p1 $0xFFFFC000  }
0xaf: {  	[spmem:s2] =	stream.indirect.scatter.add.f32 @p1 [tilespmem:s9], [sflag:$0x3], $0x80, s3, s0, $0xb8;
	[tilespmem:$0x1C400] =	vst v63  }
0xb0: {  	_ =	swait.ge @p1 [sflag:s8], $0x4000  }
0xb1: {  	s3 =	sadd.s32 @!p1 $0x20, s29;
	[sflag:s8] =	ssyncset.done @p1 $0x0  }
0xb2: {  	s0 =	simm.s32 @!p1 $0x0;
	s9 =	simm.s32 @!p1 $0x2;
	[sflag:s8] =	ssyncadd.s32 @p1 $0xFFFFC000  }
0xb3: {  	[tilespmem:s0], [sflag:$0x1] =	stream.linear.gather @!p1 [hbm4b:s3+s0], $0x100, $0x38;
	[tilespmem:$0x1C400] =	vst v63  }
0xb4: {  	s26 =	sadd.s32 $0xFFFFFFFF, s26;
	_ =	swait.ge @!p1 [sflag:s9], $0x4000  }
0xb5: {  	s22 =	simm.s32 @!p1 $0x3;
	s8 =	simm.s32 @!p1 $0x380;
	[sflag:s9] =	ssyncset.done @!p1 $0x0  }
0xb6: {  	s3 =	simm.s32 @!p1 $0x80;
	[sflag:s9] =	ssyncadd.s32 @!p1 $0xFFFFC000;
	s9 =	simm.s32 @!p1 $0x4400  }
0xb7: {  	[spmem:s2] =	stream.indirect.scatter.add.f32 @!p1 [tilespmem:s9], [sflag:$0x3], $0x80, s8, s3, $0xb8;
	[tilespmem:$0x1C400] =	vst v63  }
0xb8: {  	p0 =	sne.s32 s26, $0x0;
	_ =	swait.ge @!p1 [sflag:s22], $0x4000  }
.Ltmp1:
0xb9: {  	[sflag:s22] =	ssyncset.done @!p1 $0x0;
	(pc) =	sbr.rel @p0 .LBB2_2-.Ltmp1, $4  }
0xba: {  	s31 =	sadd.s32 $0x5, s31;
	s8 =	simm.s32 @!p1 $0x1;
	[sflag:s22] =	ssyncadd.s32 @!p1 $0xFFFFC000  }
0xbb: {  	s30 =	smov.u32 s29;
	p2 =	sge.u32 s31, s6;
	_ =	swait.ge @!p1 [sflag:s8], $0x100  }
0xbc: {  	s29 =	sadd.s32 $0x80, s29;
	s9 =	simm.s32 @!p2 $0x100;
	[sflag:s8] =	ssyncset.done @!p1 $0x0  }
0xbd: {  	s22 =	simm.s32 @!p1 $0x400;
	[sflag:s8] =	ssyncadd.s32 @!p1 $0xFFFFFF00;
	s8 =	simm.s32 @!p2 $0x0  }
.LBB2_3:
0xbe: {  	[tilespmem:s22], [sflag:$0x2] =	stream.indirect.gather @!p1 [hbm4b:s1+s3], $0x80, s0, s3, $0xb8;
	[tilespmem:$0x1C400] =	vst v63  }
0xbf: {  	s0 =	sadd.s32 @!p2 $0x40, s30  }
0xc0: {  	[tilespmem:s9], [sflag:$0x1] =	stream.linear.gather @!p2 [hbm4b:s0+s8], $0x100, $0x38;
	[tilespmem:$0x1C400] =	vst v63  }
0xc1: {  	_ =	swait.ge [sflag:s24], $0x4000  }
0xc2: {  	s25 =	sadd.s32 $0x1, s25;
	[sflag:s24] =	ssyncset.done $0x0  }
0xc3: {  	p0 =	sne.s32 s25, s12;
	[sflag:s24] =	ssyncadd.s32 $0xFFFFC000  }
.Ltmp2:
0xc4: {  	[bflag:$0x0] =	sbarrier.arrive $0xFFFF;
	(pc) =	sbr.rel @p0 .LBB2_1-.Ltmp2, $4  }
0xc5: {  	[hbm:s11], [sflag:s7] =	dma.local [spmem:s14], $0x2800  }
0xc6: {  	_ =	swait.ge [sflag:s15], $0x2800  }
0xc7: {  	[sflag:s15] =	ssyncset.done $0x0  }
0xc8: {  	[sflag:s15] =	ssyncadd.s32 $0xFFFFD800  }
0xc9: {  	_ =	sfence.sel $0x180000  }
0xca: {  	[bflag:$0x0] =	sbarrier.arrive $0xFFFF  }
0xcb: {  	_ =	strace $0x9000004D  }
0xcc: {  	s0 =	stileid.u32;
	[bflag:$0x2] =	sbarrier.arrive $0xFFFF  }
0xcd: {  	p0 =	sne.s32 s0, $0x0;
	s0 =	rddreg [dreg:$0x3]  }
0xce: {  	s0 =	sadd.s32 @!p0 $0x100000, s0  }
0xcf: {  	[sflag:s0] =	ssyncadd.tile.s32 @!p0 $0x1;
	_ =	shalt  }
.Lfunc_end2:
_tile_overlayer_lowered:
.L_overlay_start_2:
0xd0: {  	(tag) =	ssettag $0x2  }
0xd1: {  	s0 =	rddreg [dreg:$0x0];
	s2 =	stileid.u32  }
0xd2: {  	s1 =	rddreg [dreg:$0x1];
	p0 =	sne.s32 s2, $0x0  }
0xd3: {  	s3 =	rddreg [dreg:$0x2];
	[bflag:$0x3] =	sbarrier.arrive $0xFFFF;
	s2 =	simm.s32 @!p0 $0x1C04  }
0xd4: {  	[timem:s3], [sflag:s2] =	dma.local @!p0 [hbm:s0], s1  }
0xd5: {  	s0 =	simm.s32 @!p0 $0x4  }
0xd6: {  	_ =	swait.ge @!p0 [sflag:s0], s1  }
0xd7: {  	s1 =	ssub.s32 @!p0 $0x0, s1;
	[sflag:s0] =	ssyncset.done @!p0 $0x0  }
0xd8: {  	[sflag:s0] =	ssyncadd.s32 @!p0 s1  }
0xd9: {  	[bflag:$0x3] =	sbarrier.arrive $0xFFFF  }
0xda: {  	_ =	shalt  }

// kernel: kernel.9.cloned.1.call-start
scs
__scs_entry_jumppad:
0x0: {  	(pc) =	sbr.rel $0x88, $3  }
0x1: {  	(tag) =	ssettag $0x0;
	lr =	simm.s32 $0x1  }
0x2: {  	[smem:$0x3F98] =	sst lr;
	_ =	strace $0xD0000000  }
0x3: {  	_ = 	snop  }
0x4: {  	_ = 	snop  }
0x5: {  	_ = 	snop  }
0x6: {  	_ = 	snop  }
0x7: {  	_ = 	snop  }
__scs_overlays_trampoline_lowered:
0x8: {  	[smem:$0x3FA7] =	sst s0  }
0x9: {  	[smem:$0x3FA8] =	sst s1  }
0xa: {  	[smem:$0x3FA9] =	sst s2  }
0xb: {  	[smem:$0x3FAA] =	sst s3  }
0xc: {  	[smem:$0x3FAB] =	sst s4  }
0xd: {  	[smem:$0x3FAC] =	sst s5  }
0xe: {  	[smem:$0x3FAD] =	sst s6  }
0xf: {  	[smem:$0x3FAE] =	sst s7  }
0x10: {  	[smem:$0x3FAF] =	sst s8  }
0x11: {  	[smem:$0x3FB0] =	sst s9;
	s0 =	simm.s32 @!p0 $0x0  }
0x12: {  	s1 =	sld [smem:$0x3F96];
	s0 =	simm.s32 @p0 $0x1  }
0x13: {  	[smem:$0x3FB1] =	sst s0;
	s0 =	simm.s32 @!p1 $0x0  }
0x14: {  	s2 =	sld [smem:$0x3F95];
	s0 =	simm.s32 @p1 $0x1  }
0x15: {  	[smem:$0x3FB2] =	sst s0;
	s0 =	simm.s32 @!p2 $0x0  }
0x16: {  	s3 =	sld [smem:$0x3FDB];
	s0 =	simm.s32 @p2 $0x1  }
0x17: {  	s4 =	simm.s32 $0x1BF5;
	[smem:$0x3FB4] =	sst s0  }
0x18: {  	s0 =	sld [smem:$0x3F97];
	_ =	swait.ge [sflag:s4], $0x0  }
0x19: {  	s7 =	sld [smem:$0x3F98]  }
0x1a: {  	s8 =	sadd.s32 $0xFFFFE003, lr  }
0x1b: {  	s9 =	sadd.s32 $0xFFFFFEF7, lr;
	s5 =	simm.s32 $0xFFFFFFFF;
	p2 =	slt.u32 s8, $0xFFFFF086  }
0x1c: {  	p1 =	slt.u32 s9, $0xF7A;
	s5 =	simm.s32 @!p2 $0x0  }
0x1d: {  	s5 =	simm.s32 @p1 $0x1;
	p0 =	seq.s32 s7, s2  }
0x1e: {  	s7 =	smul.u32 @!p0 $0xF7A, s2;
	p2 =	seq.s32 @!p0 s5, $0x0  }
0x1f: {  	s9 =	smul.u32 $0xF7A, s1;
	s8 =	simm.s32 @!p0 $0x1BF5;
	p2 =	por !p2, p0  }
0x20: {  	[sflag:s8] =	ssyncset.s32 @!p0 $0xFFFFF086;
	s6 =	sadd.s32 @!p0 s3, s7;
	s7 =	simm.s32 @!p0 $0x108  }
0x21: {  	s3 =	sadd.s32 s3, s9;
	s6 =	sadd.s32 @!p0 $0x88, s6;
	s7 =	simm.s32 @p2 $0x1082  }
0x22: {  	[simem:s7], [sflag:s8] =	dma.local @!p0 [hbm:s6], $0xF7A  }
0x23: {  	s9 =	sor.u32 $0xD0000000, s2;
	s6 =	simm.s32 $0x108;
	_ =	swait.ge @!p0 [sflag:s8], $0x0  }
0x24: {  	s3 =	sadd.s32 $0x88, s3;
	s6 =	simm.s32 @!p1 $0x1082;
	[sflag:s4] =	ssyncset.s32 $0xFFFFF086  }
0x25: {  	[simem:s6], [sflag:s4] =	dma.local [hbm:s3], $0xF7A  }
0x26: {  	[smem:$0x3F98] =	sst s1;
	(tag) =	ssettag s2;
	_ =	strace s9  }
0x27: {  	s1 =	sld [smem:$0x3FA8]  }
0x28: {  	s2 =	sld [smem:$0x3FA9]  }
0x29: {  	s4 =	sld [smem:$0x3FAB]  }
0x2a: {  	p0 =	seq.s32 s5, $0x0;
	s5 =	sld [smem:$0x3FAC]  }
0x2b: {  	s6 =	sld [smem:$0x3FAD]  }
0x2c: {  	s7 =	sld [smem:$0x3FAE]  }
0x2d: {  	s3 =	simm.s32 $0x108;
	s8 =	sld [smem:$0x3FAF]  }
0x2e: {  	s3 =	simm.s32 @!p0 $0x1082;
	s9 =	sld [smem:$0x3FB0]  }
0x2f: {  	lr =	sadd.s32 s0, s3;
	s0 =	sld [smem:$0x3FA7]  }
0x30: {  	s3 =	sld [smem:$0x3FAA]  }
0x31: {  	[smem:$0x3FB3] =	sst s10  }
0x32: {  	s10 =	sld [smem:$0x3FB1];
	_ =	sdelay $0x3  }
0x33: {  	p0 =	seq.s32 s10, $0x1;
	s10 =	sld [smem:$0x3FB3];
	_ =	sdelay $0x3  }
0x34: {  	[smem:$0x3FB3] =	sst s10  }
0x35: {  	s10 =	sld [smem:$0x3FB2];
	_ =	sdelay $0x3  }
0x36: {  	p1 =	seq.s32 s10, $0x1;
	s10 =	sld [smem:$0x3FB3];
	_ =	sdelay $0x3  }
0x37: {  	[smem:$0x3FB3] =	sst s10  }
0x38: {  	s10 =	sld [smem:$0x3FB4]  }
0x39: {  	_ = 	snop;
	(pc) =	sbr.ind lr, $3  }
0x3a: {  	_ = 	snop  }
0x3b: {  	_ = 	snop  }
0x3c: {  	p2 =	seq.s32 s10, $0x1;
	s10 =	sld [smem:$0x3FB3]  }
0x3d: {  	_ =	shalt  }
0x3e: {  	_ =	shalt  }
0x3f: {  	_ =	shalt  }
0x40: {  	_ =	shalt  }
0x41: {  	_ =	shalt  }
0x42: {  	_ =	shalt  }
0x43: {  	_ =	shalt  }
0x44: {  	_ =	shalt  }
0x45: {  	_ =	shalt  }
0x46: {  	_ =	shalt  }
0x47: {  	_ =	shalt  }
0x48: {  	_ =	shalt  }
0x49: {  	_ =	shalt  }
0x4a: {  	_ =	shalt  }
0x4b: {  	_ =	shalt  }
0x4c: {  	_ =	shalt  }
0x4d: {  	_ =	shalt  }
0x4e: {  	_ =	shalt  }
0x4f: {  	_ =	shalt  }
0x50: {  	_ =	shalt  }
0x51: {  	_ =	shalt  }
0x52: {  	_ =	shalt  }
0x53: {  	_ =	shalt  }
0x54: {  	_ =	shalt  }
0x55: {  	_ =	shalt  }
0x56: {  	_ =	shalt  }
0x57: {  	_ =	shalt  }
0x58: {  	_ =	shalt  }
0x59: {  	_ =	shalt  }
0x5a: {  	_ =	shalt  }
0x5b: {  	_ =	shalt  }
0x5c: {  	_ =	shalt  }
0x5d: {  	_ =	shalt  }
0x5e: {  	_ =	shalt  }
0x5f: {  	_ =	shalt  }
0x60: {  	_ =	shalt  }
0x61: {  	_ =	shalt  }
0x62: {  	_ =	shalt  }
0x63: {  	_ =	shalt  }
0x64: {  	_ =	shalt  }
0x65: {  	_ =	shalt  }
0x66: {  	_ =	shalt  }
0x67: {  	_ =	shalt  }
0x68: {  	_ =	shalt  }
0x69: {  	_ =	shalt  }
0x6a: {  	_ =	shalt  }
0x6b: {  	_ =	shalt  }
0x6c: {  	_ =	shalt  }
0x6d: {  	_ =	shalt  }
0x6e: {  	_ =	shalt  }
0x6f: {  	_ =	shalt  }
0x70: {  	_ =	shalt  }
0x71: {  	_ =	shalt  }
0x72: {  	_ =	shalt  }
0x73: {  	_ =	shalt  }
0x74: {  	_ =	shalt  }
0x75: {  	_ =	shalt  }
0x76: {  	_ =	shalt  }
0x77: {  	_ =	shalt  }
0x78: {  	_ =	shalt  }
0x79: {  	_ =	shalt  }
0x7a: {  	_ =	shalt  }
0x7b: {  	_ =	shalt  }
0x7c: {  	_ =	shalt  }
0x7d: {  	_ =	shalt  }
0x7e: {  	_ =	shalt  }
0x7f: {  	_ =	shalt  }
0x80: {  	_ =	shalt  }
0x81: {  	_ =	shalt  }
0x82: {  	_ =	shalt  }
0x83: {  	_ =	shalt  }
0x84: {  	_ =	shalt  }
0x85: {  	_ =	shalt  }
0x86: {  	_ =	shalt  }
0x87: {  	_ =	shalt  }
.Lfunc_end0:
.L_simem_size_0:
called_computation_lowered:
.L_overlay_start_0:
0x88: {  	s2 =	sld [smem:$0x3FD9]  }
0x89: {  	s3 =	sld [smem:$0x3FFE];
	_ =	sdelay $0x1  }
0x8a: {  	s1 =	srdreg.scid  }
0x8b: {  	s0 =	sand.u32 $0x1, s1  }
0x8c: {  	s17 =	sshll.u32 s0, $0xA;
	s2 =	sadd.s32 s3, s2  }
0x8d: {  	s2 =	sadd.s32 s2, s17  }
0x8e: {  	[smem:$0x3FBF] =	sst s2  }
0x8f: {  	_ = 	snop  }
0x90: {  	s2 =	sld [smem:$0x3FD0];
	(tm) =	ssettm $0x1  }
0x91: {  	s18 =	sld [smem:$0x3FFB];
	_ =	sdelay $0x3  }
0x92: {  	_ =	strace s18  }
0x93: {  	s3 =	sld [smem:$0x3FFC];
	_ =	sdelay $0x3  }
0x94: {  	_ =	strace s3  }
0x95: {  	s3 =	sld [smem:$0x3FFD];
	_ =	sdelay $0x3  }
0x96: {  	_ =	strace s3  }
0x97: {  	_ =	strace $0x8FFFFFFF  }
0x98: {  	s19 =	sld [smem:$0x3FDB];
	_ =	sdelay $0x1  }
0x99: {  	s4 =	simm.s32 $_scs_section_size  }
0x9a: {  	s5 =	simm.s32 $_size__tile_overlayer_lowered;
	s6 =	simm.s32 $_tile_overlayer_lowered  }
0x9b: {  	s22 =	simm.s32 $0x1BFF;
	s21 =	sshll.u32 s6, $0x1;
	s3 =	sadd.s32 s4, s19  }
0x9c: {  	s7 =	simm.s32 $0x0;
	s20 =	sshll.u32 s5, $0x1;
	s5 =	sadd.s32 s21, s3  }
0x9d: {  	[timem:s7], [sflag:s22] =	dma.local [hbm:s5], s20  }
0x9e: {  	_ =	swait.ge [sflag:s22], s20  }
0x9f: {  	s4 =	ssub.s32 $0x0, s20;
	[sflag:s22] =	ssyncset.done $0x0  }
0xa0: {  	[sflag:s22] =	ssyncadd.s32 s4;
	_ =	sdelay $0x1  }
0xa1: {  	s23 =	simm.s32 $0x1B8B  }
0xa2: {  	_ =	swait.ge [sflag:s23], $0x1  }
0xa3: {  	[sflag:s23] =	ssyncset.done $0x0  }
0xa4: {  	s25 =	simm.s32 $0x1B8E;
	s24 =	sld [smem:$0x3FFE];
	[sflag:s23] =	ssyncadd.s32 $0xFFFFFFFF  }
0xa5: {  	s26 =	simm.s32 $execute0_lowered;
	[smem:$0x3FD2] =	sst s25  }
0xa6: {  	s5 =	sshll.u32 s26, $0x1;
	_ =	strace $0x80000046;
	[dreg:$0x1] =	wrdreg $0xFFFFFFFF  }
0xa7: {  	s28 =	simm.s32 $_size_execute0_lowered;
	s3 =	sadd.s32 s3, s5;
	[dreg:$0x0] =	wrdreg $0x0  }
0xa8: {  	s5 =	sshll.u32 s28, $0x1;
	[dreg:$0x2] =	wrdreg s3  }
0xa9: {  	[dreg:$0x3] =	wrdreg s5  }
0xaa: {  	[dreg:$0x4] =	wrdreg $0xC0  }
0xab: {  	_ =	task [dreg:s7], $0x5FFFF  }
0xac: {  	[dreg:$0x1] =	wrdreg $0xFFFFFFFF  }
0xad: {  	[dreg:$0x0] =	wrdreg $0x60  }
0xae: {  	[dreg:$0x2] =	wrdreg s2  }
0xaf: {  	[dreg:$0x3] =	wrdreg s24  }
0xb0: {  	[dreg:$0x4] =	wrdreg $0x84000  }
0xb1: {  	[dreg:$0x5] =	wrdreg $0x9  }
0xb2: {  	_ =	task.clear_ibuf [dreg:s7], $0x6FFFF;
	_ =	strace $0x90000046  }
0xb3: {  	s29 =	simm.s32 $0x9;
	_ =	strace $0x80000048  }
0xb4: {  	_ =	swait.ge [sflag:s29], $0x1  }
0xb5: {  	[sflag:s29] =	ssyncadd.s32 $0xFFFFFFFF  }
0xb6: {  	_ =	strace $0x90000048  }
0xb7: {  	_ =	sfence  }
0xb8: {  	s30 =	sld [smem:$0x0];
	_ =	sdelay $0x2  }
0xb9: {  	s31 =	sshll.u32 s1, $0xD;
	s1 =	sshrl.u32 s1, $0x2  }
0xba: {  	s3 =	sand.u32 $0x4000, s31;
	s1 =	sadd.s32 s1, s30  }
0xbb: {  	s0 =	sor.u32 s3, s0;
	s1 =	sshll.u32 s1, $0x11  }
0xbc: {  	s0 =	sor.u32 s1, s0  }
0xbd: {  	s0 =	sadd.s32 $0x8F2B, s0  }
0xbe: {  	[sflag:s0] =	ssyncadd.remote.s32 $0x1  }
0xbf: {  	_ =	sfence.sel $0xFFFF  }
0xc0: {  	[dreg:$0x0] =	wrdreg $0xFFFFFFFF;
	(pc) =	sbr.abs _section_cstart, $3  }
0xc1: {  	[dreg:$0x1] =	wrdreg $0xFFFFFFFF  }
0xc2: {  	_ =	task.clear_ibuf [dreg:s7], $0x2FFFF;
	_ =	strace $0x9FFFFFFF  }
0xc3: {  	(tm) =	ssettm $0x7FFFFFFF  }
tec
execute0_lowered:
.L_overlay_start_1:
0x0: {  	(tag) =	ssettag $0x1  }
0x1: {  	s1 =	rddreg [dreg:$0x0]  }
0x2: {  	s0 =	rddreg [dreg:$0x1]  }
0x3: {  	s2 =	rddreg [dreg:$0x2]  }
0x4: {  	s4 =	simm.s32 $0x0;
	s3 =	srdreg.scid;
	s10 =	stileid.u32  }
0x5: {  	s15 =	simm.s32 $0x4;
	s20 =	simm.s32 $0x80;
	s5 =	smul.u32 $0x90, s10  }
0x6: {  	s21 =	simm.s32 $0x400;
	[smem:$0x7FF] =	sst s4;
	s23 =	smul.u32 $0x14000, s10  }
0x7: {  	s3 =	sand.u32 $0x1, s3;
	s6 =	sshll.u32 s10, $0x4;
	s9 =	smul.u32 $0x50000, s10  }
0x8: {  	s28 =	sshll.u32 s10, $0x6;
	p0 =	seq.s32 s3, $0x0;
	s6 =	sor.u32 $0x900, s6  }
0x9: {  	s7 =	smul.u32 $0x140000, s3;
	_ =	strace $0x80000047;
	s3 =	ssub.s32 $0x2, s3  }
0xa: {  	s6 =	smov.u32 @p0 s5;
	s25 =	sshrl.u32 s3, $0x1;
	s26 =	sshrl.u32 s9, $0x2  }
0xb: {  	s6 =	sshll.u32 s6, $0x5;
	s5 =	sadd.s32 s23, s7;
	s3 =	ssub.s32 s3, s25  }
0xc: {  	s14 =	sadd.s32 s26, s2;
	s7 =	sor.u32 $0x1C04, s28;
	s23 =	simm.s32 $0x2  }
0xd: {  	s25 =	simm.s32 $0x0;
	s8 =	sadd.s32 s6, s0;
	s24 =	sshrl.u32 s5, $0x3  }
0xe: {  	s5 =	sadd.s32 $0x17800, s0;
	s6 =	simm.s32 $0x90;
	s29 =	sadd.s32 $0x4000, s14  }
0xf: {  	s17 =	sadd.s32 $0x8000, s14;
	s18 =	sadd.s32 $0xC000, s14;
	s19 =	sadd.s32 $0x10000, s14  }
0x10: {  	s12 =	smax.u32 s3, $0x1;
	s14 =	sshrl.u32 s14, $0x3;
	s0 =	sadd.s32 s24, s0  }
0x11: {  	s6 =	simm.s32 @!p0 $0x10;
	s30 =	sadd.s32 $0x3800, s8;
	s31 =	sadd.s32 $0x3820, s8  }
0x12: {  	s13 =	sadd.s32 $0x3860, s8;
	s16 =	sshrl.u32 s29, $0x3;
	s17 =	sshrl.u32 s17, $0x3  }
0x13: {  	s18 =	sshrl.u32 s18, $0x3;
	s19 =	sshrl.u32 s19, $0x3;
	[dreg:$0x5] =	wrdreg s30  }
0x14: {  	s24 =	simm.s32 $0x3;
	s11 =	sadd.s32 $0xFFFFFFFF, s6;
	[dreg:$0x6] =	wrdreg s31  }
0x15: {  	s10 =	sshrl.u32 s6, $0x2;
	[dreg:$0x4] =	wrdreg s11;
	s11 =	sadd.s32 $0x18000, s0  }
.LBB2_1:
0x16: {  	[spmem:s14], [sflag:s7] =	dma.local [hbm:s5], $0x800  }
0x17: {  	_ =	swait.ge [sflag:s15], $0x800  }
0x18: {  	[sflag:s15] =	ssyncset.done $0x0  }
0x19: {  	[sflag:s15] =	ssyncadd.s32 $0xFFFFF800  }
0x1a: {  	[spmem:s16], [sflag:s7] =	dma.local [hbm:s5], $0x800  }
0x1b: {  	_ =	swait.ge [sflag:s15], $0x800  }
0x1c: {  	[sflag:s15] =	ssyncset.done $0x0  }
0x1d: {  	[sflag:s15] =	ssyncadd.s32 $0xFFFFF800  }
0x1e: {  	[spmem:s17], [sflag:s7] =	dma.local [hbm:s5], $0x800  }
0x1f: {  	_ =	swait.ge [sflag:s15], $0x800  }
0x20: {  	[sflag:s15] =	ssyncset.done $0x0  }
0x21: {  	[sflag:s15] =	ssyncadd.s32 $0xFFFFF800  }
0x22: {  	[spmem:s18], [sflag:s7] =	dma.local [hbm:s5], $0x800  }
0x23: {  	_ =	swait.ge [sflag:s15], $0x800  }
0x24: {  	[sflag:s15] =	ssyncset.done $0x0  }
0x25: {  	[sflag:s15] =	ssyncadd.s32 $0xFFFFF800  }
0x26: {  	[spmem:s19], [sflag:s7] =	dma.local [hbm:s5], $0x800  }
0x27: {  	_ =	swait.ge [sflag:s15], $0x800  }
0x28: {  	[sflag:s15] =	ssyncset.done $0x0  }
0x29: {  	[sflag:s15] =	ssyncadd.s32 $0xFFFFF800  }
0x2a: {  	[bflag:$0x0] =	sbarrier.arrive $0xFFFF  }
0x2b: {  	s0 =	rddreg [dreg:$0x5]  }
0x2c: {  	[tilespmem:s4], [sflag:$0x4] =	stream.linear.gather [hbm4b:s0+s4], $0x100, $0x38;
	[tilespmem:$0x1C400] =	vst v63  }
0x2d: {  	_ =	swait.ge [sflag:s15], $0x100  }
0x2e: {  	[sflag:s15] =	ssyncset.done $0x0  }
0x2f: {  	[sflag:s15] =	ssyncadd.s32 $0xFFFFFF00  }
0x30: {  	[tilespmem:s21], [sflag:$0x2] =	stream.indirect.gather [hbm4b:s1+s20], $0x80, s4, s20, $0xb8;
	[tilespmem:$0x1C400] =	vst v63  }
0x31: {  	s3 =	simm.s32 $0x100;
	s26 =	rddreg [dreg:$0x6]  }
0x32: {  	[tilespmem:s3], [sflag:$0x1] =	stream.linear.gather [hbm4b:s26+s4], $0x100, $0x38;
	[tilespmem:$0x1C400] =	vst v63  }
0x33: {  	_ =	swait.ge [sflag:s23], $0x4000  }
0x34: {  	p0 =	por $0x1, $0x1;
	[sflag:s23] =	ssyncset.done $0x0  }
0x35: {  	s0 =	simm.s32 @!p0 $0x3;
	[sflag:s23] =	ssyncadd.s32 $0xFFFFC000  }
0x36: {  	[spmem:s2] =	stream.indirect.scatter.add.f32 [tilespmem:s21], [sflag:$0x3], $0x80, s20, s20, $0xb8;
	[tilespmem:$0x1C400] =	vst v63  }
0x37: {  	_ =	swait.ge @!p0 [sflag:s0], $0x4000  }
0x38: {  	s31 =	rddreg [dreg:$0x4]  }
0x39: {  	[sflag:s0] =	ssyncset.done @!p0 $0x0;
	p1 =	sle.u32 s31, $0x0  }
0x3a: {  	[sflag:s0] =	ssyncadd.s32 @!p0 $0xFFFFC000;
	s0 =	simm.s32 @!p1 $0x1  }
0x3b: {  	p0 =	sle.u32 s6, $0x2;
	_ =	swait.ge @!p1 [sflag:s0], $0x100  }
0x3c: {  	s3 =	simm.s32 @!p1 $0x4400;
	s8 =	simm.s32 @!p1 $0x80;
	[sflag:s0] =	ssyncset.done @!p1 $0x0  }
0x3d: {  	s9 =	simm.s32 @!p1 $0x100;
	s22 =	simm.s32 @p0 $0x2;
	[sflag:s0] =	ssyncadd.s32 @!p1 $0xFFFFFF00  }
0x3e: {  	[tilespmem:s3], [sflag:$0x2] =	stream.indirect.gather @!p1 [hbm4b:s1+s8], $0x80, s9, s8, $0xb8;
	[tilespmem:$0x1C400] =	vst v63  }
0x3f: {  	_ =	swait.ge @p0 [sflag:s22], $0x4000  }
0x40: {  	s0 =	simm.s32 @p0 $0x80;
	s3 =	simm.s32 @p0 $0x180;
	[sflag:s22] =	ssyncset.done @p0 $0x0  }
0x41: {  	s8 =	simm.s32 @p0 $0x3;
	s9 =	simm.s32 @p0 $0x4400;
	[sflag:s22] =	ssyncadd.s32 @p0 $0xFFFFC000  }
0x42: {  	[spmem:s2] =	stream.indirect.scatter.add.f32 @p0 [tilespmem:s9], [sflag:$0x3], $0x80, s3, s0, $0xb8;
	[tilespmem:$0x1C400] =	vst v63  }
0x43: {  	_ =	swait.ge @p0 [sflag:s8], $0x4000  }
0x44: {  	s0 =	sadd.s32 @!p0 $0xFFFFFFE0, s13;
	s3 =	simm.s32 @!p0 $0x0;
	[sflag:s8] =	ssyncset.done @p0 $0x0  }
0x45: {  	s9 =	simm.s32 @!p0 $0x2;
	[sflag:s8] =	ssyncadd.s32 @p0 $0xFFFFC000;
	s8 =	simm.s32 @!p0 $0x200  }
0x46: {  	[tilespmem:s8], [sflag:$0x1] =	stream.linear.gather @!p0 [hbm4b:s0+s3], $0x100, $0x38;
	[tilespmem:$0x1C400] =	vst v63  }
0x47: {  	_ =	swait.ge @!p0 [sflag:s9], $0x4000  }
0x48: {  	s22 =	simm.s32 @!p0 $0x3;
	s0 =	simm.s32 @!p0 $0x80;
	[sflag:s9] =	ssyncset.done @!p0 $0x0  }
0x49: {  	s3 =	simm.s32 @!p0 $0x180;
	[sflag:s9] =	ssyncadd.s32 @!p0 $0xFFFFC000;
	s9 =	simm.s32 @!p0 $0x4400  }
0x4a: {  	[spmem:s2] =	stream.indirect.scatter.add.f32 @!p0 [tilespmem:s9], [sflag:$0x3], $0x80, s3, s0, $0xb8;
	[tilespmem:$0x1C400] =	vst v63  }
0x4b: {  	_ =	swait.ge @!p0 [sflag:s22], $0x4000  }
0x4c: {  	[sflag:s22] =	ssyncset.done @!p0 $0x0  }
0x4d: {  	s3 =	simm.s32 @!p0 $0x1;
	[sflag:s22] =	ssyncadd.s32 @!p0 $0xFFFFC000  }
0x4e: {  	_ =	swait.ge @!p0 [sflag:s3], $0x100  }
0x4f: {  	p2 =	sle.u32 s6, $0x3;
	[sflag:s3] =	ssyncset.done @!p0 $0x0  }
0x50: {  	s9 =	simm.s32 @!p0 $0x400;
	s22 =	simm.s32 @p2 $0x2;
	[sflag:s3] =	ssyncadd.s32 @!p0 $0xFFFFFF00  }
0x51: {  	[tilespmem:s9], [sflag:$0x2] =	stream.indirect.gather @!p0 [hbm4b:s1+s0], $0x80, s8, s0, $0xb8;
	[tilespmem:$0x1C400] =	vst v63  }
0x52: {  	_ =	swait.ge @p2 [sflag:s22], $0x4000  }
0x53: {  	s3 =	simm.s32 @p2 $0x280;
	s0 =	simm.s32 @p2 $0x80;
	[sflag:s22] =	ssyncset.done @p2 $0x0  }
0x54: {  	s8 =	simm.s32 @p2 $0x3;
	s9 =	simm.s32 @p2 $0x400;
	[sflag:s22] =	ssyncadd.s32 @p2 $0xFFFFC000  }
0x55: {  	[spmem:s2] =	stream.indirect.scatter.add.f32 @p2 [tilespmem:s9], [sflag:$0x3], $0x80, s3, s0, $0xb8;
	[tilespmem:$0x1C400] =	vst v63  }
0x56: {  	_ =	swait.ge @p2 [sflag:s8], $0x4000  }
0x57: {  	s0 =	simm.s32 @!p2 $0x0;
	[sflag:s8] =	ssyncset.done @p2 $0x0  }
0x58: {  	s3 =	simm.s32 @!p2 $0x300;
	s9 =	simm.s32 @!p2 $0x2;
	[sflag:s8] =	ssyncadd.s32 @p2 $0xFFFFC000  }
0x59: {  	[tilespmem:s3], [sflag:$0x1] =	stream.linear.gather @!p2 [hbm4b:s13+s0], $0x100, $0x38;
	[tilespmem:$0x1C400] =	vst v63  }
0x5a: {  	_ =	swait.ge @!p2 [sflag:s9], $0x4000  }
0x5b: {  	s22 =	simm.s32 @!p2 $0x3;
	s8 =	simm.s32 @!p2 $0x280;
	[sflag:s9] =	ssyncset.done @!p2 $0x0  }
0x5c: {  	s0 =	simm.s32 @!p2 $0x80;
	[sflag:s9] =	ssyncadd.s32 @!p2 $0xFFFFC000;
	s9 =	simm.s32 @!p2 $0x400  }
0x5d: {  	[spmem:s2] =	stream.indirect.scatter.add.f32 @!p2 [tilespmem:s9], [sflag:$0x3], $0x80, s8, s0, $0xb8;
	[tilespmem:$0x1C400] =	vst v63  }
0x5e: {  	_ =	swait.ge @!p2 [sflag:s22], $0x4000  }
0x5f: {  	[sflag:s22] =	ssyncset.done @!p2 $0x0  }
0x60: {  	s8 =	simm.s32 @!p2 $0x1;
	[sflag:s22] =	ssyncadd.s32 @!p2 $0xFFFFC000  }
0x61: {  	_ =	swait.ge @!p2 [sflag:s8], $0x100  }
0x62: {  	p1 =	sle.u32 s6, $0x4;
	[sflag:s8] =	ssyncset.done @!p2 $0x0  }
0x63: {  	s9 =	simm.s32 @!p2 $0x4400;
	s22 =	simm.s32 @p1 $0x2;
	[sflag:s8] =	ssyncadd.s32 @!p2 $0xFFFFFF00  }
0x64: {  	[tilespmem:s9], [sflag:$0x2] =	stream.indirect.gather @!p2 [hbm4b:s1+s0], $0x80, s3, s0, $0xb8;
	[tilespmem:$0x1C400] =	vst v63  }
0x65: {  	_ =	swait.ge @p1 [sflag:s22], $0x4000  }
0x66: {  	s8 =	simm.s32 @p1 $0x3;
	s0 =	simm.s32 @p1 $0x80;
	[sflag:s22] =	ssyncset.done @p1 $0x0  }
0x67: {  	s3 =	simm.s32 @p1 $0x380;
	s9 =	simm.s32 @p1 $0x4400;
	[sflag:s22] =	ssyncadd.s32 @p1 $0xFFFFC000  }
0x68: {  	[spmem:s2] =	stream.indirect.scatter.add.f32 @p1 [tilespmem:s9], [sflag:$0x3], $0x80, s3, s0, $0xb8;
	[tilespmem:$0x1C400] =	vst v63  }
0x69: {  	_ =	swait.ge @p1 [sflag:s8], $0x4000  }
0x6a: {  	s3 =	sadd.s32 @!p1 $0x20, s13;
	[sflag:s8] =	ssyncset.done @p1 $0x0  }
0x6b: {  	s0 =	simm.s32 @!p1 $0x0;
	s9 =	simm.s32 @!p1 $0x2;
	[sflag:s8] =	ssyncadd.s32 @p1 $0xFFFFC000  }
0x6c: {  	[tilespmem:s0], [sflag:$0x1] =	stream.linear.gather @!p1 [hbm4b:s3+s0], $0x100, $0x38;
	[tilespmem:$0x1C400] =	vst v63  }
0x6d: {  	s26 =	sadd.s32 $0xFFFFFFFF, s10;
	_ =	swait.ge @!p1 [sflag:s9], $0x4000  }
0x6e: {  	s22 =	simm.s32 @!p1 $0x3;
	s8 =	simm.s32 @!p1 $0x380;
	[sflag:s9] =	ssyncset.done @!p1 $0x0  }
0x6f: {  	s3 =	simm.s32 @!p1 $0x80;
	[sflag:s9] =	ssyncadd.s32 @!p1 $0xFFFFC000;
	s9 =	simm.s32 @!p1 $0x4400  }
0x70: {  	[spmem:s2] =	stream.indirect.scatter.add.f32 @!p1 [tilespmem:s9], [sflag:$0x3], $0x80, s8, s3, $0xb8;
	[tilespmem:$0x1C400] =	vst v63  }
0x71: {  	p0 =	sne.s32 s26, $0x0;
	_ =	swait.ge @!p1 [sflag:s22], $0x4000  }
.Ltmp0:
0x72: {  	[sflag:s22] =	ssyncset.done @!p1 $0x0;
	(pc) =	sbr.rel @!p0 .LBB2_3-.Ltmp0, $4  }
0x73: {  	s28 =	simm.s32 $0x4;
	s8 =	simm.s32 @!p1 $0x1;
	[sflag:s22] =	ssyncadd.s32 @!p1 $0xFFFFC000  }
0x74: {  	s29 =	sadd.s32 $0x80, s13;
	p2 =	sle.u32 s6, $0x5;
	_ =	swait.ge @!p1 [sflag:s8], $0x100  }
0x75: {  	s30 =	smov.u32 s13;
	s9 =	simm.s32 @!p2 $0x100;
	[sflag:s8] =	ssyncset.done @!p1 $0x0  }
0x76: {  	s22 =	simm.s32 @!p1 $0x400;
	[sflag:s8] =	ssyncadd.s32 @!p1 $0xFFFFFF00;
	s8 =	simm.s32 @!p2 $0x0  }
.LBB2_2:
0x77: {  	[tilespmem:s22], [sflag:$0x2] =	stream.indirect.gather @!p1 [hbm4b:s1+s3], $0x80, s0, s3, $0xb8;
	[tilespmem:$0x1C400] =	vst v63  }
0x78: {  	s0 =	sadd.s32 @!p2 $0x40, s30  }
0x79: {  	[tilespmem:s9], [sflag:$0x1] =	stream.linear.gather @!p2 [hbm4b:s0+s8], $0x100, $0x38;
	[tilespmem:$0x1C400] =	vst v63  }
0x7a: {  	_ =	swait.ge [sflag:s23], $0x4000  }
0x7b: {  	p1 =	seq.s32 s28, $0x0;
	[sflag:s23] =	ssyncset.done $0x0  }
0x7c: {  	s0 =	simm.s32 @!p1 $0x3;
	[sflag:s23] =	ssyncadd.s32 $0xFFFFC000  }
0x7d: {  	[spmem:s2] =	stream.indirect.scatter.add.f32 [tilespmem:s21], [sflag:$0x3], $0x80, s20, s20, $0xb8;
	[tilespmem:$0x1C400] =	vst v63  }
0x7e: {  	_ =	swait.ge @!p1 [sflag:s0], $0x4000  }
0x7f: {  	s9 =	rddreg [dreg:$0x4]  }
0x80: {  	[sflag:s0] =	ssyncset.done @!p1 $0x0;
	p2 =	sge.u32 s28, s9  }
0x81: {  	s22 =	sadd.s32 $0x2, s28;
	[sflag:s0] =	ssyncadd.s32 @!p1 $0xFFFFC000;
	s0 =	simm.s32 @!p2 $0x1  }
0x82: {  	p1 =	sge.u32 s22, s6;
	_ =	swait.ge @!p2 [sflag:s0], $0x100  }
0x83: {  	s3 =	simm.s32 @!p2 $0x4400;
	s9 =	simm.s32 @!p2 $0x80;
	[sflag:s0] =	ssyncset.done @!p2 $0x0  }
0x84: {  	s8 =	simm.s32 @!p2 $0x100;
	s22 =	simm.s32 @p1 $0x2;
	[sflag:s0] =	ssyncadd.s32 @!p2 $0xFFFFFF00  }
0x85: {  	[tilespmem:s3], [sflag:$0x2] =	stream.indirect.gather @!p2 [hbm4b:s1+s9], $0x80, s8, s9, $0xb8;
	[tilespmem:$0x1C400] =	vst v63  }
0x86: {  	_ =	swait.ge @p1 [sflag:s22], $0x4000  }
0x87: {  	s0 =	simm.s32 @p1 $0x80;
	s3 =	simm.s32 @p1 $0x180;
	[sflag:s22] =	ssyncset.done @p1 $0x0  }
0x88: {  	s8 =	simm.s32 @p1 $0x3;
	s9 =	simm.s32 @p1 $0x4400;
	[sflag:s22] =	ssyncadd.s32 @p1 $0xFFFFC000  }
0x89: {  	[spmem:s2] =	stream.indirect.scatter.add.f32 @p1 [tilespmem:s9], [sflag:$0x3], $0x80, s3, s0, $0xb8;
	[tilespmem:$0x1C400] =	vst v63  }
0x8a: {  	_ =	swait.ge @p1 [sflag:s8], $0x4000  }
0x8b: {  	s0 =	sadd.s32 @!p1 $0xFFFFFFE0, s29;
	s3 =	simm.s32 @!p1 $0x0;
	[sflag:s8] =	ssyncset.done @p1 $0x0  }
0x8c: {  	s9 =	simm.s32 @!p1 $0x2;
	[sflag:s8] =	ssyncadd.s32 @p1 $0xFFFFC000;
	s8 =	simm.s32 @!p1 $0x200  }
0x8d: {  	[tilespmem:s8], [sflag:$0x1] =	stream.linear.gather @!p1 [hbm4b:s0+s3], $0x100, $0x38;
	[tilespmem:$0x1C400] =	vst v63  }
0x8e: {  	_ =	swait.ge @!p1 [sflag:s9], $0x4000  }
0x8f: {  	s22 =	simm.s32 @!p1 $0x3;
	s0 =	simm.s32 @!p1 $0x80;
	[sflag:s9] =	ssyncset.done @!p1 $0x0  }
0x90: {  	s3 =	simm.s32 @!p1 $0x180;
	[sflag:s9] =	ssyncadd.s32 @!p1 $0xFFFFC000;
	s9 =	simm.s32 @!p1 $0x4400  }
0x91: {  	[spmem:s2] =	stream.indirect.scatter.add.f32 @!p1 [tilespmem:s9], [sflag:$0x3], $0x80, s3, s0, $0xb8;
	[tilespmem:$0x1C400] =	vst v63  }
0x92: {  	_ =	swait.ge @!p1 [sflag:s22], $0x4000  }
0x93: {  	[sflag:s22] =	ssyncset.done @!p1 $0x0  }
0x94: {  	s3 =	simm.s32 @!p1 $0x1;
	[sflag:s22] =	ssyncadd.s32 @!p1 $0xFFFFC000  }
0x95: {  	s9 =	sadd.s32 $0x3, s28;
	_ =	swait.ge @!p1 [sflag:s3], $0x100  }
0x96: {  	p2 =	sge.u32 s9, s6;
	[sflag:s3] =	ssyncset.done @!p1 $0x0  }
0x97: {  	s9 =	simm.s32 @p2 $0x2;
	s22 =	simm.s32 @!p1 $0x400;
	[sflag:s3] =	ssyncadd.s32 @!p1 $0xFFFFFF00  }
0x98: {  	[tilespmem:s22], [sflag:$0x2] =	stream.indirect.gather @!p1 [hbm4b:s1+s0], $0x80, s8, s0, $0xb8;
	[tilespmem:$0x1C400] =	vst v63  }
0x99: {  	_ =	swait.ge @p2 [sflag:s9], $0x4000  }
0x9a: {  	s3 =	simm.s32 @p2 $0x280;
	s0 =	simm.s32 @p2 $0x80;
	[sflag:s9] =	ssyncset.done @p2 $0x0  }
0x9b: {  	s8 =	simm.s32 @p2 $0x3;
	[sflag:s9] =	ssyncadd.s32 @p2 $0xFFFFC000;
	s9 =	simm.s32 @p2 $0x400  }
0x9c: {  	[spmem:s2] =	stream.indirect.scatter.add.f32 @p2 [tilespmem:s9], [sflag:$0x3], $0x80, s3, s0, $0xb8;
	[tilespmem:$0x1C400] =	vst v63  }
0x9d: {  	_ =	swait.ge @p2 [sflag:s8], $0x4000  }
0x9e: {  	s0 =	simm.s32 @!p2 $0x0;
	[sflag:s8] =	ssyncset.done @p2 $0x0  }
0x9f: {  	s3 =	simm.s32 @!p2 $0x300;
	s9 =	simm.s32 @!p2 $0x2;
	[sflag:s8] =	ssyncadd.s32 @p2 $0xFFFFC000  }
0xa0: {  	[tilespmem:s3], [sflag:$0x1] =	stream.linear.gather @!p2 [hbm4b:s29+s0], $0x100, $0x38;
	[tilespmem:$0x1C400] =	vst v63  }
0xa1: {  	_ =	swait.ge @!p2 [sflag:s9], $0x4000  }
0xa2: {  	s22 =	simm.s32 @!p2 $0x3;
	s8 =	simm.s32 @!p2 $0x280;
	[sflag:s9] =	ssyncset.done @!p2 $0x0  }
0xa3: {  	s0 =	simm.s32 @!p2 $0x80;
	[sflag:s9] =	ssyncadd.s32 @!p2 $0xFFFFC000;
	s9 =	simm.s32 @!p2 $0x400  }
0xa4: {  	[spmem:s2] =	stream.indirect.scatter.add.f32 @!p2 [tilespmem:s9], [sflag:$0x3], $0x80, s8, s0, $0xb8;
	[tilespmem:$0x1C400] =	vst v63  }
0xa5: {  	_ =	swait.ge @!p2 [sflag:s22], $0x4000  }
0xa6: {  	[sflag:s22] =	ssyncset.done @!p2 $0x0  }
0xa7: {  	s8 =	simm.s32 @!p2 $0x1;
	[sflag:s22] =	ssyncadd.s32 @!p2 $0xFFFFC000  }
0xa8: {  	s31 =	smov.u32 s28;
	s28 =	sadd.s32 $0x4, s28;
	_ =	swait.ge @!p2 [sflag:s8], $0x100  }
0xa9: {  	p1 =	sge.u32 s28, s6;
	[sflag:s8] =	ssyncset.done @!p2 $0x0  }
0xaa: {  	s9 =	simm.s32 @!p2 $0x4400;
	s22 =	simm.s32 @p1 $0x2;
	[sflag:s8] =	ssyncadd.s32 @!p2 $0xFFFFFF00  }
0xab: {  	[tilespmem:s9], [sflag:$0x2] =	stream.indirect.gather @!p2 [hbm4b:s1+s0], $0x80, s3, s0, $0xb8;
	[tilespmem:$0x1C400] =	vst v63  }
0xac: {  	_ =	swait.ge @p1 [sflag:s22], $0x4000  }
0xad: {  	s8 =	simm.s32 @p1 $0x3;
	s0 =	simm.s32 @p1 $0x80;
	[sflag:s22] =	ssyncset.done @p1 $0x0  }
0xae: {  	s3 =	simm.s32 @p1 $0x380;
	s9 =	simm.s32 @p1 $0x4400;
	[sflag:s22] =	ssyncadd.s32 @p1 $0xFFFFC000  }
0xaf: {  	[spmem:s2] =	stream.indirect.scatter.add.f32 @p1 [tilespmem:s9], [sflag:$0x3], $0x80, s3, s0, $0xb8;
	[tilespmem:$0x1C400] =	vst v63  }
0xb0: {  	_ =	swait.ge @p1 [sflag:s8], $0x4000  }
0xb1: {  	s3 =	sadd.s32 @!p1 $0x20, s29;
	[sflag:s8] =	ssyncset.done @p1 $0x0  }
0xb2: {  	s0 =	simm.s32 @!p1 $0x0;
	s9 =	simm.s32 @!p1 $0x2;
	[sflag:s8] =	ssyncadd.s32 @p1 $0xFFFFC000  }
0xb3: {  	[tilespmem:s0], [sflag:$0x1] =	stream.linear.gather @!p1 [hbm4b:s3+s0], $0x100, $0x38;
	[tilespmem:$0x1C400] =	vst v63  }
0xb4: {  	s26 =	sadd.s32 $0xFFFFFFFF, s26;
	_ =	swait.ge @!p1 [sflag:s9], $0x4000  }
0xb5: {  	s22 =	simm.s32 @!p1 $0x3;
	s8 =	simm.s32 @!p1 $0x380;
	[sflag:s9] =	ssyncset.done @!p1 $0x0  }
0xb6: {  	s3 =	simm.s32 @!p1 $0x80;
	[sflag:s9] =	ssyncadd.s32 @!p1 $0xFFFFC000;
	s9 =	simm.s32 @!p1 $0x4400  }
0xb7: {  	[spmem:s2] =	stream.indirect.scatter.add.f32 @!p1 [tilespmem:s9], [sflag:$0x3], $0x80, s8, s3, $0xb8;
	[tilespmem:$0x1C400] =	vst v63  }
0xb8: {  	p0 =	sne.s32 s26, $0x0;
	_ =	swait.ge @!p1 [sflag:s22], $0x4000  }
.Ltmp1:
0xb9: {  	[sflag:s22] =	ssyncset.done @!p1 $0x0;
	(pc) =	sbr.rel @p0 .LBB2_2-.Ltmp1, $4  }
0xba: {  	s31 =	sadd.s32 $0x5, s31;
	s8 =	simm.s32 @!p1 $0x1;
	[sflag:s22] =	ssyncadd.s32 @!p1 $0xFFFFC000  }
0xbb: {  	s30 =	smov.u32 s29;
	p2 =	sge.u32 s31, s6;
	_ =	swait.ge @!p1 [sflag:s8], $0x100  }
0xbc: {  	s29 =	sadd.s32 $0x80, s29;
	s9 =	simm.s32 @!p2 $0x100;
	[sflag:s8] =	ssyncset.done @!p1 $0x0  }
0xbd: {  	s22 =	simm.s32 @!p1 $0x400;
	[sflag:s8] =	ssyncadd.s32 @!p1 $0xFFFFFF00;
	s8 =	simm.s32 @!p2 $0x0  }
.LBB2_3:
0xbe: {  	[tilespmem:s22], [sflag:$0x2] =	stream.indirect.gather @!p1 [hbm4b:s1+s3], $0x80, s0, s3, $0xb8;
	[tilespmem:$0x1C400] =	vst v63  }
0xbf: {  	s0 =	sadd.s32 @!p2 $0x40, s30  }
0xc0: {  	[tilespmem:s9], [sflag:$0x1] =	stream.linear.gather @!p2 [hbm4b:s0+s8], $0x100, $0x38;
	[tilespmem:$0x1C400] =	vst v63  }
0xc1: {  	_ =	swait.ge [sflag:s24], $0x4000  }
0xc2: {  	s25 =	sadd.s32 $0x1, s25;
	[sflag:s24] =	ssyncset.done $0x0  }
0xc3: {  	p0 =	sne.s32 s25, s12;
	[sflag:s24] =	ssyncadd.s32 $0xFFFFC000  }
.Ltmp2:
0xc4: {  	[bflag:$0x0] =	sbarrier.arrive $0xFFFF;
	(pc) =	sbr.rel @p0 .LBB2_1-.Ltmp2, $4  }
0xc5: {  	[hbm:s11], [sflag:s7] =	dma.local [spmem:s14], $0x2800  }
0xc6: {  	_ =	swait.ge [sflag:s15], $0x2800  }
0xc7: {  	[sflag:s15] =	ssyncset.done $0x0  }
0xc8: {  	[sflag:s15] =	ssyncadd.s32 $0xFFFFD800  }
0xc9: {  	_ =	sfence.sel $0x180000  }
0xca: {  	[bflag:$0x0] =	sbarrier.arrive $0xFFFF  }
0xcb: {  	_ =	strace $0x90000047  }
0xcc: {  	s0 =	stileid.u32;
	[bflag:$0x2] =	sbarrier.arrive $0xFFFF  }
0xcd: {  	p0 =	sne.s32 s0, $0x0;
	s0 =	rddreg [dreg:$0x3]  }
0xce: {  	s0 =	sadd.s32 @!p0 $0x100000, s0  }
0xcf: {  	[sflag:s0] =	ssyncadd.tile.s32 @!p0 $0x1;
	_ =	shalt  }
.Lfunc_end2:
_tile_overlayer_lowered:
.L_overlay_start_2:
0xd0: {  	(tag) =	ssettag $0x2  }
0xd1: {  	s0 =	rddreg [dreg:$0x0];
	s2 =	stileid.u32  }
0xd2: {  	s1 =	rddreg [dreg:$0x1];
	p0 =	sne.s32 s2, $0x0  }
0xd3: {  	s3 =	rddreg [dreg:$0x2];
	[bflag:$0x3] =	sbarrier.arrive $0xFFFF;
	s2 =	simm.s32 @!p0 $0x1C04  }
0xd4: {  	[timem:s3], [sflag:s2] =	dma.local @!p0 [hbm:s0], s1  }
0xd5: {  	s0 =	simm.s32 @!p0 $0x4  }
0xd6: {  	_ =	swait.ge @!p0 [sflag:s0], s1  }
0xd7: {  	s1 =	ssub.s32 @!p0 $0x0, s1;
	[sflag:s0] =	ssyncset.done @!p0 $0x0  }
0xd8: {  	[sflag:s0] =	ssyncadd.s32 @!p0 s1  }
0xd9: {  	[bflag:$0x3] =	sbarrier.arrive $0xFFFF  }
0xda: {  	_ =	shalt  }

</sc_bundles>
